<compile_context>
chip_gen: v7x
topology: tpu7x:2x2x1
jax: 0.10.2.dev20260603
libtpu: 0.0.44.dev20260713+nightly
codegen_flags: <defaults>
</compile_context>

<pallas_src>
import jax
import jax.numpy as jnp
from jax import lax
from jax.experimental import pallas as pl
from jax.experimental.pallas import tpu as pltpu
from jax.experimental.pallas import tpu_sc as plsc

_N = 10000
_E = 320000
_D = 128
_B = 64
_K = 30
_CONV_OUT = 32
_CONV_W = 3
_NUM_CLASSES = 10

_ROWS_PER_BLK = 2000


def _sage_dense_body(mean_ref, x_ref, wl_ref, bl_ref, wr_ref, o_ref):
    m = mean_ref[...]
    x = x_ref[...]
    acc = jax.lax.dot_general(m, wl_ref[...], (((1,), (1,)), ((), ())),
                              preferred_element_type=jnp.float32)
    acc = acc + jax.lax.dot_general(x, wr_ref[...], (((1,), (1,)), ((), ())),
                                    preferred_element_type=jnp.float32)
    acc = acc + bl_ref[...]
    o_ref[...] = jnp.maximum(acc, 0.0)


def _sage_dense(mean, x, Wl, bl, Wr):
    nblk = _N // _ROWS_PER_BLK
    return pl.pallas_call(
        _sage_dense_body,
        grid=(nblk,),
        in_specs=[
            pl.BlockSpec((_ROWS_PER_BLK, _D), lambda i: (i, 0)),
            pl.BlockSpec((_ROWS_PER_BLK, _D), lambda i: (i, 0)),
            pl.BlockSpec((_D, _D), lambda i: (0, 0)),
            pl.BlockSpec((1, _D), lambda i: (0, 0)),
            pl.BlockSpec((_D, _D), lambda i: (0, 0)),
        ],
        out_specs=pl.BlockSpec((_ROWS_PER_BLK, _D), lambda i: (i, 0)),
        out_shape=jax.ShapeDtypeStruct((_N, _D), jnp.float32),
    )(mean, x, Wl, bl.reshape(1, _D), Wr)


def _head_body(p_ref, wc_ref, bc_ref, w1_ref, b1_ref, w2_ref, b2_ref, o_ref):
    p = p_ref[...].reshape(_B * _K, _D)
    q = jax.lax.dot_general(p, wc_ref[...], (((1,), (0,)), ((), ())),
                            preferred_element_type=jnp.float32)
    q = q.reshape(_B, _K, _CONV_W * _CONV_OUT)
    t_out = _K - _CONV_W + 1
    y = (q[:, 0:t_out, 0:_CONV_OUT]
         + q[:, 1:t_out + 1, _CONV_OUT:2 * _CONV_OUT]
         + q[:, 2:t_out + 2, 2 * _CONV_OUT:3 * _CONV_OUT])
    y = jnp.maximum(y + bc_ref[...], 0.0)
    z = y.reshape(_B, t_out * _CONV_OUT)
    z = jax.lax.dot_general(z, w1_ref[...], (((1,), (0,)), ((), ())),
                            preferred_element_type=jnp.float32)
    z = jnp.maximum(z + b1_ref[...], 0.0)
    logits = jax.lax.dot_general(z, w2_ref[...], (((1,), (0,)), ((), ())),
                                 preferred_element_type=jnp.float32)
    logits = logits + b2_ref[...]
    mx = jnp.max(logits, axis=-1, keepdims=True)
    s = logits - mx
    lse = jnp.log(jnp.sum(jnp.exp(s), axis=-1, keepdims=True))
    o_ref[...] = s - lse


def _head(p, Wc, bc, W1, b1, W2, b2):
    t_out = _K - _CONV_W + 1
    wc_all = jnp.concatenate([Wc[:, :, dt].T for dt in range(_CONV_W)], axis=1)
    w1p = W1.reshape(_D, _CONV_OUT, t_out).transpose(2, 1, 0).reshape(t_out * _CONV_OUT, _D)
    return pl.pallas_call(
        _head_body,
        out_shape=jax.ShapeDtypeStruct((_B, _NUM_CLASSES), jnp.float32),
    )(p, wc_all, bc.reshape(1, 1, _CONV_OUT), w1p, b1.reshape(1, _D),
      W2.T, b2.reshape(1, _NUM_CLASSES))


_EC = 128
_NCHUNK = _E // _EC
_NT = 16
_NW = 32
_NP = 10240
_ROWS_T = _NP // _NT


def _make_sc_agg(with_cnt):
    outs = [jax.ShapeDtypeStruct((_NP, _D), jnp.float32),
            jax.ShapeDtypeStruct((_NP, _D), jnp.float32)]
    scratch = [
        pltpu.VMEM((2 * _EC,), jnp.int32),
        pltpu.VMEM((_EC,), jnp.int32),
        pltpu.VMEM((_EC, _D), jnp.float32),
        pltpu.VMEM_SHARED((_NP, _D), jnp.float32),
        pltpu.SemaphoreType.DMA,
        pltpu.SemaphoreType.DMA,
    ]
    if with_cnt:
        outs += [jax.ShapeDtypeStruct((_NP, _D), jnp.float32),
                 jax.ShapeDtypeStruct((_NP, _D), jnp.float32)]
    mesh = plsc.VectorSubcoreMesh(core_axis_name="c", subcore_axis_name="s")

    def body(x, ecomb, z64, *refs):
        if with_cnt:
            (ones, agg0, agg1, cntw0, cntw1,
             ebuf, dbuf, rows, aggsp, sem, isem) = refs
        else:
            (agg0, agg1, ebuf, dbuf, rows, aggsp, sem, isem) = refs
        core = lax.axis_index("c")
        sid = lax.axis_index("s")
        wid = core * _NT + sid
        r0 = sid * _ROWS_T
        pltpu.sync_copy(z64.at[pl.ds(0, _EC)], rows)
        for b in range(_ROWS_T // _EC):
            pltpu.sync_copy(rows, aggsp.at[pl.ds(r0 + b * _EC, _EC)])
        plsc.subcore_barrier()

        rem = _NCHUNK % _NW
        nch = jnp.where(wid < rem, _NCHUNK // _NW + 1, _NCHUNK // _NW)

        def eoff(j):
            cid = jnp.minimum(wid + _NW * j, _NCHUNK - 1)
            return pl.multiple_of(cid * (2 * _EC), 2 * _EC)

        pltpu.async_copy(ecomb.at[pl.ds(eoff(0), 2 * _EC)], ebuf, isem)

        def chunk(j, carry):
            pltpu.make_async_copy(
                ecomb.at[pl.ds(eoff(j), 2 * _EC)], ebuf, isem).wait()
            pltpu.async_copy(x.at[ebuf.at[pl.ds(0, _EC)]], rows, sem).wait()
            for u in range(_EC // 16):
                dbuf[pl.ds(u * 16, 16)] = ebuf[pl.ds(_EC + u * 16, 16)]
            pltpu.async_copy(ecomb.at[pl.ds(eoff(j + 1), 2 * _EC)], ebuf, isem)
            pltpu.sync_copy(rows, aggsp.at[dbuf], add=True)
            return carry

        lax.fori_loop(0, nch, chunk, 0)
        pltpu.make_async_copy(
            ecomb.at[pl.ds(eoff(0), 2 * _EC)], ebuf, isem).wait()
        plsc.subcore_barrier()

        for b in range(_ROWS_T // _EC):
            pltpu.sync_copy(aggsp.at[pl.ds(r0 + b * _EC, _EC)], rows)

            @pl.when(core == 0)
            def _():
                pltpu.sync_copy(rows, agg0.at[pl.ds(r0 + b * _EC, _EC)])

            @pl.when(core == 1)
            def _():
                pltpu.sync_copy(rows, agg1.at[pl.ds(r0 + b * _EC, _EC)])
        if with_cnt:
            pltpu.sync_copy(z64.at[pl.ds(0, _EC)], rows)
            for b in range(_ROWS_T // _EC):
                pltpu.sync_copy(rows, aggsp.at[pl.ds(r0 + b * _EC, _EC)])
            pltpu.sync_copy(ones, rows)
            plsc.subcore_barrier()

            pltpu.async_copy(ecomb.at[pl.ds(eoff(0), 2 * _EC)], ebuf, isem)

            def chunk_cnt(j, carry):
                pltpu.make_async_copy(
                    ecomb.at[pl.ds(eoff(j), 2 * _EC)], ebuf, isem).wait()
                for u in range(_EC // 16):
                    dbuf[pl.ds(u * 16, 16)] = ebuf[pl.ds(_EC + u * 16, 16)]
                pltpu.async_copy(
                    ecomb.at[pl.ds(eoff(j + 1), 2 * _EC)], ebuf, isem)
                pltpu.sync_copy(rows, aggsp.at[dbuf], add=True)
                return carry

            lax.fori_loop(0, nch, chunk_cnt, 0)
            pltpu.make_async_copy(
                ecomb.at[pl.ds(eoff(0), 2 * _EC)], ebuf, isem).wait()
            plsc.subcore_barrier()
            for b in range(_ROWS_T // _EC):
                pltpu.sync_copy(aggsp.at[pl.ds(r0 + b * _EC, _EC)], rows)

                @pl.when(core == 0)
                def _():
                    pltpu.sync_copy(rows, cntw0.at[pl.ds(r0 + b * _EC, _EC)])

                @pl.when(core == 1)
                def _():
                    pltpu.sync_copy(rows, cntw1.at[pl.ds(r0 + b * _EC, _EC)])

    return pl.kernel(body, out_type=tuple(outs), mesh=mesh,
                     scratch_types=scratch)


def _sc_agg(x, ecomb, zeros64, with_cnt, ones=None):
    k = _make_sc_agg(with_cnt)
    if with_cnt:
        return k(x, ecomb, zeros64, ones)
    return k(x, ecomb, zeros64)


def _sage_dense_body2(agg0_ref, agg1_ref, cw0_ref, cw1_ref, x_ref, wl_ref,
                      bl_ref, wr_ref, o_ref):
    cnt = cw0_ref[...][:, 0:1] + cw1_ref[...][:, 0:1]
    inv = 1.0 / jnp.maximum(cnt, 1.0)
    m = (agg0_ref[...] + agg1_ref[...]) * inv
    acc = jax.lax.dot_general(m, wl_ref[...], (((1,), (1,)), ((), ())),
                              preferred_element_type=jnp.float32)
    acc = acc + jax.lax.dot_general(x_ref[...], wr_ref[...],
                                    (((1,), (1,)), ((), ())),
                                    preferred_element_type=jnp.float32)
    acc = acc + bl_ref[...]
    o_ref[...] = jnp.maximum(acc, 0.0)


def _sage_dense2(agg0, agg1, cw0, cw1, x, Wl, bl, Wr):
    nblk = _N // _ROWS_PER_BLK
    return pl.pallas_call(
        _sage_dense_body2,
        grid=(nblk,),
        in_specs=[
            pl.BlockSpec((_ROWS_PER_BLK, _D), lambda i: (i, 0)),
            pl.BlockSpec((_ROWS_PER_BLK, _D), lambda i: (i, 0)),
            pl.BlockSpec((_ROWS_PER_BLK, _D), lambda i: (i, 0)),
            pl.BlockSpec((_ROWS_PER_BLK, _D), lambda i: (i, 0)),
            pl.BlockSpec((_ROWS_PER_BLK, _D), lambda i: (i, 0)),
            pl.BlockSpec((_D, _D), lambda i: (0, 0)),
            pl.BlockSpec((1, _D), lambda i: (0, 0)),
            pl.BlockSpec((_D, _D), lambda i: (0, 0)),
        ],
        out_specs=pl.BlockSpec((_ROWS_PER_BLK, _D), lambda i: (i, 0)),
        out_shape=jax.ShapeDtypeStruct((_N, _D), jnp.float32),
    )(agg0, agg1, cw0, cw1, x, Wl, bl.reshape(1, _D), Wr)


def _mean_agg_xla(x, src, dst):
    agg = jax.ops.segment_sum(x[src], dst, num_segments=_N)
    cnt = jax.ops.segment_sum(jnp.ones((src.shape[0],), x.dtype), dst, num_segments=_N)
    return agg / jnp.maximum(cnt, 1.0)[:, None]


def _sort_pool_xla(x, batch):
    score = x[:, -1]
    order = jnp.lexsort((-score, batch))
    bs = batch[order]
    xs = x[order]
    counts = jnp.bincount(batch, length=_B)
    starts = jnp.cumsum(counts) - counts
    pos = jnp.arange(x.shape[0]) - starts[bs]
    mask = pos < _K
    safe = jnp.where(mask, pos, 0)
    vals = jnp.where(mask[:, None], xs, 0.0)
    return jnp.zeros((_B, _K, x.shape[1]), x.dtype).at[bs, safe].add(vals)


def kernel(x, edge_index, batch, k, Wl1, bl1, Wr1, Wl2, bl2, Wr2, Wl3, bl3,
           Wr3, Wc, bc, W1, b1, W2, b2):
    src, dst = edge_index[0], edge_index[1]
    ecomb = jnp.concatenate(
        [src.reshape(_NCHUNK, _EC), dst.reshape(_NCHUNK, _EC)],
        axis=1).reshape(-1)
    zeros64 = jnp.zeros((_NP, _D), jnp.float32)
    ones = jnp.full((_EC, _D), 1.0, jnp.float32)

    agg0, agg1, cw0, cw1 = _sc_agg(x, ecomb, zeros64, True, ones)
    h = _sage_dense2(agg0, agg1, cw0, cw1, x, Wl1, bl1, Wr1)
    agg0, agg1 = _sc_agg(h, ecomb, zeros64, False)
    h = _sage_dense2(agg0, agg1, cw0, cw1, h, Wl2, bl2, Wr2)
    agg0, agg1 = _sc_agg(h, ecomb, zeros64, False)
    h = _sage_dense2(agg0, agg1, cw0, cw1, h, Wl3, bl3, Wr3)
    p = _sort_pool_xla(h, batch)
    return _head(p, Wc, bc, W1, b1, W2, b2)

# --- scband reference (transcript-rebuilt; emitter-appended) ---
"""Pipeline reference for scband-dgcnnstate-42683384987988 (READ-ONLY COPY).

The authoritative reference and input builder live on the scoring server;
editing this copy changes nothing except your own understanding.
"""

import jax, jax.numpy as jnp
import numpy as np

N = 10000
E = 320000
D = 128
B = 64
K = 30
NUM_LAYERS = 3
NUM_CLASSES = 10


def setup_inputs(seed: int = 0):
    key = jax.random.key(seed)
    ks = jax.random.split(key, 24)
    x = jax.random.normal(ks[0], (N, D), dtype=jnp.float32)
    edge_index = jax.random.randint(ks[1], (2, E), 0, N, dtype=jnp.int32)
    batch = jnp.sort(jax.random.randint(ks[2], (N,), 0, B, dtype=jnp.int32))
    inp = {'x': x, 'edge_index': edge_index, 'batch': batch, 'k': K}
    s = 1.0 / np.sqrt(D)
    idx = 3
    for i in (1, 2, 3):
        inp['Wl%d' % i] = jax.random.uniform(ks[idx], (D, D), jnp.float32, -s, s); idx += 1
        inp['bl%d' % i] = jnp.zeros((D,), jnp.float32)
        inp['Wr%d' % i] = jax.random.uniform(ks[idx], (D, D), jnp.float32, -s, s); idx += 1
    sc = 1.0 / np.sqrt(D * NUM_LAYERS)
    inp['Wc'] = jax.random.uniform(ks[idx], (32, D, NUM_LAYERS), jnp.float32, -sc, sc); idx += 1
    inp['bc'] = jnp.zeros((32,), jnp.float32)
    f1 = 32 * (K - NUM_LAYERS + 1)
    s1 = 1.0 / np.sqrt(f1)
    inp['W1'] = jax.random.uniform(ks[idx], (D, f1), jnp.float32, -s1, s1); idx += 1
    inp['b1'] = jnp.zeros((D,), jnp.float32)
    s2 = 1.0 / np.sqrt(D)
    inp['W2'] = jax.random.uniform(ks[idx], (NUM_CLASSES, D), jnp.float32, -s2, s2); idx += 1
    inp['b2'] = jnp.zeros((NUM_CLASSES,), jnp.float32)
    return inp


def _sage(x, src, dst, Wl, bl, Wr):
    # PyG SAGEConv: lin_l(mean_{j in N(i)} x_j) + lin_r(x_i), bias in lin_l
    agg = jax.ops.segment_sum(x[src], dst, num_segments=N)
    cnt = jax.ops.segment_sum(jnp.ones((src.shape[0],), x.dtype), dst, num_segments=N)
    mean = agg / jnp.maximum(cnt, 1.0)[:, None]
    return mean @ Wl.T + bl + x @ Wr.T


def _sort_pool(x, batch, k):
    # DGCNN SortAggregation: per-graph sort by last channel desc, take top-k rows, zero-pad
    score = x[:, -1]
    order = jnp.lexsort((-score, batch))
    bs = batch[order]
    xs = x[order]
    counts = jnp.bincount(batch, length=B)
    starts = jnp.cumsum(counts) - counts
    pos = jnp.arange(x.shape[0]) - starts[bs]
    mask = pos < k
    safe = jnp.where(mask, pos, 0)
    vals = jnp.where(mask[:, None], xs, 0.0)
    out = jnp.zeros((B, K, x.shape[1]), x.dtype).at[bs, safe].add(vals)
    return out


def _conv1d(x, W, b):
    y = jax.lax.conv_general_dilated(x, W, (1,), 'VALID', dimension_numbers=('NCH', 'OIH', 'NCH'))
    return y + b[None, :, None]


def reference(x, edge_index, batch, k, Wl1, bl1, Wr1, Wl2, bl2, Wr2, Wl3, bl3, Wr3, Wc, bc, W1, b1, W2, b2):
    src, dst = edge_index[0], edge_index[1]
    h = jax.nn.relu(_sage(x, src, dst, Wl1, bl1, Wr1))
    h = jax.nn.relu(_sage(h, src, dst, Wl2, bl2, Wr2))
    h = jax.nn.relu(_sage(h, src, dst, Wl3, bl3, Wr3))
    p = _sort_pool(h, batch, k)            # [B, k, D]
    z = jnp.transpose(p, (0, 2, 1))        # [B, D, k]
    z = jax.nn.relu(_conv1d(z, Wc, bc))    # [B, 32, k-NL+1]
    z = z.reshape(B, -1)
    z = jax.nn.relu(z @ W1.T + b1)
    # dropout is identity in eval mode
    z = z @ W2.T + b2
    return jax.nn.log_softmax(z, axis=-1)

if __name__ == "__main__":
    import jax
    _d = setup_inputs()
    print(jax.jit(kernel)(*tuple(_d.values())))

</pallas_src>

<mosaic_0001>
#map = affine_map<(d0, d1) -> (0, 0)>
#map1 = affine_map<(d0, d1) -> (0)>
module attributes {stable_mosaic.version = 14 : i64} {
  func.func @body(%arg0: i32, %arg1: i32, %arg2: memref<10000x128xf32, #tpu.memory_space<hbm>>, %arg3: memref<640000xi32, #tpu.memory_space<hbm>>, %arg4: memref<10240x128xf32, #tpu.memory_space<hbm>>, %arg5: memref<128x128xf32, #tpu.memory_space<hbm>>, %arg6: memref<10240x128xf32, #tpu.memory_space<hbm>>, %arg7: memref<10240x128xf32, #tpu.memory_space<hbm>>, %arg8: memref<10240x128xf32, #tpu.memory_space<hbm>>, %arg9: memref<10240x128xf32, #tpu.memory_space<hbm>>, %arg10: memref<256xi32, #tpu.memory_space<vmem>>, %arg11: memref<128xi32, #tpu.memory_space<vmem>>, %arg12: memref<128x128xf32, #tpu.memory_space<vmem>>, %arg13: memref<10240x128xf32, #tpu.memory_space<vmem_shared>>, %arg14: memref<!tpu.dma_semaphore, #tpu.memory_space<semaphore_mem>>, %arg15: memref<!tpu.dma_semaphore, #tpu.memory_space<semaphore_mem>>) attributes {dimension_semantics = [#tpu.dimension_semantics<core_parallel>, #tpu.dimension_semantics<subcore_parallel>], iteration_bounds = array<i64: 2, 16>, scalar_prefetch = 0 : i64, scratch_operands = 6 : i64, tpu.core_type = #tpu.core_type<sc_vector_subcore>, window_params = [{transform_indices = #map}, {transform_indices = #map1}, {transform_indices = #map}, {transform_indices = #map}, {transform_indices = #map}, {transform_indices = #map}, {transform_indices = #map}, {transform_indices = #map}]} {
    %mul3A = arith.constant 16 : i32
    %mul3A_0 = arith.muli %arg0, %mul3A : i32
    %add3A = arith.addi %mul3A_0, %arg1 : i32
    %mul3A_1 = arith.constant 640 : i32
    %mul3A_2 = arith.muli %arg1, %mul3A_1 : i32
    "tpu.region"() ({
      %run_scoped3A = tpu.sem_alloc : memref<!tpu.dma_semaphore, #tpu.memory_space<semaphore_mem>>
      %dma_start3A_196 = arith.constant 0 : i32
      %dma_start3A_197 = arith.constant 0 : i32
      %dma_start3A_198 = tpu.memref_slice %arg4[%dma_start3A_196, %dma_start3A_197] : memref<10240x128xf32, #tpu.memory_space<hbm>> -> memref<128x128xf32, #tpu.memory_space<hbm>>
      %dma_start3A_199 = arith.constant 0 : i32
      %dma_start3A_200 = arith.constant 0 : i32
      %dma_start3A_201 = tpu.memref_slice %arg4[%dma_start3A_199, %dma_start3A_200] : memref<10240x128xf32, #tpu.memory_space<hbm>> -> memref<128x128xf32, #tpu.memory_space<hbm>>
      tpu.enqueue_dma source(%dma_start3A_201 : memref<128x128xf32, #tpu.memory_space<hbm>>) target(%arg12 : memref<128x128xf32, #tpu.memory_space<vmem>>) target_semaphore(%run_scoped3A : memref<!tpu.dma_semaphore, #tpu.memory_space<semaphore_mem>>)
      %dma_wait3A_202 = arith.constant 0 : i32
      %dma_wait3A_203 = arith.constant 0 : i32
      %dma_wait3A_204 = tpu.memref_slice %arg4[%dma_wait3A_202, %dma_wait3A_203] : memref<10240x128xf32, #tpu.memory_space<hbm>> -> memref<128x128xf32, #tpu.memory_space<hbm>>
      %dma_wait3A_205 = arith.constant 0 : i32
      %dma_wait3A_206 = arith.constant 0 : i32
      %dma_wait3A_207 = tpu.memref_slice %arg4[%dma_wait3A_205, %dma_wait3A_206] : memref<10240x128xf32, #tpu.memory_space<hbm>> -> memref<128x128xf32, #tpu.memory_space<hbm>>
      tpu.wait_dma2 semaphore(%run_scoped3A : memref<!tpu.dma_semaphore, #tpu.memory_space<semaphore_mem>>) src(%dma_wait3A_207 : memref<128x128xf32, #tpu.memory_space<hbm>>) dst(%arg12 : memref<128x128xf32, #tpu.memory_space<vmem>>)
      tpu.yield
    }) : () -> ()
    %add3A_3 = arith.constant 0 : i32
    %add3A_4 = arith.addi %mul3A_2, %add3A_3 : i32
    "tpu.region"() ({
      %run_scoped3A = tpu.sem_alloc : memref<!tpu.dma_semaphore, #tpu.memory_space<semaphore_mem>>
      %dma_start3A_196 = arith.constant 0 : i32
      %dma_start3A_197 = tpu.memref_slice %arg13[%add3A_4, %dma_start3A_196] : memref<10240x128xf32, #tpu.memory_space<vmem_shared>> -> memref<128x128xf32, #tpu.memory_space<vmem_shared>>
      %dma_start3A_198 = arith.constant 0 : i32
      %dma_start3A_199 = tpu.memref_slice %arg13[%add3A_4, %dma_start3A_198] : memref<10240x128xf32, #tpu.memory_space<vmem_shared>> -> memref<128x128xf32, #tpu.memory_space<vmem_shared>>
      tpu.enqueue_dma source(%arg12 : memref<128x128xf32, #tpu.memory_space<vmem>>) target(%dma_start3A_199 : memref<128x128xf32, #tpu.memory_space<vmem_shared>>) target_semaphore(%run_scoped3A : memref<!tpu.dma_semaphore, #tpu.memory_space<semaphore_mem>>)
      %dma_wait3A_200 = arith.constant 0 : i32
      %dma_wait3A_201 = tpu.memref_slice %arg13[%add3A_4, %dma_wait3A_200] : memref<10240x128xf32, #tpu.memory_space<vmem_shared>> -> memref<128x128xf32, #tpu.memory_space<vmem_shared>>
      %dma_wait3A_202 = arith.constant 0 : i32
      %dma_wait3A_203 = tpu.memref_slice %arg13[%add3A_4, %dma_wait3A_202] : memref<10240x128xf32, #tpu.memory_space<vmem_shared>> -> memref<128x128xf32, #tpu.memory_space<vmem_shared>>
      tpu.wait_dma2 semaphore(%run_scoped3A : memref<!tpu.dma_semaphore, #tpu.memory_space<semaphore_mem>>) src(%arg12 : memref<128x128xf32, #tpu.memory_space<vmem>>) dst(%dma_wait3A_203 : memref<128x128xf32, #tpu.memory_space<vmem_shared>>)
      tpu.yield
    }) : () -> ()
    %add3A_5 = arith.constant 128 : i32
    %add3A_6 = arith.addi %mul3A_2, %add3A_5 : i32
    "tpu.region"() ({
      %run_scoped3A = tpu.sem_alloc : memref<!tpu.dma_semaphore, #tpu.memory_space<semaphore_mem>>
      %dma_start3A_196 = arith.constant 0 : i32
      %dma_start3A_197 = tpu.memref_slice %arg13[%add3A_6, %dma_start3A_196] : memref<10240x128xf32, #tpu.memory_space<vmem_shared>> -> memref<128x128xf32, #tpu.memory_space<vmem_shared>>
      %dma_start3A_198 = arith.constant 0 : i32
      %dma_start3A_199 = tpu.memref_slice %arg13[%add3A_6, %dma_start3A_198] : memref<10240x128xf32, #tpu.memory_space<vmem_shared>> -> memref<128x128xf32, #tpu.memory_space<vmem_shared>>
      tpu.enqueue_dma source(%arg12 : memref<128x128xf32, #tpu.memory_space<vmem>>) target(%dma_start3A_199 : memref<128x128xf32, #tpu.memory_space<vmem_shared>>) target_semaphore(%run_scoped3A : memref<!tpu.dma_semaphore, #tpu.memory_space<semaphore_mem>>)
      %dma_wait3A_200 = arith.constant 0 : i32
      %dma_wait3A_201 = tpu.memref_slice %arg13[%add3A_6, %dma_wait3A_200] : memref<10240x128xf32, #tpu.memory_space<vmem_shared>> -> memref<128x128xf32, #tpu.memory_space<vmem_shared>>
      %dma_wait3A_202 = arith.constant 0 : i32
      %dma_wait3A_203 = tpu.memref_slice %arg13[%add3A_6, %dma_wait3A_202] : memref<10240x128xf32, #tpu.memory_space<vmem_shared>> -> memref<128x128xf32, #tpu.memory_space<vmem_shared>>
      tpu.wait_dma2 semaphore(%run_scoped3A : memref<!tpu.dma_semaphore, #tpu.memory_space<semaphore_mem>>) src(%arg12 : memref<128x128xf32, #tpu.memory_space<vmem>>) dst(%dma_wait3A_203 : memref<128x128xf32, #tpu.memory_space<vmem_shared>>)
      tpu.yield
    }) : () -> ()
    %add3A_7 = arith.constant 256 : i32
    %add3A_8 = arith.addi %mul3A_2, %add3A_7 : i32
    "tpu.region"() ({
      %run_scoped3A = tpu.sem_alloc : memref<!tpu.dma_semaphore, #tpu.memory_space<semaphore_mem>>
      %dma_start3A_196 = arith.constant 0 : i32
      %dma_start3A_197 = tpu.memref_slice %arg13[%add3A_8, %dma_start3A_196] : memref<10240x128xf32, #tpu.memory_space<vmem_shared>> -> memref<128x128xf32, #tpu.memory_space<vmem_shared>>
      %dma_start3A_198 = arith.constant 0 : i32
      %dma_start3A_199 = tpu.memref_slice %arg13[%add3A_8, %dma_start3A_198] : memref<10240x128xf32, #tpu.memory_space<vmem_shared>> -> memref<128x128xf32, #tpu.memory_space<vmem_shared>>
      tpu.enqueue_dma source(%arg12 : memref<128x128xf32, #tpu.memory_space<vmem>>) target(%dma_start3A_199 : memref<128x128xf32, #tpu.memory_space<vmem_shared>>) target_semaphore(%run_scoped3A : memref<!tpu.dma_semaphore, #tpu.memory_space<semaphore_mem>>)
      %dma_wait3A_200 = arith.constant 0 : i32
      %dma_wait3A_201 = tpu.memref_slice %arg13[%add3A_8, %dma_wait3A_200] : memref<10240x128xf32, #tpu.memory_space<vmem_shared>> -> memref<128x128xf32, #tpu.memory_space<vmem_shared>>
      %dma_wait3A_202 = arith.constant 0 : i32
      %dma_wait3A_203 = tpu.memref_slice %arg13[%add3A_8, %dma_wait3A_202] : memref<10240x128xf32, #tpu.memory_space<vmem_shared>> -> memref<128x128xf32, #tpu.memory_space<vmem_shared>>
      tpu.wait_dma2 semaphore(%run_scoped3A : memref<!tpu.dma_semaphore, #tpu.memory_space<semaphore_mem>>) src(%arg12 : memref<128x128xf32, #tpu.memory_space<vmem>>) dst(%dma_wait3A_203 : memref<128x128xf32, #tpu.memory_space<vmem_shared>>)
      tpu.yield
    }) : () -> ()
    %add3A_9 = arith.constant 384 : i32
    %add3A_10 = arith.addi %mul3A_2, %add3A_9 : i32
    "tpu.region"() ({
      %run_scoped3A = tpu.sem_alloc : memref<!tpu.dma_semaphore, #tpu.memory_space<semaphore_mem>>
      %dma_start3A_196 = arith.constant 0 : i32
      %dma_start3A_197 = tpu.memref_slice %arg13[%add3A_10, %dma_start3A_196] : memref<10240x128xf32, #tpu.memory_space<vmem_shared>> -> memref<128x128xf32, #tpu.memory_space<vmem_shared>>
      %dma_start3A_198 = arith.constant 0 : i32
      %dma_start3A_199 = tpu.memref_slice %arg13[%add3A_10, %dma_start3A_198] : memref<10240x128xf32, #tpu.memory_space<vmem_shared>> -> memref<128x128xf32, #tpu.memory_space<vmem_shared>>
      tpu.enqueue_dma source(%arg12 : memref<128x128xf32, #tpu.memory_space<vmem>>) target(%dma_start3A_199 : memref<128x128xf32, #tpu.memory_space<vmem_shared>>) target_semaphore(%run_scoped3A : memref<!tpu.dma_semaphore, #tpu.memory_space<semaphore_mem>>)
      %dma_wait3A_200 = arith.constant 0 : i32
      %dma_wait3A_201 = tpu.memref_slice %arg13[%add3A_10, %dma_wait3A_200] : memref<10240x128xf32, #tpu.memory_space<vmem_shared>> -> memref<128x128xf32, #tpu.memory_space<vmem_shared>>
      %dma_wait3A_202 = arith.constant 0 : i32
      %dma_wait3A_203 = tpu.memref_slice %arg13[%add3A_10, %dma_wait3A_202] : memref<10240x128xf32, #tpu.memory_space<vmem_shared>> -> memref<128x128xf32, #tpu.memory_space<vmem_shared>>
      tpu.wait_dma2 semaphore(%run_scoped3A : memref<!tpu.dma_semaphore, #tpu.memory_space<semaphore_mem>>) src(%arg12 : memref<128x128xf32, #tpu.memory_space<vmem>>) dst(%dma_wait3A_203 : memref<128x128xf32, #tpu.memory_space<vmem_shared>>)
      tpu.yield
    }) : () -> ()
    %add3A_11 = arith.constant 512 : i32
    %add3A_12 = arith.addi %mul3A_2, %add3A_11 : i32
    "tpu.region"() ({
      %run_scoped3A = tpu.sem_alloc : memref<!tpu.dma_semaphore, #tpu.memory_space<semaphore_mem>>
      %dma_start3A_196 = arith.constant 0 : i32
      %dma_start3A_197 = tpu.memref_slice %arg13[%add3A_12, %dma_start3A_196] : memref<10240x128xf32, #tpu.memory_space<vmem_shared>> -> memref<128x128xf32, #tpu.memory_space<vmem_shared>>
      %dma_start3A_198 = arith.constant 0 : i32
      %dma_start3A_199 = tpu.memref_slice %arg13[%add3A_12, %dma_start3A_198] : memref<10240x128xf32, #tpu.memory_space<vmem_shared>> -> memref<128x128xf32, #tpu.memory_space<vmem_shared>>
      tpu.enqueue_dma source(%arg12 : memref<128x128xf32, #tpu.memory_space<vmem>>) target(%dma_start3A_199 : memref<128x128xf32, #tpu.memory_space<vmem_shared>>) target_semaphore(%run_scoped3A : memref<!tpu.dma_semaphore, #tpu.memory_space<semaphore_mem>>)
      %dma_wait3A_200 = arith.constant 0 : i32
      %dma_wait3A_201 = tpu.memref_slice %arg13[%add3A_12, %dma_wait3A_200] : memref<10240x128xf32, #tpu.memory_space<vmem_shared>> -> memref<128x128xf32, #tpu.memory_space<vmem_shared>>
      %dma_wait3A_202 = arith.constant 0 : i32
      %dma_wait3A_203 = tpu.memref_slice %arg13[%add3A_12, %dma_wait3A_202] : memref<10240x128xf32, #tpu.memory_space<vmem_shared>> -> memref<128x128xf32, #tpu.memory_space<vmem_shared>>
      tpu.wait_dma2 semaphore(%run_scoped3A : memref<!tpu.dma_semaphore, #tpu.memory_space<semaphore_mem>>) src(%arg12 : memref<128x128xf32, #tpu.memory_space<vmem>>) dst(%dma_wait3A_203 : memref<128x128xf32, #tpu.memory_space<vmem_shared>>)
      tpu.yield
    }) : () -> ()
    %barrier3A = arith.constant 0 : index
    tpu.barrier barrier_id(%barrier3A)
    %lt3A = arith.constant 4 : i32
    %lt3A_13 = arith.cmpi slt, %add3A, %lt3A : i32
    %jit3A = arith.constant 79 : i32
    %jit3A_14 = arith.constant 78 : i32
    %select_n3A = arith.select %lt3A_13, %jit3A, %jit3A_14 : i32
    %add3A_15 = arith.constant 0 : i32
    %add3A_16 = arith.addi %add3A, %add3A_15 : i32
    %min3A = arith.constant 2499 : i32
    %min3A_17 = arith.minsi %add3A_16, %min3A : i32
    %mul3A_18 = arith.constant 256 : i32
    %mul3A_19 = arith.muli %min3A_17, %mul3A_18 : i32
    %multiple_of3A = tpu.assume_multiple %mul3A_19, 256 : i32
    %dma_start3A = tpu.memref_slice %arg3[%multiple_of3A] : memref<640000xi32, #tpu.memory_space<hbm>> -> memref<256xi32, #tpu.memory_space<hbm>>
    %dma_start3A_20 = tpu.memref_slice %arg3[%multiple_of3A] : memref<640000xi32, #tpu.memory_space<hbm>> -> memref<256xi32, #tpu.memory_space<hbm>>
    tpu.enqueue_dma source(%dma_start3A_20 : memref<256xi32, #tpu.memory_space<hbm>>) target(%arg10 : memref<256xi32, #tpu.memory_space<vmem>>) target_semaphore(%arg15 : memref<!tpu.dma_semaphore, #tpu.memory_space<semaphore_mem>>)
    %while3A = arith.constant 0 : i32
    %while3A_21 = arith.constant 0 : i32
    %while3A_22 = arith.subi %select_n3A, %while3A_21 : i32
    %while3A_23 = arith.addi %while3A_21, %while3A_22 : i32
    %while3A_24 = arith.constant 1 : i32
    %while3A_25 = arith.divsi %while3A_22, %while3A_24 : i32
    %while3A_26 = arith.muli %while3A_25, %while3A_24 : i32
    %while3A_27 = arith.addi %while3A_21, %while3A_26 : i32
    %while3A_28 = arith.constant 1 : i32
    scf.for %while3A_196 = %while3A_21 to %while3A_27 step %while3A_28  : i32 {
      %mul3A_197 = arith.constant 32 : i32
      %mul3A_198 = arith.muli %mul3A_197, %while3A_196 : i32
      %add3A_199 = arith.addi %add3A, %mul3A_198 : i32
      %min3A_200 = arith.constant 2499 : i32
      %min3A_201 = arith.minsi %add3A_199, %min3A_200 : i32
      %mul3A_202 = arith.constant 256 : i32
      %mul3A_203 = arith.muli %min3A_201, %mul3A_202 : i32
      %multiple_of3A_204 = tpu.assume_multiple %mul3A_203, 256 : i32
      %dma_wait3A_205 = tpu.memref_slice %arg3[%multiple_of3A_204] : memref<640000xi32, #tpu.memory_space<hbm>> -> memref<256xi32, #tpu.memory_space<hbm>>
      %dma_wait3A_206 = tpu.memref_slice %arg3[%multiple_of3A_204] : memref<640000xi32, #tpu.memory_space<hbm>> -> memref<256xi32, #tpu.memory_space<hbm>>
      tpu.wait_dma2 semaphore(%arg15 : memref<!tpu.dma_semaphore, #tpu.memory_space<semaphore_mem>>) src(%dma_wait3A_206 : memref<256xi32, #tpu.memory_space<hbm>>) dst(%arg10 : memref<256xi32, #tpu.memory_space<vmem>>)
      %dma_start3A_207 = arith.constant 0 : i32
      %dma_start3A_208 = tpu.memref_slice %arg10[%dma_start3A_207] : memref<256xi32, #tpu.memory_space<vmem>> -> memref<128xi32, #tpu.memory_space<vmem>>
      %dma_start3A_209 = arith.constant 0 : i32
      %dma_start3A_210 = arith.constant 0 : i32
      %dma_start3A_211 = tpu.memref_slice %arg2[%dma_start3A_209, %dma_start3A_210] : memref<10000x128xf32, #tpu.memory_space<hbm>> -> memref<10000x128xf32, #tpu.memory_space<hbm>>
      tpu.enqueue_indirect_dma source(%dma_start3A_211 : memref<10000x128xf32, #tpu.memory_space<hbm>>) target(%arg12 : memref<128x128xf32, #tpu.memory_space<vmem>>) offsets(%dma_start3A_208 : memref<128xi32, #tpu.memory_space<vmem>>) semaphore(%arg14 : memref<!tpu.dma_semaphore, #tpu.memory_space<semaphore_mem>>)
      %dma_wait3A_212 = arith.constant 0 : i32
      %dma_wait3A_213 = tpu.memref_slice %arg10[%dma_wait3A_212] : memref<256xi32, #tpu.memory_space<vmem>> -> memref<128xi32, #tpu.memory_space<vmem>>
      %dma_wait3A_214 = arith.constant 0 : i32
      %dma_wait3A_215 = arith.constant 0 : i32
      %dma_wait3A_216 = tpu.memref_slice %arg2[%dma_wait3A_214, %dma_wait3A_215] : memref<10000x128xf32, #tpu.memory_space<hbm>> -> memref<10000x128xf32, #tpu.memory_space<hbm>>
      tpu.wait_indirect_dma semaphore(%arg14 : memref<!tpu.dma_semaphore, #tpu.memory_space<semaphore_mem>>) src(%dma_wait3A_216 : memref<10000x128xf32, #tpu.memory_space<hbm>>) dst(%arg12 : memref<128x128xf32, #tpu.memory_space<vmem>>)
      %get3A = arith.constant 128 : index
      %get3A_217 = tpu.vector_load %arg10[%get3A] {strides = array<i32>} : memref<256xi32, #tpu.memory_space<vmem>>, vector<16xi32>,
      %get3A_218 = vector.shape_cast %get3A_217 : vector<16xi32> to vector<16xi32>
      %swap3A = arith.constant 0 : index
      %swap3A_219 = tpu.vector_load %arg11[%swap3A] {strides = array<i32>} : memref<128xi32, #tpu.memory_space<vmem>>, vector<16xi32>,
      %swap3A_220 = vector.shape_cast %swap3A_219 : vector<16xi32> to vector<16xi32>
      %swap3A_221 = vector.shape_cast %get3A_218 : vector<16xi32> to vector<16xi32>
      tpu.vector_store %arg11[%swap3A], %swap3A_221 {strides = array<i32>} : memref<128xi32, #tpu.memory_space<vmem>>, vector<16xi32>,
      %get3A_222 = arith.constant 144 : index
      %get3A_223 = tpu.vector_load %arg10[%get3A_222] {strides = array<i32>} : memref<256xi32, #tpu.memory_space<vmem>>, vector<16xi32>,
      %get3A_224 = vector.shape_cast %get3A_223 : vector<16xi32> to vector<16xi32>
      %swap3A_225 = arith.constant 16 : index
      %swap3A_226 = tpu.vector_load %arg11[%swap3A_225] {strides = array<i32>} : memref<128xi32, #tpu.memory_space<vmem>>, vector<16xi32>,
      %swap3A_227 = vector.shape_cast %swap3A_226 : vector<16xi32> to vector<16xi32>
      %swap3A_228 = vector.shape_cast %get3A_224 : vector<16xi32> to vector<16xi32>
      tpu.vector_store %arg11[%swap3A_225], %swap3A_228 {strides = array<i32>} : memref<128xi32, #tpu.memory_space<vmem>>, vector<16xi32>,
      %get3A_229 = arith.constant 160 : index
      %get3A_230 = tpu.vector_load %arg10[%get3A_229] {strides = array<i32>} : memref<256xi32, #tpu.memory_space<vmem>>, vector<16xi32>,
      %get3A_231 = vector.shape_cast %get3A_230 : vector<16xi32> to vector<16xi32>
      %swap3A_232 = arith.constant 32 : index
      %swap3A_233 = tpu.vector_load %arg11[%swap3A_232] {strides = array<i32>} : memref<128xi32, #tpu.memory_space<vmem>>, vector<16xi32>,
      %swap3A_234 = vector.shape_cast %swap3A_233 : vector<16xi32> to vector<16xi32>
      %swap3A_235 = vector.shape_cast %get3A_231 : vector<16xi32> to vector<16xi32>
      tpu.vector_store %arg11[%swap3A_232], %swap3A_235 {strides = array<i32>} : memref<128xi32, #tpu.memory_space<vmem>>, vector<16xi32>,
      %get3A_236 = arith.constant 176 : index
      %get3A_237 = tpu.vector_load %arg10[%get3A_236] {strides = array<i32>} : memref<256xi32, #tpu.memory_space<vmem>>, vector<16xi32>,
      %get3A_238 = vector.shape_cast %get3A_237 : vector<16xi32> to vector<16xi32>
      %swap3A_239 = arith.constant 48 : index
      %swap3A_240 = tpu.vector_load %arg11[%swap3A_239] {strides = array<i32>} : memref<128xi32, #tpu.memory_space<vmem>>, vector<16xi32>,
      %swap3A_241 = vector.shape_cast %swap3A_240 : vector<16xi32> to vector<16xi32>
      %swap3A_242 = vector.shape_cast %get3A_238 : vector<16xi32> to vector<16xi32>
      tpu.vector_store %arg11[%swap3A_239], %swap3A_242 {strides = array<i32>} : memref<128xi32, #tpu.memory_space<vmem>>, vector<16xi32>,
      %get3A_243 = arith.constant 192 : index
      %get3A_244 = tpu.vector_load %arg10[%get3A_243] {strides = array<i32>} : memref<256xi32, #tpu.memory_space<vmem>>, vector<16xi32>,
      %get3A_245 = vector.shape_cast %get3A_244 : vector<16xi32> to vector<16xi32>
      %swap3A_246 = arith.constant 64 : index
      %swap3A_247 = tpu.vector_load %arg11[%swap3A_246] {strides = array<i32>} : memref<128xi32, #tpu.memory_space<vmem>>, vector<16xi32>,
      %swap3A_248 = vector.shape_cast %swap3A_247 : vector<16xi32> to vector<16xi32>
      %swap3A_249 = vector.shape_cast %get3A_245 : vector<16xi32> to vector<16xi32>
      tpu.vector_store %arg11[%swap3A_246], %swap3A_249 {strides = array<i32>} : memref<128xi32, #tpu.memory_space<vmem>>, vector<16xi32>,
      %get3A_250 = arith.constant 208 : index
      %get3A_251 = tpu.vector_load %arg10[%get3A_250] {strides = array<i32>} : memref<256xi32, #tpu.memory_space<vmem>>, vector<16xi32>,
      %get3A_252 = vector.shape_cast %get3A_251 : vector<16xi32> to vector<16xi32>
      %swap3A_253 = arith.constant 80 : index
      %swap3A_254 = tpu.vector_load %arg11[%swap3A_253] {strides = array<i32>} : memref<128xi32, #tpu.memory_space<vmem>>, vector<16xi32>,
      %swap3A_255 = vector.shape_cast %swap3A_254 : vector<16xi32> to vector<16xi32>
      %swap3A_256 = vector.shape_cast %get3A_252 : vector<16xi32> to vector<16xi32>
      tpu.vector_store %arg11[%swap3A_253], %swap3A_256 {strides = array<i32>} : memref<128xi32, #tpu.memory_space<vmem>>, vector<16xi32>,
      %get3A_257 = arith.constant 224 : index
      %get3A_258 = tpu.vector_load %arg10[%get3A_257] {strides = array<i32>} : memref<256xi32, #tpu.memory_space<vmem>>, vector<16xi32>,
      %get3A_259 = vector.shape_cast %get3A_258 : vector<16xi32> to vector<16xi32>
      %swap3A_260 = arith.constant 96 : index
      %swap3A_261 = tpu.vector_load %arg11[%swap3A_260] {strides = array<i32>} : memref<128xi32, #tpu.memory_space<vmem>>, vector<16xi32>,
      %swap3A_262 = vector.shape_cast %swap3A_261 : vector<16xi32> to vector<16xi32>
      %swap3A_263 = vector.shape_cast %get3A_259 : vector<16xi32> to vector<16xi32>
      tpu.vector_store %arg11[%swap3A_260], %swap3A_263 {strides = array<i32>} : memref<128xi32, #tpu.memory_space<vmem>>, vector<16xi32>,
      %get3A_264 = arith.constant 240 : index
      %get3A_265 = tpu.vector_load %arg10[%get3A_264] {strides = array<i32>} : memref<256xi32, #tpu.memory_space<vmem>>, vector<16xi32>,
      %get3A_266 = vector.shape_cast %get3A_265 : vector<16xi32> to vector<16xi32>
      %swap3A_267 = arith.constant 112 : index
      %swap3A_268 = tpu.vector_load %arg11[%swap3A_267] {strides = array<i32>} : memref<128xi32, #tpu.memory_space<vmem>>, vector<16xi32>,
      %swap3A_269 = vector.shape_cast %swap3A_268 : vector<16xi32> to vector<16xi32>
      %swap3A_270 = vector.shape_cast %get3A_266 : vector<16xi32> to vector<16xi32>
      tpu.vector_store %arg11[%swap3A_267], %swap3A_270 {strides = array<i32>} : memref<128xi32, #tpu.memory_space<vmem>>, vector<16xi32>,
      %add3A_271 = arith.constant 1 : i32
      %add3A_272 = arith.addi %while3A_196, %add3A_271 : i32
      %mul3A_273 = arith.constant 32 : i32
      %mul3A_274 = arith.muli %mul3A_273, %add3A_272 : i32
      %add3A_275 = arith.addi %add3A, %mul3A_274 : i32
      %min3A_276 = arith.constant 2499 : i32
      %min3A_277 = arith.minsi %add3A_275, %min3A_276 : i32
      %mul3A_278 = arith.constant 256 : i32
      %mul3A_279 = arith.muli %min3A_277, %mul3A_278 : i32
      %multiple_of3A_280 = tpu.assume_multiple %mul3A_279, 256 : i32
      %dma_start3A_281 = tpu.memref_slice %arg3[%multiple_of3A_280] : memref<640000xi32, #tpu.memory_space<hbm>> -> memref<256xi32, #tpu.memory_space<hbm>>
      %dma_start3A_282 = tpu.memref_slice %arg3[%multiple_of3A_280] : memref<640000xi32, #tpu.memory_space<hbm>> -> memref<256xi32, #tpu.memory_space<hbm>>
      tpu.enqueue_dma source(%dma_start3A_282 : memref<256xi32, #tpu.memory_space<hbm>>) target(%arg10 : memref<256xi32, #tpu.memory_space<vmem>>) target_semaphore(%arg15 : memref<!tpu.dma_semaphore, #tpu.memory_space<semaphore_mem>>)
      "tpu.region"() ({
        %run_scoped3A = tpu.sem_alloc : memref<!tpu.dma_semaphore, #tpu.memory_space<semaphore_mem>>
        %dma_start3A_283 = arith.constant 0 : i32
        %dma_start3A_284 = arith.constant 0 : i32
        %dma_start3A_285 = tpu.memref_slice %arg13[%dma_start3A_283, %dma_start3A_284] : memref<10240x128xf32, #tpu.memory_space<vmem_shared>> -> memref<10240x128xf32, #tpu.memory_space<vmem_shared>>
        tpu.enqueue_indirect_dma source(%arg12 : memref<128x128xf32, #tpu.memory_space<vmem>>) target(%dma_start3A_285 : memref<10240x128xf32, #tpu.memory_space<vmem_shared>>) offsets(%arg11 : memref<128xi32, #tpu.memory_space<vmem>>) semaphore(%run_scoped3A : memref<!tpu.dma_semaphore, #tpu.memory_space<semaphore_mem>>) {add = true}
        %dma_wait3A_286 = arith.constant 0 : i32
        %dma_wait3A_287 = arith.constant 0 : i32
        %dma_wait3A_288 = tpu.memref_slice %arg13[%dma_wait3A_286, %dma_wait3A_287] : memref<10240x128xf32, #tpu.memory_space<vmem_shared>> -> memref<10240x128xf32, #tpu.memory_space<vmem_shared>>
        tpu.wait_indirect_dma semaphore(%run_scoped3A : memref<!tpu.dma_semaphore, #tpu.memory_space<semaphore_mem>>) src(%arg12 : memref<128x128xf32, #tpu.memory_space<vmem>>) dst(%dma_wait3A_288 : memref<10240x128xf32, #tpu.memory_space<vmem_shared>>)
        tpu.yield
      }) : () -> ()
    }
    %while3A_29 = arith.constant 1 : i32
    scf.for %while3A_196 = %while3A_27 to %while3A_23 step %while3A_29  : i32 {
      %mul3A_197 = arith.constant 32 : i32
      %mul3A_198 = arith.muli %mul3A_197, %while3A_196 : i32
      %add3A_199 = arith.addi %add3A, %mul3A_198 : i32
      %min3A_200 = arith.constant 2499 : i32
      %min3A_201 = arith.minsi %add3A_199, %min3A_200 : i32
      %mul3A_202 = arith.constant 256 : i32
      %mul3A_203 = arith.muli %min3A_201, %mul3A_202 : i32
      %multiple_of3A_204 = tpu.assume_multiple %mul3A_203, 256 : i32
      %dma_wait3A_205 = tpu.memref_slice %arg3[%multiple_of3A_204] : memref<640000xi32, #tpu.memory_space<hbm>> -> memref<256xi32, #tpu.memory_space<hbm>>
      %dma_wait3A_206 = tpu.memref_slice %arg3[%multiple_of3A_204] : memref<640000xi32, #tpu.memory_space<hbm>> -> memref<256xi32, #tpu.memory_space<hbm>>
      tpu.wait_dma2 semaphore(%arg15 : memref<!tpu.dma_semaphore, #tpu.memory_space<semaphore_mem>>) src(%dma_wait3A_206 : memref<256xi32, #tpu.memory_space<hbm>>) dst(%arg10 : memref<256xi32, #tpu.memory_space<vmem>>)
      %dma_start3A_207 = arith.constant 0 : i32
      %dma_start3A_208 = tpu.memref_slice %arg10[%dma_start3A_207] : memref<256xi32, #tpu.memory_space<vmem>> -> memref<128xi32, #tpu.memory_space<vmem>>
      %dma_start3A_209 = arith.constant 0 : i32
      %dma_start3A_210 = arith.constant 0 : i32
      %dma_start3A_211 = tpu.memref_slice %arg2[%dma_start3A_209, %dma_start3A_210] : memref<10000x128xf32, #tpu.memory_space<hbm>> -> memref<10000x128xf32, #tpu.memory_space<hbm>>
      tpu.enqueue_indirect_dma source(%dma_start3A_211 : memref<10000x128xf32, #tpu.memory_space<hbm>>) target(%arg12 : memref<128x128xf32, #tpu.memory_space<vmem>>) offsets(%dma_start3A_208 : memref<128xi32, #tpu.memory_space<vmem>>) semaphore(%arg14 : memref<!tpu.dma_semaphore, #tpu.memory_space<semaphore_mem>>)
      %dma_wait3A_212 = arith.constant 0 : i32
      %dma_wait3A_213 = tpu.memref_slice %arg10[%dma_wait3A_212] : memref<256xi32, #tpu.memory_space<vmem>> -> memref<128xi32, #tpu.memory_space<vmem>>
      %dma_wait3A_214 = arith.constant 0 : i32
      %dma_wait3A_215 = arith.constant 0 : i32
      %dma_wait3A_216 = tpu.memref_slice %arg2[%dma_wait3A_214, %dma_wait3A_215] : memref<10000x128xf32, #tpu.memory_space<hbm>> -> memref<10000x128xf32, #tpu.memory_space<hbm>>
      tpu.wait_indirect_dma semaphore(%arg14 : memref<!tpu.dma_semaphore, #tpu.memory_space<semaphore_mem>>) src(%dma_wait3A_216 : memref<10000x128xf32, #tpu.memory_space<hbm>>) dst(%arg12 : memref<128x128xf32, #tpu.memory_space<vmem>>)
      %get3A = arith.constant 128 : index
      %get3A_217 = tpu.vector_load %arg10[%get3A] {strides = array<i32>} : memref<256xi32, #tpu.memory_space<vmem>>, vector<16xi32>,
      %get3A_218 = vector.shape_cast %get3A_217 : vector<16xi32> to vector<16xi32>
      %swap3A = arith.constant 0 : index
      %swap3A_219 = tpu.vector_load %arg11[%swap3A] {strides = array<i32>} : memref<128xi32, #tpu.memory_space<vmem>>, vector<16xi32>,
      %swap3A_220 = vector.shape_cast %swap3A_219 : vector<16xi32> to vector<16xi32>
      %swap3A_221 = vector.shape_cast %get3A_218 : vector<16xi32> to vector<16xi32>
      tpu.vector_store %arg11[%swap3A], %swap3A_221 {strides = array<i32>} : memref<128xi32, #tpu.memory_space<vmem>>, vector<16xi32>,
      %get3A_222 = arith.constant 144 : index
      %get3A_223 = tpu.vector_load %arg10[%get3A_222] {strides = array<i32>} : memref<256xi32, #tpu.memory_space<vmem>>, vector<16xi32>,
      %get3A_224 = vector.shape_cast %get3A_223 : vector<16xi32> to vector<16xi32>
      %swap3A_225 = arith.constant 16 : index
      %swap3A_226 = tpu.vector_load %arg11[%swap3A_225] {strides = array<i32>} : memref<128xi32, #tpu.memory_space<vmem>>, vector<16xi32>,
      %swap3A_227 = vector.shape_cast %swap3A_226 : vector<16xi32> to vector<16xi32>
      %swap3A_228 = vector.shape_cast %get3A_224 : vector<16xi32> to vector<16xi32>
      tpu.vector_store %arg11[%swap3A_225], %swap3A_228 {strides = array<i32>} : memref<128xi32, #tpu.memory_space<vmem>>, vector<16xi32>,
      %get3A_229 = arith.constant 160 : index
      %get3A_230 = tpu.vector_load %arg10[%get3A_229] {strides = array<i32>} : memref<256xi32, #tpu.memory_space<vmem>>, vector<16xi32>,
      %get3A_231 = vector.shape_cast %get3A_230 : vector<16xi32> to vector<16xi32>
      %swap3A_232 = arith.constant 32 : index
      %swap3A_233 = tpu.vector_load %arg11[%swap3A_232] {strides = array<i32>} : memref<128xi32, #tpu.memory_space<vmem>>, vector<16xi32>,
      %swap3A_234 = vector.shape_cast %swap3A_233 : vector<16xi32> to vector<16xi32>
      %swap3A_235 = vector.shape_cast %get3A_231 : vector<16xi32> to vector<16xi32>
      tpu.vector_store %arg11[%swap3A_232], %swap3A_235 {strides = array<i32>} : memref<128xi32, #tpu.memory_space<vmem>>, vector<16xi32>,
      %get3A_236 = arith.constant 176 : index
      %get3A_237 = tpu.vector_load %arg10[%get3A_236] {strides = array<i32>} : memref<256xi32, #tpu.memory_space<vmem>>, vector<16xi32>,
      %get3A_238 = vector.shape_cast %get3A_237 : vector<16xi32> to vector<16xi32>
      %swap3A_239 = arith.constant 48 : index
      %swap3A_240 = tpu.vector_load %arg11[%swap3A_239] {strides = array<i32>} : memref<128xi32, #tpu.memory_space<vmem>>, vector<16xi32>,
      %swap3A_241 = vector.shape_cast %swap3A_240 : vector<16xi32> to vector<16xi32>
      %swap3A_242 = vector.shape_cast %get3A_238 : vector<16xi32> to vector<16xi32>
      tpu.vector_store %arg11[%swap3A_239], %swap3A_242 {strides = array<i32>} : memref<128xi32, #tpu.memory_space<vmem>>, vector<16xi32>,
      %get3A_243 = arith.constant 192 : index
      %get3A_244 = tpu.vector_load %arg10[%get3A_243] {strides = array<i32>} : memref<256xi32, #tpu.memory_space<vmem>>, vector<16xi32>,
      %get3A_245 = vector.shape_cast %get3A_244 : vector<16xi32> to vector<16xi32>
      %swap3A_246 = arith.constant 64 : index
      %swap3A_247 = tpu.vector_load %arg11[%swap3A_246] {strides = array<i32>} : memref<128xi32, #tpu.memory_space<vmem>>, vector<16xi32>,
      %swap3A_248 = vector.shape_cast %swap3A_247 : vector<16xi32> to vector<16xi32>
      %swap3A_249 = vector.shape_cast %get3A_245 : vector<16xi32> to vector<16xi32>
      tpu.vector_store %arg11[%swap3A_246], %swap3A_249 {strides = array<i32>} : memref<128xi32, #tpu.memory_space<vmem>>, vector<16xi32>,
      %get3A_250 = arith.constant 208 : index
      %get3A_251 = tpu.vector_load %arg10[%get3A_250] {strides = array<i32>} : memref<256xi32, #tpu.memory_space<vmem>>, vector<16xi32>,
      %get3A_252 = vector.shape_cast %get3A_251 : vector<16xi32> to vector<16xi32>
      %swap3A_253 = arith.constant 80 : index
      %swap3A_254 = tpu.vector_load %arg11[%swap3A_253] {strides = array<i32>} : memref<128xi32, #tpu.memory_space<vmem>>, vector<16xi32>,
      %swap3A_255 = vector.shape_cast %swap3A_254 : vector<16xi32> to vector<16xi32>
      %swap3A_256 = vector.shape_cast %get3A_252 : vector<16xi32> to vector<16xi32>
      tpu.vector_store %arg11[%swap3A_253], %swap3A_256 {strides = array<i32>} : memref<128xi32, #tpu.memory_space<vmem>>, vector<16xi32>,
      %get3A_257 = arith.constant 224 : index
      %get3A_258 = tpu.vector_load %arg10[%get3A_257] {strides = array<i32>} : memref<256xi32, #tpu.memory_space<vmem>>, vector<16xi32>,
      %get3A_259 = vector.shape_cast %get3A_258 : vector<16xi32> to vector<16xi32>
      %swap3A_260 = arith.constant 96 : index
      %swap3A_261 = tpu.vector_load %arg11[%swap3A_260] {strides = array<i32>} : memref<128xi32, #tpu.memory_space<vmem>>, vector<16xi32>,
      %swap3A_262 = vector.shape_cast %swap3A_261 : vector<16xi32> to vector<16xi32>
      %swap3A_263 = vector.shape_cast %get3A_259 : vector<16xi32> to vector<16xi32>
      tpu.vector_store %arg11[%swap3A_260], %swap3A_263 {strides = array<i32>} : memref<128xi32, #tpu.memory_space<vmem>>, vector<16xi32>,
      %get3A_264 = arith.constant 240 : index
      %get3A_265 = tpu.vector_load %arg10[%get3A_264] {strides = array<i32>} : memref<256xi32, #tpu.memory_space<vmem>>, vector<16xi32>,
      %get3A_266 = vector.shape_cast %get3A_265 : vector<16xi32> to vector<16xi32>
      %swap3A_267 = arith.constant 112 : index
      %swap3A_268 = tpu.vector_load %arg11[%swap3A_267] {strides = array<i32>} : memref<128xi32, #tpu.memory_space<vmem>>, vector<16xi32>,
      %swap3A_269 = vector.shape_cast %swap3A_268 : vector<16xi32> to vector<16xi32>
      %swap3A_270 = vector.shape_cast %get3A_266 : vector<16xi32> to vector<16xi32>
      tpu.vector_store %arg11[%swap3A_267], %swap3A_270 {strides = array<i32>} : memref<128xi32, #tpu.memory_space<vmem>>, vector<16xi32>,
      %add3A_271 = arith.constant 1 : i32
      %add3A_272 = arith.addi %while3A_196, %add3A_271 : i32
      %mul3A_273 = arith.constant 32 : i32
      %mul3A_274 = arith.muli %mul3A_273, %add3A_272 : i32
      %add3A_275 = arith.addi %add3A, %mul3A_274 : i32
      %min3A_276 = arith.constant 2499 : i32
      %min3A_277 = arith.minsi %add3A_275, %min3A_276 : i32
      %mul3A_278 = arith.constant 256 : i32
      %mul3A_279 = arith.muli %min3A_277, %mul3A_278 : i32
      %multiple_of3A_280 = tpu.assume_multiple %mul3A_279, 256 : i32
      %dma_start3A_281 = tpu.memref_slice %arg3[%multiple_of3A_280] : memref<640000xi32, #tpu.memory_space<hbm>> -> memref<256xi32, #tpu.memory_space<hbm>>
      %dma_start3A_282 = tpu.memref_slice %arg3[%multiple_of3A_280] : memref<640000xi32, #tpu.memory_space<hbm>> -> memref<256xi32, #tpu.memory_space<hbm>>
      tpu.enqueue_dma source(%dma_start3A_282 : memref<256xi32, #tpu.memory_space<hbm>>) target(%arg10 : memref<256xi32, #tpu.memory_space<vmem>>) target_semaphore(%arg15 : memref<!tpu.dma_semaphore, #tpu.memory_space<semaphore_mem>>)
      "tpu.region"() ({
        %run_scoped3A = tpu.sem_alloc : memref<!tpu.dma_semaphore, #tpu.memory_space<semaphore_mem>>
        %dma_start3A_283 = arith.constant 0 : i32
        %dma_start3A_284 = arith.constant 0 : i32
        %dma_start3A_285 = tpu.memref_slice %arg13[%dma_start3A_283, %dma_start3A_284] : memref<10240x128xf32, #tpu.memory_space<vmem_shared>> -> memref<10240x128xf32, #tpu.memory_space<vmem_shared>>
        tpu.enqueue_indirect_dma source(%arg12 : memref<128x128xf32, #tpu.memory_space<vmem>>) target(%dma_start3A_285 : memref<10240x128xf32, #tpu.memory_space<vmem_shared>>) offsets(%arg11 : memref<128xi32, #tpu.memory_space<vmem>>) semaphore(%run_scoped3A : memref<!tpu.dma_semaphore, #tpu.memory_space<semaphore_mem>>) {add = true}
        %dma_wait3A_286 = arith.constant 0 : i32
        %dma_wait3A_287 = arith.constant 0 : i32
        %dma_wait3A_288 = tpu.memref_slice %arg13[%dma_wait3A_286, %dma_wait3A_287] : memref<10240x128xf32, #tpu.memory_space<vmem_shared>> -> memref<10240x128xf32, #tpu.memory_space<vmem_shared>>
        tpu.wait_indirect_dma semaphore(%run_scoped3A : memref<!tpu.dma_semaphore, #tpu.memory_space<semaphore_mem>>) src(%arg12 : memref<128x128xf32, #tpu.memory_space<vmem>>) dst(%dma_wait3A_288 : memref<10240x128xf32, #tpu.memory_space<vmem_shared>>)
        tpu.yield
      }) : () -> ()
    }
    %add3A_30 = arith.constant 0 : i32
    %add3A_31 = arith.addi %add3A, %add3A_30 : i32
    %min3A_32 = arith.constant 2499 : i32
    %min3A_33 = arith.minsi %add3A_31, %min3A_32 : i32
    %mul3A_34 = arith.constant 256 : i32
    %mul3A_35 = arith.muli %min3A_33, %mul3A_34 : i32
    %multiple_of3A_36 = tpu.assume_multiple %mul3A_35, 256 : i32
    %dma_wait3A = tpu.memref_slice %arg3[%multiple_of3A_36] : memref<640000xi32, #tpu.memory_space<hbm>> -> memref<256xi32, #tpu.memory_space<hbm>>
    %dma_wait3A_37 = tpu.memref_slice %arg3[%multiple_of3A_36] : memref<640000xi32, #tpu.memory_space<hbm>> -> memref<256xi32, #tpu.memory_space<hbm>>
    tpu.wait_dma2 semaphore(%arg15 : memref<!tpu.dma_semaphore, #tpu.memory_space<semaphore_mem>>) src(%dma_wait3A_37 : memref<256xi32, #tpu.memory_space<hbm>>) dst(%arg10 : memref<256xi32, #tpu.memory_space<vmem>>)
    %barrier3A_38 = arith.constant 0 : index
    tpu.barrier barrier_id(%barrier3A_38)
    %add3A_39 = arith.constant 0 : i32
    %add3A_40 = arith.addi %mul3A_2, %add3A_39 : i32
    "tpu.region"() ({
      %run_scoped3A = tpu.sem_alloc : memref<!tpu.dma_semaphore, #tpu.memory_space<semaphore_mem>>
      %dma_start3A_196 = arith.constant 0 : i32
      %dma_start3A_197 = tpu.memref_slice %arg13[%add3A_40, %dma_start3A_196] : memref<10240x128xf32, #tpu.memory_space<vmem_shared>> -> memref<128x128xf32, #tpu.memory_space<vmem_shared>>
      %dma_start3A_198 = arith.constant 0 : i32
      %dma_start3A_199 = tpu.memref_slice %arg13[%add3A_40, %dma_start3A_198] : memref<10240x128xf32, #tpu.memory_space<vmem_shared>> -> memref<128x128xf32, #tpu.memory_space<vmem_shared>>
      tpu.enqueue_dma source(%dma_start3A_199 : memref<128x128xf32, #tpu.memory_space<vmem_shared>>) target(%arg12 : memref<128x128xf32, #tpu.memory_space<vmem>>) target_semaphore(%run_scoped3A : memref<!tpu.dma_semaphore, #tpu.memory_space<semaphore_mem>>)
      %dma_wait3A_200 = arith.constant 0 : i32
      %dma_wait3A_201 = tpu.memref_slice %arg13[%add3A_40, %dma_wait3A_200] : memref<10240x128xf32, #tpu.memory_space<vmem_shared>> -> memref<128x128xf32, #tpu.memory_space<vmem_shared>>
      %dma_wait3A_202 = arith.constant 0 : i32
      %dma_wait3A_203 = tpu.memref_slice %arg13[%add3A_40, %dma_wait3A_202] : memref<10240x128xf32, #tpu.memory_space<vmem_shared>> -> memref<128x128xf32, #tpu.memory_space<vmem_shared>>
      tpu.wait_dma2 semaphore(%run_scoped3A : memref<!tpu.dma_semaphore, #tpu.memory_space<semaphore_mem>>) src(%dma_wait3A_203 : memref<128x128xf32, #tpu.memory_space<vmem_shared>>) dst(%arg12 : memref<128x128xf32, #tpu.memory_space<vmem>>)
      tpu.yield
    }) : () -> ()
    %eq3A = arith.constant 0 : i32
    %eq3A_41 = arith.cmpi eq, %arg0, %eq3A : i32
    %convert_element_type3A = arith.extui %eq3A_41 : i1 to i32
    %cond3A = arith.constant 0 : i32
    %cond3A_42 = arith.cmpi ne, %convert_element_type3A, %cond3A : i32
    scf.if %cond3A_42 {
      %add3A_196 = arith.constant 0 : i32
      %add3A_197 = arith.addi %mul3A_2, %add3A_196 : i32
      "tpu.region"() ({
        %run_scoped3A = tpu.sem_alloc : memref<!tpu.dma_semaphore, #tpu.memory_space<semaphore_mem>>
        %dma_start3A_198 = arith.constant 0 : i32
        %dma_start3A_199 = tpu.memref_slice %arg6[%add3A_197, %dma_start3A_198] : memref<10240x128xf32, #tpu.memory_space<hbm>> -> memref<128x128xf32, #tpu.memory_space<hbm>>
        %dma_start3A_200 = arith.constant 0 : i32
        %dma_start3A_201 = tpu.memref_slice %arg6[%add3A_197, %dma_start3A_200] : memref<10240x128xf32, #tpu.memory_space<hbm>> -> memref<128x128xf32, #tpu.memory_space<hbm>>
        tpu.enqueue_dma source(%arg12 : memref<128x128xf32, #tpu.memory_space<vmem>>) target(%dma_start3A_201 : memref<128x128xf32, #tpu.memory_space<hbm>>) target_semaphore(%run_scoped3A : memref<!tpu.dma_semaphore, #tpu.memory_space<semaphore_mem>>)
        %dma_wait3A_202 = arith.constant 0 : i32
        %dma_wait3A_203 = tpu.memref_slice %arg6[%add3A_197, %dma_wait3A_202] : memref<10240x128xf32, #tpu.memory_space<hbm>> -> memref<128x128xf32, #tpu.memory_space<hbm>>
        %dma_wait3A_204 = arith.constant 0 : i32
        %dma_wait3A_205 = tpu.memref_slice %arg6[%add3A_197, %dma_wait3A_204] : memref<10240x128xf32, #tpu.memory_space<hbm>> -> memref<128x128xf32, #tpu.memory_space<hbm>>
        tpu.wait_dma2 semaphore(%run_scoped3A : memref<!tpu.dma_semaphore, #tpu.memory_space<semaphore_mem>>) src(%arg12 : memref<128x128xf32, #tpu.memory_space<vmem>>) dst(%dma_wait3A_205 : memref<128x128xf32, #tpu.memory_space<hbm>>)
        tpu.yield
      }) : () -> ()
    } else {
    }
    %eq3A_43 = arith.constant 1 : i32
    %eq3A_44 = arith.cmpi eq, %arg0, %eq3A_43 : i32
    %convert_element_type3A_45 = arith.extui %eq3A_44 : i1 to i32
    %cond3A_46 = arith.constant 0 : i32
    %cond3A_47 = arith.cmpi ne, %convert_element_type3A_45, %cond3A_46 : i32
    scf.if %cond3A_47 {
      %add3A_196 = arith.constant 0 : i32
      %add3A_197 = arith.addi %mul3A_2, %add3A_196 : i32
      "tpu.region"() ({
        %run_scoped3A = tpu.sem_alloc : memref<!tpu.dma_semaphore, #tpu.memory_space<semaphore_mem>>
        %dma_start3A_198 = arith.constant 0 : i32
        %dma_start3A_199 = tpu.memref_slice %arg7[%add3A_197, %dma_start3A_198] : memref<10240x128xf32, #tpu.memory_space<hbm>> -> memref<128x128xf32, #tpu.memory_space<hbm>>
        %dma_start3A_200 = arith.constant 0 : i32
        %dma_start3A_201 = tpu.memref_slice %arg7[%add3A_197, %dma_start3A_200] : memref<10240x128xf32, #tpu.memory_space<hbm>> -> memref<128x128xf32, #tpu.memory_space<hbm>>
        tpu.enqueue_dma source(%arg12 : memref<128x128xf32, #tpu.memory_space<vmem>>) target(%dma_start3A_201 : memref<128x128xf32, #tpu.memory_space<hbm>>) target_semaphore(%run_scoped3A : memref<!tpu.dma_semaphore, #tpu.memory_space<semaphore_mem>>)
        %dma_wait3A_202 = arith.constant 0 : i32
        %dma_wait3A_203 = tpu.memref_slice %arg7[%add3A_197, %dma_wait3A_202] : memref<10240x128xf32, #tpu.memory_space<hbm>> -> memref<128x128xf32, #tpu.memory_space<hbm>>
        %dma_wait3A_204 = arith.constant 0 : i32
        %dma_wait3A_205 = tpu.memref_slice %arg7[%add3A_197, %dma_wait3A_204] : memref<10240x128xf32, #tpu.memory_space<hbm>> -> memref<128x128xf32, #tpu.memory_space<hbm>>
        tpu.wait_dma2 semaphore(%run_scoped3A : memref<!tpu.dma_semaphore, #tpu.memory_space<semaphore_mem>>) src(%arg12 : memref<128x128xf32, #tpu.memory_space<vmem>>) dst(%dma_wait3A_205 : memref<128x128xf32, #tpu.memory_space<hbm>>)
        tpu.yield
      }) : () -> ()
    } else {
    }
    %add3A_48 = arith.constant 128 : i32
    %add3A_49 = arith.addi %mul3A_2, %add3A_48 : i32
    "tpu.region"() ({
      %run_scoped3A = tpu.sem_alloc : memref<!tpu.dma_semaphore, #tpu.memory_space<semaphore_mem>>
      %dma_start3A_196 = arith.constant 0 : i32
      %dma_start3A_197 = tpu.memref_slice %arg13[%add3A_49, %dma_start3A_196] : memref<10240x128xf32, #tpu.memory_space<vmem_shared>> -> memref<128x128xf32, #tpu.memory_space<vmem_shared>>
      %dma_start3A_198 = arith.constant 0 : i32
      %dma_start3A_199 = tpu.memref_slice %arg13[%add3A_49, %dma_start3A_198] : memref<10240x128xf32, #tpu.memory_space<vmem_shared>> -> memref<128x128xf32, #tpu.memory_space<vmem_shared>>
      tpu.enqueue_dma source(%dma_start3A_199 : memref<128x128xf32, #tpu.memory_space<vmem_shared>>) target(%arg12 : memref<128x128xf32, #tpu.memory_space<vmem>>) target_semaphore(%run_scoped3A : memref<!tpu.dma_semaphore, #tpu.memory_space<semaphore_mem>>)
      %dma_wait3A_200 = arith.constant 0 : i32
      %dma_wait3A_201 = tpu.memref_slice %arg13[%add3A_49, %dma_wait3A_200] : memref<10240x128xf32, #tpu.memory_space<vmem_shared>> -> memref<128x128xf32, #tpu.memory_space<vmem_shared>>
      %dma_wait3A_202 = arith.constant 0 : i32
      %dma_wait3A_203 = tpu.memref_slice %arg13[%add3A_49, %dma_wait3A_202] : memref<10240x128xf32, #tpu.memory_space<vmem_shared>> -> memref<128x128xf32, #tpu.memory_space<vmem_shared>>
      tpu.wait_dma2 semaphore(%run_scoped3A : memref<!tpu.dma_semaphore, #tpu.memory_space<semaphore_mem>>) src(%dma_wait3A_203 : memref<128x128xf32, #tpu.memory_space<vmem_shared>>) dst(%arg12 : memref<128x128xf32, #tpu.memory_space<vmem>>)
      tpu.yield
    }) : () -> ()
    %eq3A_50 = arith.constant 0 : i32
    %eq3A_51 = arith.cmpi eq, %arg0, %eq3A_50 : i32
    %convert_element_type3A_52 = arith.extui %eq3A_51 : i1 to i32
    %cond3A_53 = arith.constant 0 : i32
    %cond3A_54 = arith.cmpi ne, %convert_element_type3A_52, %cond3A_53 : i32
    scf.if %cond3A_54 {
      %add3A_196 = arith.constant 128 : i32
      %add3A_197 = arith.addi %mul3A_2, %add3A_196 : i32
      "tpu.region"() ({
        %run_scoped3A = tpu.sem_alloc : memref<!tpu.dma_semaphore, #tpu.memory_space<semaphore_mem>>
        %dma_start3A_198 = arith.constant 0 : i32
        %dma_start3A_199 = tpu.memref_slice %arg6[%add3A_197, %dma_start3A_198] : memref<10240x128xf32, #tpu.memory_space<hbm>> -> memref<128x128xf32, #tpu.memory_space<hbm>>
        %dma_start3A_200 = arith.constant 0 : i32
        %dma_start3A_201 = tpu.memref_slice %arg6[%add3A_197, %dma_start3A_200] : memref<10240x128xf32, #tpu.memory_space<hbm>> -> memref<128x128xf32, #tpu.memory_space<hbm>>
        tpu.enqueue_dma source(%arg12 : memref<128x128xf32, #tpu.memory_space<vmem>>) target(%dma_start3A_201 : memref<128x128xf32, #tpu.memory_space<hbm>>) target_semaphore(%run_scoped3A : memref<!tpu.dma_semaphore, #tpu.memory_space<semaphore_mem>>)
        %dma_wait3A_202 = arith.constant 0 : i32
        %dma_wait3A_203 = tpu.memref_slice %arg6[%add3A_197, %dma_wait3A_202] : memref<10240x128xf32, #tpu.memory_space<hbm>> -> memref<128x128xf32, #tpu.memory_space<hbm>>
        %dma_wait3A_204 = arith.constant 0 : i32
        %dma_wait3A_205 = tpu.memref_slice %arg6[%add3A_197, %dma_wait3A_204] : memref<10240x128xf32, #tpu.memory_space<hbm>> -> memref<128x128xf32, #tpu.memory_space<hbm>>
        tpu.wait_dma2 semaphore(%run_scoped3A : memref<!tpu.dma_semaphore, #tpu.memory_space<semaphore_mem>>) src(%arg12 : memref<128x128xf32, #tpu.memory_space<vmem>>) dst(%dma_wait3A_205 : memref<128x128xf32, #tpu.memory_space<hbm>>)
        tpu.yield
      }) : () -> ()
    } else {
    }
    %eq3A_55 = arith.constant 1 : i32
    %eq3A_56 = arith.cmpi eq, %arg0, %eq3A_55 : i32
    %convert_element_type3A_57 = arith.extui %eq3A_56 : i1 to i32
    %cond3A_58 = arith.constant 0 : i32
    %cond3A_59 = arith.cmpi ne, %convert_element_type3A_57, %cond3A_58 : i32
    scf.if %cond3A_59 {
      %add3A_196 = arith.constant 128 : i32
      %add3A_197 = arith.addi %mul3A_2, %add3A_196 : i32
      "tpu.region"() ({
        %run_scoped3A = tpu.sem_alloc : memref<!tpu.dma_semaphore, #tpu.memory_space<semaphore_mem>>
        %dma_start3A_198 = arith.constant 0 : i32
        %dma_start3A_199 = tpu.memref_slice %arg7[%add3A_197, %dma_start3A_198] : memref<10240x128xf32, #tpu.memory_space<hbm>> -> memref<128x128xf32, #tpu.memory_space<hbm>>
        %dma_start3A_200 = arith.constant 0 : i32
        %dma_start3A_201 = tpu.memref_slice %arg7[%add3A_197, %dma_start3A_200] : memref<10240x128xf32, #tpu.memory_space<hbm>> -> memref<128x128xf32, #tpu.memory_space<hbm>>
        tpu.enqueue_dma source(%arg12 : memref<128x128xf32, #tpu.memory_space<vmem>>) target(%dma_start3A_201 : memref<128x128xf32, #tpu.memory_space<hbm>>) target_semaphore(%run_scoped3A : memref<!tpu.dma_semaphore, #tpu.memory_space<semaphore_mem>>)
        %dma_wait3A_202 = arith.constant 0 : i32
        %dma_wait3A_203 = tpu.memref_slice %arg7[%add3A_197, %dma_wait3A_202] : memref<10240x128xf32, #tpu.memory_space<hbm>> -> memref<128x128xf32, #tpu.memory_space<hbm>>
        %dma_wait3A_204 = arith.constant 0 : i32
        %dma_wait3A_205 = tpu.memref_slice %arg7[%add3A_197, %dma_wait3A_204] : memref<10240x128xf32, #tpu.memory_space<hbm>> -> memref<128x128xf32, #tpu.memory_space<hbm>>
        tpu.wait_dma2 semaphore(%run_scoped3A : memref<!tpu.dma_semaphore, #tpu.memory_space<semaphore_mem>>) src(%arg12 : memref<128x128xf32, #tpu.memory_space<vmem>>) dst(%dma_wait3A_205 : memref<128x128xf32, #tpu.memory_space<hbm>>)
        tpu.yield
      }) : () -> ()
    } else {
    }
    %add3A_60 = arith.constant 256 : i32
    %add3A_61 = arith.addi %mul3A_2, %add3A_60 : i32
    "tpu.region"() ({
      %run_scoped3A = tpu.sem_alloc : memref<!tpu.dma_semaphore, #tpu.memory_space<semaphore_mem>>
      %dma_start3A_196 = arith.constant 0 : i32
      %dma_start3A_197 = tpu.memref_slice %arg13[%add3A_61, %dma_start3A_196] : memref<10240x128xf32, #tpu.memory_space<vmem_shared>> -> memref<128x128xf32, #tpu.memory_space<vmem_shared>>
      %dma_start3A_198 = arith.constant 0 : i32
      %dma_start3A_199 = tpu.memref_slice %arg13[%add3A_61, %dma_start3A_198] : memref<10240x128xf32, #tpu.memory_space<vmem_shared>> -> memref<128x128xf32, #tpu.memory_space<vmem_shared>>
      tpu.enqueue_dma source(%dma_start3A_199 : memref<128x128xf32, #tpu.memory_space<vmem_shared>>) target(%arg12 : memref<128x128xf32, #tpu.memory_space<vmem>>) target_semaphore(%run_scoped3A : memref<!tpu.dma_semaphore, #tpu.memory_space<semaphore_mem>>)
      %dma_wait3A_200 = arith.constant 0 : i32
      %dma_wait3A_201 = tpu.memref_slice %arg13[%add3A_61, %dma_wait3A_200] : memref<10240x128xf32, #tpu.memory_space<vmem_shared>> -> memref<128x128xf32, #tpu.memory_space<vmem_shared>>
      %dma_wait3A_202 = arith.constant 0 : i32
      %dma_wait3A_203 = tpu.memref_slice %arg13[%add3A_61, %dma_wait3A_202] : memref<10240x128xf32, #tpu.memory_space<vmem_shared>> -> memref<128x128xf32, #tpu.memory_space<vmem_shared>>
      tpu.wait_dma2 semaphore(%run_scoped3A : memref<!tpu.dma_semaphore, #tpu.memory_space<semaphore_mem>>) src(%dma_wait3A_203 : memref<128x128xf32, #tpu.memory_space<vmem_shared>>) dst(%arg12 : memref<128x128xf32, #tpu.memory_space<vmem>>)
      tpu.yield
    }) : () -> ()
    %eq3A_62 = arith.constant 0 : i32
    %eq3A_63 = arith.cmpi eq, %arg0, %eq3A_62 : i32
    %convert_element_type3A_64 = arith.extui %eq3A_63 : i1 to i32
    %cond3A_65 = arith.constant 0 : i32
    %cond3A_66 = arith.cmpi ne, %convert_element_type3A_64, %cond3A_65 : i32
    scf.if %cond3A_66 {
      %add3A_196 = arith.constant 256 : i32
      %add3A_197 = arith.addi %mul3A_2, %add3A_196 : i32
      "tpu.region"() ({
        %run_scoped3A = tpu.sem_alloc : memref<!tpu.dma_semaphore, #tpu.memory_space<semaphore_mem>>
        %dma_start3A_198 = arith.constant 0 : i32
        %dma_start3A_199 = tpu.memref_slice %arg6[%add3A_197, %dma_start3A_198] : memref<10240x128xf32, #tpu.memory_space<hbm>> -> memref<128x128xf32, #tpu.memory_space<hbm>>
        %dma_start3A_200 = arith.constant 0 : i32
        %dma_start3A_201 = tpu.memref_slice %arg6[%add3A_197, %dma_start3A_200] : memref<10240x128xf32, #tpu.memory_space<hbm>> -> memref<128x128xf32, #tpu.memory_space<hbm>>
        tpu.enqueue_dma source(%arg12 : memref<128x128xf32, #tpu.memory_space<vmem>>) target(%dma_start3A_201 : memref<128x128xf32, #tpu.memory_space<hbm>>) target_semaphore(%run_scoped3A : memref<!tpu.dma_semaphore, #tpu.memory_space<semaphore_mem>>)
        %dma_wait3A_202 = arith.constant 0 : i32
        %dma_wait3A_203 = tpu.memref_slice %arg6[%add3A_197, %dma_wait3A_202] : memref<10240x128xf32, #tpu.memory_space<hbm>> -> memref<128x128xf32, #tpu.memory_space<hbm>>
        %dma_wait3A_204 = arith.constant 0 : i32
        %dma_wait3A_205 = tpu.memref_slice %arg6[%add3A_197, %dma_wait3A_204] : memref<10240x128xf32, #tpu.memory_space<hbm>> -> memref<128x128xf32, #tpu.memory_space<hbm>>
        tpu.wait_dma2 semaphore(%run_scoped3A : memref<!tpu.dma_semaphore, #tpu.memory_space<semaphore_mem>>) src(%arg12 : memref<128x128xf32, #tpu.memory_space<vmem>>) dst(%dma_wait3A_205 : memref<128x128xf32, #tpu.memory_space<hbm>>)
        tpu.yield
      }) : () -> ()
    } else {
    }
    %eq3A_67 = arith.constant 1 : i32
    %eq3A_68 = arith.cmpi eq, %arg0, %eq3A_67 : i32
    %convert_element_type3A_69 = arith.extui %eq3A_68 : i1 to i32
    %cond3A_70 = arith.constant 0 : i32
    %cond3A_71 = arith.cmpi ne, %convert_element_type3A_69, %cond3A_70 : i32
    scf.if %cond3A_71 {
      %add3A_196 = arith.constant 256 : i32
      %add3A_197 = arith.addi %mul3A_2, %add3A_196 : i32
      "tpu.region"() ({
        %run_scoped3A = tpu.sem_alloc : memref<!tpu.dma_semaphore, #tpu.memory_space<semaphore_mem>>
        %dma_start3A_198 = arith.constant 0 : i32
        %dma_start3A_199 = tpu.memref_slice %arg7[%add3A_197, %dma_start3A_198] : memref<10240x128xf32, #tpu.memory_space<hbm>> -> memref<128x128xf32, #tpu.memory_space<hbm>>
        %dma_start3A_200 = arith.constant 0 : i32
        %dma_start3A_201 = tpu.memref_slice %arg7[%add3A_197, %dma_start3A_200] : memref<10240x128xf32, #tpu.memory_space<hbm>> -> memref<128x128xf32, #tpu.memory_space<hbm>>
        tpu.enqueue_dma source(%arg12 : memref<128x128xf32, #tpu.memory_space<vmem>>) target(%dma_start3A_201 : memref<128x128xf32, #tpu.memory_space<hbm>>) target_semaphore(%run_scoped3A : memref<!tpu.dma_semaphore, #tpu.memory_space<semaphore_mem>>)
        %dma_wait3A_202 = arith.constant 0 : i32
        %dma_wait3A_203 = tpu.memref_slice %arg7[%add3A_197, %dma_wait3A_202] : memref<10240x128xf32, #tpu.memory_space<hbm>> -> memref<128x128xf32, #tpu.memory_space<hbm>>
        %dma_wait3A_204 = arith.constant 0 : i32
        %dma_wait3A_205 = tpu.memref_slice %arg7[%add3A_197, %dma_wait3A_204] : memref<10240x128xf32, #tpu.memory_space<hbm>> -> memref<128x128xf32, #tpu.memory_space<hbm>>
        tpu.wait_dma2 semaphore(%run_scoped3A : memref<!tpu.dma_semaphore, #tpu.memory_space<semaphore_mem>>) src(%arg12 : memref<128x128xf32, #tpu.memory_space<vmem>>) dst(%dma_wait3A_205 : memref<128x128xf32, #tpu.memory_space<hbm>>)
        tpu.yield
      }) : () -> ()
    } else {
    }
    %add3A_72 = arith.constant 384 : i32
    %add3A_73 = arith.addi %mul3A_2, %add3A_72 : i32
    "tpu.region"() ({
      %run_scoped3A = tpu.sem_alloc : memref<!tpu.dma_semaphore, #tpu.memory_space<semaphore_mem>>
      %dma_start3A_196 = arith.constant 0 : i32
      %dma_start3A_197 = tpu.memref_slice %arg13[%add3A_73, %dma_start3A_196] : memref<10240x128xf32, #tpu.memory_space<vmem_shared>> -> memref<128x128xf32, #tpu.memory_space<vmem_shared>>
      %dma_start3A_198 = arith.constant 0 : i32
      %dma_start3A_199 = tpu.memref_slice %arg13[%add3A_73, %dma_start3A_198] : memref<10240x128xf32, #tpu.memory_space<vmem_shared>> -> memref<128x128xf32, #tpu.memory_space<vmem_shared>>
      tpu.enqueue_dma source(%dma_start3A_199 : memref<128x128xf32, #tpu.memory_space<vmem_shared>>) target(%arg12 : memref<128x128xf32, #tpu.memory_space<vmem>>) target_semaphore(%run_scoped3A : memref<!tpu.dma_semaphore, #tpu.memory_space<semaphore_mem>>)
      %dma_wait3A_200 = arith.constant 0 : i32
      %dma_wait3A_201 = tpu.memref_slice %arg13[%add3A_73, %dma_wait3A_200] : memref<10240x128xf32, #tpu.memory_space<vmem_shared>> -> memref<128x128xf32, #tpu.memory_space<vmem_shared>>
      %dma_wait3A_202 = arith.constant 0 : i32
      %dma_wait3A_203 = tpu.memref_slice %arg13[%add3A_73, %dma_wait3A_202] : memref<10240x128xf32, #tpu.memory_space<vmem_shared>> -> memref<128x128xf32, #tpu.memory_space<vmem_shared>>
      tpu.wait_dma2 semaphore(%run_scoped3A : memref<!tpu.dma_semaphore, #tpu.memory_space<semaphore_mem>>) src(%dma_wait3A_203 : memref<128x128xf32, #tpu.memory_space<vmem_shared>>) dst(%arg12 : memref<128x128xf32, #tpu.memory_space<vmem>>)
      tpu.yield
    }) : () -> ()
    %eq3A_74 = arith.constant 0 : i32
    %eq3A_75 = arith.cmpi eq, %arg0, %eq3A_74 : i32
    %convert_element_type3A_76 = arith.extui %eq3A_75 : i1 to i32
    %cond3A_77 = arith.constant 0 : i32
    %cond3A_78 = arith.cmpi ne, %convert_element_type3A_76, %cond3A_77 : i32
    scf.if %cond3A_78 {
      %add3A_196 = arith.constant 384 : i32
      %add3A_197 = arith.addi %mul3A_2, %add3A_196 : i32
      "tpu.region"() ({
        %run_scoped3A = tpu.sem_alloc : memref<!tpu.dma_semaphore, #tpu.memory_space<semaphore_mem>>
        %dma_start3A_198 = arith.constant 0 : i32
        %dma_start3A_199 = tpu.memref_slice %arg6[%add3A_197, %dma_start3A_198] : memref<10240x128xf32, #tpu.memory_space<hbm>> -> memref<128x128xf32, #tpu.memory_space<hbm>>
        %dma_start3A_200 = arith.constant 0 : i32
        %dma_start3A_201 = tpu.memref_slice %arg6[%add3A_197, %dma_start3A_200] : memref<10240x128xf32, #tpu.memory_space<hbm>> -> memref<128x128xf32, #tpu.memory_space<hbm>>
        tpu.enqueue_dma source(%arg12 : memref<128x128xf32, #tpu.memory_space<vmem>>) target(%dma_start3A_201 : memref<128x128xf32, #tpu.memory_space<hbm>>) target_semaphore(%run_scoped3A : memref<!tpu.dma_semaphore, #tpu.memory_space<semaphore_mem>>)
        %dma_wait3A_202 = arith.constant 0 : i32
        %dma_wait3A_203 = tpu.memref_slice %arg6[%add3A_197, %dma_wait3A_202] : memref<10240x128xf32, #tpu.memory_space<hbm>> -> memref<128x128xf32, #tpu.memory_space<hbm>>
        %dma_wait3A_204 = arith.constant 0 : i32
        %dma_wait3A_205 = tpu.memref_slice %arg6[%add3A_197, %dma_wait3A_204] : memref<10240x128xf32, #tpu.memory_space<hbm>> -> memref<128x128xf32, #tpu.memory_space<hbm>>
        tpu.wait_dma2 semaphore(%run_scoped3A : memref<!tpu.dma_semaphore, #tpu.memory_space<semaphore_mem>>) src(%arg12 : memref<128x128xf32, #tpu.memory_space<vmem>>) dst(%dma_wait3A_205 : memref<128x128xf32, #tpu.memory_space<hbm>>)
        tpu.yield
      }) : () -> ()
    } else {
    }
    %eq3A_79 = arith.constant 1 : i32
    %eq3A_80 = arith.cmpi eq, %arg0, %eq3A_79 : i32
    %convert_element_type3A_81 = arith.extui %eq3A_80 : i1 to i32
    %cond3A_82 = arith.constant 0 : i32
    %cond3A_83 = arith.cmpi ne, %convert_element_type3A_81, %cond3A_82 : i32
    scf.if %cond3A_83 {
      %add3A_196 = arith.constant 384 : i32
      %add3A_197 = arith.addi %mul3A_2, %add3A_196 : i32
      "tpu.region"() ({
        %run_scoped3A = tpu.sem_alloc : memref<!tpu.dma_semaphore, #tpu.memory_space<semaphore_mem>>
        %dma_start3A_198 = arith.constant 0 : i32
        %dma_start3A_199 = tpu.memref_slice %arg7[%add3A_197, %dma_start3A_198] : memref<10240x128xf32, #tpu.memory_space<hbm>> -> memref<128x128xf32, #tpu.memory_space<hbm>>
        %dma_start3A_200 = arith.constant 0 : i32
        %dma_start3A_201 = tpu.memref_slice %arg7[%add3A_197, %dma_start3A_200] : memref<10240x128xf32, #tpu.memory_space<hbm>> -> memref<128x128xf32, #tpu.memory_space<hbm>>
        tpu.enqueue_dma source(%arg12 : memref<128x128xf32, #tpu.memory_space<vmem>>) target(%dma_start3A_201 : memref<128x128xf32, #tpu.memory_space<hbm>>) target_semaphore(%run_scoped3A : memref<!tpu.dma_semaphore, #tpu.memory_space<semaphore_mem>>)
        %dma_wait3A_202 = arith.constant 0 : i32
        %dma_wait3A_203 = tpu.memref_slice %arg7[%add3A_197, %dma_wait3A_202] : memref<10240x128xf32, #tpu.memory_space<hbm>> -> memref<128x128xf32, #tpu.memory_space<hbm>>
        %dma_wait3A_204 = arith.constant 0 : i32
        %dma_wait3A_205 = tpu.memref_slice %arg7[%add3A_197, %dma_wait3A_204] : memref<10240x128xf32, #tpu.memory_space<hbm>> -> memref<128x128xf32, #tpu.memory_space<hbm>>
        tpu.wait_dma2 semaphore(%run_scoped3A : memref<!tpu.dma_semaphore, #tpu.memory_space<semaphore_mem>>) src(%arg12 : memref<128x128xf32, #tpu.memory_space<vmem>>) dst(%dma_wait3A_205 : memref<128x128xf32, #tpu.memory_space<hbm>>)
        tpu.yield
      }) : () -> ()
    } else {
    }
    %add3A_84 = arith.constant 512 : i32
    %add3A_85 = arith.addi %mul3A_2, %add3A_84 : i32
    "tpu.region"() ({
      %run_scoped3A = tpu.sem_alloc : memref<!tpu.dma_semaphore, #tpu.memory_space<semaphore_mem>>
      %dma_start3A_196 = arith.constant 0 : i32
      %dma_start3A_197 = tpu.memref_slice %arg13[%add3A_85, %dma_start3A_196] : memref<10240x128xf32, #tpu.memory_space<vmem_shared>> -> memref<128x128xf32, #tpu.memory_space<vmem_shared>>
      %dma_start3A_198 = arith.constant 0 : i32
      %dma_start3A_199 = tpu.memref_slice %arg13[%add3A_85, %dma_start3A_198] : memref<10240x128xf32, #tpu.memory_space<vmem_shared>> -> memref<128x128xf32, #tpu.memory_space<vmem_shared>>
      tpu.enqueue_dma source(%dma_start3A_199 : memref<128x128xf32, #tpu.memory_space<vmem_shared>>) target(%arg12 : memref<128x128xf32, #tpu.memory_space<vmem>>) target_semaphore(%run_scoped3A : memref<!tpu.dma_semaphore, #tpu.memory_space<semaphore_mem>>)
      %dma_wait3A_200 = arith.constant 0 : i32
      %dma_wait3A_201 = tpu.memref_slice %arg13[%add3A_85, %dma_wait3A_200] : memref<10240x128xf32, #tpu.memory_space<vmem_shared>> -> memref<128x128xf32, #tpu.memory_space<vmem_shared>>
      %dma_wait3A_202 = arith.constant 0 : i32
      %dma_wait3A_203 = tpu.memref_slice %arg13[%add3A_85, %dma_wait3A_202] : memref<10240x128xf32, #tpu.memory_space<vmem_shared>> -> memref<128x128xf32, #tpu.memory_space<vmem_shared>>
      tpu.wait_dma2 semaphore(%run_scoped3A : memref<!tpu.dma_semaphore, #tpu.memory_space<semaphore_mem>>) src(%dma_wait3A_203 : memref<128x128xf32, #tpu.memory_space<vmem_shared>>) dst(%arg12 : memref<128x128xf32, #tpu.memory_space<vmem>>)
      tpu.yield
    }) : () -> ()
    %eq3A_86 = arith.constant 0 : i32
    %eq3A_87 = arith.cmpi eq, %arg0, %eq3A_86 : i32
    %convert_element_type3A_88 = arith.extui %eq3A_87 : i1 to i32
    %cond3A_89 = arith.constant 0 : i32
    %cond3A_90 = arith.cmpi ne, %convert_element_type3A_88, %cond3A_89 : i32
    scf.if %cond3A_90 {
      %add3A_196 = arith.constant 512 : i32
      %add3A_197 = arith.addi %mul3A_2, %add3A_196 : i32
      "tpu.region"() ({
        %run_scoped3A = tpu.sem_alloc : memref<!tpu.dma_semaphore, #tpu.memory_space<semaphore_mem>>
        %dma_start3A_198 = arith.constant 0 : i32
        %dma_start3A_199 = tpu.memref_slice %arg6[%add3A_197, %dma_start3A_198] : memref<10240x128xf32, #tpu.memory_space<hbm>> -> memref<128x128xf32, #tpu.memory_space<hbm>>
        %dma_start3A_200 = arith.constant 0 : i32
        %dma_start3A_201 = tpu.memref_slice %arg6[%add3A_197, %dma_start3A_200] : memref<10240x128xf32, #tpu.memory_space<hbm>> -> memref<128x128xf32, #tpu.memory_space<hbm>>
        tpu.enqueue_dma source(%arg12 : memref<128x128xf32, #tpu.memory_space<vmem>>) target(%dma_start3A_201 : memref<128x128xf32, #tpu.memory_space<hbm>>) target_semaphore(%run_scoped3A : memref<!tpu.dma_semaphore, #tpu.memory_space<semaphore_mem>>)
        %dma_wait3A_202 = arith.constant 0 : i32
        %dma_wait3A_203 = tpu.memref_slice %arg6[%add3A_197, %dma_wait3A_202] : memref<10240x128xf32, #tpu.memory_space<hbm>> -> memref<128x128xf32, #tpu.memory_space<hbm>>
        %dma_wait3A_204 = arith.constant 0 : i32
        %dma_wait3A_205 = tpu.memref_slice %arg6[%add3A_197, %dma_wait3A_204] : memref<10240x128xf32, #tpu.memory_space<hbm>> -> memref<128x128xf32, #tpu.memory_space<hbm>>
        tpu.wait_dma2 semaphore(%run_scoped3A : memref<!tpu.dma_semaphore, #tpu.memory_space<semaphore_mem>>) src(%arg12 : memref<128x128xf32, #tpu.memory_space<vmem>>) dst(%dma_wait3A_205 : memref<128x128xf32, #tpu.memory_space<hbm>>)
        tpu.yield
      }) : () -> ()
    } else {
    }
    %eq3A_91 = arith.constant 1 : i32
    %eq3A_92 = arith.cmpi eq, %arg0, %eq3A_91 : i32
    %convert_element_type3A_93 = arith.extui %eq3A_92 : i1 to i32
    %cond3A_94 = arith.constant 0 : i32
    %cond3A_95 = arith.cmpi ne, %convert_element_type3A_93, %cond3A_94 : i32
    scf.if %cond3A_95 {
      %add3A_196 = arith.constant 512 : i32
      %add3A_197 = arith.addi %mul3A_2, %add3A_196 : i32
      "tpu.region"() ({
        %run_scoped3A = tpu.sem_alloc : memref<!tpu.dma_semaphore, #tpu.memory_space<semaphore_mem>>
        %dma_start3A_198 = arith.constant 0 : i32
        %dma_start3A_199 = tpu.memref_slice %arg7[%add3A_197, %dma_start3A_198] : memref<10240x128xf32, #tpu.memory_space<hbm>> -> memref<128x128xf32, #tpu.memory_space<hbm>>
        %dma_start3A_200 = arith.constant 0 : i32
        %dma_start3A_201 = tpu.memref_slice %arg7[%add3A_197, %dma_start3A_200] : memref<10240x128xf32, #tpu.memory_space<hbm>> -> memref<128x128xf32, #tpu.memory_space<hbm>>
        tpu.enqueue_dma source(%arg12 : memref<128x128xf32, #tpu.memory_space<vmem>>) target(%dma_start3A_201 : memref<128x128xf32, #tpu.memory_space<hbm>>) target_semaphore(%run_scoped3A : memref<!tpu.dma_semaphore, #tpu.memory_space<semaphore_mem>>)
        %dma_wait3A_202 = arith.constant 0 : i32
        %dma_wait3A_203 = tpu.memref_slice %arg7[%add3A_197, %dma_wait3A_202] : memref<10240x128xf32, #tpu.memory_space<hbm>> -> memref<128x128xf32, #tpu.memory_space<hbm>>
        %dma_wait3A_204 = arith.constant 0 : i32
        %dma_wait3A_205 = tpu.memref_slice %arg7[%add3A_197, %dma_wait3A_204] : memref<10240x128xf32, #tpu.memory_space<hbm>> -> memref<128x128xf32, #tpu.memory_space<hbm>>
        tpu.wait_dma2 semaphore(%run_scoped3A : memref<!tpu.dma_semaphore, #tpu.memory_space<semaphore_mem>>) src(%arg12 : memref<128x128xf32, #tpu.memory_space<vmem>>) dst(%dma_wait3A_205 : memref<128x128xf32, #tpu.memory_space<hbm>>)
        tpu.yield
      }) : () -> ()
    } else {
    }
    "tpu.region"() ({
      %run_scoped3A = tpu.sem_alloc : memref<!tpu.dma_semaphore, #tpu.memory_space<semaphore_mem>>
      %dma_start3A_196 = arith.constant 0 : i32
      %dma_start3A_197 = arith.constant 0 : i32
      %dma_start3A_198 = tpu.memref_slice %arg4[%dma_start3A_196, %dma_start3A_197] : memref<10240x128xf32, #tpu.memory_space<hbm>> -> memref<128x128xf32, #tpu.memory_space<hbm>>
      %dma_start3A_199 = arith.constant 0 : i32
      %dma_start3A_200 = arith.constant 0 : i32
      %dma_start3A_201 = tpu.memref_slice %arg4[%dma_start3A_199, %dma_start3A_200] : memref<10240x128xf32, #tpu.memory_space<hbm>> -> memref<128x128xf32, #tpu.memory_space<hbm>>
      tpu.enqueue_dma source(%dma_start3A_201 : memref<128x128xf32, #tpu.memory_space<hbm>>) target(%arg12 : memref<128x128xf32, #tpu.memory_space<vmem>>) target_semaphore(%run_scoped3A : memref<!tpu.dma_semaphore, #tpu.memory_space<semaphore_mem>>)
      %dma_wait3A_202 = arith.constant 0 : i32
      %dma_wait3A_203 = arith.constant 0 : i32
      %dma_wait3A_204 = tpu.memref_slice %arg4[%dma_wait3A_202, %dma_wait3A_203] : memref<10240x128xf32, #tpu.memory_space<hbm>> -> memref<128x128xf32, #tpu.memory_space<hbm>>
      %dma_wait3A_205 = arith.constant 0 : i32
      %dma_wait3A_206 = arith.constant 0 : i32
      %dma_wait3A_207 = tpu.memref_slice %arg4[%dma_wait3A_205, %dma_wait3A_206] : memref<10240x128xf32, #tpu.memory_space<hbm>> -> memref<128x128xf32, #tpu.memory_space<hbm>>
      tpu.wait_dma2 semaphore(%run_scoped3A : memref<!tpu.dma_semaphore, #tpu.memory_space<semaphore_mem>>) src(%dma_wait3A_207 : memref<128x128xf32, #tpu.memory_space<hbm>>) dst(%arg12 : memref<128x128xf32, #tpu.memory_space<vmem>>)
      tpu.yield
    }) : () -> ()
    %add3A_96 = arith.constant 0 : i32
    %add3A_97 = arith.addi %mul3A_2, %add3A_96 : i32
    "tpu.region"() ({
      %run_scoped3A = tpu.sem_alloc : memref<!tpu.dma_semaphore, #tpu.memory_space<semaphore_mem>>
      %dma_start3A_196 = arith.constant 0 : i32
      %dma_start3A_197 = tpu.memref_slice %arg13[%add3A_97, %dma_start3A_196] : memref<10240x128xf32, #tpu.memory_space<vmem_shared>> -> memref<128x128xf32, #tpu.memory_space<vmem_shared>>
      %dma_start3A_198 = arith.constant 0 : i32
      %dma_start3A_199 = tpu.memref_slice %arg13[%add3A_97, %dma_start3A_198] : memref<10240x128xf32, #tpu.memory_space<vmem_shared>> -> memref<128x128xf32, #tpu.memory_space<vmem_shared>>
      tpu.enqueue_dma source(%arg12 : memref<128x128xf32, #tpu.memory_space<vmem>>) target(%dma_start3A_199 : memref<128x128xf32, #tpu.memory_space<vmem_shared>>) target_semaphore(%run_scoped3A : memref<!tpu.dma_semaphore, #tpu.memory_space<semaphore_mem>>)
      %dma_wait3A_200 = arith.constant 0 : i32
      %dma_wait3A_201 = tpu.memref_slice %arg13[%add3A_97, %dma_wait3A_200] : memref<10240x128xf32, #tpu.memory_space<vmem_shared>> -> memref<128x128xf32, #tpu.memory_space<vmem_shared>>
      %dma_wait3A_202 = arith.constant 0 : i32
      %dma_wait3A_203 = tpu.memref_slice %arg13[%add3A_97, %dma_wait3A_202] : memref<10240x128xf32, #tpu.memory_space<vmem_shared>> -> memref<128x128xf32, #tpu.memory_space<vmem_shared>>
      tpu.wait_dma2 semaphore(%run_scoped3A : memref<!tpu.dma_semaphore, #tpu.memory_space<semaphore_mem>>) src(%arg12 : memref<128x128xf32, #tpu.memory_space<vmem>>) dst(%dma_wait3A_203 : memref<128x128xf32, #tpu.memory_space<vmem_shared>>)
      tpu.yield
    }) : () -> ()
    %add3A_98 = arith.constant 128 : i32
    %add3A_99 = arith.addi %mul3A_2, %add3A_98 : i32
    "tpu.region"() ({
      %run_scoped3A = tpu.sem_alloc : memref<!tpu.dma_semaphore, #tpu.memory_space<semaphore_mem>>
      %dma_start3A_196 = arith.constant 0 : i32
      %dma_start3A_197 = tpu.memref_slice %arg13[%add3A_99, %dma_start3A_196] : memref<10240x128xf32, #tpu.memory_space<vmem_shared>> -> memref<128x128xf32, #tpu.memory_space<vmem_shared>>
      %dma_start3A_198 = arith.constant 0 : i32
      %dma_start3A_199 = tpu.memref_slice %arg13[%add3A_99, %dma_start3A_198] : memref<10240x128xf32, #tpu.memory_space<vmem_shared>> -> memref<128x128xf32, #tpu.memory_space<vmem_shared>>
      tpu.enqueue_dma source(%arg12 : memref<128x128xf32, #tpu.memory_space<vmem>>) target(%dma_start3A_199 : memref<128x128xf32, #tpu.memory_space<vmem_shared>>) target_semaphore(%run_scoped3A : memref<!tpu.dma_semaphore, #tpu.memory_space<semaphore_mem>>)
      %dma_wait3A_200 = arith.constant 0 : i32
      %dma_wait3A_201 = tpu.memref_slice %arg13[%add3A_99, %dma_wait3A_200] : memref<10240x128xf32, #tpu.memory_space<vmem_shared>> -> memref<128x128xf32, #tpu.memory_space<vmem_shared>>
      %dma_wait3A_202 = arith.constant 0 : i32
      %dma_wait3A_203 = tpu.memref_slice %arg13[%add3A_99, %dma_wait3A_202] : memref<10240x128xf32, #tpu.memory_space<vmem_shared>> -> memref<128x128xf32, #tpu.memory_space<vmem_shared>>
      tpu.wait_dma2 semaphore(%run_scoped3A : memref<!tpu.dma_semaphore, #tpu.memory_space<semaphore_mem>>) src(%arg12 : memref<128x128xf32, #tpu.memory_space<vmem>>) dst(%dma_wait3A_203 : memref<128x128xf32, #tpu.memory_space<vmem_shared>>)
      tpu.yield
    }) : () -> ()
    %add3A_100 = arith.constant 256 : i32
    %add3A_101 = arith.addi %mul3A_2, %add3A_100 : i32
    "tpu.region"() ({
      %run_scoped3A = tpu.sem_alloc : memref<!tpu.dma_semaphore, #tpu.memory_space<semaphore_mem>>
      %dma_start3A_196 = arith.constant 0 : i32
      %dma_start3A_197 = tpu.memref_slice %arg13[%add3A_101, %dma_start3A_196] : memref<10240x128xf32, #tpu.memory_space<vmem_shared>> -> memref<128x128xf32, #tpu.memory_space<vmem_shared>>
      %dma_start3A_198 = arith.constant 0 : i32
      %dma_start3A_199 = tpu.memref_slice %arg13[%add3A_101, %dma_start3A_198] : memref<10240x128xf32, #tpu.memory_space<vmem_shared>> -> memref<128x128xf32, #tpu.memory_space<vmem_shared>>
      tpu.enqueue_dma source(%arg12 : memref<128x128xf32, #tpu.memory_space<vmem>>) target(%dma_start3A_199 : memref<128x128xf32, #tpu.memory_space<vmem_shared>>) target_semaphore(%run_scoped3A : memref<!tpu.dma_semaphore, #tpu.memory_space<semaphore_mem>>)
      %dma_wait3A_200 = arith.constant 0 : i32
      %dma_wait3A_201 = tpu.memref_slice %arg13[%add3A_101, %dma_wait3A_200] : memref<10240x128xf32, #tpu.memory_space<vmem_shared>> -> memref<128x128xf32, #tpu.memory_space<vmem_shared>>
      %dma_wait3A_202 = arith.constant 0 : i32
      %dma_wait3A_203 = tpu.memref_slice %arg13[%add3A_101, %dma_wait3A_202] : memref<10240x128xf32, #tpu.memory_space<vmem_shared>> -> memref<128x128xf32, #tpu.memory_space<vmem_shared>>
      tpu.wait_dma2 semaphore(%run_scoped3A : memref<!tpu.dma_semaphore, #tpu.memory_space<semaphore_mem>>) src(%arg12 : memref<128x128xf32, #tpu.memory_space<vmem>>) dst(%dma_wait3A_203 : memref<128x128xf32, #tpu.memory_space<vmem_shared>>)
      tpu.yield
    }) : () -> ()
    %add3A_102 = arith.constant 384 : i32
    %add3A_103 = arith.addi %mul3A_2, %add3A_102 : i32
    "tpu.region"() ({
      %run_scoped3A = tpu.sem_alloc : memref<!tpu.dma_semaphore, #tpu.memory_space<semaphore_mem>>
      %dma_start3A_196 = arith.constant 0 : i32
      %dma_start3A_197 = tpu.memref_slice %arg13[%add3A_103, %dma_start3A_196] : memref<10240x128xf32, #tpu.memory_space<vmem_shared>> -> memref<128x128xf32, #tpu.memory_space<vmem_shared>>
      %dma_start3A_198 = arith.constant 0 : i32
      %dma_start3A_199 = tpu.memref_slice %arg13[%add3A_103, %dma_start3A_198] : memref<10240x128xf32, #tpu.memory_space<vmem_shared>> -> memref<128x128xf32, #tpu.memory_space<vmem_shared>>
      tpu.enqueue_dma source(%arg12 : memref<128x128xf32, #tpu.memory_space<vmem>>) target(%dma_start3A_199 : memref<128x128xf32, #tpu.memory_space<vmem_shared>>) target_semaphore(%run_scoped3A : memref<!tpu.dma_semaphore, #tpu.memory_space<semaphore_mem>>)
      %dma_wait3A_200 = arith.constant 0 : i32
      %dma_wait3A_201 = tpu.memref_slice %arg13[%add3A_103, %dma_wait3A_200] : memref<10240x128xf32, #tpu.memory_space<vmem_shared>> -> memref<128x128xf32, #tpu.memory_space<vmem_shared>>
      %dma_wait3A_202 = arith.constant 0 : i32
      %dma_wait3A_203 = tpu.memref_slice %arg13[%add3A_103, %dma_wait3A_202] : memref<10240x128xf32, #tpu.memory_space<vmem_shared>> -> memref<128x128xf32, #tpu.memory_space<vmem_shared>>
      tpu.wait_dma2 semaphore(%run_scoped3A : memref<!tpu.dma_semaphore, #tpu.memory_space<semaphore_mem>>) src(%arg12 : memref<128x128xf32, #tpu.memory_space<vmem>>) dst(%dma_wait3A_203 : memref<128x128xf32, #tpu.memory_space<vmem_shared>>)
      tpu.yield
    }) : () -> ()
    %add3A_104 = arith.constant 512 : i32
    %add3A_105 = arith.addi %mul3A_2, %add3A_104 : i32
    "tpu.region"() ({
      %run_scoped3A = tpu.sem_alloc : memref<!tpu.dma_semaphore, #tpu.memory_space<semaphore_mem>>
      %dma_start3A_196 = arith.constant 0 : i32
      %dma_start3A_197 = tpu.memref_slice %arg13[%add3A_105, %dma_start3A_196] : memref<10240x128xf32, #tpu.memory_space<vmem_shared>> -> memref<128x128xf32, #tpu.memory_space<vmem_shared>>
      %dma_start3A_198 = arith.constant 0 : i32
      %dma_start3A_199 = tpu.memref_slice %arg13[%add3A_105, %dma_start3A_198] : memref<10240x128xf32, #tpu.memory_space<vmem_shared>> -> memref<128x128xf32, #tpu.memory_space<vmem_shared>>
      tpu.enqueue_dma source(%arg12 : memref<128x128xf32, #tpu.memory_space<vmem>>) target(%dma_start3A_199 : memref<128x128xf32, #tpu.memory_space<vmem_shared>>) target_semaphore(%run_scoped3A : memref<!tpu.dma_semaphore, #tpu.memory_space<semaphore_mem>>)
      %dma_wait3A_200 = arith.constant 0 : i32
      %dma_wait3A_201 = tpu.memref_slice %arg13[%add3A_105, %dma_wait3A_200] : memref<10240x128xf32, #tpu.memory_space<vmem_shared>> -> memref<128x128xf32, #tpu.memory_space<vmem_shared>>
      %dma_wait3A_202 = arith.constant 0 : i32
      %dma_wait3A_203 = tpu.memref_slice %arg13[%add3A_105, %dma_wait3A_202] : memref<10240x128xf32, #tpu.memory_space<vmem_shared>> -> memref<128x128xf32, #tpu.memory_space<vmem_shared>>
      tpu.wait_dma2 semaphore(%run_scoped3A : memref<!tpu.dma_semaphore, #tpu.memory_space<semaphore_mem>>) src(%arg12 : memref<128x128xf32, #tpu.memory_space<vmem>>) dst(%dma_wait3A_203 : memref<128x128xf32, #tpu.memory_space<vmem_shared>>)
      tpu.yield
    }) : () -> ()
    "tpu.region"() ({
      %run_scoped3A = tpu.sem_alloc : memref<!tpu.dma_semaphore, #tpu.memory_space<semaphore_mem>>
      tpu.enqueue_dma source(%arg5 : memref<128x128xf32, #tpu.memory_space<hbm>>) target(%arg12 : memref<128x128xf32, #tpu.memory_space<vmem>>) target_semaphore(%run_scoped3A : memref<!tpu.dma_semaphore, #tpu.memory_space<semaphore_mem>>)
      tpu.wait_dma2 semaphore(%run_scoped3A : memref<!tpu.dma_semaphore, #tpu.memory_space<semaphore_mem>>) src(%arg5 : memref<128x128xf32, #tpu.memory_space<hbm>>) dst(%arg12 : memref<128x128xf32, #tpu.memory_space<vmem>>)
      tpu.yield
    }) : () -> ()
    %barrier3A_106 = arith.constant 0 : index
    tpu.barrier barrier_id(%barrier3A_106)
    %add3A_107 = arith.constant 0 : i32
    %add3A_108 = arith.addi %add3A, %add3A_107 : i32
    %min3A_109 = arith.constant 2499 : i32
    %min3A_110 = arith.minsi %add3A_108, %min3A_109 : i32
    %mul3A_111 = arith.constant 256 : i32
    %mul3A_112 = arith.muli %min3A_110, %mul3A_111 : i32
    %multiple_of3A_113 = tpu.assume_multiple %mul3A_112, 256 : i32
    %dma_start3A_114 = tpu.memref_slice %arg3[%multiple_of3A_113] : memref<640000xi32, #tpu.memory_space<hbm>> -> memref<256xi32, #tpu.memory_space<hbm>>
    %dma_start3A_115 = tpu.memref_slice %arg3[%multiple_of3A_113] : memref<640000xi32, #tpu.memory_space<hbm>> -> memref<256xi32, #tpu.memory_space<hbm>>
    tpu.enqueue_dma source(%dma_start3A_115 : memref<256xi32, #tpu.memory_space<hbm>>) target(%arg10 : memref<256xi32, #tpu.memory_space<vmem>>) target_semaphore(%arg15 : memref<!tpu.dma_semaphore, #tpu.memory_space<semaphore_mem>>)
    %while3A_116 = arith.constant 0 : i32
    %while3A_117 = arith.constant 0 : i32
    %while3A_118 = arith.subi %select_n3A, %while3A_117 : i32
    %while3A_119 = arith.addi %while3A_117, %while3A_118 : i32
    %while3A_120 = arith.constant 1 : i32
    %while3A_121 = arith.divsi %while3A_118, %while3A_120 : i32
    %while3A_122 = arith.muli %while3A_121, %while3A_120 : i32
    %while3A_123 = arith.addi %while3A_117, %while3A_122 : i32
    %while3A_124 = arith.constant 1 : i32
    scf.for %while3A_196 = %while3A_117 to %while3A_123 step %while3A_124  : i32 {
      %mul3A_197 = arith.constant 32 : i32
      %mul3A_198 = arith.muli %mul3A_197, %while3A_196 : i32
      %add3A_199 = arith.addi %add3A, %mul3A_198 : i32
      %min3A_200 = arith.constant 2499 : i32
      %min3A_201 = arith.minsi %add3A_199, %min3A_200 : i32
      %mul3A_202 = arith.constant 256 : i32
      %mul3A_203 = arith.muli %min3A_201, %mul3A_202 : i32
      %multiple_of3A_204 = tpu.assume_multiple %mul3A_203, 256 : i32
      %dma_wait3A_205 = tpu.memref_slice %arg3[%multiple_of3A_204] : memref<640000xi32, #tpu.memory_space<hbm>> -> memref<256xi32, #tpu.memory_space<hbm>>
      %dma_wait3A_206 = tpu.memref_slice %arg3[%multiple_of3A_204] : memref<640000xi32, #tpu.memory_space<hbm>> -> memref<256xi32, #tpu.memory_space<hbm>>
      tpu.wait_dma2 semaphore(%arg15 : memref<!tpu.dma_semaphore, #tpu.memory_space<semaphore_mem>>) src(%dma_wait3A_206 : memref<256xi32, #tpu.memory_space<hbm>>) dst(%arg10 : memref<256xi32, #tpu.memory_space<vmem>>)
      %get3A = arith.constant 128 : index
      %get3A_207 = tpu.vector_load %arg10[%get3A] {strides = array<i32>} : memref<256xi32, #tpu.memory_space<vmem>>, vector<16xi32>,
      %get3A_208 = vector.shape_cast %get3A_207 : vector<16xi32> to vector<16xi32>
      %swap3A = arith.constant 0 : index
      %swap3A_209 = tpu.vector_load %arg11[%swap3A] {strides = array<i32>} : memref<128xi32, #tpu.memory_space<vmem>>, vector<16xi32>,
      %swap3A_210 = vector.shape_cast %swap3A_209 : vector<16xi32> to vector<16xi32>
      %swap3A_211 = vector.shape_cast %get3A_208 : vector<16xi32> to vector<16xi32>
      tpu.vector_store %arg11[%swap3A], %swap3A_211 {strides = array<i32>} : memref<128xi32, #tpu.memory_space<vmem>>, vector<16xi32>,
      %get3A_212 = arith.constant 144 : index
      %get3A_213 = tpu.vector_load %arg10[%get3A_212] {strides = array<i32>} : memref<256xi32, #tpu.memory_space<vmem>>, vector<16xi32>,
      %get3A_214 = vector.shape_cast %get3A_213 : vector<16xi32> to vector<16xi32>
      %swap3A_215 = arith.constant 16 : index
      %swap3A_216 = tpu.vector_load %arg11[%swap3A_215] {strides = array<i32>} : memref<128xi32, #tpu.memory_space<vmem>>, vector<16xi32>,
      %swap3A_217 = vector.shape_cast %swap3A_216 : vector<16xi32> to vector<16xi32>
      %swap3A_218 = vector.shape_cast %get3A_214 : vector<16xi32> to vector<16xi32>
      tpu.vector_store %arg11[%swap3A_215], %swap3A_218 {strides = array<i32>} : memref<128xi32, #tpu.memory_space<vmem>>, vector<16xi32>,
      %get3A_219 = arith.constant 160 : index
      %get3A_220 = tpu.vector_load %arg10[%get3A_219] {strides = array<i32>} : memref<256xi32, #tpu.memory_space<vmem>>, vector<16xi32>,
      %get3A_221 = vector.shape_cast %get3A_220 : vector<16xi32> to vector<16xi32>
      %swap3A_222 = arith.constant 32 : index
      %swap3A_223 = tpu.vector_load %arg11[%swap3A_222] {strides = array<i32>} : memref<128xi32, #tpu.memory_space<vmem>>, vector<16xi32>,
      %swap3A_224 = vector.shape_cast %swap3A_223 : vector<16xi32> to vector<16xi32>
      %swap3A_225 = vector.shape_cast %get3A_221 : vector<16xi32> to vector<16xi32>
      tpu.vector_store %arg11[%swap3A_222], %swap3A_225 {strides = array<i32>} : memref<128xi32, #tpu.memory_space<vmem>>, vector<16xi32>,
      %get3A_226 = arith.constant 176 : index
      %get3A_227 = tpu.vector_load %arg10[%get3A_226] {strides = array<i32>} : memref<256xi32, #tpu.memory_space<vmem>>, vector<16xi32>,
      %get3A_228 = vector.shape_cast %get3A_227 : vector<16xi32> to vector<16xi32>
      %swap3A_229 = arith.constant 48 : index
      %swap3A_230 = tpu.vector_load %arg11[%swap3A_229] {strides = array<i32>} : memref<128xi32, #tpu.memory_space<vmem>>, vector<16xi32>,
      %swap3A_231 = vector.shape_cast %swap3A_230 : vector<16xi32> to vector<16xi32>
      %swap3A_232 = vector.shape_cast %get3A_228 : vector<16xi32> to vector<16xi32>
      tpu.vector_store %arg11[%swap3A_229], %swap3A_232 {strides = array<i32>} : memref<128xi32, #tpu.memory_space<vmem>>, vector<16xi32>,
      %get3A_233 = arith.constant 192 : index
      %get3A_234 = tpu.vector_load %arg10[%get3A_233] {strides = array<i32>} : memref<256xi32, #tpu.memory_space<vmem>>, vector<16xi32>,
      %get3A_235 = vector.shape_cast %get3A_234 : vector<16xi32> to vector<16xi32>
      %swap3A_236 = arith.constant 64 : index
      %swap3A_237 = tpu.vector_load %arg11[%swap3A_236] {strides = array<i32>} : memref<128xi32, #tpu.memory_space<vmem>>, vector<16xi32>,
      %swap3A_238 = vector.shape_cast %swap3A_237 : vector<16xi32> to vector<16xi32>
      %swap3A_239 = vector.shape_cast %get3A_235 : vector<16xi32> to vector<16xi32>
      tpu.vector_store %arg11[%swap3A_236], %swap3A_239 {strides = array<i32>} : memref<128xi32, #tpu.memory_space<vmem>>, vector<16xi32>,
      %get3A_240 = arith.constant 208 : index
      %get3A_241 = tpu.vector_load %arg10[%get3A_240] {strides = array<i32>} : memref<256xi32, #tpu.memory_space<vmem>>, vector<16xi32>,
      %get3A_242 = vector.shape_cast %get3A_241 : vector<16xi32> to vector<16xi32>
      %swap3A_243 = arith.constant 80 : index
      %swap3A_244 = tpu.vector_load %arg11[%swap3A_243] {strides = array<i32>} : memref<128xi32, #tpu.memory_space<vmem>>, vector<16xi32>,
      %swap3A_245 = vector.shape_cast %swap3A_244 : vector<16xi32> to vector<16xi32>
      %swap3A_246 = vector.shape_cast %get3A_242 : vector<16xi32> to vector<16xi32>
      tpu.vector_store %arg11[%swap3A_243], %swap3A_246 {strides = array<i32>} : memref<128xi32, #tpu.memory_space<vmem>>, vector<16xi32>,
      %get3A_247 = arith.constant 224 : index
      %get3A_248 = tpu.vector_load %arg10[%get3A_247] {strides = array<i32>} : memref<256xi32, #tpu.memory_space<vmem>>, vector<16xi32>,
      %get3A_249 = vector.shape_cast %get3A_248 : vector<16xi32> to vector<16xi32>
      %swap3A_250 = arith.constant 96 : index
      %swap3A_251 = tpu.vector_load %arg11[%swap3A_250] {strides = array<i32>} : memref<128xi32, #tpu.memory_space<vmem>>, vector<16xi32>,
      %swap3A_252 = vector.shape_cast %swap3A_251 : vector<16xi32> to vector<16xi32>
      %swap3A_253 = vector.shape_cast %get3A_249 : vector<16xi32> to vector<16xi32>
      tpu.vector_store %arg11[%swap3A_250], %swap3A_253 {strides = array<i32>} : memref<128xi32, #tpu.memory_space<vmem>>, vector<16xi32>,
      %get3A_254 = arith.constant 240 : index
      %get3A_255 = tpu.vector_load %arg10[%get3A_254] {strides = array<i32>} : memref<256xi32, #tpu.memory_space<vmem>>, vector<16xi32>,
      %get3A_256 = vector.shape_cast %get3A_255 : vector<16xi32> to vector<16xi32>
      %swap3A_257 = arith.constant 112 : index
      %swap3A_258 = tpu.vector_load %arg11[%swap3A_257] {strides = array<i32>} : memref<128xi32, #tpu.memory_space<vmem>>, vector<16xi32>,
      %swap3A_259 = vector.shape_cast %swap3A_258 : vector<16xi32> to vector<16xi32>
      %swap3A_260 = vector.shape_cast %get3A_256 : vector<16xi32> to vector<16xi32>
      tpu.vector_store %arg11[%swap3A_257], %swap3A_260 {strides = array<i32>} : memref<128xi32, #tpu.memory_space<vmem>>, vector<16xi32>,
      %add3A_261 = arith.constant 1 : i32
      %add3A_262 = arith.addi %while3A_196, %add3A_261 : i32
      %mul3A_263 = arith.constant 32 : i32
      %mul3A_264 = arith.muli %mul3A_263, %add3A_262 : i32
      %add3A_265 = arith.addi %add3A, %mul3A_264 : i32
      %min3A_266 = arith.constant 2499 : i32
      %min3A_267 = arith.minsi %add3A_265, %min3A_266 : i32
      %mul3A_268 = arith.constant 256 : i32
      %mul3A_269 = arith.muli %min3A_267, %mul3A_268 : i32
      %multiple_of3A_270 = tpu.assume_multiple %mul3A_269, 256 : i32
      %dma_start3A_271 = tpu.memref_slice %arg3[%multiple_of3A_270] : memref<640000xi32, #tpu.memory_space<hbm>> -> memref<256xi32, #tpu.memory_space<hbm>>
      %dma_start3A_272 = tpu.memref_slice %arg3[%multiple_of3A_270] : memref<640000xi32, #tpu.memory_space<hbm>> -> memref<256xi32, #tpu.memory_space<hbm>>
      tpu.enqueue_dma source(%dma_start3A_272 : memref<256xi32, #tpu.memory_space<hbm>>) target(%arg10 : memref<256xi32, #tpu.memory_space<vmem>>) target_semaphore(%arg15 : memref<!tpu.dma_semaphore, #tpu.memory_space<semaphore_mem>>)
      "tpu.region"() ({
        %run_scoped3A = tpu.sem_alloc : memref<!tpu.dma_semaphore, #tpu.memory_space<semaphore_mem>>
        %dma_start3A_273 = arith.constant 0 : i32
        %dma_start3A_274 = arith.constant 0 : i32
        %dma_start3A_275 = tpu.memref_slice %arg13[%dma_start3A_273, %dma_start3A_274] : memref<10240x128xf32, #tpu.memory_space<vmem_shared>> -> memref<10240x128xf32, #tpu.memory_space<vmem_shared>>
        tpu.enqueue_indirect_dma source(%arg12 : memref<128x128xf32, #tpu.memory_space<vmem>>) target(%dma_start3A_275 : memref<10240x128xf32, #tpu.memory_space<vmem_shared>>) offsets(%arg11 : memref<128xi32, #tpu.memory_space<vmem>>) semaphore(%run_scoped3A : memref<!tpu.dma_semaphore, #tpu.memory_space<semaphore_mem>>) {add = true}
        %dma_wait3A_276 = arith.constant 0 : i32
        %dma_wait3A_277 = arith.constant 0 : i32
        %dma_wait3A_278 = tpu.memref_slice %arg13[%dma_wait3A_276, %dma_wait3A_277] : memref<10240x128xf32, #tpu.memory_space<vmem_shared>> -> memref<10240x128xf32, #tpu.memory_space<vmem_shared>>
        tpu.wait_indirect_dma semaphore(%run_scoped3A : memref<!tpu.dma_semaphore, #tpu.memory_space<semaphore_mem>>) src(%arg12 : memref<128x128xf32, #tpu.memory_space<vmem>>) dst(%dma_wait3A_278 : memref<10240x128xf32, #tpu.memory_space<vmem_shared>>)
        tpu.yield
      }) : () -> ()
    }
    %while3A_125 = arith.constant 1 : i32
    scf.for %while3A_196 = %while3A_123 to %while3A_119 step %while3A_125  : i32 {
      %mul3A_197 = arith.constant 32 : i32
      %mul3A_198 = arith.muli %mul3A_197, %while3A_196 : i32
      %add3A_199 = arith.addi %add3A, %mul3A_198 : i32
      %min3A_200 = arith.constant 2499 : i32
      %min3A_201 = arith.minsi %add3A_199, %min3A_200 : i32
      %mul3A_202 = arith.constant 256 : i32
      %mul3A_203 = arith.muli %min3A_201, %mul3A_202 : i32
      %multiple_of3A_204 = tpu.assume_multiple %mul3A_203, 256 : i32
      %dma_wait3A_205 = tpu.memref_slice %arg3[%multiple_of3A_204] : memref<640000xi32, #tpu.memory_space<hbm>> -> memref<256xi32, #tpu.memory_space<hbm>>
      %dma_wait3A_206 = tpu.memref_slice %arg3[%multiple_of3A_204] : memref<640000xi32, #tpu.memory_space<hbm>> -> memref<256xi32, #tpu.memory_space<hbm>>
      tpu.wait_dma2 semaphore(%arg15 : memref<!tpu.dma_semaphore, #tpu.memory_space<semaphore_mem>>) src(%dma_wait3A_206 : memref<256xi32, #tpu.memory_space<hbm>>) dst(%arg10 : memref<256xi32, #tpu.memory_space<vmem>>)
      %get3A = arith.constant 128 : index
      %get3A_207 = tpu.vector_load %arg10[%get3A] {strides = array<i32>} : memref<256xi32, #tpu.memory_space<vmem>>, vector<16xi32>,
      %get3A_208 = vector.shape_cast %get3A_207 : vector<16xi32> to vector<16xi32>
      %swap3A = arith.constant 0 : index
      %swap3A_209 = tpu.vector_load %arg11[%swap3A] {strides = array<i32>} : memref<128xi32, #tpu.memory_space<vmem>>, vector<16xi32>,
      %swap3A_210 = vector.shape_cast %swap3A_209 : vector<16xi32> to vector<16xi32>
      %swap3A_211 = vector.shape_cast %get3A_208 : vector<16xi32> to vector<16xi32>
      tpu.vector_store %arg11[%swap3A], %swap3A_211 {strides = array<i32>} : memref<128xi32, #tpu.memory_space<vmem>>, vector<16xi32>,
      %get3A_212 = arith.constant 144 : index
      %get3A_213 = tpu.vector_load %arg10[%get3A_212] {strides = array<i32>} : memref<256xi32, #tpu.memory_space<vmem>>, vector<16xi32>,
      %get3A_214 = vector.shape_cast %get3A_213 : vector<16xi32> to vector<16xi32>
      %swap3A_215 = arith.constant 16 : index
      %swap3A_216 = tpu.vector_load %arg11[%swap3A_215] {strides = array<i32>} : memref<128xi32, #tpu.memory_space<vmem>>, vector<16xi32>,
      %swap3A_217 = vector.shape_cast %swap3A_216 : vector<16xi32> to vector<16xi32>
      %swap3A_218 = vector.shape_cast %get3A_214 : vector<16xi32> to vector<16xi32>
      tpu.vector_store %arg11[%swap3A_215], %swap3A_218 {strides = array<i32>} : memref<128xi32, #tpu.memory_space<vmem>>, vector<16xi32>,
      %get3A_219 = arith.constant 160 : index
      %get3A_220 = tpu.vector_load %arg10[%get3A_219] {strides = array<i32>} : memref<256xi32, #tpu.memory_space<vmem>>, vector<16xi32>,
      %get3A_221 = vector.shape_cast %get3A_220 : vector<16xi32> to vector<16xi32>
      %swap3A_222 = arith.constant 32 : index
      %swap3A_223 = tpu.vector_load %arg11[%swap3A_222] {strides = array<i32>} : memref<128xi32, #tpu.memory_space<vmem>>, vector<16xi32>,
      %swap3A_224 = vector.shape_cast %swap3A_223 : vector<16xi32> to vector<16xi32>
      %swap3A_225 = vector.shape_cast %get3A_221 : vector<16xi32> to vector<16xi32>
      tpu.vector_store %arg11[%swap3A_222], %swap3A_225 {strides = array<i32>} : memref<128xi32, #tpu.memory_space<vmem>>, vector<16xi32>,
      %get3A_226 = arith.constant 176 : index
      %get3A_227 = tpu.vector_load %arg10[%get3A_226] {strides = array<i32>} : memref<256xi32, #tpu.memory_space<vmem>>, vector<16xi32>,
      %get3A_228 = vector.shape_cast %get3A_227 : vector<16xi32> to vector<16xi32>
      %swap3A_229 = arith.constant 48 : index
      %swap3A_230 = tpu.vector_load %arg11[%swap3A_229] {strides = array<i32>} : memref<128xi32, #tpu.memory_space<vmem>>, vector<16xi32>,
      %swap3A_231 = vector.shape_cast %swap3A_230 : vector<16xi32> to vector<16xi32>
      %swap3A_232 = vector.shape_cast %get3A_228 : vector<16xi32> to vector<16xi32>
      tpu.vector_store %arg11[%swap3A_229], %swap3A_232 {strides = array<i32>} : memref<128xi32, #tpu.memory_space<vmem>>, vector<16xi32>,
      %get3A_233 = arith.constant 192 : index
      %get3A_234 = tpu.vector_load %arg10[%get3A_233] {strides = array<i32>} : memref<256xi32, #tpu.memory_space<vmem>>, vector<16xi32>,
      %get3A_235 = vector.shape_cast %get3A_234 : vector<16xi32> to vector<16xi32>
      %swap3A_236 = arith.constant 64 : index
      %swap3A_237 = tpu.vector_load %arg11[%swap3A_236] {strides = array<i32>} : memref<128xi32, #tpu.memory_space<vmem>>, vector<16xi32>,
      %swap3A_238 = vector.shape_cast %swap3A_237 : vector<16xi32> to vector<16xi32>
      %swap3A_239 = vector.shape_cast %get3A_235 : vector<16xi32> to vector<16xi32>
      tpu.vector_store %arg11[%swap3A_236], %swap3A_239 {strides = array<i32>} : memref<128xi32, #tpu.memory_space<vmem>>, vector<16xi32>,
      %get3A_240 = arith.constant 208 : index
      %get3A_241 = tpu.vector_load %arg10[%get3A_240] {strides = array<i32>} : memref<256xi32, #tpu.memory_space<vmem>>, vector<16xi32>,
      %get3A_242 = vector.shape_cast %get3A_241 : vector<16xi32> to vector<16xi32>
      %swap3A_243 = arith.constant 80 : index
      %swap3A_244 = tpu.vector_load %arg11[%swap3A_243] {strides = array<i32>} : memref<128xi32, #tpu.memory_space<vmem>>, vector<16xi32>,
      %swap3A_245 = vector.shape_cast %swap3A_244 : vector<16xi32> to vector<16xi32>
      %swap3A_246 = vector.shape_cast %get3A_242 : vector<16xi32> to vector<16xi32>
      tpu.vector_store %arg11[%swap3A_243], %swap3A_246 {strides = array<i32>} : memref<128xi32, #tpu.memory_space<vmem>>, vector<16xi32>,
      %get3A_247 = arith.constant 224 : index
      %get3A_248 = tpu.vector_load %arg10[%get3A_247] {strides = array<i32>} : memref<256xi32, #tpu.memory_space<vmem>>, vector<16xi32>,
      %get3A_249 = vector.shape_cast %get3A_248 : vector<16xi32> to vector<16xi32>
      %swap3A_250 = arith.constant 96 : index
      %swap3A_251 = tpu.vector_load %arg11[%swap3A_250] {strides = array<i32>} : memref<128xi32, #tpu.memory_space<vmem>>, vector<16xi32>,
      %swap3A_252 = vector.shape_cast %swap3A_251 : vector<16xi32> to vector<16xi32>
      %swap3A_253 = vector.shape_cast %get3A_249 : vector<16xi32> to vector<16xi32>
      tpu.vector_store %arg11[%swap3A_250], %swap3A_253 {strides = array<i32>} : memref<128xi32, #tpu.memory_space<vmem>>, vector<16xi32>,
      %get3A_254 = arith.constant 240 : index
      %get3A_255 = tpu.vector_load %arg10[%get3A_254] {strides = array<i32>} : memref<256xi32, #tpu.memory_space<vmem>>, vector<16xi32>,
      %get3A_256 = vector.shape_cast %get3A_255 : vector<16xi32> to vector<16xi32>
      %swap3A_257 = arith.constant 112 : index
      %swap3A_258 = tpu.vector_load %arg11[%swap3A_257] {strides = array<i32>} : memref<128xi32, #tpu.memory_space<vmem>>, vector<16xi32>,
      %swap3A_259 = vector.shape_cast %swap3A_258 : vector<16xi32> to vector<16xi32>
      %swap3A_260 = vector.shape_cast %get3A_256 : vector<16xi32> to vector<16xi32>
      tpu.vector_store %arg11[%swap3A_257], %swap3A_260 {strides = array<i32>} : memref<128xi32, #tpu.memory_space<vmem>>, vector<16xi32>,
      %add3A_261 = arith.constant 1 : i32
      %add3A_262 = arith.addi %while3A_196, %add3A_261 : i32
      %mul3A_263 = arith.constant 32 : i32
      %mul3A_264 = arith.muli %mul3A_263, %add3A_262 : i32
      %add3A_265 = arith.addi %add3A, %mul3A_264 : i32
      %min3A_266 = arith.constant 2499 : i32
      %min3A_267 = arith.minsi %add3A_265, %min3A_266 : i32
      %mul3A_268 = arith.constant 256 : i32
      %mul3A_269 = arith.muli %min3A_267, %mul3A_268 : i32
      %multiple_of3A_270 = tpu.assume_multiple %mul3A_269, 256 : i32
      %dma_start3A_271 = tpu.memref_slice %arg3[%multiple_of3A_270] : memref<640000xi32, #tpu.memory_space<hbm>> -> memref<256xi32, #tpu.memory_space<hbm>>
      %dma_start3A_272 = tpu.memref_slice %arg3[%multiple_of3A_270] : memref<640000xi32, #tpu.memory_space<hbm>> -> memref<256xi32, #tpu.memory_space<hbm>>
      tpu.enqueue_dma source(%dma_start3A_272 : memref<256xi32, #tpu.memory_space<hbm>>) target(%arg10 : memref<256xi32, #tpu.memory_space<vmem>>) target_semaphore(%arg15 : memref<!tpu.dma_semaphore, #tpu.memory_space<semaphore_mem>>)
      "tpu.region"() ({
        %run_scoped3A = tpu.sem_alloc : memref<!tpu.dma_semaphore, #tpu.memory_space<semaphore_mem>>
        %dma_start3A_273 = arith.constant 0 : i32
        %dma_start3A_274 = arith.constant 0 : i32
        %dma_start3A_275 = tpu.memref_slice %arg13[%dma_start3A_273, %dma_start3A_274] : memref<10240x128xf32, #tpu.memory_space<vmem_shared>> -> memref<10240x128xf32, #tpu.memory_space<vmem_shared>>
        tpu.enqueue_indirect_dma source(%arg12 : memref<128x128xf32, #tpu.memory_space<vmem>>) target(%dma_start3A_275 : memref<10240x128xf32, #tpu.memory_space<vmem_shared>>) offsets(%arg11 : memref<128xi32, #tpu.memory_space<vmem>>) semaphore(%run_scoped3A : memref<!tpu.dma_semaphore, #tpu.memory_space<semaphore_mem>>) {add = true}
        %dma_wait3A_276 = arith.constant 0 : i32
        %dma_wait3A_277 = arith.constant 0 : i32
        %dma_wait3A_278 = tpu.memref_slice %arg13[%dma_wait3A_276, %dma_wait3A_277] : memref<10240x128xf32, #tpu.memory_space<vmem_shared>> -> memref<10240x128xf32, #tpu.memory_space<vmem_shared>>
        tpu.wait_indirect_dma semaphore(%run_scoped3A : memref<!tpu.dma_semaphore, #tpu.memory_space<semaphore_mem>>) src(%arg12 : memref<128x128xf32, #tpu.memory_space<vmem>>) dst(%dma_wait3A_278 : memref<10240x128xf32, #tpu.memory_space<vmem_shared>>)
        tpu.yield
      }) : () -> ()
    }
    %add3A_126 = arith.constant 0 : i32
    %add3A_127 = arith.addi %add3A, %add3A_126 : i32
    %min3A_128 = arith.constant 2499 : i32
    %min3A_129 = arith.minsi %add3A_127, %min3A_128 : i32
    %mul3A_130 = arith.constant 256 : i32
    %mul3A_131 = arith.muli %min3A_129, %mul3A_130 : i32
    %multiple_of3A_132 = tpu.assume_multiple %mul3A_131, 256 : i32
    %dma_wait3A_133 = tpu.memref_slice %arg3[%multiple_of3A_132] : memref<640000xi32, #tpu.memory_space<hbm>> -> memref<256xi32, #tpu.memory_space<hbm>>
    %dma_wait3A_134 = tpu.memref_slice %arg3[%multiple_of3A_132] : memref<640000xi32, #tpu.memory_space<hbm>> -> memref<256xi32, #tpu.memory_space<hbm>>
    tpu.wait_dma2 semaphore(%arg15 : memref<!tpu.dma_semaphore, #tpu.memory_space<semaphore_mem>>) src(%dma_wait3A_134 : memref<256xi32, #tpu.memory_space<hbm>>) dst(%arg10 : memref<256xi32, #tpu.memory_space<vmem>>)
    %barrier3A_135 = arith.constant 0 : index
    tpu.barrier barrier_id(%barrier3A_135)
    %add3A_136 = arith.constant 0 : i32
    %add3A_137 = arith.addi %mul3A_2, %add3A_136 : i32
    "tpu.region"() ({
      %run_scoped3A = tpu.sem_alloc : memref<!tpu.dma_semaphore, #tpu.memory_space<semaphore_mem>>
      %dma_start3A_196 = arith.constant 0 : i32
      %dma_start3A_197 = tpu.memref_slice %arg13[%add3A_137, %dma_start3A_196] : memref<10240x128xf32, #tpu.memory_space<vmem_shared>> -> memref<128x128xf32, #tpu.memory_space<vmem_shared>>
      %dma_start3A_198 = arith.constant 0 : i32
      %dma_start3A_199 = tpu.memref_slice %arg13[%add3A_137, %dma_start3A_198] : memref<10240x128xf32, #tpu.memory_space<vmem_shared>> -> memref<128x128xf32, #tpu.memory_space<vmem_shared>>
      tpu.enqueue_dma source(%dma_start3A_199 : memref<128x128xf32, #tpu.memory_space<vmem_shared>>) target(%arg12 : memref<128x128xf32, #tpu.memory_space<vmem>>) target_semaphore(%run_scoped3A : memref<!tpu.dma_semaphore, #tpu.memory_space<semaphore_mem>>)
      %dma_wait3A_200 = arith.constant 0 : i32
      %dma_wait3A_201 = tpu.memref_slice %arg13[%add3A_137, %dma_wait3A_200] : memref<10240x128xf32, #tpu.memory_space<vmem_shared>> -> memref<128x128xf32, #tpu.memory_space<vmem_shared>>
      %dma_wait3A_202 = arith.constant 0 : i32
      %dma_wait3A_203 = tpu.memref_slice %arg13[%add3A_137, %dma_wait3A_202] : memref<10240x128xf32, #tpu.memory_space<vmem_shared>> -> memref<128x128xf32, #tpu.memory_space<vmem_shared>>
      tpu.wait_dma2 semaphore(%run_scoped3A : memref<!tpu.dma_semaphore, #tpu.memory_space<semaphore_mem>>) src(%dma_wait3A_203 : memref<128x128xf32, #tpu.memory_space<vmem_shared>>) dst(%arg12 : memref<128x128xf32, #tpu.memory_space<vmem>>)
      tpu.yield
    }) : () -> ()
    %eq3A_138 = arith.constant 0 : i32
    %eq3A_139 = arith.cmpi eq, %arg0, %eq3A_138 : i32
    %convert_element_type3A_140 = arith.extui %eq3A_139 : i1 to i32
    %cond3A_141 = arith.constant 0 : i32
    %cond3A_142 = arith.cmpi ne, %convert_element_type3A_140, %cond3A_141 : i32
    scf.if %cond3A_142 {
      %add3A_196 = arith.constant 0 : i32
      %add3A_197 = arith.addi %mul3A_2, %add3A_196 : i32
      "tpu.region"() ({
        %run_scoped3A = tpu.sem_alloc : memref<!tpu.dma_semaphore, #tpu.memory_space<semaphore_mem>>
        %dma_start3A_198 = arith.constant 0 : i32
        %dma_start3A_199 = tpu.memref_slice %arg8[%add3A_197, %dma_start3A_198] : memref<10240x128xf32, #tpu.memory_space<hbm>> -> memref<128x128xf32, #tpu.memory_space<hbm>>
        %dma_start3A_200 = arith.constant 0 : i32
        %dma_start3A_201 = tpu.memref_slice %arg8[%add3A_197, %dma_start3A_200] : memref<10240x128xf32, #tpu.memory_space<hbm>> -> memref<128x128xf32, #tpu.memory_space<hbm>>
        tpu.enqueue_dma source(%arg12 : memref<128x128xf32, #tpu.memory_space<vmem>>) target(%dma_start3A_201 : memref<128x128xf32, #tpu.memory_space<hbm>>) target_semaphore(%run_scoped3A : memref<!tpu.dma_semaphore, #tpu.memory_space<semaphore_mem>>)
        %dma_wait3A_202 = arith.constant 0 : i32
        %dma_wait3A_203 = tpu.memref_slice %arg8[%add3A_197, %dma_wait3A_202] : memref<10240x128xf32, #tpu.memory_space<hbm>> -> memref<128x128xf32, #tpu.memory_space<hbm>>
        %dma_wait3A_204 = arith.constant 0 : i32
        %dma_wait3A_205 = tpu.memref_slice %arg8[%add3A_197, %dma_wait3A_204] : memref<10240x128xf32, #tpu.memory_space<hbm>> -> memref<128x128xf32, #tpu.memory_space<hbm>>
        tpu.wait_dma2 semaphore(%run_scoped3A : memref<!tpu.dma_semaphore, #tpu.memory_space<semaphore_mem>>) src(%arg12 : memref<128x128xf32, #tpu.memory_space<vmem>>) dst(%dma_wait3A_205 : memref<128x128xf32, #tpu.memory_space<hbm>>)
        tpu.yield
      }) : () -> ()
    } else {
    }
    %eq3A_143 = arith.constant 1 : i32
    %eq3A_144 = arith.cmpi eq, %arg0, %eq3A_143 : i32
    %convert_element_type3A_145 = arith.extui %eq3A_144 : i1 to i32
    %cond3A_146 = arith.constant 0 : i32
    %cond3A_147 = arith.cmpi ne, %convert_element_type3A_145, %cond3A_146 : i32
    scf.if %cond3A_147 {
      %add3A_196 = arith.constant 0 : i32
      %add3A_197 = arith.addi %mul3A_2, %add3A_196 : i32
      "tpu.region"() ({
        %run_scoped3A = tpu.sem_alloc : memref<!tpu.dma_semaphore, #tpu.memory_space<semaphore_mem>>
        %dma_start3A_198 = arith.constant 0 : i32
        %dma_start3A_199 = tpu.memref_slice %arg9[%add3A_197, %dma_start3A_198] : memref<10240x128xf32, #tpu.memory_space<hbm>> -> memref<128x128xf32, #tpu.memory_space<hbm>>
        %dma_start3A_200 = arith.constant 0 : i32
        %dma_start3A_201 = tpu.memref_slice %arg9[%add3A_197, %dma_start3A_200] : memref<10240x128xf32, #tpu.memory_space<hbm>> -> memref<128x128xf32, #tpu.memory_space<hbm>>
        tpu.enqueue_dma source(%arg12 : memref<128x128xf32, #tpu.memory_space<vmem>>) target(%dma_start3A_201 : memref<128x128xf32, #tpu.memory_space<hbm>>) target_semaphore(%run_scoped3A : memref<!tpu.dma_semaphore, #tpu.memory_space<semaphore_mem>>)
        %dma_wait3A_202 = arith.constant 0 : i32
        %dma_wait3A_203 = tpu.memref_slice %arg9[%add3A_197, %dma_wait3A_202] : memref<10240x128xf32, #tpu.memory_space<hbm>> -> memref<128x128xf32, #tpu.memory_space<hbm>>
        %dma_wait3A_204 = arith.constant 0 : i32
        %dma_wait3A_205 = tpu.memref_slice %arg9[%add3A_197, %dma_wait3A_204] : memref<10240x128xf32, #tpu.memory_space<hbm>> -> memref<128x128xf32, #tpu.memory_space<hbm>>
        tpu.wait_dma2 semaphore(%run_scoped3A : memref<!tpu.dma_semaphore, #tpu.memory_space<semaphore_mem>>) src(%arg12 : memref<128x128xf32, #tpu.memory_space<vmem>>) dst(%dma_wait3A_205 : memref<128x128xf32, #tpu.memory_space<hbm>>)
        tpu.yield
      }) : () -> ()
    } else {
    }
    %add3A_148 = arith.constant 128 : i32
    %add3A_149 = arith.addi %mul3A_2, %add3A_148 : i32
    "tpu.region"() ({
      %run_scoped3A = tpu.sem_alloc : memref<!tpu.dma_semaphore, #tpu.memory_space<semaphore_mem>>
      %dma_start3A_196 = arith.constant 0 : i32
      %dma_start3A_197 = tpu.memref_slice %arg13[%add3A_149, %dma_start3A_196] : memref<10240x128xf32, #tpu.memory_space<vmem_shared>> -> memref<128x128xf32, #tpu.memory_space<vmem_shared>>
      %dma_start3A_198 = arith.constant 0 : i32
      %dma_start3A_199 = tpu.memref_slice %arg13[%add3A_149, %dma_start3A_198] : memref<10240x128xf32, #tpu.memory_space<vmem_shared>> -> memref<128x128xf32, #tpu.memory_space<vmem_shared>>
      tpu.enqueue_dma source(%dma_start3A_199 : memref<128x128xf32, #tpu.memory_space<vmem_shared>>) target(%arg12 : memref<128x128xf32, #tpu.memory_space<vmem>>) target_semaphore(%run_scoped3A : memref<!tpu.dma_semaphore, #tpu.memory_space<semaphore_mem>>)
      %dma_wait3A_200 = arith.constant 0 : i32
      %dma_wait3A_201 = tpu.memref_slice %arg13[%add3A_149, %dma_wait3A_200] : memref<10240x128xf32, #tpu.memory_space<vmem_shared>> -> memref<128x128xf32, #tpu.memory_space<vmem_shared>>
      %dma_wait3A_202 = arith.constant 0 : i32
      %dma_wait3A_203 = tpu.memref_slice %arg13[%add3A_149, %dma_wait3A_202] : memref<10240x128xf32, #tpu.memory_space<vmem_shared>> -> memref<128x128xf32, #tpu.memory_space<vmem_shared>>
      tpu.wait_dma2 semaphore(%run_scoped3A : memref<!tpu.dma_semaphore, #tpu.memory_space<semaphore_mem>>) src(%dma_wait3A_203 : memref<128x128xf32, #tpu.memory_space<vmem_shared>>) dst(%arg12 : memref<128x128xf32, #tpu.memory_space<vmem>>)
      tpu.yield
    }) : () -> ()
    %eq3A_150 = arith.constant 0 : i32
    %eq3A_151 = arith.cmpi eq, %arg0, %eq3A_150 : i32
    %convert_element_type3A_152 = arith.extui %eq3A_151 : i1 to i32
    %cond3A_153 = arith.constant 0 : i32
    %cond3A_154 = arith.cmpi ne, %convert_element_type3A_152, %cond3A_153 : i32
    scf.if %cond3A_154 {
      %add3A_196 = arith.constant 128 : i32
      %add3A_197 = arith.addi %mul3A_2, %add3A_196 : i32
      "tpu.region"() ({
        %run_scoped3A = tpu.sem_alloc : memref<!tpu.dma_semaphore, #tpu.memory_space<semaphore_mem>>
        %dma_start3A_198 = arith.constant 0 : i32
        %dma_start3A_199 = tpu.memref_slice %arg8[%add3A_197, %dma_start3A_198] : memref<10240x128xf32, #tpu.memory_space<hbm>> -> memref<128x128xf32, #tpu.memory_space<hbm>>
        %dma_start3A_200 = arith.constant 0 : i32
        %dma_start3A_201 = tpu.memref_slice %arg8[%add3A_197, %dma_start3A_200] : memref<10240x128xf32, #tpu.memory_space<hbm>> -> memref<128x128xf32, #tpu.memory_space<hbm>>
        tpu.enqueue_dma source(%arg12 : memref<128x128xf32, #tpu.memory_space<vmem>>) target(%dma_start3A_201 : memref<128x128xf32, #tpu.memory_space<hbm>>) target_semaphore(%run_scoped3A : memref<!tpu.dma_semaphore, #tpu.memory_space<semaphore_mem>>)
        %dma_wait3A_202 = arith.constant 0 : i32
        %dma_wait3A_203 = tpu.memref_slice %arg8[%add3A_197, %dma_wait3A_202] : memref<10240x128xf32, #tpu.memory_space<hbm>> -> memref<128x128xf32, #tpu.memory_space<hbm>>
        %dma_wait3A_204 = arith.constant 0 : i32
        %dma_wait3A_205 = tpu.memref_slice %arg8[%add3A_197, %dma_wait3A_204] : memref<10240x128xf32, #tpu.memory_space<hbm>> -> memref<128x128xf32, #tpu.memory_space<hbm>>
        tpu.wait_dma2 semaphore(%run_scoped3A : memref<!tpu.dma_semaphore, #tpu.memory_space<semaphore_mem>>) src(%arg12 : memref<128x128xf32, #tpu.memory_space<vmem>>) dst(%dma_wait3A_205 : memref<128x128xf32, #tpu.memory_space<hbm>>)
        tpu.yield
      }) : () -> ()
    } else {
    }
    %eq3A_155 = arith.constant 1 : i32
    %eq3A_156 = arith.cmpi eq, %arg0, %eq3A_155 : i32
    %convert_element_type3A_157 = arith.extui %eq3A_156 : i1 to i32
    %cond3A_158 = arith.constant 0 : i32
    %cond3A_159 = arith.cmpi ne, %convert_element_type3A_157, %cond3A_158 : i32
    scf.if %cond3A_159 {
      %add3A_196 = arith.constant 128 : i32
      %add3A_197 = arith.addi %mul3A_2, %add3A_196 : i32
      "tpu.region"() ({
        %run_scoped3A = tpu.sem_alloc : memref<!tpu.dma_semaphore, #tpu.memory_space<semaphore_mem>>
        %dma_start3A_198 = arith.constant 0 : i32
        %dma_start3A_199 = tpu.memref_slice %arg9[%add3A_197, %dma_start3A_198] : memref<10240x128xf32, #tpu.memory_space<hbm>> -> memref<128x128xf32, #tpu.memory_space<hbm>>
        %dma_start3A_200 = arith.constant 0 : i32
        %dma_start3A_201 = tpu.memref_slice %arg9[%add3A_197, %dma_start3A_200] : memref<10240x128xf32, #tpu.memory_space<hbm>> -> memref<128x128xf32, #tpu.memory_space<hbm>>
        tpu.enqueue_dma source(%arg12 : memref<128x128xf32, #tpu.memory_space<vmem>>) target(%dma_start3A_201 : memref<128x128xf32, #tpu.memory_space<hbm>>) target_semaphore(%run_scoped3A : memref<!tpu.dma_semaphore, #tpu.memory_space<semaphore_mem>>)
        %dma_wait3A_202 = arith.constant 0 : i32
        %dma_wait3A_203 = tpu.memref_slice %arg9[%add3A_197, %dma_wait3A_202] : memref<10240x128xf32, #tpu.memory_space<hbm>> -> memref<128x128xf32, #tpu.memory_space<hbm>>
        %dma_wait3A_204 = arith.constant 0 : i32
        %dma_wait3A_205 = tpu.memref_slice %arg9[%add3A_197, %dma_wait3A_204] : memref<10240x128xf32, #tpu.memory_space<hbm>> -> memref<128x128xf32, #tpu.memory_space<hbm>>
        tpu.wait_dma2 semaphore(%run_scoped3A : memref<!tpu.dma_semaphore, #tpu.memory_space<semaphore_mem>>) src(%arg12 : memref<128x128xf32, #tpu.memory_space<vmem>>) dst(%dma_wait3A_205 : memref<128x128xf32, #tpu.memory_space<hbm>>)
        tpu.yield
      }) : () -> ()
    } else {
    }
    %add3A_160 = arith.constant 256 : i32
    %add3A_161 = arith.addi %mul3A_2, %add3A_160 : i32
    "tpu.region"() ({
      %run_scoped3A = tpu.sem_alloc : memref<!tpu.dma_semaphore, #tpu.memory_space<semaphore_mem>>
      %dma_start3A_196 = arith.constant 0 : i32
      %dma_start3A_197 = tpu.memref_slice %arg13[%add3A_161, %dma_start3A_196] : memref<10240x128xf32, #tpu.memory_space<vmem_shared>> -> memref<128x128xf32, #tpu.memory_space<vmem_shared>>
      %dma_start3A_198 = arith.constant 0 : i32
      %dma_start3A_199 = tpu.memref_slice %arg13[%add3A_161, %dma_start3A_198] : memref<10240x128xf32, #tpu.memory_space<vmem_shared>> -> memref<128x128xf32, #tpu.memory_space<vmem_shared>>
      tpu.enqueue_dma source(%dma_start3A_199 : memref<128x128xf32, #tpu.memory_space<vmem_shared>>) target(%arg12 : memref<128x128xf32, #tpu.memory_space<vmem>>) target_semaphore(%run_scoped3A : memref<!tpu.dma_semaphore, #tpu.memory_space<semaphore_mem>>)
      %dma_wait3A_200 = arith.constant 0 : i32
      %dma_wait3A_201 = tpu.memref_slice %arg13[%add3A_161, %dma_wait3A_200] : memref<10240x128xf32, #tpu.memory_space<vmem_shared>> -> memref<128x128xf32, #tpu.memory_space<vmem_shared>>
      %dma_wait3A_202 = arith.constant 0 : i32
      %dma_wait3A_203 = tpu.memref_slice %arg13[%add3A_161, %dma_wait3A_202] : memref<10240x128xf32, #tpu.memory_space<vmem_shared>> -> memref<128x128xf32, #tpu.memory_space<vmem_shared>>
      tpu.wait_dma2 semaphore(%run_scoped3A : memref<!tpu.dma_semaphore, #tpu.memory_space<semaphore_mem>>) src(%dma_wait3A_203 : memref<128x128xf32, #tpu.memory_space<vmem_shared>>) dst(%arg12 : memref<128x128xf32, #tpu.memory_space<vmem>>)
      tpu.yield
    }) : () -> ()
    %eq3A_162 = arith.constant 0 : i32
    %eq3A_163 = arith.cmpi eq, %arg0, %eq3A_162 : i32
    %convert_element_type3A_164 = arith.extui %eq3A_163 : i1 to i32
    %cond3A_165 = arith.constant 0 : i32
    %cond3A_166 = arith.cmpi ne, %convert_element_type3A_164, %cond3A_165 : i32
    scf.if %cond3A_166 {
      %add3A_196 = arith.constant 256 : i32
      %add3A_197 = arith.addi %mul3A_2, %add3A_196 : i32
      "tpu.region"() ({
        %run_scoped3A = tpu.sem_alloc : memref<!tpu.dma_semaphore, #tpu.memory_space<semaphore_mem>>
        %dma_start3A_198 = arith.constant 0 : i32
        %dma_start3A_199 = tpu.memref_slice %arg8[%add3A_197, %dma_start3A_198] : memref<10240x128xf32, #tpu.memory_space<hbm>> -> memref<128x128xf32, #tpu.memory_space<hbm>>
        %dma_start3A_200 = arith.constant 0 : i32
        %dma_start3A_201 = tpu.memref_slice %arg8[%add3A_197, %dma_start3A_200] : memref<10240x128xf32, #tpu.memory_space<hbm>> -> memref<128x128xf32, #tpu.memory_space<hbm>>
        tpu.enqueue_dma source(%arg12 : memref<128x128xf32, #tpu.memory_space<vmem>>) target(%dma_start3A_201 : memref<128x128xf32, #tpu.memory_space<hbm>>) target_semaphore(%run_scoped3A : memref<!tpu.dma_semaphore, #tpu.memory_space<semaphore_mem>>)
        %dma_wait3A_202 = arith.constant 0 : i32
        %dma_wait3A_203 = tpu.memref_slice %arg8[%add3A_197, %dma_wait3A_202] : memref<10240x128xf32, #tpu.memory_space<hbm>> -> memref<128x128xf32, #tpu.memory_space<hbm>>
        %dma_wait3A_204 = arith.constant 0 : i32
        %dma_wait3A_205 = tpu.memref_slice %arg8[%add3A_197, %dma_wait3A_204] : memref<10240x128xf32, #tpu.memory_space<hbm>> -> memref<128x128xf32, #tpu.memory_space<hbm>>
        tpu.wait_dma2 semaphore(%run_scoped3A : memref<!tpu.dma_semaphore, #tpu.memory_space<semaphore_mem>>) src(%arg12 : memref<128x128xf32, #tpu.memory_space<vmem>>) dst(%dma_wait3A_205 : memref<128x128xf32, #tpu.memory_space<hbm>>)
        tpu.yield
      }) : () -> ()
    } else {
    }
    %eq3A_167 = arith.constant 1 : i32
    %eq3A_168 = arith.cmpi eq, %arg0, %eq3A_167 : i32
    %convert_element_type3A_169 = arith.extui %eq3A_168 : i1 to i32
    %cond3A_170 = arith.constant 0 : i32
    %cond3A_171 = arith.cmpi ne, %convert_element_type3A_169, %cond3A_170 : i32
    scf.if %cond3A_171 {
      %add3A_196 = arith.constant 256 : i32
      %add3A_197 = arith.addi %mul3A_2, %add3A_196 : i32
      "tpu.region"() ({
        %run_scoped3A = tpu.sem_alloc : memref<!tpu.dma_semaphore, #tpu.memory_space<semaphore_mem>>
        %dma_start3A_198 = arith.constant 0 : i32
        %dma_start3A_199 = tpu.memref_slice %arg9[%add3A_197, %dma_start3A_198] : memref<10240x128xf32, #tpu.memory_space<hbm>> -> memref<128x128xf32, #tpu.memory_space<hbm>>
        %dma_start3A_200 = arith.constant 0 : i32
        %dma_start3A_201 = tpu.memref_slice %arg9[%add3A_197, %dma_start3A_200] : memref<10240x128xf32, #tpu.memory_space<hbm>> -> memref<128x128xf32, #tpu.memory_space<hbm>>
        tpu.enqueue_dma source(%arg12 : memref<128x128xf32, #tpu.memory_space<vmem>>) target(%dma_start3A_201 : memref<128x128xf32, #tpu.memory_space<hbm>>) target_semaphore(%run_scoped3A : memref<!tpu.dma_semaphore, #tpu.memory_space<semaphore_mem>>)
        %dma_wait3A_202 = arith.constant 0 : i32
        %dma_wait3A_203 = tpu.memref_slice %arg9[%add3A_197, %dma_wait3A_202] : memref<10240x128xf32, #tpu.memory_space<hbm>> -> memref<128x128xf32, #tpu.memory_space<hbm>>
        %dma_wait3A_204 = arith.constant 0 : i32
        %dma_wait3A_205 = tpu.memref_slice %arg9[%add3A_197, %dma_wait3A_204] : memref<10240x128xf32, #tpu.memory_space<hbm>> -> memref<128x128xf32, #tpu.memory_space<hbm>>
        tpu.wait_dma2 semaphore(%run_scoped3A : memref<!tpu.dma_semaphore, #tpu.memory_space<semaphore_mem>>) src(%arg12 : memref<128x128xf32, #tpu.memory_space<vmem>>) dst(%dma_wait3A_205 : memref<128x128xf32, #tpu.memory_space<hbm>>)
        tpu.yield
      }) : () -> ()
    } else {
    }
    %add3A_172 = arith.constant 384 : i32
    %add3A_173 = arith.addi %mul3A_2, %add3A_172 : i32
    "tpu.region"() ({
      %run_scoped3A = tpu.sem_alloc : memref<!tpu.dma_semaphore, #tpu.memory_space<semaphore_mem>>
      %dma_start3A_196 = arith.constant 0 : i32
      %dma_start3A_197 = tpu.memref_slice %arg13[%add3A_173, %dma_start3A_196] : memref<10240x128xf32, #tpu.memory_space<vmem_shared>> -> memref<128x128xf32, #tpu.memory_space<vmem_shared>>
      %dma_start3A_198 = arith.constant 0 : i32
      %dma_start3A_199 = tpu.memref_slice %arg13[%add3A_173, %dma_start3A_198] : memref<10240x128xf32, #tpu.memory_space<vmem_shared>> -> memref<128x128xf32, #tpu.memory_space<vmem_shared>>
      tpu.enqueue_dma source(%dma_start3A_199 : memref<128x128xf32, #tpu.memory_space<vmem_shared>>) target(%arg12 : memref<128x128xf32, #tpu.memory_space<vmem>>) target_semaphore(%run_scoped3A : memref<!tpu.dma_semaphore, #tpu.memory_space<semaphore_mem>>)
      %dma_wait3A_200 = arith.constant 0 : i32
      %dma_wait3A_201 = tpu.memref_slice %arg13[%add3A_173, %dma_wait3A_200] : memref<10240x128xf32, #tpu.memory_space<vmem_shared>> -> memref<128x128xf32, #tpu.memory_space<vmem_shared>>
      %dma_wait3A_202 = arith.constant 0 : i32
      %dma_wait3A_203 = tpu.memref_slice %arg13[%add3A_173, %dma_wait3A_202] : memref<10240x128xf32, #tpu.memory_space<vmem_shared>> -> memref<128x128xf32, #tpu.memory_space<vmem_shared>>
      tpu.wait_dma2 semaphore(%run_scoped3A : memref<!tpu.dma_semaphore, #tpu.memory_space<semaphore_mem>>) src(%dma_wait3A_203 : memref<128x128xf32, #tpu.memory_space<vmem_shared>>) dst(%arg12 : memref<128x128xf32, #tpu.memory_space<vmem>>)
      tpu.yield
    }) : () -> ()
    %eq3A_174 = arith.constant 0 : i32
    %eq3A_175 = arith.cmpi eq, %arg0, %eq3A_174 : i32
    %convert_element_type3A_176 = arith.extui %eq3A_175 : i1 to i32
    %cond3A_177 = arith.constant 0 : i32
    %cond3A_178 = arith.cmpi ne, %convert_element_type3A_176, %cond3A_177 : i32
    scf.if %cond3A_178 {
      %add3A_196 = arith.constant 384 : i32
      %add3A_197 = arith.addi %mul3A_2, %add3A_196 : i32
      "tpu.region"() ({
        %run_scoped3A = tpu.sem_alloc : memref<!tpu.dma_semaphore, #tpu.memory_space<semaphore_mem>>
        %dma_start3A_198 = arith.constant 0 : i32
        %dma_start3A_199 = tpu.memref_slice %arg8[%add3A_197, %dma_start3A_198] : memref<10240x128xf32, #tpu.memory_space<hbm>> -> memref<128x128xf32, #tpu.memory_space<hbm>>
        %dma_start3A_200 = arith.constant 0 : i32
        %dma_start3A_201 = tpu.memref_slice %arg8[%add3A_197, %dma_start3A_200] : memref<10240x128xf32, #tpu.memory_space<hbm>> -> memref<128x128xf32, #tpu.memory_space<hbm>>
        tpu.enqueue_dma source(%arg12 : memref<128x128xf32, #tpu.memory_space<vmem>>) target(%dma_start3A_201 : memref<128x128xf32, #tpu.memory_space<hbm>>) target_semaphore(%run_scoped3A : memref<!tpu.dma_semaphore, #tpu.memory_space<semaphore_mem>>)
        %dma_wait3A_202 = arith.constant 0 : i32
        %dma_wait3A_203 = tpu.memref_slice %arg8[%add3A_197, %dma_wait3A_202] : memref<10240x128xf32, #tpu.memory_space<hbm>> -> memref<128x128xf32, #tpu.memory_space<hbm>>
        %dma_wait3A_204 = arith.constant 0 : i32
        %dma_wait3A_205 = tpu.memref_slice %arg8[%add3A_197, %dma_wait3A_204] : memref<10240x128xf32, #tpu.memory_space<hbm>> -> memref<128x128xf32, #tpu.memory_space<hbm>>
        tpu.wait_dma2 semaphore(%run_scoped3A : memref<!tpu.dma_semaphore, #tpu.memory_space<semaphore_mem>>) src(%arg12 : memref<128x128xf32, #tpu.memory_space<vmem>>) dst(%dma_wait3A_205 : memref<128x128xf32, #tpu.memory_space<hbm>>)
        tpu.yield
      }) : () -> ()
    } else {
    }
    %eq3A_179 = arith.constant 1 : i32
    %eq3A_180 = arith.cmpi eq, %arg0, %eq3A_179 : i32
    %convert_element_type3A_181 = arith.extui %eq3A_180 : i1 to i32
    %cond3A_182 = arith.constant 0 : i32
    %cond3A_183 = arith.cmpi ne, %convert_element_type3A_181, %cond3A_182 : i32
    scf.if %cond3A_183 {
      %add3A_196 = arith.constant 384 : i32
      %add3A_197 = arith.addi %mul3A_2, %add3A_196 : i32
      "tpu.region"() ({
        %run_scoped3A = tpu.sem_alloc : memref<!tpu.dma_semaphore, #tpu.memory_space<semaphore_mem>>
        %dma_start3A_198 = arith.constant 0 : i32
        %dma_start3A_199 = tpu.memref_slice %arg9[%add3A_197, %dma_start3A_198] : memref<10240x128xf32, #tpu.memory_space<hbm>> -> memref<128x128xf32, #tpu.memory_space<hbm>>
        %dma_start3A_200 = arith.constant 0 : i32
        %dma_start3A_201 = tpu.memref_slice %arg9[%add3A_197, %dma_start3A_200] : memref<10240x128xf32, #tpu.memory_space<hbm>> -> memref<128x128xf32, #tpu.memory_space<hbm>>
        tpu.enqueue_dma source(%arg12 : memref<128x128xf32, #tpu.memory_space<vmem>>) target(%dma_start3A_201 : memref<128x128xf32, #tpu.memory_space<hbm>>) target_semaphore(%run_scoped3A : memref<!tpu.dma_semaphore, #tpu.memory_space<semaphore_mem>>)
        %dma_wait3A_202 = arith.constant 0 : i32
        %dma_wait3A_203 = tpu.memref_slice %arg9[%add3A_197, %dma_wait3A_202] : memref<10240x128xf32, #tpu.memory_space<hbm>> -> memref<128x128xf32, #tpu.memory_space<hbm>>
        %dma_wait3A_204 = arith.constant 0 : i32
        %dma_wait3A_205 = tpu.memref_slice %arg9[%add3A_197, %dma_wait3A_204] : memref<10240x128xf32, #tpu.memory_space<hbm>> -> memref<128x128xf32, #tpu.memory_space<hbm>>
        tpu.wait_dma2 semaphore(%run_scoped3A : memref<!tpu.dma_semaphore, #tpu.memory_space<semaphore_mem>>) src(%arg12 : memref<128x128xf32, #tpu.memory_space<vmem>>) dst(%dma_wait3A_205 : memref<128x128xf32, #tpu.memory_space<hbm>>)
        tpu.yield
      }) : () -> ()
    } else {
    }
    %add3A_184 = arith.constant 512 : i32
    %add3A_185 = arith.addi %mul3A_2, %add3A_184 : i32
    "tpu.region"() ({
      %run_scoped3A = tpu.sem_alloc : memref<!tpu.dma_semaphore, #tpu.memory_space<semaphore_mem>>
      %dma_start3A_196 = arith.constant 0 : i32
      %dma_start3A_197 = tpu.memref_slice %arg13[%add3A_185, %dma_start3A_196] : memref<10240x128xf32, #tpu.memory_space<vmem_shared>> -> memref<128x128xf32, #tpu.memory_space<vmem_shared>>
      %dma_start3A_198 = arith.constant 0 : i32
      %dma_start3A_199 = tpu.memref_slice %arg13[%add3A_185, %dma_start3A_198] : memref<10240x128xf32, #tpu.memory_space<vmem_shared>> -> memref<128x128xf32, #tpu.memory_space<vmem_shared>>
      tpu.enqueue_dma source(%dma_start3A_199 : memref<128x128xf32, #tpu.memory_space<vmem_shared>>) target(%arg12 : memref<128x128xf32, #tpu.memory_space<vmem>>) target_semaphore(%run_scoped3A : memref<!tpu.dma_semaphore, #tpu.memory_space<semaphore_mem>>)
      %dma_wait3A_200 = arith.constant 0 : i32
      %dma_wait3A_201 = tpu.memref_slice %arg13[%add3A_185, %dma_wait3A_200] : memref<10240x128xf32, #tpu.memory_space<vmem_shared>> -> memref<128x128xf32, #tpu.memory_space<vmem_shared>>
      %dma_wait3A_202 = arith.constant 0 : i32
      %dma_wait3A_203 = tpu.memref_slice %arg13[%add3A_185, %dma_wait3A_202] : memref<10240x128xf32, #tpu.memory_space<vmem_shared>> -> memref<128x128xf32, #tpu.memory_space<vmem_shared>>
      tpu.wait_dma2 semaphore(%run_scoped3A : memref<!tpu.dma_semaphore, #tpu.memory_space<semaphore_mem>>) src(%dma_wait3A_203 : memref<128x128xf32, #tpu.memory_space<vmem_shared>>) dst(%arg12 : memref<128x128xf32, #tpu.memory_space<vmem>>)
      tpu.yield
    }) : () -> ()
    %eq3A_186 = arith.constant 0 : i32
    %eq3A_187 = arith.cmpi eq, %arg0, %eq3A_186 : i32
    %convert_element_type3A_188 = arith.extui %eq3A_187 : i1 to i32
    %cond3A_189 = arith.constant 0 : i32
    %cond3A_190 = arith.cmpi ne, %convert_element_type3A_188, %cond3A_189 : i32
    scf.if %cond3A_190 {
      %add3A_196 = arith.constant 512 : i32
      %add3A_197 = arith.addi %mul3A_2, %add3A_196 : i32
      "tpu.region"() ({
        %run_scoped3A = tpu.sem_alloc : memref<!tpu.dma_semaphore, #tpu.memory_space<semaphore_mem>>
        %dma_start3A_198 = arith.constant 0 : i32
        %dma_start3A_199 = tpu.memref_slice %arg8[%add3A_197, %dma_start3A_198] : memref<10240x128xf32, #tpu.memory_space<hbm>> -> memref<128x128xf32, #tpu.memory_space<hbm>>
        %dma_start3A_200 = arith.constant 0 : i32
        %dma_start3A_201 = tpu.memref_slice %arg8[%add3A_197, %dma_start3A_200] : memref<10240x128xf32, #tpu.memory_space<hbm>> -> memref<128x128xf32, #tpu.memory_space<hbm>>
        tpu.enqueue_dma source(%arg12 : memref<128x128xf32, #tpu.memory_space<vmem>>) target(%dma_start3A_201 : memref<128x128xf32, #tpu.memory_space<hbm>>) target_semaphore(%run_scoped3A : memref<!tpu.dma_semaphore, #tpu.memory_space<semaphore_mem>>)
        %dma_wait3A_202 = arith.constant 0 : i32
        %dma_wait3A_203 = tpu.memref_slice %arg8[%add3A_197, %dma_wait3A_202] : memref<10240x128xf32, #tpu.memory_space<hbm>> -> memref<128x128xf32, #tpu.memory_space<hbm>>
        %dma_wait3A_204 = arith.constant 0 : i32
        %dma_wait3A_205 = tpu.memref_slice %arg8[%add3A_197, %dma_wait3A_204] : memref<10240x128xf32, #tpu.memory_space<hbm>> -> memref<128x128xf32, #tpu.memory_space<hbm>>
        tpu.wait_dma2 semaphore(%run_scoped3A : memref<!tpu.dma_semaphore, #tpu.memory_space<semaphore_mem>>) src(%arg12 : memref<128x128xf32, #tpu.memory_space<vmem>>) dst(%dma_wait3A_205 : memref<128x128xf32, #tpu.memory_space<hbm>>)
        tpu.yield
      }) : () -> ()
    } else {
    }
    %eq3A_191 = arith.constant 1 : i32
    %eq3A_192 = arith.cmpi eq, %arg0, %eq3A_191 : i32
    %convert_element_type3A_193 = arith.extui %eq3A_192 : i1 to i32
    %cond3A_194 = arith.constant 0 : i32
    %cond3A_195 = arith.cmpi ne, %convert_element_type3A_193, %cond3A_194 : i32
    scf.if %cond3A_195 {
      %add3A_196 = arith.constant 512 : i32
      %add3A_197 = arith.addi %mul3A_2, %add3A_196 : i32
      "tpu.region"() ({
        %run_scoped3A = tpu.sem_alloc : memref<!tpu.dma_semaphore, #tpu.memory_space<semaphore_mem>>
        %dma_start3A_198 = arith.constant 0 : i32
        %dma_start3A_199 = tpu.memref_slice %arg9[%add3A_197, %dma_start3A_198] : memref<10240x128xf32, #tpu.memory_space<hbm>> -> memref<128x128xf32, #tpu.memory_space<hbm>>
        %dma_start3A_200 = arith.constant 0 : i32
        %dma_start3A_201 = tpu.memref_slice %arg9[%add3A_197, %dma_start3A_200] : memref<10240x128xf32, #tpu.memory_space<hbm>> -> memref<128x128xf32, #tpu.memory_space<hbm>>
        tpu.enqueue_dma source(%arg12 : memref<128x128xf32, #tpu.memory_space<vmem>>) target(%dma_start3A_201 : memref<128x128xf32, #tpu.memory_space<hbm>>) target_semaphore(%run_scoped3A : memref<!tpu.dma_semaphore, #tpu.memory_space<semaphore_mem>>)
        %dma_wait3A_202 = arith.constant 0 : i32
        %dma_wait3A_203 = tpu.memref_slice %arg9[%add3A_197, %dma_wait3A_202] : memref<10240x128xf32, #tpu.memory_space<hbm>> -> memref<128x128xf32, #tpu.memory_space<hbm>>
        %dma_wait3A_204 = arith.constant 0 : i32
        %dma_wait3A_205 = tpu.memref_slice %arg9[%add3A_197, %dma_wait3A_204] : memref<10240x128xf32, #tpu.memory_space<hbm>> -> memref<128x128xf32, #tpu.memory_space<hbm>>
        tpu.wait_dma2 semaphore(%run_scoped3A : memref<!tpu.dma_semaphore, #tpu.memory_space<semaphore_mem>>) src(%arg12 : memref<128x128xf32, #tpu.memory_space<vmem>>) dst(%dma_wait3A_205 : memref<128x128xf32, #tpu.memory_space<hbm>>)
        tpu.yield
      }) : () -> ()
    } else {
    }
    return
  }
}

#map = affine_map<(d0, d1) -> (0, 0)>
#map1 = affine_map<(d0, d1) -> (0)>
module attributes {stable_mosaic.version = 14 : i64} {
  func.func @body(%arg0: i32, %arg1: i32, %arg2: memref<10000x128xf32, #tpu.memory_space<hbm>>, %arg3: memref<640000xi32, #tpu.memory_space<hbm>>, %arg4: memref<10240x128xf32, #tpu.memory_space<hbm>>, %arg5: memref<10240x128xf32, #tpu.memory_space<hbm>>, %arg6: memref<10240x128xf32, #tpu.memory_space<hbm>>, %arg7: memref<256xi32, #tpu.memory_space<vmem>>, %arg8: memref<128xi32, #tpu.memory_space<vmem>>, %arg9: memref<128x128xf32, #tpu.memory_space<vmem>>, %arg10: memref<10240x128xf32, #tpu.memory_space<vmem_shared>>, %arg11: memref<!tpu.dma_semaphore, #tpu.memory_space<semaphore_mem>>, %arg12: memref<!tpu.dma_semaphore, #tpu.memory_space<semaphore_mem>>) attributes {dimension_semantics = [#tpu.dimension_semantics<core_parallel>, #tpu.dimension_semantics<subcore_parallel>], iteration_bounds = array<i64: 2, 16>, scalar_prefetch = 0 : i64, scratch_operands = 6 : i64, tpu.core_type = #tpu.core_type<sc_vector_subcore>, window_params = [{transform_indices = #map}, {transform_indices = #map1}, {transform_indices = #map}, {transform_indices = #map}, {transform_indices = #map}]} {
    %mul3A = arith.constant 16 : i32
    %mul3A_0 = arith.muli %arg0, %mul3A : i32
    %add3A = arith.addi %mul3A_0, %arg1 : i32
    %mul3A_1 = arith.constant 640 : i32
    %mul3A_2 = arith.muli %arg1, %mul3A_1 : i32
    "tpu.region"() ({
      %run_scoped3A = tpu.sem_alloc : memref<!tpu.dma_semaphore, #tpu.memory_space<semaphore_mem>>
      %dma_start3A_96 = arith.constant 0 : i32
      %dma_start3A_97 = arith.constant 0 : i32
      %dma_start3A_98 = tpu.memref_slice %arg4[%dma_start3A_96, %dma_start3A_97] : memref<10240x128xf32, #tpu.memory_space<hbm>> -> memref<128x128xf32, #tpu.memory_space<hbm>>
      %dma_start3A_99 = arith.constant 0 : i32
      %dma_start3A_100 = arith.constant 0 : i32
      %dma_start3A_101 = tpu.memref_slice %arg4[%dma_start3A_99, %dma_start3A_100] : memref<10240x128xf32, #tpu.memory_space<hbm>> -> memref<128x128xf32, #tpu.memory_space<hbm>>
      tpu.enqueue_dma source(%dma_start3A_101 : memref<128x128xf32, #tpu.memory_space<hbm>>) target(%arg9 : memref<128x128xf32, #tpu.memory_space<vmem>>) target_semaphore(%run_scoped3A : memref<!tpu.dma_semaphore, #tpu.memory_space<semaphore_mem>>)
      %dma_wait3A_102 = arith.constant 0 : i32
      %dma_wait3A_103 = arith.constant 0 : i32
      %dma_wait3A_104 = tpu.memref_slice %arg4[%dma_wait3A_102, %dma_wait3A_103] : memref<10240x128xf32, #tpu.memory_space<hbm>> -> memref<128x128xf32, #tpu.memory_space<hbm>>
      %dma_wait3A_105 = arith.constant 0 : i32
      %dma_wait3A_106 = arith.constant 0 : i32
      %dma_wait3A_107 = tpu.memref_slice %arg4[%dma_wait3A_105, %dma_wait3A_106] : memref<10240x128xf32, #tpu.memory_space<hbm>> -> memref<128x128xf32, #tpu.memory_space<hbm>>
      tpu.wait_dma2 semaphore(%run_scoped3A : memref<!tpu.dma_semaphore, #tpu.memory_space<semaphore_mem>>) src(%dma_wait3A_107 : memref<128x128xf32, #tpu.memory_space<hbm>>) dst(%arg9 : memref<128x128xf32, #tpu.memory_space<vmem>>)
      tpu.yield
    }) : () -> ()
    %add3A_3 = arith.constant 0 : i32
    %add3A_4 = arith.addi %mul3A_2, %add3A_3 : i32
    "tpu.region"() ({
      %run_scoped3A = tpu.sem_alloc : memref<!tpu.dma_semaphore, #tpu.memory_space<semaphore_mem>>
      %dma_start3A_96 = arith.constant 0 : i32
      %dma_start3A_97 = tpu.memref_slice %arg10[%add3A_4, %dma_start3A_96] : memref<10240x128xf32, #tpu.memory_space<vmem_shared>> -> memref<128x128xf32, #tpu.memory_space<vmem_shared>>
      %dma_start3A_98 = arith.constant 0 : i32
      %dma_start3A_99 = tpu.memref_slice %arg10[%add3A_4, %dma_start3A_98] : memref<10240x128xf32, #tpu.memory_space<vmem_shared>> -> memref<128x128xf32, #tpu.memory_space<vmem_shared>>
      tpu.enqueue_dma source(%arg9 : memref<128x128xf32, #tpu.memory_space<vmem>>) target(%dma_start3A_99 : memref<128x128xf32, #tpu.memory_space<vmem_shared>>) target_semaphore(%run_scoped3A : memref<!tpu.dma_semaphore, #tpu.memory_space<semaphore_mem>>)
      %dma_wait3A_100 = arith.constant 0 : i32
      %dma_wait3A_101 = tpu.memref_slice %arg10[%add3A_4, %dma_wait3A_100] : memref<10240x128xf32, #tpu.memory_space<vmem_shared>> -> memref<128x128xf32, #tpu.memory_space<vmem_shared>>
      %dma_wait3A_102 = arith.constant 0 : i32
      %dma_wait3A_103 = tpu.memref_slice %arg10[%add3A_4, %dma_wait3A_102] : memref<10240x128xf32, #tpu.memory_space<vmem_shared>> -> memref<128x128xf32, #tpu.memory_space<vmem_shared>>
      tpu.wait_dma2 semaphore(%run_scoped3A : memref<!tpu.dma_semaphore, #tpu.memory_space<semaphore_mem>>) src(%arg9 : memref<128x128xf32, #tpu.memory_space<vmem>>) dst(%dma_wait3A_103 : memref<128x128xf32, #tpu.memory_space<vmem_shared>>)
      tpu.yield
    }) : () -> ()
    %add3A_5 = arith.constant 128 : i32
    %add3A_6 = arith.addi %mul3A_2, %add3A_5 : i32
    "tpu.region"() ({
      %run_scoped3A = tpu.sem_alloc : memref<!tpu.dma_semaphore, #tpu.memory_space<semaphore_mem>>
      %dma_start3A_96 = arith.constant 0 : i32
      %dma_start3A_97 = tpu.memref_slice %arg10[%add3A_6, %dma_start3A_96] : memref<10240x128xf32, #tpu.memory_space<vmem_shared>> -> memref<128x128xf32, #tpu.memory_space<vmem_shared>>
      %dma_start3A_98 = arith.constant 0 : i32
      %dma_start3A_99 = tpu.memref_slice %arg10[%add3A_6, %dma_start3A_98] : memref<10240x128xf32, #tpu.memory_space<vmem_shared>> -> memref<128x128xf32, #tpu.memory_space<vmem_shared>>
      tpu.enqueue_dma source(%arg9 : memref<128x128xf32, #tpu.memory_space<vmem>>) target(%dma_start3A_99 : memref<128x128xf32, #tpu.memory_space<vmem_shared>>) target_semaphore(%run_scoped3A : memref<!tpu.dma_semaphore, #tpu.memory_space<semaphore_mem>>)
      %dma_wait3A_100 = arith.constant 0 : i32
      %dma_wait3A_101 = tpu.memref_slice %arg10[%add3A_6, %dma_wait3A_100] : memref<10240x128xf32, #tpu.memory_space<vmem_shared>> -> memref<128x128xf32, #tpu.memory_space<vmem_shared>>
      %dma_wait3A_102 = arith.constant 0 : i32
      %dma_wait3A_103 = tpu.memref_slice %arg10[%add3A_6, %dma_wait3A_102] : memref<10240x128xf32, #tpu.memory_space<vmem_shared>> -> memref<128x128xf32, #tpu.memory_space<vmem_shared>>
      tpu.wait_dma2 semaphore(%run_scoped3A : memref<!tpu.dma_semaphore, #tpu.memory_space<semaphore_mem>>) src(%arg9 : memref<128x128xf32, #tpu.memory_space<vmem>>) dst(%dma_wait3A_103 : memref<128x128xf32, #tpu.memory_space<vmem_shared>>)
      tpu.yield
    }) : () -> ()
    %add3A_7 = arith.constant 256 : i32
    %add3A_8 = arith.addi %mul3A_2, %add3A_7 : i32
    "tpu.region"() ({
      %run_scoped3A = tpu.sem_alloc : memref<!tpu.dma_semaphore, #tpu.memory_space<semaphore_mem>>
      %dma_start3A_96 = arith.constant 0 : i32
      %dma_start3A_97 = tpu.memref_slice %arg10[%add3A_8, %dma_start3A_96] : memref<10240x128xf32, #tpu.memory_space<vmem_shared>> -> memref<128x128xf32, #tpu.memory_space<vmem_shared>>
      %dma_start3A_98 = arith.constant 0 : i32
      %dma_start3A_99 = tpu.memref_slice %arg10[%add3A_8, %dma_start3A_98] : memref<10240x128xf32, #tpu.memory_space<vmem_shared>> -> memref<128x128xf32, #tpu.memory_space<vmem_shared>>
      tpu.enqueue_dma source(%arg9 : memref<128x128xf32, #tpu.memory_space<vmem>>) target(%dma_start3A_99 : memref<128x128xf32, #tpu.memory_space<vmem_shared>>) target_semaphore(%run_scoped3A : memref<!tpu.dma_semaphore, #tpu.memory_space<semaphore_mem>>)
      %dma_wait3A_100 = arith.constant 0 : i32
      %dma_wait3A_101 = tpu.memref_slice %arg10[%add3A_8, %dma_wait3A_100] : memref<10240x128xf32, #tpu.memory_space<vmem_shared>> -> memref<128x128xf32, #tpu.memory_space<vmem_shared>>
      %dma_wait3A_102 = arith.constant 0 : i32
      %dma_wait3A_103 = tpu.memref_slice %arg10[%add3A_8, %dma_wait3A_102] : memref<10240x128xf32, #tpu.memory_space<vmem_shared>> -> memref<128x128xf32, #tpu.memory_space<vmem_shared>>
      tpu.wait_dma2 semaphore(%run_scoped3A : memref<!tpu.dma_semaphore, #tpu.memory_space<semaphore_mem>>) src(%arg9 : memref<128x128xf32, #tpu.memory_space<vmem>>) dst(%dma_wait3A_103 : memref<128x128xf32, #tpu.memory_space<vmem_shared>>)
      tpu.yield
    }) : () -> ()
    %add3A_9 = arith.constant 384 : i32
    %add3A_10 = arith.addi %mul3A_2, %add3A_9 : i32
    "tpu.region"() ({
      %run_scoped3A = tpu.sem_alloc : memref<!tpu.dma_semaphore, #tpu.memory_space<semaphore_mem>>
      %dma_start3A_96 = arith.constant 0 : i32
      %dma_start3A_97 = tpu.memref_slice %arg10[%add3A_10, %dma_start3A_96] : memref<10240x128xf32, #tpu.memory_space<vmem_shared>> -> memref<128x128xf32, #tpu.memory_space<vmem_shared>>
      %dma_start3A_98 = arith.constant 0 : i32
      %dma_start3A_99 = tpu.memref_slice %arg10[%add3A_10, %dma_start3A_98] : memref<10240x128xf32, #tpu.memory_space<vmem_shared>> -> memref<128x128xf32, #tpu.memory_space<vmem_shared>>
      tpu.enqueue_dma source(%arg9 : memref<128x128xf32, #tpu.memory_space<vmem>>) target(%dma_start3A_99 : memref<128x128xf32, #tpu.memory_space<vmem_shared>>) target_semaphore(%run_scoped3A : memref<!tpu.dma_semaphore, #tpu.memory_space<semaphore_mem>>)
      %dma_wait3A_100 = arith.constant 0 : i32
      %dma_wait3A_101 = tpu.memref_slice %arg10[%add3A_10, %dma_wait3A_100] : memref<10240x128xf32, #tpu.memory_space<vmem_shared>> -> memref<128x128xf32, #tpu.memory_space<vmem_shared>>
      %dma_wait3A_102 = arith.constant 0 : i32
      %dma_wait3A_103 = tpu.memref_slice %arg10[%add3A_10, %dma_wait3A_102] : memref<10240x128xf32, #tpu.memory_space<vmem_shared>> -> memref<128x128xf32, #tpu.memory_space<vmem_shared>>
      tpu.wait_dma2 semaphore(%run_scoped3A : memref<!tpu.dma_semaphore, #tpu.memory_space<semaphore_mem>>) src(%arg9 : memref<128x128xf32, #tpu.memory_space<vmem>>) dst(%dma_wait3A_103 : memref<128x128xf32, #tpu.memory_space<vmem_shared>>)
      tpu.yield
    }) : () -> ()
    %add3A_11 = arith.constant 512 : i32
    %add3A_12 = arith.addi %mul3A_2, %add3A_11 : i32
    "tpu.region"() ({
      %run_scoped3A = tpu.sem_alloc : memref<!tpu.dma_semaphore, #tpu.memory_space<semaphore_mem>>
      %dma_start3A_96 = arith.constant 0 : i32
      %dma_start3A_97 = tpu.memref_slice %arg10[%add3A_12, %dma_start3A_96] : memref<10240x128xf32, #tpu.memory_space<vmem_shared>> -> memref<128x128xf32, #tpu.memory_space<vmem_shared>>
      %dma_start3A_98 = arith.constant 0 : i32
      %dma_start3A_99 = tpu.memref_slice %arg10[%add3A_12, %dma_start3A_98] : memref<10240x128xf32, #tpu.memory_space<vmem_shared>> -> memref<128x128xf32, #tpu.memory_space<vmem_shared>>
      tpu.enqueue_dma source(%arg9 : memref<128x128xf32, #tpu.memory_space<vmem>>) target(%dma_start3A_99 : memref<128x128xf32, #tpu.memory_space<vmem_shared>>) target_semaphore(%run_scoped3A : memref<!tpu.dma_semaphore, #tpu.memory_space<semaphore_mem>>)
      %dma_wait3A_100 = arith.constant 0 : i32
      %dma_wait3A_101 = tpu.memref_slice %arg10[%add3A_12, %dma_wait3A_100] : memref<10240x128xf32, #tpu.memory_space<vmem_shared>> -> memref<128x128xf32, #tpu.memory_space<vmem_shared>>
      %dma_wait3A_102 = arith.constant 0 : i32
      %dma_wait3A_103 = tpu.memref_slice %arg10[%add3A_12, %dma_wait3A_102] : memref<10240x128xf32, #tpu.memory_space<vmem_shared>> -> memref<128x128xf32, #tpu.memory_space<vmem_shared>>
      tpu.wait_dma2 semaphore(%run_scoped3A : memref<!tpu.dma_semaphore, #tpu.memory_space<semaphore_mem>>) src(%arg9 : memref<128x128xf32, #tpu.memory_space<vmem>>) dst(%dma_wait3A_103 : memref<128x128xf32, #tpu.memory_space<vmem_shared>>)
      tpu.yield
    }) : () -> ()
    %barrier3A = arith.constant 0 : index
    tpu.barrier barrier_id(%barrier3A)
    %lt3A = arith.constant 4 : i32
    %lt3A_13 = arith.cmpi slt, %add3A, %lt3A : i32
    %jit3A = arith.constant 79 : i32
    %jit3A_14 = arith.constant 78 : i32
    %select_n3A = arith.select %lt3A_13, %jit3A, %jit3A_14 : i32
    %add3A_15 = arith.constant 0 : i32
    %add3A_16 = arith.addi %add3A, %add3A_15 : i32
    %min3A = arith.constant 2499 : i32
    %min3A_17 = arith.minsi %add3A_16, %min3A : i32
    %mul3A_18 = arith.constant 256 : i32
    %mul3A_19 = arith.muli %min3A_17, %mul3A_18 : i32
    %multiple_of3A = tpu.assume_multiple %mul3A_19, 256 : i32
    %dma_start3A = tpu.memref_slice %arg3[%multiple_of3A] : memref<640000xi32, #tpu.memory_space<hbm>> -> memref<256xi32, #tpu.memory_space<hbm>>
    %dma_start3A_20 = tpu.memref_slice %arg3[%multiple_of3A] : memref<640000xi32, #tpu.memory_space<hbm>> -> memref<256xi32, #tpu.memory_space<hbm>>
    tpu.enqueue_dma source(%dma_start3A_20 : memref<256xi32, #tpu.memory_space<hbm>>) target(%arg7 : memref<256xi32, #tpu.memory_space<vmem>>) target_semaphore(%arg12 : memref<!tpu.dma_semaphore, #tpu.memory_space<semaphore_mem>>)
    %while3A = arith.constant 0 : i32
    %while3A_21 = arith.constant 0 : i32
    %while3A_22 = arith.subi %select_n3A, %while3A_21 : i32
    %while3A_23 = arith.addi %while3A_21, %while3A_22 : i32
    %while3A_24 = arith.constant 1 : i32
    %while3A_25 = arith.divsi %while3A_22, %while3A_24 : i32
    %while3A_26 = arith.muli %while3A_25, %while3A_24 : i32
    %while3A_27 = arith.addi %while3A_21, %while3A_26 : i32
    %while3A_28 = arith.constant 1 : i32
    scf.for %while3A_96 = %while3A_21 to %while3A_27 step %while3A_28  : i32 {
      %mul3A_97 = arith.constant 32 : i32
      %mul3A_98 = arith.muli %mul3A_97, %while3A_96 : i32
      %add3A_99 = arith.addi %add3A, %mul3A_98 : i32
      %min3A_100 = arith.constant 2499 : i32
      %min3A_101 = arith.minsi %add3A_99, %min3A_100 : i32
      %mul3A_102 = arith.constant 256 : i32
      %mul3A_103 = arith.muli %min3A_101, %mul3A_102 : i32
      %multiple_of3A_104 = tpu.assume_multiple %mul3A_103, 256 : i32
      %dma_wait3A_105 = tpu.memref_slice %arg3[%multiple_of3A_104] : memref<640000xi32, #tpu.memory_space<hbm>> -> memref<256xi32, #tpu.memory_space<hbm>>
      %dma_wait3A_106 = tpu.memref_slice %arg3[%multiple_of3A_104] : memref<640000xi32, #tpu.memory_space<hbm>> -> memref<256xi32, #tpu.memory_space<hbm>>
      tpu.wait_dma2 semaphore(%arg12 : memref<!tpu.dma_semaphore, #tpu.memory_space<semaphore_mem>>) src(%dma_wait3A_106 : memref<256xi32, #tpu.memory_space<hbm>>) dst(%arg7 : memref<256xi32, #tpu.memory_space<vmem>>)
      %dma_start3A_107 = arith.constant 0 : i32
      %dma_start3A_108 = tpu.memref_slice %arg7[%dma_start3A_107] : memref<256xi32, #tpu.memory_space<vmem>> -> memref<128xi32, #tpu.memory_space<vmem>>
      %dma_start3A_109 = arith.constant 0 : i32
      %dma_start3A_110 = arith.constant 0 : i32
      %dma_start3A_111 = tpu.memref_slice %arg2[%dma_start3A_109, %dma_start3A_110] : memref<10000x128xf32, #tpu.memory_space<hbm>> -> memref<10000x128xf32, #tpu.memory_space<hbm>>
      tpu.enqueue_indirect_dma source(%dma_start3A_111 : memref<10000x128xf32, #tpu.memory_space<hbm>>) target(%arg9 : memref<128x128xf32, #tpu.memory_space<vmem>>) offsets(%dma_start3A_108 : memref<128xi32, #tpu.memory_space<vmem>>) semaphore(%arg11 : memref<!tpu.dma_semaphore, #tpu.memory_space<semaphore_mem>>)
      %dma_wait3A_112 = arith.constant 0 : i32
      %dma_wait3A_113 = tpu.memref_slice %arg7[%dma_wait3A_112] : memref<256xi32, #tpu.memory_space<vmem>> -> memref<128xi32, #tpu.memory_space<vmem>>
      %dma_wait3A_114 = arith.constant 0 : i32
      %dma_wait3A_115 = arith.constant 0 : i32
      %dma_wait3A_116 = tpu.memref_slice %arg2[%dma_wait3A_114, %dma_wait3A_115] : memref<10000x128xf32, #tpu.memory_space<hbm>> -> memref<10000x128xf32, #tpu.memory_space<hbm>>
      tpu.wait_indirect_dma semaphore(%arg11 : memref<!tpu.dma_semaphore, #tpu.memory_space<semaphore_mem>>) src(%dma_wait3A_116 : memref<10000x128xf32, #tpu.memory_space<hbm>>) dst(%arg9 : memref<128x128xf32, #tpu.memory_space<vmem>>)
      %get3A = arith.constant 128 : index
      %get3A_117 = tpu.vector_load %arg7[%get3A] {strides = array<i32>} : memref<256xi32, #tpu.memory_space<vmem>>, vector<16xi32>,
      %get3A_118 = vector.shape_cast %get3A_117 : vector<16xi32> to vector<16xi32>
      %swap3A = arith.constant 0 : index
      %swap3A_119 = tpu.vector_load %arg8[%swap3A] {strides = array<i32>} : memref<128xi32, #tpu.memory_space<vmem>>, vector<16xi32>,
      %swap3A_120 = vector.shape_cast %swap3A_119 : vector<16xi32> to vector<16xi32>
      %swap3A_121 = vector.shape_cast %get3A_118 : vector<16xi32> to vector<16xi32>
      tpu.vector_store %arg8[%swap3A], %swap3A_121 {strides = array<i32>} : memref<128xi32, #tpu.memory_space<vmem>>, vector<16xi32>,
      %get3A_122 = arith.constant 144 : index
      %get3A_123 = tpu.vector_load %arg7[%get3A_122] {strides = array<i32>} : memref<256xi32, #tpu.memory_space<vmem>>, vector<16xi32>,
      %get3A_124 = vector.shape_cast %get3A_123 : vector<16xi32> to vector<16xi32>
      %swap3A_125 = arith.constant 16 : index
      %swap3A_126 = tpu.vector_load %arg8[%swap3A_125] {strides = array<i32>} : memref<128xi32, #tpu.memory_space<vmem>>, vector<16xi32>,
      %swap3A_127 = vector.shape_cast %swap3A_126 : vector<16xi32> to vector<16xi32>
      %swap3A_128 = vector.shape_cast %get3A_124 : vector<16xi32> to vector<16xi32>
      tpu.vector_store %arg8[%swap3A_125], %swap3A_128 {strides = array<i32>} : memref<128xi32, #tpu.memory_space<vmem>>, vector<16xi32>,
      %get3A_129 = arith.constant 160 : index
      %get3A_130 = tpu.vector_load %arg7[%get3A_129] {strides = array<i32>} : memref<256xi32, #tpu.memory_space<vmem>>, vector<16xi32>,
      %get3A_131 = vector.shape_cast %get3A_130 : vector<16xi32> to vector<16xi32>
      %swap3A_132 = arith.constant 32 : index
      %swap3A_133 = tpu.vector_load %arg8[%swap3A_132] {strides = array<i32>} : memref<128xi32, #tpu.memory_space<vmem>>, vector<16xi32>,
      %swap3A_134 = vector.shape_cast %swap3A_133 : vector<16xi32> to vector<16xi32>
      %swap3A_135 = vector.shape_cast %get3A_131 : vector<16xi32> to vector<16xi32>
      tpu.vector_store %arg8[%swap3A_132], %swap3A_135 {strides = array<i32>} : memref<128xi32, #tpu.memory_space<vmem>>, vector<16xi32>,
      %get3A_136 = arith.constant 176 : index
      %get3A_137 = tpu.vector_load %arg7[%get3A_136] {strides = array<i32>} : memref<256xi32, #tpu.memory_space<vmem>>, vector<16xi32>,
      %get3A_138 = vector.shape_cast %get3A_137 : vector<16xi32> to vector<16xi32>
      %swap3A_139 = arith.constant 48 : index
      %swap3A_140 = tpu.vector_load %arg8[%swap3A_139] {strides = array<i32>} : memref<128xi32, #tpu.memory_space<vmem>>, vector<16xi32>,
      %swap3A_141 = vector.shape_cast %swap3A_140 : vector<16xi32> to vector<16xi32>
      %swap3A_142 = vector.shape_cast %get3A_138 : vector<16xi32> to vector<16xi32>
      tpu.vector_store %arg8[%swap3A_139], %swap3A_142 {strides = array<i32>} : memref<128xi32, #tpu.memory_space<vmem>>, vector<16xi32>,
      %get3A_143 = arith.constant 192 : index
      %get3A_144 = tpu.vector_load %arg7[%get3A_143] {strides = array<i32>} : memref<256xi32, #tpu.memory_space<vmem>>, vector<16xi32>,
      %get3A_145 = vector.shape_cast %get3A_144 : vector<16xi32> to vector<16xi32>
      %swap3A_146 = arith.constant 64 : index
      %swap3A_147 = tpu.vector_load %arg8[%swap3A_146] {strides = array<i32>} : memref<128xi32, #tpu.memory_space<vmem>>, vector<16xi32>,
      %swap3A_148 = vector.shape_cast %swap3A_147 : vector<16xi32> to vector<16xi32>
      %swap3A_149 = vector.shape_cast %get3A_145 : vector<16xi32> to vector<16xi32>
      tpu.vector_store %arg8[%swap3A_146], %swap3A_149 {strides = array<i32>} : memref<128xi32, #tpu.memory_space<vmem>>, vector<16xi32>,
      %get3A_150 = arith.constant 208 : index
      %get3A_151 = tpu.vector_load %arg7[%get3A_150] {strides = array<i32>} : memref<256xi32, #tpu.memory_space<vmem>>, vector<16xi32>,
      %get3A_152 = vector.shape_cast %get3A_151 : vector<16xi32> to vector<16xi32>
      %swap3A_153 = arith.constant 80 : index
      %swap3A_154 = tpu.vector_load %arg8[%swap3A_153] {strides = array<i32>} : memref<128xi32, #tpu.memory_space<vmem>>, vector<16xi32>,
      %swap3A_155 = vector.shape_cast %swap3A_154 : vector<16xi32> to vector<16xi32>
      %swap3A_156 = vector.shape_cast %get3A_152 : vector<16xi32> to vector<16xi32>
      tpu.vector_store %arg8[%swap3A_153], %swap3A_156 {strides = array<i32>} : memref<128xi32, #tpu.memory_space<vmem>>, vector<16xi32>,
      %get3A_157 = arith.constant 224 : index
      %get3A_158 = tpu.vector_load %arg7[%get3A_157] {strides = array<i32>} : memref<256xi32, #tpu.memory_space<vmem>>, vector<16xi32>,
      %get3A_159 = vector.shape_cast %get3A_158 : vector<16xi32> to vector<16xi32>
      %swap3A_160 = arith.constant 96 : index
      %swap3A_161 = tpu.vector_load %arg8[%swap3A_160] {strides = array<i32>} : memref<128xi32, #tpu.memory_space<vmem>>, vector<16xi32>,
      %swap3A_162 = vector.shape_cast %swap3A_161 : vector<16xi32> to vector<16xi32>
      %swap3A_163 = vector.shape_cast %get3A_159 : vector<16xi32> to vector<16xi32>
      tpu.vector_store %arg8[%swap3A_160], %swap3A_163 {strides = array<i32>} : memref<128xi32, #tpu.memory_space<vmem>>, vector<16xi32>,
      %get3A_164 = arith.constant 240 : index
      %get3A_165 = tpu.vector_load %arg7[%get3A_164] {strides = array<i32>} : memref<256xi32, #tpu.memory_space<vmem>>, vector<16xi32>,
      %get3A_166 = vector.shape_cast %get3A_165 : vector<16xi32> to vector<16xi32>
      %swap3A_167 = arith.constant 112 : index
      %swap3A_168 = tpu.vector_load %arg8[%swap3A_167] {strides = array<i32>} : memref<128xi32, #tpu.memory_space<vmem>>, vector<16xi32>,
      %swap3A_169 = vector.shape_cast %swap3A_168 : vector<16xi32> to vector<16xi32>
      %swap3A_170 = vector.shape_cast %get3A_166 : vector<16xi32> to vector<16xi32>
      tpu.vector_store %arg8[%swap3A_167], %swap3A_170 {strides = array<i32>} : memref<128xi32, #tpu.memory_space<vmem>>, vector<16xi32>,
      %add3A_171 = arith.constant 1 : i32
      %add3A_172 = arith.addi %while3A_96, %add3A_171 : i32
      %mul3A_173 = arith.constant 32 : i32
      %mul3A_174 = arith.muli %mul3A_173, %add3A_172 : i32
      %add3A_175 = arith.addi %add3A, %mul3A_174 : i32
      %min3A_176 = arith.constant 2499 : i32
      %min3A_177 = arith.minsi %add3A_175, %min3A_176 : i32
      %mul3A_178 = arith.constant 256 : i32
      %mul3A_179 = arith.muli %min3A_177, %mul3A_178 : i32
      %multiple_of3A_180 = tpu.assume_multiple %mul3A_179, 256 : i32
      %dma_start3A_181 = tpu.memref_slice %arg3[%multiple_of3A_180] : memref<640000xi32, #tpu.memory_space<hbm>> -> memref<256xi32, #tpu.memory_space<hbm>>
      %dma_start3A_182 = tpu.memref_slice %arg3[%multiple_of3A_180] : memref<640000xi32, #tpu.memory_space<hbm>> -> memref<256xi32, #tpu.memory_space<hbm>>
      tpu.enqueue_dma source(%dma_start3A_182 : memref<256xi32, #tpu.memory_space<hbm>>) target(%arg7 : memref<256xi32, #tpu.memory_space<vmem>>) target_semaphore(%arg12 : memref<!tpu.dma_semaphore, #tpu.memory_space<semaphore_mem>>)
      "tpu.region"() ({
        %run_scoped3A = tpu.sem_alloc : memref<!tpu.dma_semaphore, #tpu.memory_space<semaphore_mem>>
        %dma_start3A_183 = arith.constant 0 : i32
        %dma_start3A_184 = arith.constant 0 : i32
        %dma_start3A_185 = tpu.memref_slice %arg10[%dma_start3A_183, %dma_start3A_184] : memref<10240x128xf32, #tpu.memory_space<vmem_shared>> -> memref<10240x128xf32, #tpu.memory_space<vmem_shared>>
        tpu.enqueue_indirect_dma source(%arg9 : memref<128x128xf32, #tpu.memory_space<vmem>>) target(%dma_start3A_185 : memref<10240x128xf32, #tpu.memory_space<vmem_shared>>) offsets(%arg8 : memref<128xi32, #tpu.memory_space<vmem>>) semaphore(%run_scoped3A : memref<!tpu.dma_semaphore, #tpu.memory_space<semaphore_mem>>) {add = true}
        %dma_wait3A_186 = arith.constant 0 : i32
        %dma_wait3A_187 = arith.constant 0 : i32
        %dma_wait3A_188 = tpu.memref_slice %arg10[%dma_wait3A_186, %dma_wait3A_187] : memref<10240x128xf32, #tpu.memory_space<vmem_shared>> -> memref<10240x128xf32, #tpu.memory_space<vmem_shared>>
        tpu.wait_indirect_dma semaphore(%run_scoped3A : memref<!tpu.dma_semaphore, #tpu.memory_space<semaphore_mem>>) src(%arg9 : memref<128x128xf32, #tpu.memory_space<vmem>>) dst(%dma_wait3A_188 : memref<10240x128xf32, #tpu.memory_space<vmem_shared>>)
        tpu.yield
      }) : () -> ()
    }
    %while3A_29 = arith.constant 1 : i32
    scf.for %while3A_96 = %while3A_27 to %while3A_23 step %while3A_29  : i32 {
      %mul3A_97 = arith.constant 32 : i32
      %mul3A_98 = arith.muli %mul3A_97, %while3A_96 : i32
      %add3A_99 = arith.addi %add3A, %mul3A_98 : i32
      %min3A_100 = arith.constant 2499 : i32
      %min3A_101 = arith.minsi %add3A_99, %min3A_100 : i32
      %mul3A_102 = arith.constant 256 : i32
      %mul3A_103 = arith.muli %min3A_101, %mul3A_102 : i32
      %multiple_of3A_104 = tpu.assume_multiple %mul3A_103, 256 : i32
      %dma_wait3A_105 = tpu.memref_slice %arg3[%multiple_of3A_104] : memref<640000xi32, #tpu.memory_space<hbm>> -> memref<256xi32, #tpu.memory_space<hbm>>
      %dma_wait3A_106 = tpu.memref_slice %arg3[%multiple_of3A_104] : memref<640000xi32, #tpu.memory_space<hbm>> -> memref<256xi32, #tpu.memory_space<hbm>>
      tpu.wait_dma2 semaphore(%arg12 : memref<!tpu.dma_semaphore, #tpu.memory_space<semaphore_mem>>) src(%dma_wait3A_106 : memref<256xi32, #tpu.memory_space<hbm>>) dst(%arg7 : memref<256xi32, #tpu.memory_space<vmem>>)
      %dma_start3A_107 = arith.constant 0 : i32
      %dma_start3A_108 = tpu.memref_slice %arg7[%dma_start3A_107] : memref<256xi32, #tpu.memory_space<vmem>> -> memref<128xi32, #tpu.memory_space<vmem>>
      %dma_start3A_109 = arith.constant 0 : i32
      %dma_start3A_110 = arith.constant 0 : i32
      %dma_start3A_111 = tpu.memref_slice %arg2[%dma_start3A_109, %dma_start3A_110] : memref<10000x128xf32, #tpu.memory_space<hbm>> -> memref<10000x128xf32, #tpu.memory_space<hbm>>
      tpu.enqueue_indirect_dma source(%dma_start3A_111 : memref<10000x128xf32, #tpu.memory_space<hbm>>) target(%arg9 : memref<128x128xf32, #tpu.memory_space<vmem>>) offsets(%dma_start3A_108 : memref<128xi32, #tpu.memory_space<vmem>>) semaphore(%arg11 : memref<!tpu.dma_semaphore, #tpu.memory_space<semaphore_mem>>)
      %dma_wait3A_112 = arith.constant 0 : i32
      %dma_wait3A_113 = tpu.memref_slice %arg7[%dma_wait3A_112] : memref<256xi32, #tpu.memory_space<vmem>> -> memref<128xi32, #tpu.memory_space<vmem>>
      %dma_wait3A_114 = arith.constant 0 : i32
      %dma_wait3A_115 = arith.constant 0 : i32
      %dma_wait3A_116 = tpu.memref_slice %arg2[%dma_wait3A_114, %dma_wait3A_115] : memref<10000x128xf32, #tpu.memory_space<hbm>> -> memref<10000x128xf32, #tpu.memory_space<hbm>>
      tpu.wait_indirect_dma semaphore(%arg11 : memref<!tpu.dma_semaphore, #tpu.memory_space<semaphore_mem>>) src(%dma_wait3A_116 : memref<10000x128xf32, #tpu.memory_space<hbm>>) dst(%arg9 : memref<128x128xf32, #tpu.memory_space<vmem>>)
      %get3A = arith.constant 128 : index
      %get3A_117 = tpu.vector_load %arg7[%get3A] {strides = array<i32>} : memref<256xi32, #tpu.memory_space<vmem>>, vector<16xi32>,
      %get3A_118 = vector.shape_cast %get3A_117 : vector<16xi32> to vector<16xi32>
      %swap3A = arith.constant 0 : index
      %swap3A_119 = tpu.vector_load %arg8[%swap3A] {strides = array<i32>} : memref<128xi32, #tpu.memory_space<vmem>>, vector<16xi32>,
      %swap3A_120 = vector.shape_cast %swap3A_119 : vector<16xi32> to vector<16xi32>
      %swap3A_121 = vector.shape_cast %get3A_118 : vector<16xi32> to vector<16xi32>
      tpu.vector_store %arg8[%swap3A], %swap3A_121 {strides = array<i32>} : memref<128xi32, #tpu.memory_space<vmem>>, vector<16xi32>,
      %get3A_122 = arith.constant 144 : index
      %get3A_123 = tpu.vector_load %arg7[%get3A_122] {strides = array<i32>} : memref<256xi32, #tpu.memory_space<vmem>>, vector<16xi32>,
      %get3A_124 = vector.shape_cast %get3A_123 : vector<16xi32> to vector<16xi32>
      %swap3A_125 = arith.constant 16 : index
      %swap3A_126 = tpu.vector_load %arg8[%swap3A_125] {strides = array<i32>} : memref<128xi32, #tpu.memory_space<vmem>>, vector<16xi32>,
      %swap3A_127 = vector.shape_cast %swap3A_126 : vector<16xi32> to vector<16xi32>
      %swap3A_128 = vector.shape_cast %get3A_124 : vector<16xi32> to vector<16xi32>
      tpu.vector_store %arg8[%swap3A_125], %swap3A_128 {strides = array<i32>} : memref<128xi32, #tpu.memory_space<vmem>>, vector<16xi32>,
      %get3A_129 = arith.constant 160 : index
      %get3A_130 = tpu.vector_load %arg7[%get3A_129] {strides = array<i32>} : memref<256xi32, #tpu.memory_space<vmem>>, vector<16xi32>,
      %get3A_131 = vector.shape_cast %get3A_130 : vector<16xi32> to vector<16xi32>
      %swap3A_132 = arith.constant 32 : index
      %swap3A_133 = tpu.vector_load %arg8[%swap3A_132] {strides = array<i32>} : memref<128xi32, #tpu.memory_space<vmem>>, vector<16xi32>,
      %swap3A_134 = vector.shape_cast %swap3A_133 : vector<16xi32> to vector<16xi32>
      %swap3A_135 = vector.shape_cast %get3A_131 : vector<16xi32> to vector<16xi32>
      tpu.vector_store %arg8[%swap3A_132], %swap3A_135 {strides = array<i32>} : memref<128xi32, #tpu.memory_space<vmem>>, vector<16xi32>,
      %get3A_136 = arith.constant 176 : index
      %get3A_137 = tpu.vector_load %arg7[%get3A_136] {strides = array<i32>} : memref<256xi32, #tpu.memory_space<vmem>>, vector<16xi32>,
      %get3A_138 = vector.shape_cast %get3A_137 : vector<16xi32> to vector<16xi32>
      %swap3A_139 = arith.constant 48 : index
      %swap3A_140 = tpu.vector_load %arg8[%swap3A_139] {strides = array<i32>} : memref<128xi32, #tpu.memory_space<vmem>>, vector<16xi32>,
      %swap3A_141 = vector.shape_cast %swap3A_140 : vector<16xi32> to vector<16xi32>
      %swap3A_142 = vector.shape_cast %get3A_138 : vector<16xi32> to vector<16xi32>
      tpu.vector_store %arg8[%swap3A_139], %swap3A_142 {strides = array<i32>} : memref<128xi32, #tpu.memory_space<vmem>>, vector<16xi32>,
      %get3A_143 = arith.constant 192 : index
      %get3A_144 = tpu.vector_load %arg7[%get3A_143] {strides = array<i32>} : memref<256xi32, #tpu.memory_space<vmem>>, vector<16xi32>,
      %get3A_145 = vector.shape_cast %get3A_144 : vector<16xi32> to vector<16xi32>
      %swap3A_146 = arith.constant 64 : index
      %swap3A_147 = tpu.vector_load %arg8[%swap3A_146] {strides = array<i32>} : memref<128xi32, #tpu.memory_space<vmem>>, vector<16xi32>,
      %swap3A_148 = vector.shape_cast %swap3A_147 : vector<16xi32> to vector<16xi32>
      %swap3A_149 = vector.shape_cast %get3A_145 : vector<16xi32> to vector<16xi32>
      tpu.vector_store %arg8[%swap3A_146], %swap3A_149 {strides = array<i32>} : memref<128xi32, #tpu.memory_space<vmem>>, vector<16xi32>,
      %get3A_150 = arith.constant 208 : index
      %get3A_151 = tpu.vector_load %arg7[%get3A_150] {strides = array<i32>} : memref<256xi32, #tpu.memory_space<vmem>>, vector<16xi32>,
      %get3A_152 = vector.shape_cast %get3A_151 : vector<16xi32> to vector<16xi32>
      %swap3A_153 = arith.constant 80 : index
      %swap3A_154 = tpu.vector_load %arg8[%swap3A_153] {strides = array<i32>} : memref<128xi32, #tpu.memory_space<vmem>>, vector<16xi32>,
      %swap3A_155 = vector.shape_cast %swap3A_154 : vector<16xi32> to vector<16xi32>
      %swap3A_156 = vector.shape_cast %get3A_152 : vector<16xi32> to vector<16xi32>
      tpu.vector_store %arg8[%swap3A_153], %swap3A_156 {strides = array<i32>} : memref<128xi32, #tpu.memory_space<vmem>>, vector<16xi32>,
      %get3A_157 = arith.constant 224 : index
      %get3A_158 = tpu.vector_load %arg7[%get3A_157] {strides = array<i32>} : memref<256xi32, #tpu.memory_space<vmem>>, vector<16xi32>,
      %get3A_159 = vector.shape_cast %get3A_158 : vector<16xi32> to vector<16xi32>
      %swap3A_160 = arith.constant 96 : index
      %swap3A_161 = tpu.vector_load %arg8[%swap3A_160] {strides = array<i32>} : memref<128xi32, #tpu.memory_space<vmem>>, vector<16xi32>,
      %swap3A_162 = vector.shape_cast %swap3A_161 : vector<16xi32> to vector<16xi32>
      %swap3A_163 = vector.shape_cast %get3A_159 : vector<16xi32> to vector<16xi32>
      tpu.vector_store %arg8[%swap3A_160], %swap3A_163 {strides = array<i32>} : memref<128xi32, #tpu.memory_space<vmem>>, vector<16xi32>,
      %get3A_164 = arith.constant 240 : index
      %get3A_165 = tpu.vector_load %arg7[%get3A_164] {strides = array<i32>} : memref<256xi32, #tpu.memory_space<vmem>>, vector<16xi32>,
      %get3A_166 = vector.shape_cast %get3A_165 : vector<16xi32> to vector<16xi32>
      %swap3A_167 = arith.constant 112 : index
      %swap3A_168 = tpu.vector_load %arg8[%swap3A_167] {strides = array<i32>} : memref<128xi32, #tpu.memory_space<vmem>>, vector<16xi32>,
      %swap3A_169 = vector.shape_cast %swap3A_168 : vector<16xi32> to vector<16xi32>
      %swap3A_170 = vector.shape_cast %get3A_166 : vector<16xi32> to vector<16xi32>
      tpu.vector_store %arg8[%swap3A_167], %swap3A_170 {strides = array<i32>} : memref<128xi32, #tpu.memory_space<vmem>>, vector<16xi32>,
      %add3A_171 = arith.constant 1 : i32
      %add3A_172 = arith.addi %while3A_96, %add3A_171 : i32
      %mul3A_173 = arith.constant 32 : i32
      %mul3A_174 = arith.muli %mul3A_173, %add3A_172 : i32
      %add3A_175 = arith.addi %add3A, %mul3A_174 : i32
      %min3A_176 = arith.constant 2499 : i32
      %min3A_177 = arith.minsi %add3A_175, %min3A_176 : i32
      %mul3A_178 = arith.constant 256 : i32
      %mul3A_179 = arith.muli %min3A_177, %mul3A_178 : i32
      %multiple_of3A_180 = tpu.assume_multiple %mul3A_179, 256 : i32
      %dma_start3A_181 = tpu.memref_slice %arg3[%multiple_of3A_180] : memref<640000xi32, #tpu.memory_space<hbm>> -> memref<256xi32, #tpu.memory_space<hbm>>
      %dma_start3A_182 = tpu.memref_slice %arg3[%multiple_of3A_180] : memref<640000xi32, #tpu.memory_space<hbm>> -> memref<256xi32, #tpu.memory_space<hbm>>
      tpu.enqueue_dma source(%dma_start3A_182 : memref<256xi32, #tpu.memory_space<hbm>>) target(%arg7 : memref<256xi32, #tpu.memory_space<vmem>>) target_semaphore(%arg12 : memref<!tpu.dma_semaphore, #tpu.memory_space<semaphore_mem>>)
      "tpu.region"() ({
        %run_scoped3A = tpu.sem_alloc : memref<!tpu.dma_semaphore, #tpu.memory_space<semaphore_mem>>
        %dma_start3A_183 = arith.constant 0 : i32
        %dma_start3A_184 = arith.constant 0 : i32
        %dma_start3A_185 = tpu.memref_slice %arg10[%dma_start3A_183, %dma_start3A_184] : memref<10240x128xf32, #tpu.memory_space<vmem_shared>> -> memref<10240x128xf32, #tpu.memory_space<vmem_shared>>
        tpu.enqueue_indirect_dma source(%arg9 : memref<128x128xf32, #tpu.memory_space<vmem>>) target(%dma_start3A_185 : memref<10240x128xf32, #tpu.memory_space<vmem_shared>>) offsets(%arg8 : memref<128xi32, #tpu.memory_space<vmem>>) semaphore(%run_scoped3A : memref<!tpu.dma_semaphore, #tpu.memory_space<semaphore_mem>>) {add = true}
        %dma_wait3A_186 = arith.constant 0 : i32
        %dma_wait3A_187 = arith.constant 0 : i32
        %dma_wait3A_188 = tpu.memref_slice %arg10[%dma_wait3A_186, %dma_wait3A_187] : memref<10240x128xf32, #tpu.memory_space<vmem_shared>> -> memref<10240x128xf32, #tpu.memory_space<vmem_shared>>
        tpu.wait_indirect_dma semaphore(%run_scoped3A : memref<!tpu.dma_semaphore, #tpu.memory_space<semaphore_mem>>) src(%arg9 : memref<128x128xf32, #tpu.memory_space<vmem>>) dst(%dma_wait3A_188 : memref<10240x128xf32, #tpu.memory_space<vmem_shared>>)
        tpu.yield
      }) : () -> ()
    }
    %add3A_30 = arith.constant 0 : i32
    %add3A_31 = arith.addi %add3A, %add3A_30 : i32
    %min3A_32 = arith.constant 2499 : i32
    %min3A_33 = arith.minsi %add3A_31, %min3A_32 : i32
    %mul3A_34 = arith.constant 256 : i32
    %mul3A_35 = arith.muli %min3A_33, %mul3A_34 : i32
    %multiple_of3A_36 = tpu.assume_multiple %mul3A_35, 256 : i32
    %dma_wait3A = tpu.memref_slice %arg3[%multiple_of3A_36] : memref<640000xi32, #tpu.memory_space<hbm>> -> memref<256xi32, #tpu.memory_space<hbm>>
    %dma_wait3A_37 = tpu.memref_slice %arg3[%multiple_of3A_36] : memref<640000xi32, #tpu.memory_space<hbm>> -> memref<256xi32, #tpu.memory_space<hbm>>
    tpu.wait_dma2 semaphore(%arg12 : memref<!tpu.dma_semaphore, #tpu.memory_space<semaphore_mem>>) src(%dma_wait3A_37 : memref<256xi32, #tpu.memory_space<hbm>>) dst(%arg7 : memref<256xi32, #tpu.memory_space<vmem>>)
    %barrier3A_38 = arith.constant 0 : index
    tpu.barrier barrier_id(%barrier3A_38)
    %add3A_39 = arith.constant 0 : i32
    %add3A_40 = arith.addi %mul3A_2, %add3A_39 : i32
    "tpu.region"() ({
      %run_scoped3A = tpu.sem_alloc : memref<!tpu.dma_semaphore, #tpu.memory_space<semaphore_mem>>
      %dma_start3A_96 = arith.constant 0 : i32
      %dma_start3A_97 = tpu.memref_slice %arg10[%add3A_40, %dma_start3A_96] : memref<10240x128xf32, #tpu.memory_space<vmem_shared>> -> memref<128x128xf32, #tpu.memory_space<vmem_shared>>
      %dma_start3A_98 = arith.constant 0 : i32
      %dma_start3A_99 = tpu.memref_slice %arg10[%add3A_40, %dma_start3A_98] : memref<10240x128xf32, #tpu.memory_space<vmem_shared>> -> memref<128x128xf32, #tpu.memory_space<vmem_shared>>
      tpu.enqueue_dma source(%dma_start3A_99 : memref<128x128xf32, #tpu.memory_space<vmem_shared>>) target(%arg9 : memref<128x128xf32, #tpu.memory_space<vmem>>) target_semaphore(%run_scoped3A : memref<!tpu.dma_semaphore, #tpu.memory_space<semaphore_mem>>)
      %dma_wait3A_100 = arith.constant 0 : i32
      %dma_wait3A_101 = tpu.memref_slice %arg10[%add3A_40, %dma_wait3A_100] : memref<10240x128xf32, #tpu.memory_space<vmem_shared>> -> memref<128x128xf32, #tpu.memory_space<vmem_shared>>
      %dma_wait3A_102 = arith.constant 0 : i32
      %dma_wait3A_103 = tpu.memref_slice %arg10[%add3A_40, %dma_wait3A_102] : memref<10240x128xf32, #tpu.memory_space<vmem_shared>> -> memref<128x128xf32, #tpu.memory_space<vmem_shared>>
      tpu.wait_dma2 semaphore(%run_scoped3A : memref<!tpu.dma_semaphore, #tpu.memory_space<semaphore_mem>>) src(%dma_wait3A_103 : memref<128x128xf32, #tpu.memory_space<vmem_shared>>) dst(%arg9 : memref<128x128xf32, #tpu.memory_space<vmem>>)
      tpu.yield
    }) : () -> ()
    %eq3A = arith.constant 0 : i32
    %eq3A_41 = arith.cmpi eq, %arg0, %eq3A : i32
    %convert_element_type3A = arith.extui %eq3A_41 : i1 to i32
    %cond3A = arith.constant 0 : i32
    %cond3A_42 = arith.cmpi ne, %convert_element_type3A, %cond3A : i32
    scf.if %cond3A_42 {
      %add3A_96 = arith.constant 0 : i32
      %add3A_97 = arith.addi %mul3A_2, %add3A_96 : i32
      "tpu.region"() ({
        %run_scoped3A = tpu.sem_alloc : memref<!tpu.dma_semaphore, #tpu.memory_space<semaphore_mem>>
        %dma_start3A_98 = arith.constant 0 : i32
        %dma_start3A_99 = tpu.memref_slice %arg5[%add3A_97, %dma_start3A_98] : memref<10240x128xf32, #tpu.memory_space<hbm>> -> memref<128x128xf32, #tpu.memory_space<hbm>>
        %dma_start3A_100 = arith.constant 0 : i32
        %dma_start3A_101 = tpu.memref_slice %arg5[%add3A_97, %dma_start3A_100] : memref<10240x128xf32, #tpu.memory_space<hbm>> -> memref<128x128xf32, #tpu.memory_space<hbm>>
        tpu.enqueue_dma source(%arg9 : memref<128x128xf32, #tpu.memory_space<vmem>>) target(%dma_start3A_101 : memref<128x128xf32, #tpu.memory_space<hbm>>) target_semaphore(%run_scoped3A : memref<!tpu.dma_semaphore, #tpu.memory_space<semaphore_mem>>)
        %dma_wait3A_102 = arith.constant 0 : i32
        %dma_wait3A_103 = tpu.memref_slice %arg5[%add3A_97, %dma_wait3A_102] : memref<10240x128xf32, #tpu.memory_space<hbm>> -> memref<128x128xf32, #tpu.memory_space<hbm>>
        %dma_wait3A_104 = arith.constant 0 : i32
        %dma_wait3A_105 = tpu.memref_slice %arg5[%add3A_97, %dma_wait3A_104] : memref<10240x128xf32, #tpu.memory_space<hbm>> -> memref<128x128xf32, #tpu.memory_space<hbm>>
        tpu.wait_dma2 semaphore(%run_scoped3A : memref<!tpu.dma_semaphore, #tpu.memory_space<semaphore_mem>>) src(%arg9 : memref<128x128xf32, #tpu.memory_space<vmem>>) dst(%dma_wait3A_105 : memref<128x128xf32, #tpu.memory_space<hbm>>)
        tpu.yield
      }) : () -> ()
    } else {
    }
    %eq3A_43 = arith.constant 1 : i32
    %eq3A_44 = arith.cmpi eq, %arg0, %eq3A_43 : i32
    %convert_element_type3A_45 = arith.extui %eq3A_44 : i1 to i32
    %cond3A_46 = arith.constant 0 : i32
    %cond3A_47 = arith.cmpi ne, %convert_element_type3A_45, %cond3A_46 : i32
    scf.if %cond3A_47 {
      %add3A_96 = arith.constant 0 : i32
      %add3A_97 = arith.addi %mul3A_2, %add3A_96 : i32
      "tpu.region"() ({
        %run_scoped3A = tpu.sem_alloc : memref<!tpu.dma_semaphore, #tpu.memory_space<semaphore_mem>>
        %dma_start3A_98 = arith.constant 0 : i32
        %dma_start3A_99 = tpu.memref_slice %arg6[%add3A_97, %dma_start3A_98] : memref<10240x128xf32, #tpu.memory_space<hbm>> -> memref<128x128xf32, #tpu.memory_space<hbm>>
        %dma_start3A_100 = arith.constant 0 : i32
        %dma_start3A_101 = tpu.memref_slice %arg6[%add3A_97, %dma_start3A_100] : memref<10240x128xf32, #tpu.memory_space<hbm>> -> memref<128x128xf32, #tpu.memory_space<hbm>>
        tpu.enqueue_dma source(%arg9 : memref<128x128xf32, #tpu.memory_space<vmem>>) target(%dma_start3A_101 : memref<128x128xf32, #tpu.memory_space<hbm>>) target_semaphore(%run_scoped3A : memref<!tpu.dma_semaphore, #tpu.memory_space<semaphore_mem>>)
        %dma_wait3A_102 = arith.constant 0 : i32
        %dma_wait3A_103 = tpu.memref_slice %arg6[%add3A_97, %dma_wait3A_102] : memref<10240x128xf32, #tpu.memory_space<hbm>> -> memref<128x128xf32, #tpu.memory_space<hbm>>
        %dma_wait3A_104 = arith.constant 0 : i32
        %dma_wait3A_105 = tpu.memref_slice %arg6[%add3A_97, %dma_wait3A_104] : memref<10240x128xf32, #tpu.memory_space<hbm>> -> memref<128x128xf32, #tpu.memory_space<hbm>>
        tpu.wait_dma2 semaphore(%run_scoped3A : memref<!tpu.dma_semaphore, #tpu.memory_space<semaphore_mem>>) src(%arg9 : memref<128x128xf32, #tpu.memory_space<vmem>>) dst(%dma_wait3A_105 : memref<128x128xf32, #tpu.memory_space<hbm>>)
        tpu.yield
      }) : () -> ()
    } else {
    }
    %add3A_48 = arith.constant 128 : i32
    %add3A_49 = arith.addi %mul3A_2, %add3A_48 : i32
    "tpu.region"() ({
      %run_scoped3A = tpu.sem_alloc : memref<!tpu.dma_semaphore, #tpu.memory_space<semaphore_mem>>
      %dma_start3A_96 = arith.constant 0 : i32
      %dma_start3A_97 = tpu.memref_slice %arg10[%add3A_49, %dma_start3A_96] : memref<10240x128xf32, #tpu.memory_space<vmem_shared>> -> memref<128x128xf32, #tpu.memory_space<vmem_shared>>
      %dma_start3A_98 = arith.constant 0 : i32
      %dma_start3A_99 = tpu.memref_slice %arg10[%add3A_49, %dma_start3A_98] : memref<10240x128xf32, #tpu.memory_space<vmem_shared>> -> memref<128x128xf32, #tpu.memory_space<vmem_shared>>
      tpu.enqueue_dma source(%dma_start3A_99 : memref<128x128xf32, #tpu.memory_space<vmem_shared>>) target(%arg9 : memref<128x128xf32, #tpu.memory_space<vmem>>) target_semaphore(%run_scoped3A : memref<!tpu.dma_semaphore, #tpu.memory_space<semaphore_mem>>)
      %dma_wait3A_100 = arith.constant 0 : i32
      %dma_wait3A_101 = tpu.memref_slice %arg10[%add3A_49, %dma_wait3A_100] : memref<10240x128xf32, #tpu.memory_space<vmem_shared>> -> memref<128x128xf32, #tpu.memory_space<vmem_shared>>
      %dma_wait3A_102 = arith.constant 0 : i32
      %dma_wait3A_103 = tpu.memref_slice %arg10[%add3A_49, %dma_wait3A_102] : memref<10240x128xf32, #tpu.memory_space<vmem_shared>> -> memref<128x128xf32, #tpu.memory_space<vmem_shared>>
      tpu.wait_dma2 semaphore(%run_scoped3A : memref<!tpu.dma_semaphore, #tpu.memory_space<semaphore_mem>>) src(%dma_wait3A_103 : memref<128x128xf32, #tpu.memory_space<vmem_shared>>) dst(%arg9 : memref<128x128xf32, #tpu.memory_space<vmem>>)
      tpu.yield
    }) : () -> ()
    %eq3A_50 = arith.constant 0 : i32
    %eq3A_51 = arith.cmpi eq, %arg0, %eq3A_50 : i32
    %convert_element_type3A_52 = arith.extui %eq3A_51 : i1 to i32
    %cond3A_53 = arith.constant 0 : i32
    %cond3A_54 = arith.cmpi ne, %convert_element_type3A_52, %cond3A_53 : i32
    scf.if %cond3A_54 {
      %add3A_96 = arith.constant 128 : i32
      %add3A_97 = arith.addi %mul3A_2, %add3A_96 : i32
      "tpu.region"() ({
        %run_scoped3A = tpu.sem_alloc : memref<!tpu.dma_semaphore, #tpu.memory_space<semaphore_mem>>
        %dma_start3A_98 = arith.constant 0 : i32
        %dma_start3A_99 = tpu.memref_slice %arg5[%add3A_97, %dma_start3A_98] : memref<10240x128xf32, #tpu.memory_space<hbm>> -> memref<128x128xf32, #tpu.memory_space<hbm>>
        %dma_start3A_100 = arith.constant 0 : i32
        %dma_start3A_101 = tpu.memref_slice %arg5[%add3A_97, %dma_start3A_100] : memref<10240x128xf32, #tpu.memory_space<hbm>> -> memref<128x128xf32, #tpu.memory_space<hbm>>
        tpu.enqueue_dma source(%arg9 : memref<128x128xf32, #tpu.memory_space<vmem>>) target(%dma_start3A_101 : memref<128x128xf32, #tpu.memory_space<hbm>>) target_semaphore(%run_scoped3A : memref<!tpu.dma_semaphore, #tpu.memory_space<semaphore_mem>>)
        %dma_wait3A_102 = arith.constant 0 : i32
        %dma_wait3A_103 = tpu.memref_slice %arg5[%add3A_97, %dma_wait3A_102] : memref<10240x128xf32, #tpu.memory_space<hbm>> -> memref<128x128xf32, #tpu.memory_space<hbm>>
        %dma_wait3A_104 = arith.constant 0 : i32
        %dma_wait3A_105 = tpu.memref_slice %arg5[%add3A_97, %dma_wait3A_104] : memref<10240x128xf32, #tpu.memory_space<hbm>> -> memref<128x128xf32, #tpu.memory_space<hbm>>
        tpu.wait_dma2 semaphore(%run_scoped3A : memref<!tpu.dma_semaphore, #tpu.memory_space<semaphore_mem>>) src(%arg9 : memref<128x128xf32, #tpu.memory_space<vmem>>) dst(%dma_wait3A_105 : memref<128x128xf32, #tpu.memory_space<hbm>>)
        tpu.yield
      }) : () -> ()
    } else {
    }
    %eq3A_55 = arith.constant 1 : i32
    %eq3A_56 = arith.cmpi eq, %arg0, %eq3A_55 : i32
    %convert_element_type3A_57 = arith.extui %eq3A_56 : i1 to i32
    %cond3A_58 = arith.constant 0 : i32
    %cond3A_59 = arith.cmpi ne, %convert_element_type3A_57, %cond3A_58 : i32
    scf.if %cond3A_59 {
      %add3A_96 = arith.constant 128 : i32
      %add3A_97 = arith.addi %mul3A_2, %add3A_96 : i32
      "tpu.region"() ({
        %run_scoped3A = tpu.sem_alloc : memref<!tpu.dma_semaphore, #tpu.memory_space<semaphore_mem>>
        %dma_start3A_98 = arith.constant 0 : i32
        %dma_start3A_99 = tpu.memref_slice %arg6[%add3A_97, %dma_start3A_98] : memref<10240x128xf32, #tpu.memory_space<hbm>> -> memref<128x128xf32, #tpu.memory_space<hbm>>
        %dma_start3A_100 = arith.constant 0 : i32
        %dma_start3A_101 = tpu.memref_slice %arg6[%add3A_97, %dma_start3A_100] : memref<10240x128xf32, #tpu.memory_space<hbm>> -> memref<128x128xf32, #tpu.memory_space<hbm>>
        tpu.enqueue_dma source(%arg9 : memref<128x128xf32, #tpu.memory_space<vmem>>) target(%dma_start3A_101 : memref<128x128xf32, #tpu.memory_space<hbm>>) target_semaphore(%run_scoped3A : memref<!tpu.dma_semaphore, #tpu.memory_space<semaphore_mem>>)
        %dma_wait3A_102 = arith.constant 0 : i32
        %dma_wait3A_103 = tpu.memref_slice %arg6[%add3A_97, %dma_wait3A_102] : memref<10240x128xf32, #tpu.memory_space<hbm>> -> memref<128x128xf32, #tpu.memory_space<hbm>>
        %dma_wait3A_104 = arith.constant 0 : i32
        %dma_wait3A_105 = tpu.memref_slice %arg6[%add3A_97, %dma_wait3A_104] : memref<10240x128xf32, #tpu.memory_space<hbm>> -> memref<128x128xf32, #tpu.memory_space<hbm>>
        tpu.wait_dma2 semaphore(%run_scoped3A : memref<!tpu.dma_semaphore, #tpu.memory_space<semaphore_mem>>) src(%arg9 : memref<128x128xf32, #tpu.memory_space<vmem>>) dst(%dma_wait3A_105 : memref<128x128xf32, #tpu.memory_space<hbm>>)
        tpu.yield
      }) : () -> ()
    } else {
    }
    %add3A_60 = arith.constant 256 : i32
    %add3A_61 = arith.addi %mul3A_2, %add3A_60 : i32
    "tpu.region"() ({
      %run_scoped3A = tpu.sem_alloc : memref<!tpu.dma_semaphore, #tpu.memory_space<semaphore_mem>>
      %dma_start3A_96 = arith.constant 0 : i32
      %dma_start3A_97 = tpu.memref_slice %arg10[%add3A_61, %dma_start3A_96] : memref<10240x128xf32, #tpu.memory_space<vmem_shared>> -> memref<128x128xf32, #tpu.memory_space<vmem_shared>>
      %dma_start3A_98 = arith.constant 0 : i32
      %dma_start3A_99 = tpu.memref_slice %arg10[%add3A_61, %dma_start3A_98] : memref<10240x128xf32, #tpu.memory_space<vmem_shared>> -> memref<128x128xf32, #tpu.memory_space<vmem_shared>>
      tpu.enqueue_dma source(%dma_start3A_99 : memref<128x128xf32, #tpu.memory_space<vmem_shared>>) target(%arg9 : memref<128x128xf32, #tpu.memory_space<vmem>>) target_semaphore(%run_scoped3A : memref<!tpu.dma_semaphore, #tpu.memory_space<semaphore_mem>>)
      %dma_wait3A_100 = arith.constant 0 : i32
      %dma_wait3A_101 = tpu.memref_slice %arg10[%add3A_61, %dma_wait3A_100] : memref<10240x128xf32, #tpu.memory_space<vmem_shared>> -> memref<128x128xf32, #tpu.memory_space<vmem_shared>>
      %dma_wait3A_102 = arith.constant 0 : i32
      %dma_wait3A_103 = tpu.memref_slice %arg10[%add3A_61, %dma_wait3A_102] : memref<10240x128xf32, #tpu.memory_space<vmem_shared>> -> memref<128x128xf32, #tpu.memory_space<vmem_shared>>
      tpu.wait_dma2 semaphore(%run_scoped3A : memref<!tpu.dma_semaphore, #tpu.memory_space<semaphore_mem>>) src(%dma_wait3A_103 : memref<128x128xf32, #tpu.memory_space<vmem_shared>>) dst(%arg9 : memref<128x128xf32, #tpu.memory_space<vmem>>)
      tpu.yield
    }) : () -> ()
    %eq3A_62 = arith.constant 0 : i32
    %eq3A_63 = arith.cmpi eq, %arg0, %eq3A_62 : i32
    %convert_element_type3A_64 = arith.extui %eq3A_63 : i1 to i32
    %cond3A_65 = arith.constant 0 : i32
    %cond3A_66 = arith.cmpi ne, %convert_element_type3A_64, %cond3A_65 : i32
    scf.if %cond3A_66 {
      %add3A_96 = arith.constant 256 : i32
      %add3A_97 = arith.addi %mul3A_2, %add3A_96 : i32
      "tpu.region"() ({
        %run_scoped3A = tpu.sem_alloc : memref<!tpu.dma_semaphore, #tpu.memory_space<semaphore_mem>>
        %dma_start3A_98 = arith.constant 0 : i32
        %dma_start3A_99 = tpu.memref_slice %arg5[%add3A_97, %dma_start3A_98] : memref<10240x128xf32, #tpu.memory_space<hbm>> -> memref<128x128xf32, #tpu.memory_space<hbm>>
        %dma_start3A_100 = arith.constant 0 : i32
        %dma_start3A_101 = tpu.memref_slice %arg5[%add3A_97, %dma_start3A_100] : memref<10240x128xf32, #tpu.memory_space<hbm>> -> memref<128x128xf32, #tpu.memory_space<hbm>>
        tpu.enqueue_dma source(%arg9 : memref<128x128xf32, #tpu.memory_space<vmem>>) target(%dma_start3A_101 : memref<128x128xf32, #tpu.memory_space<hbm>>) target_semaphore(%run_scoped3A : memref<!tpu.dma_semaphore, #tpu.memory_space<semaphore_mem>>)
        %dma_wait3A_102 = arith.constant 0 : i32
        %dma_wait3A_103 = tpu.memref_slice %arg5[%add3A_97, %dma_wait3A_102] : memref<10240x128xf32, #tpu.memory_space<hbm>> -> memref<128x128xf32, #tpu.memory_space<hbm>>
        %dma_wait3A_104 = arith.constant 0 : i32
        %dma_wait3A_105 = tpu.memref_slice %arg5[%add3A_97, %dma_wait3A_104] : memref<10240x128xf32, #tpu.memory_space<hbm>> -> memref<128x128xf32, #tpu.memory_space<hbm>>
        tpu.wait_dma2 semaphore(%run_scoped3A : memref<!tpu.dma_semaphore, #tpu.memory_space<semaphore_mem>>) src(%arg9 : memref<128x128xf32, #tpu.memory_space<vmem>>) dst(%dma_wait3A_105 : memref<128x128xf32, #tpu.memory_space<hbm>>)
        tpu.yield
      }) : () -> ()
    } else {
    }
    %eq3A_67 = arith.constant 1 : i32
    %eq3A_68 = arith.cmpi eq, %arg0, %eq3A_67 : i32
    %convert_element_type3A_69 = arith.extui %eq3A_68 : i1 to i32
    %cond3A_70 = arith.constant 0 : i32
    %cond3A_71 = arith.cmpi ne, %convert_element_type3A_69, %cond3A_70 : i32
    scf.if %cond3A_71 {
      %add3A_96 = arith.constant 256 : i32
      %add3A_97 = arith.addi %mul3A_2, %add3A_96 : i32
      "tpu.region"() ({
        %run_scoped3A = tpu.sem_alloc : memref<!tpu.dma_semaphore, #tpu.memory_space<semaphore_mem>>
        %dma_start3A_98 = arith.constant 0 : i32
        %dma_start3A_99 = tpu.memref_slice %arg6[%add3A_97, %dma_start3A_98] : memref<10240x128xf32, #tpu.memory_space<hbm>> -> memref<128x128xf32, #tpu.memory_space<hbm>>
        %dma_start3A_100 = arith.constant 0 : i32
        %dma_start3A_101 = tpu.memref_slice %arg6[%add3A_97, %dma_start3A_100] : memref<10240x128xf32, #tpu.memory_space<hbm>> -> memref<128x128xf32, #tpu.memory_space<hbm>>
        tpu.enqueue_dma source(%arg9 : memref<128x128xf32, #tpu.memory_space<vmem>>) target(%dma_start3A_101 : memref<128x128xf32, #tpu.memory_space<hbm>>) target_semaphore(%run_scoped3A : memref<!tpu.dma_semaphore, #tpu.memory_space<semaphore_mem>>)
        %dma_wait3A_102 = arith.constant 0 : i32
        %dma_wait3A_103 = tpu.memref_slice %arg6[%add3A_97, %dma_wait3A_102] : memref<10240x128xf32, #tpu.memory_space<hbm>> -> memref<128x128xf32, #tpu.memory_space<hbm>>
        %dma_wait3A_104 = arith.constant 0 : i32
        %dma_wait3A_105 = tpu.memref_slice %arg6[%add3A_97, %dma_wait3A_104] : memref<10240x128xf32, #tpu.memory_space<hbm>> -> memref<128x128xf32, #tpu.memory_space<hbm>>
        tpu.wait_dma2 semaphore(%run_scoped3A : memref<!tpu.dma_semaphore, #tpu.memory_space<semaphore_mem>>) src(%arg9 : memref<128x128xf32, #tpu.memory_space<vmem>>) dst(%dma_wait3A_105 : memref<128x128xf32, #tpu.memory_space<hbm>>)
        tpu.yield
      }) : () -> ()
    } else {
    }
    %add3A_72 = arith.constant 384 : i32
    %add3A_73 = arith.addi %mul3A_2, %add3A_72 : i32
    "tpu.region"() ({
      %run_scoped3A = tpu.sem_alloc : memref<!tpu.dma_semaphore, #tpu.memory_space<semaphore_mem>>
      %dma_start3A_96 = arith.constant 0 : i32
      %dma_start3A_97 = tpu.memref_slice %arg10[%add3A_73, %dma_start3A_96] : memref<10240x128xf32, #tpu.memory_space<vmem_shared>> -> memref<128x128xf32, #tpu.memory_space<vmem_shared>>
      %dma_start3A_98 = arith.constant 0 : i32
      %dma_start3A_99 = tpu.memref_slice %arg10[%add3A_73, %dma_start3A_98] : memref<10240x128xf32, #tpu.memory_space<vmem_shared>> -> memref<128x128xf32, #tpu.memory_space<vmem_shared>>
      tpu.enqueue_dma source(%dma_start3A_99 : memref<128x128xf32, #tpu.memory_space<vmem_shared>>) target(%arg9 : memref<128x128xf32, #tpu.memory_space<vmem>>) target_semaphore(%run_scoped3A : memref<!tpu.dma_semaphore, #tpu.memory_space<semaphore_mem>>)
      %dma_wait3A_100 = arith.constant 0 : i32
      %dma_wait3A_101 = tpu.memref_slice %arg10[%add3A_73, %dma_wait3A_100] : memref<10240x128xf32, #tpu.memory_space<vmem_shared>> -> memref<128x128xf32, #tpu.memory_space<vmem_shared>>
      %dma_wait3A_102 = arith.constant 0 : i32
      %dma_wait3A_103 = tpu.memref_slice %arg10[%add3A_73, %dma_wait3A_102] : memref<10240x128xf32, #tpu.memory_space<vmem_shared>> -> memref<128x128xf32, #tpu.memory_space<vmem_shared>>
      tpu.wait_dma2 semaphore(%run_scoped3A : memref<!tpu.dma_semaphore, #tpu.memory_space<semaphore_mem>>) src(%dma_wait3A_103 : memref<128x128xf32, #tpu.memory_space<vmem_shared>>) dst(%arg9 : memref<128x128xf32, #tpu.memory_space<vmem>>)
      tpu.yield
    }) : () -> ()
    %eq3A_74 = arith.constant 0 : i32
    %eq3A_75 = arith.cmpi eq, %arg0, %eq3A_74 : i32
    %convert_element_type3A_76 = arith.extui %eq3A_75 : i1 to i32
    %cond3A_77 = arith.constant 0 : i32
    %cond3A_78 = arith.cmpi ne, %convert_element_type3A_76, %cond3A_77 : i32
    scf.if %cond3A_78 {
      %add3A_96 = arith.constant 384 : i32
      %add3A_97 = arith.addi %mul3A_2, %add3A_96 : i32
      "tpu.region"() ({
        %run_scoped3A = tpu.sem_alloc : memref<!tpu.dma_semaphore, #tpu.memory_space<semaphore_mem>>
        %dma_start3A_98 = arith.constant 0 : i32
        %dma_start3A_99 = tpu.memref_slice %arg5[%add3A_97, %dma_start3A_98] : memref<10240x128xf32, #tpu.memory_space<hbm>> -> memref<128x128xf32, #tpu.memory_space<hbm>>
        %dma_start3A_100 = arith.constant 0 : i32
        %dma_start3A_101 = tpu.memref_slice %arg5[%add3A_97, %dma_start3A_100] : memref<10240x128xf32, #tpu.memory_space<hbm>> -> memref<128x128xf32, #tpu.memory_space<hbm>>
        tpu.enqueue_dma source(%arg9 : memref<128x128xf32, #tpu.memory_space<vmem>>) target(%dma_start3A_101 : memref<128x128xf32, #tpu.memory_space<hbm>>) target_semaphore(%run_scoped3A : memref<!tpu.dma_semaphore, #tpu.memory_space<semaphore_mem>>)
        %dma_wait3A_102 = arith.constant 0 : i32
        %dma_wait3A_103 = tpu.memref_slice %arg5[%add3A_97, %dma_wait3A_102] : memref<10240x128xf32, #tpu.memory_space<hbm>> -> memref<128x128xf32, #tpu.memory_space<hbm>>
        %dma_wait3A_104 = arith.constant 0 : i32
        %dma_wait3A_105 = tpu.memref_slice %arg5[%add3A_97, %dma_wait3A_104] : memref<10240x128xf32, #tpu.memory_space<hbm>> -> memref<128x128xf32, #tpu.memory_space<hbm>>
        tpu.wait_dma2 semaphore(%run_scoped3A : memref<!tpu.dma_semaphore, #tpu.memory_space<semaphore_mem>>) src(%arg9 : memref<128x128xf32, #tpu.memory_space<vmem>>) dst(%dma_wait3A_105 : memref<128x128xf32, #tpu.memory_space<hbm>>)
        tpu.yield
      }) : () -> ()
    } else {
    }
    %eq3A_79 = arith.constant 1 : i32
    %eq3A_80 = arith.cmpi eq, %arg0, %eq3A_79 : i32
    %convert_element_type3A_81 = arith.extui %eq3A_80 : i1 to i32
    %cond3A_82 = arith.constant 0 : i32
    %cond3A_83 = arith.cmpi ne, %convert_element_type3A_81, %cond3A_82 : i32
    scf.if %cond3A_83 {
      %add3A_96 = arith.constant 384 : i32
      %add3A_97 = arith.addi %mul3A_2, %add3A_96 : i32
      "tpu.region"() ({
        %run_scoped3A = tpu.sem_alloc : memref<!tpu.dma_semaphore, #tpu.memory_space<semaphore_mem>>
        %dma_start3A_98 = arith.constant 0 : i32
        %dma_start3A_99 = tpu.memref_slice %arg6[%add3A_97, %dma_start3A_98] : memref<10240x128xf32, #tpu.memory_space<hbm>> -> memref<128x128xf32, #tpu.memory_space<hbm>>
        %dma_start3A_100 = arith.constant 0 : i32
        %dma_start3A_101 = tpu.memref_slice %arg6[%add3A_97, %dma_start3A_100] : memref<10240x128xf32, #tpu.memory_space<hbm>> -> memref<128x128xf32, #tpu.memory_space<hbm>>
        tpu.enqueue_dma source(%arg9 : memref<128x128xf32, #tpu.memory_space<vmem>>) target(%dma_start3A_101 : memref<128x128xf32, #tpu.memory_space<hbm>>) target_semaphore(%run_scoped3A : memref<!tpu.dma_semaphore, #tpu.memory_space<semaphore_mem>>)
        %dma_wait3A_102 = arith.constant 0 : i32
        %dma_wait3A_103 = tpu.memref_slice %arg6[%add3A_97, %dma_wait3A_102] : memref<10240x128xf32, #tpu.memory_space<hbm>> -> memref<128x128xf32, #tpu.memory_space<hbm>>
        %dma_wait3A_104 = arith.constant 0 : i32
        %dma_wait3A_105 = tpu.memref_slice %arg6[%add3A_97, %dma_wait3A_104] : memref<10240x128xf32, #tpu.memory_space<hbm>> -> memref<128x128xf32, #tpu.memory_space<hbm>>
        tpu.wait_dma2 semaphore(%run_scoped3A : memref<!tpu.dma_semaphore, #tpu.memory_space<semaphore_mem>>) src(%arg9 : memref<128x128xf32, #tpu.memory_space<vmem>>) dst(%dma_wait3A_105 : memref<128x128xf32, #tpu.memory_space<hbm>>)
        tpu.yield
      }) : () -> ()
    } else {
    }
    %add3A_84 = arith.constant 512 : i32
    %add3A_85 = arith.addi %mul3A_2, %add3A_84 : i32
    "tpu.region"() ({
      %run_scoped3A = tpu.sem_alloc : memref<!tpu.dma_semaphore, #tpu.memory_space<semaphore_mem>>
      %dma_start3A_96 = arith.constant 0 : i32
      %dma_start3A_97 = tpu.memref_slice %arg10[%add3A_85, %dma_start3A_96] : memref<10240x128xf32, #tpu.memory_space<vmem_shared>> -> memref<128x128xf32, #tpu.memory_space<vmem_shared>>
      %dma_start3A_98 = arith.constant 0 : i32
      %dma_start3A_99 = tpu.memref_slice %arg10[%add3A_85, %dma_start3A_98] : memref<10240x128xf32, #tpu.memory_space<vmem_shared>> -> memref<128x128xf32, #tpu.memory_space<vmem_shared>>
      tpu.enqueue_dma source(%dma_start3A_99 : memref<128x128xf32, #tpu.memory_space<vmem_shared>>) target(%arg9 : memref<128x128xf32, #tpu.memory_space<vmem>>) target_semaphore(%run_scoped3A : memref<!tpu.dma_semaphore, #tpu.memory_space<semaphore_mem>>)
      %dma_wait3A_100 = arith.constant 0 : i32
      %dma_wait3A_101 = tpu.memref_slice %arg10[%add3A_85, %dma_wait3A_100] : memref<10240x128xf32, #tpu.memory_space<vmem_shared>> -> memref<128x128xf32, #tpu.memory_space<vmem_shared>>
      %dma_wait3A_102 = arith.constant 0 : i32
      %dma_wait3A_103 = tpu.memref_slice %arg10[%add3A_85, %dma_wait3A_102] : memref<10240x128xf32, #tpu.memory_space<vmem_shared>> -> memref<128x128xf32, #tpu.memory_space<vmem_shared>>
      tpu.wait_dma2 semaphore(%run_scoped3A : memref<!tpu.dma_semaphore, #tpu.memory_space<semaphore_mem>>) src(%dma_wait3A_103 : memref<128x128xf32, #tpu.memory_space<vmem_shared>>) dst(%arg9 : memref<128x128xf32, #tpu.memory_space<vmem>>)
      tpu.yield
    }) : () -> ()
    %eq3A_86 = arith.constant 0 : i32
    %eq3A_87 = arith.cmpi eq, %arg0, %eq3A_86 : i32
    %convert_element_type3A_88 = arith.extui %eq3A_87 : i1 to i32
    %cond3A_89 = arith.constant 0 : i32
    %cond3A_90 = arith.cmpi ne, %convert_element_type3A_88, %cond3A_89 : i32
    scf.if %cond3A_90 {
      %add3A_96 = arith.constant 512 : i32
      %add3A_97 = arith.addi %mul3A_2, %add3A_96 : i32
      "tpu.region"() ({
        %run_scoped3A = tpu.sem_alloc : memref<!tpu.dma_semaphore, #tpu.memory_space<semaphore_mem>>
        %dma_start3A_98 = arith.constant 0 : i32
        %dma_start3A_99 = tpu.memref_slice %arg5[%add3A_97, %dma_start3A_98] : memref<10240x128xf32, #tpu.memory_space<hbm>> -> memref<128x128xf32, #tpu.memory_space<hbm>>
        %dma_start3A_100 = arith.constant 0 : i32
        %dma_start3A_101 = tpu.memref_slice %arg5[%add3A_97, %dma_start3A_100] : memref<10240x128xf32, #tpu.memory_space<hbm>> -> memref<128x128xf32, #tpu.memory_space<hbm>>
        tpu.enqueue_dma source(%arg9 : memref<128x128xf32, #tpu.memory_space<vmem>>) target(%dma_start3A_101 : memref<128x128xf32, #tpu.memory_space<hbm>>) target_semaphore(%run_scoped3A : memref<!tpu.dma_semaphore, #tpu.memory_space<semaphore_mem>>)
        %dma_wait3A_102 = arith.constant 0 : i32
        %dma_wait3A_103 = tpu.memref_slice %arg5[%add3A_97, %dma_wait3A_102] : memref<10240x128xf32, #tpu.memory_space<hbm>> -> memref<128x128xf32, #tpu.memory_space<hbm>>
        %dma_wait3A_104 = arith.constant 0 : i32
        %dma_wait3A_105 = tpu.memref_slice %arg5[%add3A_97, %dma_wait3A_104] : memref<10240x128xf32, #tpu.memory_space<hbm>> -> memref<128x128xf32, #tpu.memory_space<hbm>>
        tpu.wait_dma2 semaphore(%run_scoped3A : memref<!tpu.dma_semaphore, #tpu.memory_space<semaphore_mem>>) src(%arg9 : memref<128x128xf32, #tpu.memory_space<vmem>>) dst(%dma_wait3A_105 : memref<128x128xf32, #tpu.memory_space<hbm>>)
        tpu.yield
      }) : () -> ()
    } else {
    }
    %eq3A_91 = arith.constant 1 : i32
    %eq3A_92 = arith.cmpi eq, %arg0, %eq3A_91 : i32
    %convert_element_type3A_93 = arith.extui %eq3A_92 : i1 to i32
    %cond3A_94 = arith.constant 0 : i32
    %cond3A_95 = arith.cmpi ne, %convert_element_type3A_93, %cond3A_94 : i32
    scf.if %cond3A_95 {
      %add3A_96 = arith.constant 512 : i32
      %add3A_97 = arith.addi %mul3A_2, %add3A_96 : i32
      "tpu.region"() ({
        %run_scoped3A = tpu.sem_alloc : memref<!tpu.dma_semaphore, #tpu.memory_space<semaphore_mem>>
        %dma_start3A_98 = arith.constant 0 : i32
        %dma_start3A_99 = tpu.memref_slice %arg6[%add3A_97, %dma_start3A_98] : memref<10240x128xf32, #tpu.memory_space<hbm>> -> memref<128x128xf32, #tpu.memory_space<hbm>>
        %dma_start3A_100 = arith.constant 0 : i32
        %dma_start3A_101 = tpu.memref_slice %arg6[%add3A_97, %dma_start3A_100] : memref<10240x128xf32, #tpu.memory_space<hbm>> -> memref<128x128xf32, #tpu.memory_space<hbm>>
        tpu.enqueue_dma source(%arg9 : memref<128x128xf32, #tpu.memory_space<vmem>>) target(%dma_start3A_101 : memref<128x128xf32, #tpu.memory_space<hbm>>) target_semaphore(%run_scoped3A : memref<!tpu.dma_semaphore, #tpu.memory_space<semaphore_mem>>)
        %dma_wait3A_102 = arith.constant 0 : i32
        %dma_wait3A_103 = tpu.memref_slice %arg6[%add3A_97, %dma_wait3A_102] : memref<10240x128xf32, #tpu.memory_space<hbm>> -> memref<128x128xf32, #tpu.memory_space<hbm>>
        %dma_wait3A_104 = arith.constant 0 : i32
        %dma_wait3A_105 = tpu.memref_slice %arg6[%add3A_97, %dma_wait3A_104] : memref<10240x128xf32, #tpu.memory_space<hbm>> -> memref<128x128xf32, #tpu.memory_space<hbm>>
        tpu.wait_dma2 semaphore(%run_scoped3A : memref<!tpu.dma_semaphore, #tpu.memory_space<semaphore_mem>>) src(%arg9 : memref<128x128xf32, #tpu.memory_space<vmem>>) dst(%dma_wait3A_105 : memref<128x128xf32, #tpu.memory_space<hbm>>)
        tpu.yield
      }) : () -> ()
    } else {
    }
    return
  }
}

#map = affine_map<(d0, d1) -> (0, 0)>
#map1 = affine_map<(d0, d1) -> (0)>
module attributes {stable_mosaic.version = 14 : i64} {
  func.func @body(%arg0: i32, %arg1: i32, %arg2: memref<10000x128xf32, #tpu.memory_space<hbm>>, %arg3: memref<640000xi32, #tpu.memory_space<hbm>>, %arg4: memref<10240x128xf32, #tpu.memory_space<hbm>>, %arg5: memref<10240x128xf32, #tpu.memory_space<hbm>>, %arg6: memref<10240x128xf32, #tpu.memory_space<hbm>>, %arg7: memref<256xi32, #tpu.memory_space<vmem>>, %arg8: memref<128xi32, #tpu.memory_space<vmem>>, %arg9: memref<128x128xf32, #tpu.memory_space<vmem>>, %arg10: memref<10240x128xf32, #tpu.memory_space<vmem_shared>>, %arg11: memref<!tpu.dma_semaphore, #tpu.memory_space<semaphore_mem>>, %arg12: memref<!tpu.dma_semaphore, #tpu.memory_space<semaphore_mem>>) attributes {dimension_semantics = [#tpu.dimension_semantics<core_parallel>, #tpu.dimension_semantics<subcore_parallel>], iteration_bounds = array<i64: 2, 16>, scalar_prefetch = 0 : i64, scratch_operands = 6 : i64, tpu.core_type = #tpu.core_type<sc_vector_subcore>, window_params = [{transform_indices = #map}, {transform_indices = #map1}, {transform_indices = #map}, {transform_indices = #map}, {transform_indices = #map}]} {
    %mul3A = arith.constant 16 : i32
    %mul3A_0 = arith.muli %arg0, %mul3A : i32
    %add3A = arith.addi %mul3A_0, %arg1 : i32
    %mul3A_1 = arith.constant 640 : i32
    %mul3A_2 = arith.muli %arg1, %mul3A_1 : i32
    "tpu.region"() ({
      %run_scoped3A = tpu.sem_alloc : memref<!tpu.dma_semaphore, #tpu.memory_space<semaphore_mem>>
      %dma_start3A_96 = arith.constant 0 : i32
      %dma_start3A_97 = arith.constant 0 : i32
      %dma_start3A_98 = tpu.memref_slice %arg4[%dma_start3A_96, %dma_start3A_97] : memref<10240x128xf32, #tpu.memory_space<hbm>> -> memref<128x128xf32, #tpu.memory_space<hbm>>
      %dma_start3A_99 = arith.constant 0 : i32
      %dma_start3A_100 = arith.constant 0 : i32
      %dma_start3A_101 = tpu.memref_slice %arg4[%dma_start3A_99, %dma_start3A_100] : memref<10240x128xf32, #tpu.memory_space<hbm>> -> memref<128x128xf32, #tpu.memory_space<hbm>>
      tpu.enqueue_dma source(%dma_start3A_101 : memref<128x128xf32, #tpu.memory_space<hbm>>) target(%arg9 : memref<128x128xf32, #tpu.memory_space<vmem>>) target_semaphore(%run_scoped3A : memref<!tpu.dma_semaphore, #tpu.memory_space<semaphore_mem>>)
      %dma_wait3A_102 = arith.constant 0 : i32
      %dma_wait3A_103 = arith.constant 0 : i32
      %dma_wait3A_104 = tpu.memref_slice %arg4[%dma_wait3A_102, %dma_wait3A_103] : memref<10240x128xf32, #tpu.memory_space<hbm>> -> memref<128x128xf32, #tpu.memory_space<hbm>>
      %dma_wait3A_105 = arith.constant 0 : i32
      %dma_wait3A_106 = arith.constant 0 : i32
      %dma_wait3A_107 = tpu.memref_slice %arg4[%dma_wait3A_105, %dma_wait3A_106] : memref<10240x128xf32, #tpu.memory_space<hbm>> -> memref<128x128xf32, #tpu.memory_space<hbm>>
      tpu.wait_dma2 semaphore(%run_scoped3A : memref<!tpu.dma_semaphore, #tpu.memory_space<semaphore_mem>>) src(%dma_wait3A_107 : memref<128x128xf32, #tpu.memory_space<hbm>>) dst(%arg9 : memref<128x128xf32, #tpu.memory_space<vmem>>)
      tpu.yield
    }) : () -> ()
    %add3A_3 = arith.constant 0 : i32
    %add3A_4 = arith.addi %mul3A_2, %add3A_3 : i32
    "tpu.region"() ({
      %run_scoped3A = tpu.sem_alloc : memref<!tpu.dma_semaphore, #tpu.memory_space<semaphore_mem>>
      %dma_start3A_96 = arith.constant 0 : i32
      %dma_start3A_97 = tpu.memref_slice %arg10[%add3A_4, %dma_start3A_96] : memref<10240x128xf32, #tpu.memory_space<vmem_shared>> -> memref<128x128xf32, #tpu.memory_space<vmem_shared>>
      %dma_start3A_98 = arith.constant 0 : i32
      %dma_start3A_99 = tpu.memref_slice %arg10[%add3A_4, %dma_start3A_98] : memref<10240x128xf32, #tpu.memory_space<vmem_shared>> -> memref<128x128xf32, #tpu.memory_space<vmem_shared>>
      tpu.enqueue_dma source(%arg9 : memref<128x128xf32, #tpu.memory_space<vmem>>) target(%dma_start3A_99 : memref<128x128xf32, #tpu.memory_space<vmem_shared>>) target_semaphore(%run_scoped3A : memref<!tpu.dma_semaphore, #tpu.memory_space<semaphore_mem>>)
      %dma_wait3A_100 = arith.constant 0 : i32
      %dma_wait3A_101 = tpu.memref_slice %arg10[%add3A_4, %dma_wait3A_100] : memref<10240x128xf32, #tpu.memory_space<vmem_shared>> -> memref<128x128xf32, #tpu.memory_space<vmem_shared>>
      %dma_wait3A_102 = arith.constant 0 : i32
      %dma_wait3A_103 = tpu.memref_slice %arg10[%add3A_4, %dma_wait3A_102] : memref<10240x128xf32, #tpu.memory_space<vmem_shared>> -> memref<128x128xf32, #tpu.memory_space<vmem_shared>>
      tpu.wait_dma2 semaphore(%run_scoped3A : memref<!tpu.dma_semaphore, #tpu.memory_space<semaphore_mem>>) src(%arg9 : memref<128x128xf32, #tpu.memory_space<vmem>>) dst(%dma_wait3A_103 : memref<128x128xf32, #tpu.memory_space<vmem_shared>>)
      tpu.yield
    }) : () -> ()
    %add3A_5 = arith.constant 128 : i32
    %add3A_6 = arith.addi %mul3A_2, %add3A_5 : i32
    "tpu.region"() ({
      %run_scoped3A = tpu.sem_alloc : memref<!tpu.dma_semaphore, #tpu.memory_space<semaphore_mem>>
      %dma_start3A_96 = arith.constant 0 : i32
      %dma_start3A_97 = tpu.memref_slice %arg10[%add3A_6, %dma_start3A_96] : memref<10240x128xf32, #tpu.memory_space<vmem_shared>> -> memref<128x128xf32, #tpu.memory_space<vmem_shared>>
      %dma_start3A_98 = arith.constant 0 : i32
      %dma_start3A_99 = tpu.memref_slice %arg10[%add3A_6, %dma_start3A_98] : memref<10240x128xf32, #tpu.memory_space<vmem_shared>> -> memref<128x128xf32, #tpu.memory_space<vmem_shared>>
      tpu.enqueue_dma source(%arg9 : memref<128x128xf32, #tpu.memory_space<vmem>>) target(%dma_start3A_99 : memref<128x128xf32, #tpu.memory_space<vmem_shared>>) target_semaphore(%run_scoped3A : memref<!tpu.dma_semaphore, #tpu.memory_space<semaphore_mem>>)
      %dma_wait3A_100 = arith.constant 0 : i32
      %dma_wait3A_101 = tpu.memref_slice %arg10[%add3A_6, %dma_wait3A_100] : memref<10240x128xf32, #tpu.memory_space<vmem_shared>> -> memref<128x128xf32, #tpu.memory_space<vmem_shared>>
      %dma_wait3A_102 = arith.constant 0 : i32
      %dma_wait3A_103 = tpu.memref_slice %arg10[%add3A_6, %dma_wait3A_102] : memref<10240x128xf32, #tpu.memory_space<vmem_shared>> -> memref<128x128xf32, #tpu.memory_space<vmem_shared>>
      tpu.wait_dma2 semaphore(%run_scoped3A : memref<!tpu.dma_semaphore, #tpu.memory_space<semaphore_mem>>) src(%arg9 : memref<128x128xf32, #tpu.memory_space<vmem>>) dst(%dma_wait3A_103 : memref<128x128xf32, #tpu.memory_space<vmem_shared>>)
      tpu.yield
    }) : () -> ()
    %add3A_7 = arith.constant 256 : i32
    %add3A_8 = arith.addi %mul3A_2, %add3A_7 : i32
    "tpu.region"() ({
      %run_scoped3A = tpu.sem_alloc : memref<!tpu.dma_semaphore, #tpu.memory_space<semaphore_mem>>
      %dma_start3A_96 = arith.constant 0 : i32
      %dma_start3A_97 = tpu.memref_slice %arg10[%add3A_8, %dma_start3A_96] : memref<10240x128xf32, #tpu.memory_space<vmem_shared>> -> memref<128x128xf32, #tpu.memory_space<vmem_shared>>
      %dma_start3A_98 = arith.constant 0 : i32
      %dma_start3A_99 = tpu.memref_slice %arg10[%add3A_8, %dma_start3A_98] : memref<10240x128xf32, #tpu.memory_space<vmem_shared>> -> memref<128x128xf32, #tpu.memory_space<vmem_shared>>
      tpu.enqueue_dma source(%arg9 : memref<128x128xf32, #tpu.memory_space<vmem>>) target(%dma_start3A_99 : memref<128x128xf32, #tpu.memory_space<vmem_shared>>) target_semaphore(%run_scoped3A : memref<!tpu.dma_semaphore, #tpu.memory_space<semaphore_mem>>)
      %dma_wait3A_100 = arith.constant 0 : i32
      %dma_wait3A_101 = tpu.memref_slice %arg10[%add3A_8, %dma_wait3A_100] : memref<10240x128xf32, #tpu.memory_space<vmem_shared>> -> memref<128x128xf32, #tpu.memory_space<vmem_shared>>
      %dma_wait3A_102 = arith.constant 0 : i32
      %dma_wait3A_103 = tpu.memref_slice %arg10[%add3A_8, %dma_wait3A_102] : memref<10240x128xf32, #tpu.memory_space<vmem_shared>> -> memref<128x128xf32, #tpu.memory_space<vmem_shared>>
      tpu.wait_dma2 semaphore(%run_scoped3A : memref<!tpu.dma_semaphore, #tpu.memory_space<semaphore_mem>>) src(%arg9 : memref<128x128xf32, #tpu.memory_space<vmem>>) dst(%dma_wait3A_103 : memref<128x128xf32, #tpu.memory_space<vmem_shared>>)
      tpu.yield
    }) : () -> ()
    %add3A_9 = arith.constant 384 : i32
    %add3A_10 = arith.addi %mul3A_2, %add3A_9 : i32
    "tpu.region"() ({
      %run_scoped3A = tpu.sem_alloc : memref<!tpu.dma_semaphore, #tpu.memory_space<semaphore_mem>>
      %dma_start3A_96 = arith.constant 0 : i32
      %dma_start3A_97 = tpu.memref_slice %arg10[%add3A_10, %dma_start3A_96] : memref<10240x128xf32, #tpu.memory_space<vmem_shared>> -> memref<128x128xf32, #tpu.memory_space<vmem_shared>>
      %dma_start3A_98 = arith.constant 0 : i32
      %dma_start3A_99 = tpu.memref_slice %arg10[%add3A_10, %dma_start3A_98] : memref<10240x128xf32, #tpu.memory_space<vmem_shared>> -> memref<128x128xf32, #tpu.memory_space<vmem_shared>>
      tpu.enqueue_dma source(%arg9 : memref<128x128xf32, #tpu.memory_space<vmem>>) target(%dma_start3A_99 : memref<128x128xf32, #tpu.memory_space<vmem_shared>>) target_semaphore(%run_scoped3A : memref<!tpu.dma_semaphore, #tpu.memory_space<semaphore_mem>>)
      %dma_wait3A_100 = arith.constant 0 : i32
      %dma_wait3A_101 = tpu.memref_slice %arg10[%add3A_10, %dma_wait3A_100] : memref<10240x128xf32, #tpu.memory_space<vmem_shared>> -> memref<128x128xf32, #tpu.memory_space<vmem_shared>>
      %dma_wait3A_102 = arith.constant 0 : i32
      %dma_wait3A_103 = tpu.memref_slice %arg10[%add3A_10, %dma_wait3A_102] : memref<10240x128xf32, #tpu.memory_space<vmem_shared>> -> memref<128x128xf32, #tpu.memory_space<vmem_shared>>
      tpu.wait_dma2 semaphore(%run_scoped3A : memref<!tpu.dma_semaphore, #tpu.memory_space<semaphore_mem>>) src(%arg9 : memref<128x128xf32, #tpu.memory_space<vmem>>) dst(%dma_wait3A_103 : memref<128x128xf32, #tpu.memory_space<vmem_shared>>)
      tpu.yield
    }) : () -> ()
    %add3A_11 = arith.constant 512 : i32
    %add3A_12 = arith.addi %mul3A_2, %add3A_11 : i32
    "tpu.region"() ({
      %run_scoped3A = tpu.sem_alloc : memref<!tpu.dma_semaphore, #tpu.memory_space<semaphore_mem>>
      %dma_start3A_96 = arith.constant 0 : i32
      %dma_start3A_97 = tpu.memref_slice %arg10[%add3A_12, %dma_start3A_96] : memref<10240x128xf32, #tpu.memory_space<vmem_shared>> -> memref<128x128xf32, #tpu.memory_space<vmem_shared>>
      %dma_start3A_98 = arith.constant 0 : i32
      %dma_start3A_99 = tpu.memref_slice %arg10[%add3A_12, %dma_start3A_98] : memref<10240x128xf32, #tpu.memory_space<vmem_shared>> -> memref<128x128xf32, #tpu.memory_space<vmem_shared>>
      tpu.enqueue_dma source(%arg9 : memref<128x128xf32, #tpu.memory_space<vmem>>) target(%dma_start3A_99 : memref<128x128xf32, #tpu.memory_space<vmem_shared>>) target_semaphore(%run_scoped3A : memref<!tpu.dma_semaphore, #tpu.memory_space<semaphore_mem>>)
      %dma_wait3A_100 = arith.constant 0 : i32
      %dma_wait3A_101 = tpu.memref_slice %arg10[%add3A_12, %dma_wait3A_100] : memref<10240x128xf32, #tpu.memory_space<vmem_shared>> -> memref<128x128xf32, #tpu.memory_space<vmem_shared>>
      %dma_wait3A_102 = arith.constant 0 : i32
      %dma_wait3A_103 = tpu.memref_slice %arg10[%add3A_12, %dma_wait3A_102] : memref<10240x128xf32, #tpu.memory_space<vmem_shared>> -> memref<128x128xf32, #tpu.memory_space<vmem_shared>>
      tpu.wait_dma2 semaphore(%run_scoped3A : memref<!tpu.dma_semaphore, #tpu.memory_space<semaphore_mem>>) src(%arg9 : memref<128x128xf32, #tpu.memory_space<vmem>>) dst(%dma_wait3A_103 : memref<128x128xf32, #tpu.memory_space<vmem_shared>>)
      tpu.yield
    }) : () -> ()
    %barrier3A = arith.constant 0 : index
    tpu.barrier barrier_id(%barrier3A)
    %lt3A = arith.constant 4 : i32
    %lt3A_13 = arith.cmpi slt, %add3A, %lt3A : i32
    %jit3A = arith.constant 79 : i32
    %jit3A_14 = arith.constant 78 : i32
    %select_n3A = arith.select %lt3A_13, %jit3A, %jit3A_14 : i32
    %add3A_15 = arith.constant 0 : i32
    %add3A_16 = arith.addi %add3A, %add3A_15 : i32
    %min3A = arith.constant 2499 : i32
    %min3A_17 = arith.minsi %add3A_16, %min3A : i32
    %mul3A_18 = arith.constant 256 : i32
    %mul3A_19 = arith.muli %min3A_17, %mul3A_18 : i32
    %multiple_of3A = tpu.assume_multiple %mul3A_19, 256 : i32
    %dma_start3A = tpu.memref_slice %arg3[%multiple_of3A] : memref<640000xi32, #tpu.memory_space<hbm>> -> memref<256xi32, #tpu.memory_space<hbm>>
    %dma_start3A_20 = tpu.memref_slice %arg3[%multiple_of3A] : memref<640000xi32, #tpu.memory_space<hbm>> -> memref<256xi32, #tpu.memory_space<hbm>>
    tpu.enqueue_dma source(%dma_start3A_20 : memref<256xi32, #tpu.memory_space<hbm>>) target(%arg7 : memref<256xi32, #tpu.memory_space<vmem>>) target_semaphore(%arg12 : memref<!tpu.dma_semaphore, #tpu.memory_space<semaphore_mem>>)
    %while3A = arith.constant 0 : i32
    %while3A_21 = arith.constant 0 : i32
    %while3A_22 = arith.subi %select_n3A, %while3A_21 : i32
    %while3A_23 = arith.addi %while3A_21, %while3A_22 : i32
    %while3A_24 = arith.constant 1 : i32
    %while3A_25 = arith.divsi %while3A_22, %while3A_24 : i32
    %while3A_26 = arith.muli %while3A_25, %while3A_24 : i32
    %while3A_27 = arith.addi %while3A_21, %while3A_26 : i32
    %while3A_28 = arith.constant 1 : i32
    scf.for %while3A_96 = %while3A_21 to %while3A_27 step %while3A_28  : i32 {
      %mul3A_97 = arith.constant 32 : i32
      %mul3A_98 = arith.muli %mul3A_97, %while3A_96 : i32
      %add3A_99 = arith.addi %add3A, %mul3A_98 : i32
      %min3A_100 = arith.constant 2499 : i32
      %min3A_101 = arith.minsi %add3A_99, %min3A_100 : i32
      %mul3A_102 = arith.constant 256 : i32
      %mul3A_103 = arith.muli %min3A_101, %mul3A_102 : i32
      %multiple_of3A_104 = tpu.assume_multiple %mul3A_103, 256 : i32
      %dma_wait3A_105 = tpu.memref_slice %arg3[%multiple_of3A_104] : memref<640000xi32, #tpu.memory_space<hbm>> -> memref<256xi32, #tpu.memory_space<hbm>>
      %dma_wait3A_106 = tpu.memref_slice %arg3[%multiple_of3A_104] : memref<640000xi32, #tpu.memory_space<hbm>> -> memref<256xi32, #tpu.memory_space<hbm>>
      tpu.wait_dma2 semaphore(%arg12 : memref<!tpu.dma_semaphore, #tpu.memory_space<semaphore_mem>>) src(%dma_wait3A_106 : memref<256xi32, #tpu.memory_space<hbm>>) dst(%arg7 : memref<256xi32, #tpu.memory_space<vmem>>)
      %dma_start3A_107 = arith.constant 0 : i32
      %dma_start3A_108 = tpu.memref_slice %arg7[%dma_start3A_107] : memref<256xi32, #tpu.memory_space<vmem>> -> memref<128xi32, #tpu.memory_space<vmem>>
      %dma_start3A_109 = arith.constant 0 : i32
      %dma_start3A_110 = arith.constant 0 : i32
      %dma_start3A_111 = tpu.memref_slice %arg2[%dma_start3A_109, %dma_start3A_110] : memref<10000x128xf32, #tpu.memory_space<hbm>> -> memref<10000x128xf32, #tpu.memory_space<hbm>>
      tpu.enqueue_indirect_dma source(%dma_start3A_111 : memref<10000x128xf32, #tpu.memory_space<hbm>>) target(%arg9 : memref<128x128xf32, #tpu.memory_space<vmem>>) offsets(%dma_start3A_108 : memref<128xi32, #tpu.memory_space<vmem>>) semaphore(%arg11 : memref<!tpu.dma_semaphore, #tpu.memory_space<semaphore_mem>>)
      %dma_wait3A_112 = arith.constant 0 : i32
      %dma_wait3A_113 = tpu.memref_slice %arg7[%dma_wait3A_112] : memref<256xi32, #tpu.memory_space<vmem>> -> memref<128xi32, #tpu.memory_space<vmem>>
      %dma_wait3A_114 = arith.constant 0 : i32
      %dma_wait3A_115 = arith.constant 0 : i32
      %dma_wait3A_116 = tpu.memref_slice %arg2[%dma_wait3A_114, %dma_wait3A_115] : memref<10000x128xf32, #tpu.memory_space<hbm>> -> memref<10000x128xf32, #tpu.memory_space<hbm>>
      tpu.wait_indirect_dma semaphore(%arg11 : memref<!tpu.dma_semaphore, #tpu.memory_space<semaphore_mem>>) src(%dma_wait3A_116 : memref<10000x128xf32, #tpu.memory_space<hbm>>) dst(%arg9 : memref<128x128xf32, #tpu.memory_space<vmem>>)
      %get3A = arith.constant 128 : index
      %get3A_117 = tpu.vector_load %arg7[%get3A] {strides = array<i32>} : memref<256xi32, #tpu.memory_space<vmem>>, vector<16xi32>,
      %get3A_118 = vector.shape_cast %get3A_117 : vector<16xi32> to vector<16xi32>
      %swap3A = arith.constant 0 : index
      %swap3A_119 = tpu.vector_load %arg8[%swap3A] {strides = array<i32>} : memref<128xi32, #tpu.memory_space<vmem>>, vector<16xi32>,
      %swap3A_120 = vector.shape_cast %swap3A_119 : vector<16xi32> to vector<16xi32>
      %swap3A_121 = vector.shape_cast %get3A_118 : vector<16xi32> to vector<16xi32>
      tpu.vector_store %arg8[%swap3A], %swap3A_121 {strides = array<i32>} : memref<128xi32, #tpu.memory_space<vmem>>, vector<16xi32>,
      %get3A_122 = arith.constant 144 : index
      %get3A_123 = tpu.vector_load %arg7[%get3A_122] {strides = array<i32>} : memref<256xi32, #tpu.memory_space<vmem>>, vector<16xi32>,
      %get3A_124 = vector.shape_cast %get3A_123 : vector<16xi32> to vector<16xi32>
      %swap3A_125 = arith.constant 16 : index
      %swap3A_126 = tpu.vector_load %arg8[%swap3A_125] {strides = array<i32>} : memref<128xi32, #tpu.memory_space<vmem>>, vector<16xi32>,
      %swap3A_127 = vector.shape_cast %swap3A_126 : vector<16xi32> to vector<16xi32>
      %swap3A_128 = vector.shape_cast %get3A_124 : vector<16xi32> to vector<16xi32>
      tpu.vector_store %arg8[%swap3A_125], %swap3A_128 {strides = array<i32>} : memref<128xi32, #tpu.memory_space<vmem>>, vector<16xi32>,
      %get3A_129 = arith.constant 160 : index
      %get3A_130 = tpu.vector_load %arg7[%get3A_129] {strides = array<i32>} : memref<256xi32, #tpu.memory_space<vmem>>, vector<16xi32>,
      %get3A_131 = vector.shape_cast %get3A_130 : vector<16xi32> to vector<16xi32>
      %swap3A_132 = arith.constant 32 : index
      %swap3A_133 = tpu.vector_load %arg8[%swap3A_132] {strides = array<i32>} : memref<128xi32, #tpu.memory_space<vmem>>, vector<16xi32>,
      %swap3A_134 = vector.shape_cast %swap3A_133 : vector<16xi32> to vector<16xi32>
      %swap3A_135 = vector.shape_cast %get3A_131 : vector<16xi32> to vector<16xi32>
      tpu.vector_store %arg8[%swap3A_132], %swap3A_135 {strides = array<i32>} : memref<128xi32, #tpu.memory_space<vmem>>, vector<16xi32>,
      %get3A_136 = arith.constant 176 : index
      %get3A_137 = tpu.vector_load %arg7[%get3A_136] {strides = array<i32>} : memref<256xi32, #tpu.memory_space<vmem>>, vector<16xi32>,
      %get3A_138 = vector.shape_cast %get3A_137 : vector<16xi32> to vector<16xi32>
      %swap3A_139 = arith.constant 48 : index
      %swap3A_140 = tpu.vector_load %arg8[%swap3A_139] {strides = array<i32>} : memref<128xi32, #tpu.memory_space<vmem>>, vector<16xi32>,
      %swap3A_141 = vector.shape_cast %swap3A_140 : vector<16xi32> to vector<16xi32>
      %swap3A_142 = vector.shape_cast %get3A_138 : vector<16xi32> to vector<16xi32>
      tpu.vector_store %arg8[%swap3A_139], %swap3A_142 {strides = array<i32>} : memref<128xi32, #tpu.memory_space<vmem>>, vector<16xi32>,
      %get3A_143 = arith.constant 192 : index
      %get3A_144 = tpu.vector_load %arg7[%get3A_143] {strides = array<i32>} : memref<256xi32, #tpu.memory_space<vmem>>, vector<16xi32>,
      %get3A_145 = vector.shape_cast %get3A_144 : vector<16xi32> to vector<16xi32>
      %swap3A_146 = arith.constant 64 : index
      %swap3A_147 = tpu.vector_load %arg8[%swap3A_146] {strides = array<i32>} : memref<128xi32, #tpu.memory_space<vmem>>, vector<16xi32>,
      %swap3A_148 = vector.shape_cast %swap3A_147 : vector<16xi32> to vector<16xi32>
      %swap3A_149 = vector.shape_cast %get3A_145 : vector<16xi32> to vector<16xi32>
      tpu.vector_store %arg8[%swap3A_146], %swap3A_149 {strides = array<i32>} : memref<128xi32, #tpu.memory_space<vmem>>, vector<16xi32>,
      %get3A_150 = arith.constant 208 : index
      %get3A_151 = tpu.vector_load %arg7[%get3A_150] {strides = array<i32>} : memref<256xi32, #tpu.memory_space<vmem>>, vector<16xi32>,
      %get3A_152 = vector.shape_cast %get3A_151 : vector<16xi32> to vector<16xi32>
      %swap3A_153 = arith.constant 80 : index
      %swap3A_154 = tpu.vector_load %arg8[%swap3A_153] {strides = array<i32>} : memref<128xi32, #tpu.memory_space<vmem>>, vector<16xi32>,
      %swap3A_155 = vector.shape_cast %swap3A_154 : vector<16xi32> to vector<16xi32>
      %swap3A_156 = vector.shape_cast %get3A_152 : vector<16xi32> to vector<16xi32>
      tpu.vector_store %arg8[%swap3A_153], %swap3A_156 {strides = array<i32>} : memref<128xi32, #tpu.memory_space<vmem>>, vector<16xi32>,
      %get3A_157 = arith.constant 224 : index
      %get3A_158 = tpu.vector_load %arg7[%get3A_157] {strides = array<i32>} : memref<256xi32, #tpu.memory_space<vmem>>, vector<16xi32>,
      %get3A_159 = vector.shape_cast %get3A_158 : vector<16xi32> to vector<16xi32>
      %swap3A_160 = arith.constant 96 : index
      %swap3A_161 = tpu.vector_load %arg8[%swap3A_160] {strides = array<i32>} : memref<128xi32, #tpu.memory_space<vmem>>, vector<16xi32>,
      %swap3A_162 = vector.shape_cast %swap3A_161 : vector<16xi32> to vector<16xi32>
      %swap3A_163 = vector.shape_cast %get3A_159 : vector<16xi32> to vector<16xi32>
      tpu.vector_store %arg8[%swap3A_160], %swap3A_163 {strides = array<i32>} : memref<128xi32, #tpu.memory_space<vmem>>, vector<16xi32>,
      %get3A_164 = arith.constant 240 : index
      %get3A_165 = tpu.vector_load %arg7[%get3A_164] {strides = array<i32>} : memref<256xi32, #tpu.memory_space<vmem>>, vector<16xi32>,
      %get3A_166 = vector.shape_cast %get3A_165 : vector<16xi32> to vector<16xi32>
      %swap3A_167 = arith.constant 112 : index
      %swap3A_168 = tpu.vector_load %arg8[%swap3A_167] {strides = array<i32>} : memref<128xi32, #tpu.memory_space<vmem>>, vector<16xi32>,
      %swap3A_169 = vector.shape_cast %swap3A_168 : vector<16xi32> to vector<16xi32>
      %swap3A_170 = vector.shape_cast %get3A_166 : vector<16xi32> to vector<16xi32>
      tpu.vector_store %arg8[%swap3A_167], %swap3A_170 {strides = array<i32>} : memref<128xi32, #tpu.memory_space<vmem>>, vector<16xi32>,
      %add3A_171 = arith.constant 1 : i32
      %add3A_172 = arith.addi %while3A_96, %add3A_171 : i32
      %mul3A_173 = arith.constant 32 : i32
      %mul3A_174 = arith.muli %mul3A_173, %add3A_172 : i32
      %add3A_175 = arith.addi %add3A, %mul3A_174 : i32
      %min3A_176 = arith.constant 2499 : i32
      %min3A_177 = arith.minsi %add3A_175, %min3A_176 : i32
      %mul3A_178 = arith.constant 256 : i32
      %mul3A_179 = arith.muli %min3A_177, %mul3A_178 : i32
      %multiple_of3A_180 = tpu.assume_multiple %mul3A_179, 256 : i32
      %dma_start3A_181 = tpu.memref_slice %arg3[%multiple_of3A_180] : memref<640000xi32, #tpu.memory_space<hbm>> -> memref<256xi32, #tpu.memory_space<hbm>>
      %dma_start3A_182 = tpu.memref_slice %arg3[%multiple_of3A_180] : memref<640000xi32, #tpu.memory_space<hbm>> -> memref<256xi32, #tpu.memory_space<hbm>>
      tpu.enqueue_dma source(%dma_start3A_182 : memref<256xi32, #tpu.memory_space<hbm>>) target(%arg7 : memref<256xi32, #tpu.memory_space<vmem>>) target_semaphore(%arg12 : memref<!tpu.dma_semaphore, #tpu.memory_space<semaphore_mem>>)
      "tpu.region"() ({
        %run_scoped3A = tpu.sem_alloc : memref<!tpu.dma_semaphore, #tpu.memory_space<semaphore_mem>>
        %dma_start3A_183 = arith.constant 0 : i32
        %dma_start3A_184 = arith.constant 0 : i32
        %dma_start3A_185 = tpu.memref_slice %arg10[%dma_start3A_183, %dma_start3A_184] : memref<10240x128xf32, #tpu.memory_space<vmem_shared>> -> memref<10240x128xf32, #tpu.memory_space<vmem_shared>>
        tpu.enqueue_indirect_dma source(%arg9 : memref<128x128xf32, #tpu.memory_space<vmem>>) target(%dma_start3A_185 : memref<10240x128xf32, #tpu.memory_space<vmem_shared>>) offsets(%arg8 : memref<128xi32, #tpu.memory_space<vmem>>) semaphore(%run_scoped3A : memref<!tpu.dma_semaphore, #tpu.memory_space<semaphore_mem>>) {add = true}
        %dma_wait3A_186 = arith.constant 0 : i32
        %dma_wait3A_187 = arith.constant 0 : i32
        %dma_wait3A_188 = tpu.memref_slice %arg10[%dma_wait3A_186, %dma_wait3A_187] : memref<10240x128xf32, #tpu.memory_space<vmem_shared>> -> memref<10240x128xf32, #tpu.memory_space<vmem_shared>>
        tpu.wait_indirect_dma semaphore(%run_scoped3A : memref<!tpu.dma_semaphore, #tpu.memory_space<semaphore_mem>>) src(%arg9 : memref<128x128xf32, #tpu.memory_space<vmem>>) dst(%dma_wait3A_188 : memref<10240x128xf32, #tpu.memory_space<vmem_shared>>)
        tpu.yield
      }) : () -> ()
    }
    %while3A_29 = arith.constant 1 : i32
    scf.for %while3A_96 = %while3A_27 to %while3A_23 step %while3A_29  : i32 {
      %mul3A_97 = arith.constant 32 : i32
      %mul3A_98 = arith.muli %mul3A_97, %while3A_96 : i32
      %add3A_99 = arith.addi %add3A, %mul3A_98 : i32
      %min3A_100 = arith.constant 2499 : i32
      %min3A_101 = arith.minsi %add3A_99, %min3A_100 : i32
      %mul3A_102 = arith.constant 256 : i32
      %mul3A_103 = arith.muli %min3A_101, %mul3A_102 : i32
      %multiple_of3A_104 = tpu.assume_multiple %mul3A_103, 256 : i32
      %dma_wait3A_105 = tpu.memref_slice %arg3[%multiple_of3A_104] : memref<640000xi32, #tpu.memory_space<hbm>> -> memref<256xi32, #tpu.memory_space<hbm>>
      %dma_wait3A_106 = tpu.memref_slice %arg3[%multiple_of3A_104] : memref<640000xi32, #tpu.memory_space<hbm>> -> memref<256xi32, #tpu.memory_space<hbm>>
      tpu.wait_dma2 semaphore(%arg12 : memref<!tpu.dma_semaphore, #tpu.memory_space<semaphore_mem>>) src(%dma_wait3A_106 : memref<256xi32, #tpu.memory_space<hbm>>) dst(%arg7 : memref<256xi32, #tpu.memory_space<vmem>>)
      %dma_start3A_107 = arith.constant 0 : i32
      %dma_start3A_108 = tpu.memref_slice %arg7[%dma_start3A_107] : memref<256xi32, #tpu.memory_space<vmem>> -> memref<128xi32, #tpu.memory_space<vmem>>
      %dma_start3A_109 = arith.constant 0 : i32
      %dma_start3A_110 = arith.constant 0 : i32
      %dma_start3A_111 = tpu.memref_slice %arg2[%dma_start3A_109, %dma_start3A_110] : memref<10000x128xf32, #tpu.memory_space<hbm>> -> memref<10000x128xf32, #tpu.memory_space<hbm>>
      tpu.enqueue_indirect_dma source(%dma_start3A_111 : memref<10000x128xf32, #tpu.memory_space<hbm>>) target(%arg9 : memref<128x128xf32, #tpu.memory_space<vmem>>) offsets(%dma_start3A_108 : memref<128xi32, #tpu.memory_space<vmem>>) semaphore(%arg11 : memref<!tpu.dma_semaphore, #tpu.memory_space<semaphore_mem>>)
      %dma_wait3A_112 = arith.constant 0 : i32
      %dma_wait3A_113 = tpu.memref_slice %arg7[%dma_wait3A_112] : memref<256xi32, #tpu.memory_space<vmem>> -> memref<128xi32, #tpu.memory_space<vmem>>
      %dma_wait3A_114 = arith.constant 0 : i32
      %dma_wait3A_115 = arith.constant 0 : i32
      %dma_wait3A_116 = tpu.memref_slice %arg2[%dma_wait3A_114, %dma_wait3A_115] : memref<10000x128xf32, #tpu.memory_space<hbm>> -> memref<10000x128xf32, #tpu.memory_space<hbm>>
      tpu.wait_indirect_dma semaphore(%arg11 : memref<!tpu.dma_semaphore, #tpu.memory_space<semaphore_mem>>) src(%dma_wait3A_116 : memref<10000x128xf32, #tpu.memory_space<hbm>>) dst(%arg9 : memref<128x128xf32, #tpu.memory_space<vmem>>)
      %get3A = arith.constant 128 : index
      %get3A_117 = tpu.vector_load %arg7[%get3A] {strides = array<i32>} : memref<256xi32, #tpu.memory_space<vmem>>, vector<16xi32>,
      %get3A_118 = vector.shape_cast %get3A_117 : vector<16xi32> to vector<16xi32>
      %swap3A = arith.constant 0 : index
      %swap3A_119 = tpu.vector_load %arg8[%swap3A] {strides = array<i32>} : memref<128xi32, #tpu.memory_space<vmem>>, vector<16xi32>,
      %swap3A_120 = vector.shape_cast %swap3A_119 : vector<16xi32> to vector<16xi32>
      %swap3A_121 = vector.shape_cast %get3A_118 : vector<16xi32> to vector<16xi32>
      tpu.vector_store %arg8[%swap3A], %swap3A_121 {strides = array<i32>} : memref<128xi32, #tpu.memory_space<vmem>>, vector<16xi32>,
      %get3A_122 = arith.constant 144 : index
      %get3A_123 = tpu.vector_load %arg7[%get3A_122] {strides = array<i32>} : memref<256xi32, #tpu.memory_space<vmem>>, vector<16xi32>,
      %get3A_124 = vector.shape_cast %get3A_123 : vector<16xi32> to vector<16xi32>
      %swap3A_125 = arith.constant 16 : index
      %swap3A_126 = tpu.vector_load %arg8[%swap3A_125] {strides = array<i32>} : memref<128xi32, #tpu.memory_space<vmem>>, vector<16xi32>,
      %swap3A_127 = vector.shape_cast %swap3A_126 : vector<16xi32> to vector<16xi32>
      %swap3A_128 = vector.shape_cast %get3A_124 : vector<16xi32> to vector<16xi32>
      tpu.vector_store %arg8[%swap3A_125], %swap3A_128 {strides = array<i32>} : memref<128xi32, #tpu.memory_space<vmem>>, vector<16xi32>,
      %get3A_129 = arith.constant 160 : index
      %get3A_130 = tpu.vector_load %arg7[%get3A_129] {strides = array<i32>} : memref<256xi32, #tpu.memory_space<vmem>>, vector<16xi32>,
      %get3A_131 = vector.shape_cast %get3A_130 : vector<16xi32> to vector<16xi32>
      %swap3A_132 = arith.constant 32 : index
      %swap3A_133 = tpu.vector_load %arg8[%swap3A_132] {strides = array<i32>} : memref<128xi32, #tpu.memory_space<vmem>>, vector<16xi32>,
      %swap3A_134 = vector.shape_cast %swap3A_133 : vector<16xi32> to vector<16xi32>
      %swap3A_135 = vector.shape_cast %get3A_131 : vector<16xi32> to vector<16xi32>
      tpu.vector_store %arg8[%swap3A_132], %swap3A_135 {strides = array<i32>} : memref<128xi32, #tpu.memory_space<vmem>>, vector<16xi32>,
      %get3A_136 = arith.constant 176 : index
      %get3A_137 = tpu.vector_load %arg7[%get3A_136] {strides = array<i32>} : memref<256xi32, #tpu.memory_space<vmem>>, vector<16xi32>,
      %get3A_138 = vector.shape_cast %get3A_137 : vector<16xi32> to vector<16xi32>
      %swap3A_139 = arith.constant 48 : index
      %swap3A_140 = tpu.vector_load %arg8[%swap3A_139] {strides = array<i32>} : memref<128xi32, #tpu.memory_space<vmem>>, vector<16xi32>,
      %swap3A_141 = vector.shape_cast %swap3A_140 : vector<16xi32> to vector<16xi32>
      %swap3A_142 = vector.shape_cast %get3A_138 : vector<16xi32> to vector<16xi32>
      tpu.vector_store %arg8[%swap3A_139], %swap3A_142 {strides = array<i32>} : memref<128xi32, #tpu.memory_space<vmem>>, vector<16xi32>,
      %get3A_143 = arith.constant 192 : index
      %get3A_144 = tpu.vector_load %arg7[%get3A_143] {strides = array<i32>} : memref<256xi32, #tpu.memory_space<vmem>>, vector<16xi32>,
      %get3A_145 = vector.shape_cast %get3A_144 : vector<16xi32> to vector<16xi32>
      %swap3A_146 = arith.constant 64 : index
      %swap3A_147 = tpu.vector_load %arg8[%swap3A_146] {strides = array<i32>} : memref<128xi32, #tpu.memory_space<vmem>>, vector<16xi32>,
      %swap3A_148 = vector.shape_cast %swap3A_147 : vector<16xi32> to vector<16xi32>
      %swap3A_149 = vector.shape_cast %get3A_145 : vector<16xi32> to vector<16xi32>
      tpu.vector_store %arg8[%swap3A_146], %swap3A_149 {strides = array<i32>} : memref<128xi32, #tpu.memory_space<vmem>>, vector<16xi32>,
      %get3A_150 = arith.constant 208 : index
      %get3A_151 = tpu.vector_load %arg7[%get3A_150] {strides = array<i32>} : memref<256xi32, #tpu.memory_space<vmem>>, vector<16xi32>,
      %get3A_152 = vector.shape_cast %get3A_151 : vector<16xi32> to vector<16xi32>
      %swap3A_153 = arith.constant 80 : index
      %swap3A_154 = tpu.vector_load %arg8[%swap3A_153] {strides = array<i32>} : memref<128xi32, #tpu.memory_space<vmem>>, vector<16xi32>,
      %swap3A_155 = vector.shape_cast %swap3A_154 : vector<16xi32> to vector<16xi32>
      %swap3A_156 = vector.shape_cast %get3A_152 : vector<16xi32> to vector<16xi32>
      tpu.vector_store %arg8[%swap3A_153], %swap3A_156 {strides = array<i32>} : memref<128xi32, #tpu.memory_space<vmem>>, vector<16xi32>,
      %get3A_157 = arith.constant 224 : index
      %get3A_158 = tpu.vector_load %arg7[%get3A_157] {strides = array<i32>} : memref<256xi32, #tpu.memory_space<vmem>>, vector<16xi32>,
      %get3A_159 = vector.shape_cast %get3A_158 : vector<16xi32> to vector<16xi32>
      %swap3A_160 = arith.constant 96 : index
      %swap3A_161 = tpu.vector_load %arg8[%swap3A_160] {strides = array<i32>} : memref<128xi32, #tpu.memory_space<vmem>>, vector<16xi32>,
      %swap3A_162 = vector.shape_cast %swap3A_161 : vector<16xi32> to vector<16xi32>
      %swap3A_163 = vector.shape_cast %get3A_159 : vector<16xi32> to vector<16xi32>
      tpu.vector_store %arg8[%swap3A_160], %swap3A_163 {strides = array<i32>} : memref<128xi32, #tpu.memory_space<vmem>>, vector<16xi32>,
      %get3A_164 = arith.constant 240 : index
      %get3A_165 = tpu.vector_load %arg7[%get3A_164] {strides = array<i32>} : memref<256xi32, #tpu.memory_space<vmem>>, vector<16xi32>,
      %get3A_166 = vector.shape_cast %get3A_165 : vector<16xi32> to vector<16xi32>
      %swap3A_167 = arith.constant 112 : index
      %swap3A_168 = tpu.vector_load %arg8[%swap3A_167] {strides = array<i32>} : memref<128xi32, #tpu.memory_space<vmem>>, vector<16xi32>,
      %swap3A_169 = vector.shape_cast %swap3A_168 : vector<16xi32> to vector<16xi32>
      %swap3A_170 = vector.shape_cast %get3A_166 : vector<16xi32> to vector<16xi32>
      tpu.vector_store %arg8[%swap3A_167], %swap3A_170 {strides = array<i32>} : memref<128xi32, #tpu.memory_space<vmem>>, vector<16xi32>,
      %add3A_171 = arith.constant 1 : i32
      %add3A_172 = arith.addi %while3A_96, %add3A_171 : i32
      %mul3A_173 = arith.constant 32 : i32
      %mul3A_174 = arith.muli %mul3A_173, %add3A_172 : i32
      %add3A_175 = arith.addi %add3A, %mul3A_174 : i32
      %min3A_176 = arith.constant 2499 : i32
      %min3A_177 = arith.minsi %add3A_175, %min3A_176 : i32
      %mul3A_178 = arith.constant 256 : i32
      %mul3A_179 = arith.muli %min3A_177, %mul3A_178 : i32
      %multiple_of3A_180 = tpu.assume_multiple %mul3A_179, 256 : i32
      %dma_start3A_181 = tpu.memref_slice %arg3[%multiple_of3A_180] : memref<640000xi32, #tpu.memory_space<hbm>> -> memref<256xi32, #tpu.memory_space<hbm>>
      %dma_start3A_182 = tpu.memref_slice %arg3[%multiple_of3A_180] : memref<640000xi32, #tpu.memory_space<hbm>> -> memref<256xi32, #tpu.memory_space<hbm>>
      tpu.enqueue_dma source(%dma_start3A_182 : memref<256xi32, #tpu.memory_space<hbm>>) target(%arg7 : memref<256xi32, #tpu.memory_space<vmem>>) target_semaphore(%arg12 : memref<!tpu.dma_semaphore, #tpu.memory_space<semaphore_mem>>)
      "tpu.region"() ({
        %run_scoped3A = tpu.sem_alloc : memref<!tpu.dma_semaphore, #tpu.memory_space<semaphore_mem>>
        %dma_start3A_183 = arith.constant 0 : i32
        %dma_start3A_184 = arith.constant 0 : i32
        %dma_start3A_185 = tpu.memref_slice %arg10[%dma_start3A_183, %dma_start3A_184] : memref<10240x128xf32, #tpu.memory_space<vmem_shared>> -> memref<10240x128xf32, #tpu.memory_space<vmem_shared>>
        tpu.enqueue_indirect_dma source(%arg9 : memref<128x128xf32, #tpu.memory_space<vmem>>) target(%dma_start3A_185 : memref<10240x128xf32, #tpu.memory_space<vmem_shared>>) offsets(%arg8 : memref<128xi32, #tpu.memory_space<vmem>>) semaphore(%run_scoped3A : memref<!tpu.dma_semaphore, #tpu.memory_space<semaphore_mem>>) {add = true}
        %dma_wait3A_186 = arith.constant 0 : i32
        %dma_wait3A_187 = arith.constant 0 : i32
        %dma_wait3A_188 = tpu.memref_slice %arg10[%dma_wait3A_186, %dma_wait3A_187] : memref<10240x128xf32, #tpu.memory_space<vmem_shared>> -> memref<10240x128xf32, #tpu.memory_space<vmem_shared>>
        tpu.wait_indirect_dma semaphore(%run_scoped3A : memref<!tpu.dma_semaphore, #tpu.memory_space<semaphore_mem>>) src(%arg9 : memref<128x128xf32, #tpu.memory_space<vmem>>) dst(%dma_wait3A_188 : memref<10240x128xf32, #tpu.memory_space<vmem_shared>>)
        tpu.yield
      }) : () -> ()
    }
    %add3A_30 = arith.constant 0 : i32
    %add3A_31 = arith.addi %add3A, %add3A_30 : i32
    %min3A_32 = arith.constant 2499 : i32
    %min3A_33 = arith.minsi %add3A_31, %min3A_32 : i32
    %mul3A_34 = arith.constant 256 : i32
    %mul3A_35 = arith.muli %min3A_33, %mul3A_34 : i32
    %multiple_of3A_36 = tpu.assume_multiple %mul3A_35, 256 : i32
    %dma_wait3A = tpu.memref_slice %arg3[%multiple_of3A_36] : memref<640000xi32, #tpu.memory_space<hbm>> -> memref<256xi32, #tpu.memory_space<hbm>>
    %dma_wait3A_37 = tpu.memref_slice %arg3[%multiple_of3A_36] : memref<640000xi32, #tpu.memory_space<hbm>> -> memref<256xi32, #tpu.memory_space<hbm>>
    tpu.wait_dma2 semaphore(%arg12 : memref<!tpu.dma_semaphore, #tpu.memory_space<semaphore_mem>>) src(%dma_wait3A_37 : memref<256xi32, #tpu.memory_space<hbm>>) dst(%arg7 : memref<256xi32, #tpu.memory_space<vmem>>)
    %barrier3A_38 = arith.constant 0 : index
    tpu.barrier barrier_id(%barrier3A_38)
    %add3A_39 = arith.constant 0 : i32
    %add3A_40 = arith.addi %mul3A_2, %add3A_39 : i32
    "tpu.region"() ({
      %run_scoped3A = tpu.sem_alloc : memref<!tpu.dma_semaphore, #tpu.memory_space<semaphore_mem>>
      %dma_start3A_96 = arith.constant 0 : i32
      %dma_start3A_97 = tpu.memref_slice %arg10[%add3A_40, %dma_start3A_96] : memref<10240x128xf32, #tpu.memory_space<vmem_shared>> -> memref<128x128xf32, #tpu.memory_space<vmem_shared>>
      %dma_start3A_98 = arith.constant 0 : i32
      %dma_start3A_99 = tpu.memref_slice %arg10[%add3A_40, %dma_start3A_98] : memref<10240x128xf32, #tpu.memory_space<vmem_shared>> -> memref<128x128xf32, #tpu.memory_space<vmem_shared>>
      tpu.enqueue_dma source(%dma_start3A_99 : memref<128x128xf32, #tpu.memory_space<vmem_shared>>) target(%arg9 : memref<128x128xf32, #tpu.memory_space<vmem>>) target_semaphore(%run_scoped3A : memref<!tpu.dma_semaphore, #tpu.memory_space<semaphore_mem>>)
      %dma_wait3A_100 = arith.constant 0 : i32
      %dma_wait3A_101 = tpu.memref_slice %arg10[%add3A_40, %dma_wait3A_100] : memref<10240x128xf32, #tpu.memory_space<vmem_shared>> -> memref<128x128xf32, #tpu.memory_space<vmem_shared>>
      %dma_wait3A_102 = arith.constant 0 : i32
      %dma_wait3A_103 = tpu.memref_slice %arg10[%add3A_40, %dma_wait3A_102] : memref<10240x128xf32, #tpu.memory_space<vmem_shared>> -> memref<128x128xf32, #tpu.memory_space<vmem_shared>>
      tpu.wait_dma2 semaphore(%run_scoped3A : memref<!tpu.dma_semaphore, #tpu.memory_space<semaphore_mem>>) src(%dma_wait3A_103 : memref<128x128xf32, #tpu.memory_space<vmem_shared>>) dst(%arg9 : memref<128x128xf32, #tpu.memory_space<vmem>>)
      tpu.yield
    }) : () -> ()
    %eq3A = arith.constant 0 : i32
    %eq3A_41 = arith.cmpi eq, %arg0, %eq3A : i32
    %convert_element_type3A = arith.extui %eq3A_41 : i1 to i32
    %cond3A = arith.constant 0 : i32
    %cond3A_42 = arith.cmpi ne, %convert_element_type3A, %cond3A : i32
    scf.if %cond3A_42 {
      %add3A_96 = arith.constant 0 : i32
      %add3A_97 = arith.addi %mul3A_2, %add3A_96 : i32
      "tpu.region"() ({
        %run_scoped3A = tpu.sem_alloc : memref<!tpu.dma_semaphore, #tpu.memory_space<semaphore_mem>>
        %dma_start3A_98 = arith.constant 0 : i32
        %dma_start3A_99 = tpu.memref_slice %arg5[%add3A_97, %dma_start3A_98] : memref<10240x128xf32, #tpu.memory_space<hbm>> -> memref<128x128xf32, #tpu.memory_space<hbm>>
        %dma_start3A_100 = arith.constant 0 : i32
        %dma_start3A_101 = tpu.memref_slice %arg5[%add3A_97, %dma_start3A_100] : memref<10240x128xf32, #tpu.memory_space<hbm>> -> memref<128x128xf32, #tpu.memory_space<hbm>>
        tpu.enqueue_dma source(%arg9 : memref<128x128xf32, #tpu.memory_space<vmem>>) target(%dma_start3A_101 : memref<128x128xf32, #tpu.memory_space<hbm>>) target_semaphore(%run_scoped3A : memref<!tpu.dma_semaphore, #tpu.memory_space<semaphore_mem>>)
        %dma_wait3A_102 = arith.constant 0 : i32
        %dma_wait3A_103 = tpu.memref_slice %arg5[%add3A_97, %dma_wait3A_102] : memref<10240x128xf32, #tpu.memory_space<hbm>> -> memref<128x128xf32, #tpu.memory_space<hbm>>
        %dma_wait3A_104 = arith.constant 0 : i32
        %dma_wait3A_105 = tpu.memref_slice %arg5[%add3A_97, %dma_wait3A_104] : memref<10240x128xf32, #tpu.memory_space<hbm>> -> memref<128x128xf32, #tpu.memory_space<hbm>>
        tpu.wait_dma2 semaphore(%run_scoped3A : memref<!tpu.dma_semaphore, #tpu.memory_space<semaphore_mem>>) src(%arg9 : memref<128x128xf32, #tpu.memory_space<vmem>>) dst(%dma_wait3A_105 : memref<128x128xf32, #tpu.memory_space<hbm>>)
        tpu.yield
      }) : () -> ()
    } else {
    }
    %eq3A_43 = arith.constant 1 : i32
    %eq3A_44 = arith.cmpi eq, %arg0, %eq3A_43 : i32
    %convert_element_type3A_45 = arith.extui %eq3A_44 : i1 to i32
    %cond3A_46 = arith.constant 0 : i32
    %cond3A_47 = arith.cmpi ne, %convert_element_type3A_45, %cond3A_46 : i32
    scf.if %cond3A_47 {
      %add3A_96 = arith.constant 0 : i32
      %add3A_97 = arith.addi %mul3A_2, %add3A_96 : i32
      "tpu.region"() ({
        %run_scoped3A = tpu.sem_alloc : memref<!tpu.dma_semaphore, #tpu.memory_space<semaphore_mem>>
        %dma_start3A_98 = arith.constant 0 : i32
        %dma_start3A_99 = tpu.memref_slice %arg6[%add3A_97, %dma_start3A_98] : memref<10240x128xf32, #tpu.memory_space<hbm>> -> memref<128x128xf32, #tpu.memory_space<hbm>>
        %dma_start3A_100 = arith.constant 0 : i32
        %dma_start3A_101 = tpu.memref_slice %arg6[%add3A_97, %dma_start3A_100] : memref<10240x128xf32, #tpu.memory_space<hbm>> -> memref<128x128xf32, #tpu.memory_space<hbm>>
        tpu.enqueue_dma source(%arg9 : memref<128x128xf32, #tpu.memory_space<vmem>>) target(%dma_start3A_101 : memref<128x128xf32, #tpu.memory_space<hbm>>) target_semaphore(%run_scoped3A : memref<!tpu.dma_semaphore, #tpu.memory_space<semaphore_mem>>)
        %dma_wait3A_102 = arith.constant 0 : i32
        %dma_wait3A_103 = tpu.memref_slice %arg6[%add3A_97, %dma_wait3A_102] : memref<10240x128xf32, #tpu.memory_space<hbm>> -> memref<128x128xf32, #tpu.memory_space<hbm>>
        %dma_wait3A_104 = arith.constant 0 : i32
        %dma_wait3A_105 = tpu.memref_slice %arg6[%add3A_97, %dma_wait3A_104] : memref<10240x128xf32, #tpu.memory_space<hbm>> -> memref<128x128xf32, #tpu.memory_space<hbm>>
        tpu.wait_dma2 semaphore(%run_scoped3A : memref<!tpu.dma_semaphore, #tpu.memory_space<semaphore_mem>>) src(%arg9 : memref<128x128xf32, #tpu.memory_space<vmem>>) dst(%dma_wait3A_105 : memref<128x128xf32, #tpu.memory_space<hbm>>)
        tpu.yield
      }) : () -> ()
    } else {
    }
    %add3A_48 = arith.constant 128 : i32
    %add3A_49 = arith.addi %mul3A_2, %add3A_48 : i32
    "tpu.region"() ({
      %run_scoped3A = tpu.sem_alloc : memref<!tpu.dma_semaphore, #tpu.memory_space<semaphore_mem>>
      %dma_start3A_96 = arith.constant 0 : i32
      %dma_start3A_97 = tpu.memref_slice %arg10[%add3A_49, %dma_start3A_96] : memref<10240x128xf32, #tpu.memory_space<vmem_shared>> -> memref<128x128xf32, #tpu.memory_space<vmem_shared>>
      %dma_start3A_98 = arith.constant 0 : i32
      %dma_start3A_99 = tpu.memref_slice %arg10[%add3A_49, %dma_start3A_98] : memref<10240x128xf32, #tpu.memory_space<vmem_shared>> -> memref<128x128xf32, #tpu.memory_space<vmem_shared>>
      tpu.enqueue_dma source(%dma_start3A_99 : memref<128x128xf32, #tpu.memory_space<vmem_shared>>) target(%arg9 : memref<128x128xf32, #tpu.memory_space<vmem>>) target_semaphore(%run_scoped3A : memref<!tpu.dma_semaphore, #tpu.memory_space<semaphore_mem>>)
      %dma_wait3A_100 = arith.constant 0 : i32
      %dma_wait3A_101 = tpu.memref_slice %arg10[%add3A_49, %dma_wait3A_100] : memref<10240x128xf32, #tpu.memory_space<vmem_shared>> -> memref<128x128xf32, #tpu.memory_space<vmem_shared>>
      %dma_wait3A_102 = arith.constant 0 : i32
      %dma_wait3A_103 = tpu.memref_slice %arg10[%add3A_49, %dma_wait3A_102] : memref<10240x128xf32, #tpu.memory_space<vmem_shared>> -> memref<128x128xf32, #tpu.memory_space<vmem_shared>>
      tpu.wait_dma2 semaphore(%run_scoped3A : memref<!tpu.dma_semaphore, #tpu.memory_space<semaphore_mem>>) src(%dma_wait3A_103 : memref<128x128xf32, #tpu.memory_space<vmem_shared>>) dst(%arg9 : memref<128x128xf32, #tpu.memory_space<vmem>>)
      tpu.yield
    }) : () -> ()
    %eq3A_50 = arith.constant 0 : i32
    %eq3A_51 = arith.cmpi eq, %arg0, %eq3A_50 : i32
    %convert_element_type3A_52 = arith.extui %eq3A_51 : i1 to i32
    %cond3A_53 = arith.constant 0 : i32
    %cond3A_54 = arith.cmpi ne, %convert_element_type3A_52, %cond3A_53 : i32
    scf.if %cond3A_54 {
      %add3A_96 = arith.constant 128 : i32
      %add3A_97 = arith.addi %mul3A_2, %add3A_96 : i32
      "tpu.region"() ({
        %run_scoped3A = tpu.sem_alloc : memref<!tpu.dma_semaphore, #tpu.memory_space<semaphore_mem>>
        %dma_start3A_98 = arith.constant 0 : i32
        %dma_start3A_99 = tpu.memref_slice %arg5[%add3A_97, %dma_start3A_98] : memref<10240x128xf32, #tpu.memory_space<hbm>> -> memref<128x128xf32, #tpu.memory_space<hbm>>
        %dma_start3A_100 = arith.constant 0 : i32
        %dma_start3A_101 = tpu.memref_slice %arg5[%add3A_97, %dma_start3A_100] : memref<10240x128xf32, #tpu.memory_space<hbm>> -> memref<128x128xf32, #tpu.memory_space<hbm>>
        tpu.enqueue_dma source(%arg9 : memref<128x128xf32, #tpu.memory_space<vmem>>) target(%dma_start3A_101 : memref<128x128xf32, #tpu.memory_space<hbm>>) target_semaphore(%run_scoped3A : memref<!tpu.dma_semaphore, #tpu.memory_space<semaphore_mem>>)
        %dma_wait3A_102 = arith.constant 0 : i32
        %dma_wait3A_103 = tpu.memref_slice %arg5[%add3A_97, %dma_wait3A_102] : memref<10240x128xf32, #tpu.memory_space<hbm>> -> memref<128x128xf32, #tpu.memory_space<hbm>>
        %dma_wait3A_104 = arith.constant 0 : i32
        %dma_wait3A_105 = tpu.memref_slice %arg5[%add3A_97, %dma_wait3A_104] : memref<10240x128xf32, #tpu.memory_space<hbm>> -> memref<128x128xf32, #tpu.memory_space<hbm>>
        tpu.wait_dma2 semaphore(%run_scoped3A : memref<!tpu.dma_semaphore, #tpu.memory_space<semaphore_mem>>) src(%arg9 : memref<128x128xf32, #tpu.memory_space<vmem>>) dst(%dma_wait3A_105 : memref<128x128xf32, #tpu.memory_space<hbm>>)
        tpu.yield
      }) : () -> ()
    } else {
    }
    %eq3A_55 = arith.constant 1 : i32
    %eq3A_56 = arith.cmpi eq, %arg0, %eq3A_55 : i32
    %convert_element_type3A_57 = arith.extui %eq3A_56 : i1 to i32
    %cond3A_58 = arith.constant 0 : i32
    %cond3A_59 = arith.cmpi ne, %convert_element_type3A_57, %cond3A_58 : i32
    scf.if %cond3A_59 {
      %add3A_96 = arith.constant 128 : i32
      %add3A_97 = arith.addi %mul3A_2, %add3A_96 : i32
      "tpu.region"() ({
        %run_scoped3A = tpu.sem_alloc : memref<!tpu.dma_semaphore, #tpu.memory_space<semaphore_mem>>
        %dma_start3A_98 = arith.constant 0 : i32
        %dma_start3A_99 = tpu.memref_slice %arg6[%add3A_97, %dma_start3A_98] : memref<10240x128xf32, #tpu.memory_space<hbm>> -> memref<128x128xf32, #tpu.memory_space<hbm>>
        %dma_start3A_100 = arith.constant 0 : i32
        %dma_start3A_101 = tpu.memref_slice %arg6[%add3A_97, %dma_start3A_100] : memref<10240x128xf32, #tpu.memory_space<hbm>> -> memref<128x128xf32, #tpu.memory_space<hbm>>
        tpu.enqueue_dma source(%arg9 : memref<128x128xf32, #tpu.memory_space<vmem>>) target(%dma_start3A_101 : memref<128x128xf32, #tpu.memory_space<hbm>>) target_semaphore(%run_scoped3A : memref<!tpu.dma_semaphore, #tpu.memory_space<semaphore_mem>>)
        %dma_wait3A_102 = arith.constant 0 : i32
        %dma_wait3A_103 = tpu.memref_slice %arg6[%add3A_97, %dma_wait3A_102] : memref<10240x128xf32, #tpu.memory_space<hbm>> -> memref<128x128xf32, #tpu.memory_space<hbm>>
        %dma_wait3A_104 = arith.constant 0 : i32
        %dma_wait3A_105 = tpu.memref_slice %arg6[%add3A_97, %dma_wait3A_104] : memref<10240x128xf32, #tpu.memory_space<hbm>> -> memref<128x128xf32, #tpu.memory_space<hbm>>
        tpu.wait_dma2 semaphore(%run_scoped3A : memref<!tpu.dma_semaphore, #tpu.memory_space<semaphore_mem>>) src(%arg9 : memref<128x128xf32, #tpu.memory_space<vmem>>) dst(%dma_wait3A_105 : memref<128x128xf32, #tpu.memory_space<hbm>>)
        tpu.yield
      }) : () -> ()
    } else {
    }
    %add3A_60 = arith.constant 256 : i32
    %add3A_61 = arith.addi %mul3A_2, %add3A_60 : i32
    "tpu.region"() ({
      %run_scoped3A = tpu.sem_alloc : memref<!tpu.dma_semaphore, #tpu.memory_space<semaphore_mem>>
      %dma_start3A_96 = arith.constant 0 : i32
      %dma_start3A_97 = tpu.memref_slice %arg10[%add3A_61, %dma_start3A_96] : memref<10240x128xf32, #tpu.memory_space<vmem_shared>> -> memref<128x128xf32, #tpu.memory_space<vmem_shared>>
      %dma_start3A_98 = arith.constant 0 : i32
      %dma_start3A_99 = tpu.memref_slice %arg10[%add3A_61, %dma_start3A_98] : memref<10240x128xf32, #tpu.memory_space<vmem_shared>> -> memref<128x128xf32, #tpu.memory_space<vmem_shared>>
      tpu.enqueue_dma source(%dma_start3A_99 : memref<128x128xf32, #tpu.memory_space<vmem_shared>>) target(%arg9 : memref<128x128xf32, #tpu.memory_space<vmem>>) target_semaphore(%run_scoped3A : memref<!tpu.dma_semaphore, #tpu.memory_space<semaphore_mem>>)
      %dma_wait3A_100 = arith.constant 0 : i32
      %dma_wait3A_101 = tpu.memref_slice %arg10[%add3A_61, %dma_wait3A_100] : memref<10240x128xf32, #tpu.memory_space<vmem_shared>> -> memref<128x128xf32, #tpu.memory_space<vmem_shared>>
      %dma_wait3A_102 = arith.constant 0 : i32
      %dma_wait3A_103 = tpu.memref_slice %arg10[%add3A_61, %dma_wait3A_102] : memref<10240x128xf32, #tpu.memory_space<vmem_shared>> -> memref<128x128xf32, #tpu.memory_space<vmem_shared>>
      tpu.wait_dma2 semaphore(%run_scoped3A : memref<!tpu.dma_semaphore, #tpu.memory_space<semaphore_mem>>) src(%dma_wait3A_103 : memref<128x128xf32, #tpu.memory_space<vmem_shared>>) dst(%arg9 : memref<128x128xf32, #tpu.memory_space<vmem>>)
      tpu.yield
    }) : () -> ()
    %eq3A_62 = arith.constant 0 : i32
    %eq3A_63 = arith.cmpi eq, %arg0, %eq3A_62 : i32
    %convert_element_type3A_64 = arith.extui %eq3A_63 : i1 to i32
    %cond3A_65 = arith.constant 0 : i32
    %cond3A_66 = arith.cmpi ne, %convert_element_type3A_64, %cond3A_65 : i32
    scf.if %cond3A_66 {
      %add3A_96 = arith.constant 256 : i32
      %add3A_97 = arith.addi %mul3A_2, %add3A_96 : i32
      "tpu.region"() ({
        %run_scoped3A = tpu.sem_alloc : memref<!tpu.dma_semaphore, #tpu.memory_space<semaphore_mem>>
        %dma_start3A_98 = arith.constant 0 : i32
        %dma_start3A_99 = tpu.memref_slice %arg5[%add3A_97, %dma_start3A_98] : memref<10240x128xf32, #tpu.memory_space<hbm>> -> memref<128x128xf32, #tpu.memory_space<hbm>>
        %dma_start3A_100 = arith.constant 0 : i32
        %dma_start3A_101 = tpu.memref_slice %arg5[%add3A_97, %dma_start3A_100] : memref<10240x128xf32, #tpu.memory_space<hbm>> -> memref<128x128xf32, #tpu.memory_space<hbm>>
        tpu.enqueue_dma source(%arg9 : memref<128x128xf32, #tpu.memory_space<vmem>>) target(%dma_start3A_101 : memref<128x128xf32, #tpu.memory_space<hbm>>) target_semaphore(%run_scoped3A : memref<!tpu.dma_semaphore, #tpu.memory_space<semaphore_mem>>)
        %dma_wait3A_102 = arith.constant 0 : i32
        %dma_wait3A_103 = tpu.memref_slice %arg5[%add3A_97, %dma_wait3A_102] : memref<10240x128xf32, #tpu.memory_space<hbm>> -> memref<128x128xf32, #tpu.memory_space<hbm>>
        %dma_wait3A_104 = arith.constant 0 : i32
        %dma_wait3A_105 = tpu.memref_slice %arg5[%add3A_97, %dma_wait3A_104] : memref<10240x128xf32, #tpu.memory_space<hbm>> -> memref<128x128xf32, #tpu.memory_space<hbm>>
        tpu.wait_dma2 semaphore(%run_scoped3A : memref<!tpu.dma_semaphore, #tpu.memory_space<semaphore_mem>>) src(%arg9 : memref<128x128xf32, #tpu.memory_space<vmem>>) dst(%dma_wait3A_105 : memref<128x128xf32, #tpu.memory_space<hbm>>)
        tpu.yield
      }) : () -> ()
    } else {
    }
    %eq3A_67 = arith.constant 1 : i32
    %eq3A_68 = arith.cmpi eq, %arg0, %eq3A_67 : i32
    %convert_element_type3A_69 = arith.extui %eq3A_68 : i1 to i32
    %cond3A_70 = arith.constant 0 : i32
    %cond3A_71 = arith.cmpi ne, %convert_element_type3A_69, %cond3A_70 : i32
    scf.if %cond3A_71 {
      %add3A_96 = arith.constant 256 : i32
      %add3A_97 = arith.addi %mul3A_2, %add3A_96 : i32
      "tpu.region"() ({
        %run_scoped3A = tpu.sem_alloc : memref<!tpu.dma_semaphore, #tpu.memory_space<semaphore_mem>>
        %dma_start3A_98 = arith.constant 0 : i32
        %dma_start3A_99 = tpu.memref_slice %arg6[%add3A_97, %dma_start3A_98] : memref<10240x128xf32, #tpu.memory_space<hbm>> -> memref<128x128xf32, #tpu.memory_space<hbm>>
        %dma_start3A_100 = arith.constant 0 : i32
        %dma_start3A_101 = tpu.memref_slice %arg6[%add3A_97, %dma_start3A_100] : memref<10240x128xf32, #tpu.memory_space<hbm>> -> memref<128x128xf32, #tpu.memory_space<hbm>>
        tpu.enqueue_dma source(%arg9 : memref<128x128xf32, #tpu.memory_space<vmem>>) target(%dma_start3A_101 : memref<128x128xf32, #tpu.memory_space<hbm>>) target_semaphore(%run_scoped3A : memref<!tpu.dma_semaphore, #tpu.memory_space<semaphore_mem>>)
        %dma_wait3A_102 = arith.constant 0 : i32
        %dma_wait3A_103 = tpu.memref_slice %arg6[%add3A_97, %dma_wait3A_102] : memref<10240x128xf32, #tpu.memory_space<hbm>> -> memref<128x128xf32, #tpu.memory_space<hbm>>
        %dma_wait3A_104 = arith.constant 0 : i32
        %dma_wait3A_105 = tpu.memref_slice %arg6[%add3A_97, %dma_wait3A_104] : memref<10240x128xf32, #tpu.memory_space<hbm>> -> memref<128x128xf32, #tpu.memory_space<hbm>>
        tpu.wait_dma2 semaphore(%run_scoped3A : memref<!tpu.dma_semaphore, #tpu.memory_space<semaphore_mem>>) src(%arg9 : memref<128x128xf32, #tpu.memory_space<vmem>>) dst(%dma_wait3A_105 : memref<128x128xf32, #tpu.memory_space<hbm>>)
        tpu.yield
      }) : () -> ()
    } else {
    }
    %add3A_72 = arith.constant 384 : i32
    %add3A_73 = arith.addi %mul3A_2, %add3A_72 : i32
    "tpu.region"() ({
      %run_scoped3A = tpu.sem_alloc : memref<!tpu.dma_semaphore, #tpu.memory_space<semaphore_mem>>
      %dma_start3A_96 = arith.constant 0 : i32
      %dma_start3A_97 = tpu.memref_slice %arg10[%add3A_73, %dma_start3A_96] : memref<10240x128xf32, #tpu.memory_space<vmem_shared>> -> memref<128x128xf32, #tpu.memory_space<vmem_shared>>
      %dma_start3A_98 = arith.constant 0 : i32
      %dma_start3A_99 = tpu.memref_slice %arg10[%add3A_73, %dma_start3A_98] : memref<10240x128xf32, #tpu.memory_space<vmem_shared>> -> memref<128x128xf32, #tpu.memory_space<vmem_shared>>
      tpu.enqueue_dma source(%dma_start3A_99 : memref<128x128xf32, #tpu.memory_space<vmem_shared>>) target(%arg9 : memref<128x128xf32, #tpu.memory_space<vmem>>) target_semaphore(%run_scoped3A : memref<!tpu.dma_semaphore, #tpu.memory_space<semaphore_mem>>)
      %dma_wait3A_100 = arith.constant 0 : i32
      %dma_wait3A_101 = tpu.memref_slice %arg10[%add3A_73, %dma_wait3A_100] : memref<10240x128xf32, #tpu.memory_space<vmem_shared>> -> memref<128x128xf32, #tpu.memory_space<vmem_shared>>
      %dma_wait3A_102 = arith.constant 0 : i32
      %dma_wait3A_103 = tpu.memref_slice %arg10[%add3A_73, %dma_wait3A_102] : memref<10240x128xf32, #tpu.memory_space<vmem_shared>> -> memref<128x128xf32, #tpu.memory_space<vmem_shared>>
      tpu.wait_dma2 semaphore(%run_scoped3A : memref<!tpu.dma_semaphore, #tpu.memory_space<semaphore_mem>>) src(%dma_wait3A_103 : memref<128x128xf32, #tpu.memory_space<vmem_shared>>) dst(%arg9 : memref<128x128xf32, #tpu.memory_space<vmem>>)
      tpu.yield
    }) : () -> ()
    %eq3A_74 = arith.constant 0 : i32
    %eq3A_75 = arith.cmpi eq, %arg0, %eq3A_74 : i32
    %convert_element_type3A_76 = arith.extui %eq3A_75 : i1 to i32
    %cond3A_77 = arith.constant 0 : i32
    %cond3A_78 = arith.cmpi ne, %convert_element_type3A_76, %cond3A_77 : i32
    scf.if %cond3A_78 {
      %add3A_96 = arith.constant 384 : i32
      %add3A_97 = arith.addi %mul3A_2, %add3A_96 : i32
      "tpu.region"() ({
        %run_scoped3A = tpu.sem_alloc : memref<!tpu.dma_semaphore, #tpu.memory_space<semaphore_mem>>
        %dma_start3A_98 = arith.constant 0 : i32
        %dma_start3A_99 = tpu.memref_slice %arg5[%add3A_97, %dma_start3A_98] : memref<10240x128xf32, #tpu.memory_space<hbm>> -> memref<128x128xf32, #tpu.memory_space<hbm>>
        %dma_start3A_100 = arith.constant 0 : i32
        %dma_start3A_101 = tpu.memref_slice %arg5[%add3A_97, %dma_start3A_100] : memref<10240x128xf32, #tpu.memory_space<hbm>> -> memref<128x128xf32, #tpu.memory_space<hbm>>
        tpu.enqueue_dma source(%arg9 : memref<128x128xf32, #tpu.memory_space<vmem>>) target(%dma_start3A_101 : memref<128x128xf32, #tpu.memory_space<hbm>>) target_semaphore(%run_scoped3A : memref<!tpu.dma_semaphore, #tpu.memory_space<semaphore_mem>>)
        %dma_wait3A_102 = arith.constant 0 : i32
        %dma_wait3A_103 = tpu.memref_slice %arg5[%add3A_97, %dma_wait3A_102] : memref<10240x128xf32, #tpu.memory_space<hbm>> -> memref<128x128xf32, #tpu.memory_space<hbm>>
        %dma_wait3A_104 = arith.constant 0 : i32
        %dma_wait3A_105 = tpu.memref_slice %arg5[%add3A_97, %dma_wait3A_104] : memref<10240x128xf32, #tpu.memory_space<hbm>> -> memref<128x128xf32, #tpu.memory_space<hbm>>
        tpu.wait_dma2 semaphore(%run_scoped3A : memref<!tpu.dma_semaphore, #tpu.memory_space<semaphore_mem>>) src(%arg9 : memref<128x128xf32, #tpu.memory_space<vmem>>) dst(%dma_wait3A_105 : memref<128x128xf32, #tpu.memory_space<hbm>>)
        tpu.yield
      }) : () -> ()
    } else {
    }
    %eq3A_79 = arith.constant 1 : i32
    %eq3A_80 = arith.cmpi eq, %arg0, %eq3A_79 : i32
    %convert_element_type3A_81 = arith.extui %eq3A_80 : i1 to i32
    %cond3A_82 = arith.constant 0 : i32
    %cond3A_83 = arith.cmpi ne, %convert_element_type3A_81, %cond3A_82 : i32
    scf.if %cond3A_83 {
      %add3A_96 = arith.constant 384 : i32
      %add3A_97 = arith.addi %mul3A_2, %add3A_96 : i32
      "tpu.region"() ({
        %run_scoped3A = tpu.sem_alloc : memref<!tpu.dma_semaphore, #tpu.memory_space<semaphore_mem>>
        %dma_start3A_98 = arith.constant 0 : i32
        %dma_start3A_99 = tpu.memref_slice %arg6[%add3A_97, %dma_start3A_98] : memref<10240x128xf32, #tpu.memory_space<hbm>> -> memref<128x128xf32, #tpu.memory_space<hbm>>
        %dma_start3A_100 = arith.constant 0 : i32
        %dma_start3A_101 = tpu.memref_slice %arg6[%add3A_97, %dma_start3A_100] : memref<10240x128xf32, #tpu.memory_space<hbm>> -> memref<128x128xf32, #tpu.memory_space<hbm>>
        tpu.enqueue_dma source(%arg9 : memref<128x128xf32, #tpu.memory_space<vmem>>) target(%dma_start3A_101 : memref<128x128xf32, #tpu.memory_space<hbm>>) target_semaphore(%run_scoped3A : memref<!tpu.dma_semaphore, #tpu.memory_space<semaphore_mem>>)
        %dma_wait3A_102 = arith.constant 0 : i32
        %dma_wait3A_103 = tpu.memref_slice %arg6[%add3A_97, %dma_wait3A_102] : memref<10240x128xf32, #tpu.memory_space<hbm>> -> memref<128x128xf32, #tpu.memory_space<hbm>>
        %dma_wait3A_104 = arith.constant 0 : i32
        %dma_wait3A_105 = tpu.memref_slice %arg6[%add3A_97, %dma_wait3A_104] : memref<10240x128xf32, #tpu.memory_space<hbm>> -> memref<128x128xf32, #tpu.memory_space<hbm>>
        tpu.wait_dma2 semaphore(%run_scoped3A : memref<!tpu.dma_semaphore, #tpu.memory_space<semaphore_mem>>) src(%arg9 : memref<128x128xf32, #tpu.memory_space<vmem>>) dst(%dma_wait3A_105 : memref<128x128xf32, #tpu.memory_space<hbm>>)
        tpu.yield
      }) : () -> ()
    } else {
    }
    %add3A_84 = arith.constant 512 : i32
    %add3A_85 = arith.addi %mul3A_2, %add3A_84 : i32
    "tpu.region"() ({
      %run_scoped3A = tpu.sem_alloc : memref<!tpu.dma_semaphore, #tpu.memory_space<semaphore_mem>>
      %dma_start3A_96 = arith.constant 0 : i32
      %dma_start3A_97 = tpu.memref_slice %arg10[%add3A_85, %dma_start3A_96] : memref<10240x128xf32, #tpu.memory_space<vmem_shared>> -> memref<128x128xf32, #tpu.memory_space<vmem_shared>>
      %dma_start3A_98 = arith.constant 0 : i32
      %dma_start3A_99 = tpu.memref_slice %arg10[%add3A_85, %dma_start3A_98] : memref<10240x128xf32, #tpu.memory_space<vmem_shared>> -> memref<128x128xf32, #tpu.memory_space<vmem_shared>>
      tpu.enqueue_dma source(%dma_start3A_99 : memref<128x128xf32, #tpu.memory_space<vmem_shared>>) target(%arg9 : memref<128x128xf32, #tpu.memory_space<vmem>>) target_semaphore(%run_scoped3A : memref<!tpu.dma_semaphore, #tpu.memory_space<semaphore_mem>>)
      %dma_wait3A_100 = arith.constant 0 : i32
      %dma_wait3A_101 = tpu.memref_slice %arg10[%add3A_85, %dma_wait3A_100] : memref<10240x128xf32, #tpu.memory_space<vmem_shared>> -> memref<128x128xf32, #tpu.memory_space<vmem_shared>>
      %dma_wait3A_102 = arith.constant 0 : i32
      %dma_wait3A_103 = tpu.memref_slice %arg10[%add3A_85, %dma_wait3A_102] : memref<10240x128xf32, #tpu.memory_space<vmem_shared>> -> memref<128x128xf32, #tpu.memory_space<vmem_shared>>
      tpu.wait_dma2 semaphore(%run_scoped3A : memref<!tpu.dma_semaphore, #tpu.memory_space<semaphore_mem>>) src(%dma_wait3A_103 : memref<128x128xf32, #tpu.memory_space<vmem_shared>>) dst(%arg9 : memref<128x128xf32, #tpu.memory_space<vmem>>)
      tpu.yield
    }) : () -> ()
    %eq3A_86 = arith.constant 0 : i32
    %eq3A_87 = arith.cmpi eq, %arg0, %eq3A_86 : i32
    %convert_element_type3A_88 = arith.extui %eq3A_87 : i1 to i32
    %cond3A_89 = arith.constant 0 : i32
    %cond3A_90 = arith.cmpi ne, %convert_element_type3A_88, %cond3A_89 : i32
    scf.if %cond3A_90 {
      %add3A_96 = arith.constant 512 : i32
      %add3A_97 = arith.addi %mul3A_2, %add3A_96 : i32
      "tpu.region"() ({
        %run_scoped3A = tpu.sem_alloc : memref<!tpu.dma_semaphore, #tpu.memory_space<semaphore_mem>>
        %dma_start3A_98 = arith.constant 0 : i32
        %dma_start3A_99 = tpu.memref_slice %arg5[%add3A_97, %dma_start3A_98] : memref<10240x128xf32, #tpu.memory_space<hbm>> -> memref<128x128xf32, #tpu.memory_space<hbm>>
        %dma_start3A_100 = arith.constant 0 : i32
        %dma_start3A_101 = tpu.memref_slice %arg5[%add3A_97, %dma_start3A_100] : memref<10240x128xf32, #tpu.memory_space<hbm>> -> memref<128x128xf32, #tpu.memory_space<hbm>>
        tpu.enqueue_dma source(%arg9 : memref<128x128xf32, #tpu.memory_space<vmem>>) target(%dma_start3A_101 : memref<128x128xf32, #tpu.memory_space<hbm>>) target_semaphore(%run_scoped3A : memref<!tpu.dma_semaphore, #tpu.memory_space<semaphore_mem>>)
        %dma_wait3A_102 = arith.constant 0 : i32
        %dma_wait3A_103 = tpu.memref_slice %arg5[%add3A_97, %dma_wait3A_102] : memref<10240x128xf32, #tpu.memory_space<hbm>> -> memref<128x128xf32, #tpu.memory_space<hbm>>
        %dma_wait3A_104 = arith.constant 0 : i32
        %dma_wait3A_105 = tpu.memref_slice %arg5[%add3A_97, %dma_wait3A_104] : memref<10240x128xf32, #tpu.memory_space<hbm>> -> memref<128x128xf32, #tpu.memory_space<hbm>>
        tpu.wait_dma2 semaphore(%run_scoped3A : memref<!tpu.dma_semaphore, #tpu.memory_space<semaphore_mem>>) src(%arg9 : memref<128x128xf32, #tpu.memory_space<vmem>>) dst(%dma_wait3A_105 : memref<128x128xf32, #tpu.memory_space<hbm>>)
        tpu.yield
      }) : () -> ()
    } else {
    }
    %eq3A_91 = arith.constant 1 : i32
    %eq3A_92 = arith.cmpi eq, %arg0, %eq3A_91 : i32
    %convert_element_type3A_93 = arith.extui %eq3A_92 : i1 to i32
    %cond3A_94 = arith.constant 0 : i32
    %cond3A_95 = arith.cmpi ne, %convert_element_type3A_93, %cond3A_94 : i32
    scf.if %cond3A_95 {
      %add3A_96 = arith.constant 512 : i32
      %add3A_97 = arith.addi %mul3A_2, %add3A_96 : i32
      "tpu.region"() ({
        %run_scoped3A = tpu.sem_alloc : memref<!tpu.dma_semaphore, #tpu.memory_space<semaphore_mem>>
        %dma_start3A_98 = arith.constant 0 : i32
        %dma_start3A_99 = tpu.memref_slice %arg6[%add3A_97, %dma_start3A_98] : memref<10240x128xf32, #tpu.memory_space<hbm>> -> memref<128x128xf32, #tpu.memory_space<hbm>>
        %dma_start3A_100 = arith.constant 0 : i32
        %dma_start3A_101 = tpu.memref_slice %arg6[%add3A_97, %dma_start3A_100] : memref<10240x128xf32, #tpu.memory_space<hbm>> -> memref<128x128xf32, #tpu.memory_space<hbm>>
        tpu.enqueue_dma source(%arg9 : memref<128x128xf32, #tpu.memory_space<vmem>>) target(%dma_start3A_101 : memref<128x128xf32, #tpu.memory_space<hbm>>) target_semaphore(%run_scoped3A : memref<!tpu.dma_semaphore, #tpu.memory_space<semaphore_mem>>)
        %dma_wait3A_102 = arith.constant 0 : i32
        %dma_wait3A_103 = tpu.memref_slice %arg6[%add3A_97, %dma_wait3A_102] : memref<10240x128xf32, #tpu.memory_space<hbm>> -> memref<128x128xf32, #tpu.memory_space<hbm>>
        %dma_wait3A_104 = arith.constant 0 : i32
        %dma_wait3A_105 = tpu.memref_slice %arg6[%add3A_97, %dma_wait3A_104] : memref<10240x128xf32, #tpu.memory_space<hbm>> -> memref<128x128xf32, #tpu.memory_space<hbm>>
        tpu.wait_dma2 semaphore(%run_scoped3A : memref<!tpu.dma_semaphore, #tpu.memory_space<semaphore_mem>>) src(%arg9 : memref<128x128xf32, #tpu.memory_space<vmem>>) dst(%dma_wait3A_105 : memref<128x128xf32, #tpu.memory_space<hbm>>)
        tpu.yield
      }) : () -> ()
    } else {
    }
    return
  }
}

module attributes {stable_mosaic.version = 14 : i64} {
  func.func @_sage_dense_body2(%arg0: i32, %arg1: memref<2000x128xf32, #tpu.memory_space<vmem>>, %arg2: memref<2000x128xf32, #tpu.memory_space<vmem>>, %arg3: memref<2000x128xf32, #tpu.memory_space<vmem>>, %arg4: memref<2000x128xf32, #tpu.memory_space<vmem>>, %arg5: memref<2000x128xf32, #tpu.memory_space<vmem>>, %arg6: memref<128x128xf32, #tpu.memory_space<vmem>>, %arg7: memref<1x128xf32, #tpu.memory_space<vmem>>, %arg8: memref<128x128xf32, #tpu.memory_space<vmem>>, %arg9: memref<2000x128xf32, #tpu.memory_space<vmem>>) attributes {dimension_semantics = [#tpu.dimension_semantics<arbitrary>], iteration_bounds = array<i64: 5>, scalar_prefetch = 0 : i64, scratch_operands = 0 : i64, tpu.core_type = #tpu.core_type<tc>, window_params = [{transform_indices = @transform_0, window_bounds = array<i64: 2000, 128>}, {transform_indices = @transform_1, window_bounds = array<i64: 2000, 128>}, {transform_indices = @transform_2, window_bounds = array<i64: 2000, 128>}, {transform_indices = @transform_3, window_bounds = array<i64: 2000, 128>}, {transform_indices = @transform_4, window_bounds = array<i64: 2000, 128>}, {pipeline_mode = #tpu.pipeline_mode<synchronous>, transform_indices = @transform_5, window_bounds = array<i64: 128, 128>}, {pipeline_mode = #tpu.pipeline_mode<synchronous>, transform_indices = @transform_6, window_bounds = array<i64: 1, 128>}, {pipeline_mode = #tpu.pipeline_mode<synchronous>, transform_indices = @transform_7, window_bounds = array<i64: 128, 128>}, {transform_indices = @transform_8, window_bounds = array<i64: 2000, 128>}]} {
    %get3A = arith.constant 0 : index
    %get3A_0 = arith.constant 0 : index
    %get3A_1 = vector.load %arg3[%get3A, %get3A_0] : memref<2000x128xf32, #tpu.memory_space<vmem>>, vector<2000x128xf32>
    %slice3A = vector.extract_strided_slice %get3A_1 {offsets = [0, 0], sizes = [2000, 1], strides = [1, 1]} : vector<2000x128xf32> to vector<2000x1xf32>
    %get3A_2 = arith.constant 0 : index
    %get3A_3 = arith.constant 0 : index
    %get3A_4 = vector.load %arg4[%get3A_2, %get3A_3] : memref<2000x128xf32, #tpu.memory_space<vmem>>, vector<2000x128xf32>
    %slice3A_5 = vector.extract_strided_slice %get3A_4 {offsets = [0, 0], sizes = [2000, 1], strides = [1, 1]} : vector<2000x128xf32> to vector<2000x1xf32>
    %add3A = arith.addf %slice3A, %slice3A_5 : vector<2000x1xf32>
    %max3A = arith.constant 1.000000e+00 : f32
    %max3A_6 = vector.broadcast %max3A : f32 to vector<2000x1xf32>
    %max3A_7 = arith.maximumf %add3A, %max3A_6 : vector<2000x1xf32>
    %div3A = arith.constant 1.000000e+00 : f32
    %div3A_8 = vector.broadcast %div3A : f32 to vector<2000x1xf32>
    %div3A_9 = arith.divf %div3A_8, %max3A_7 : vector<2000x1xf32>
    %get3A_10 = arith.constant 0 : index
    %get3A_11 = arith.constant 0 : index
    %get3A_12 = vector.load %arg1[%get3A_10, %get3A_11] : memref<2000x128xf32, #tpu.memory_space<vmem>>, vector<2000x128xf32>
    %get3A_13 = arith.constant 0 : index
    %get3A_14 = arith.constant 0 : index
    %get3A_15 = vector.load %arg2[%get3A_13, %get3A_14] : memref<2000x128xf32, #tpu.memory_space<vmem>>, vector<2000x128xf32>
    %add3A_16 = arith.addf %get3A_12, %get3A_15 : vector<2000x128xf32>
    %mul3A = vector.broadcast %div3A_9 : vector<2000x1xf32> to vector<2000x128xf32>
    %mul3A_17 = arith.mulf %add3A_16, %mul3A : vector<2000x128xf32>
    %get3A_18 = arith.constant 0 : index
    %get3A_19 = arith.constant 0 : index
    %get3A_20 = vector.load %arg6[%get3A_18, %get3A_19] : memref<128x128xf32, #tpu.memory_space<vmem>>, vector<128x128xf32>
    %dot_general3A = arith.constant dense<0.000000e+00> : vector<2000x128xf32>
    %dot_general3A_21 = tpu.matmul %mul3A_17, %get3A_20, %dot_general3A {dimension_numbers = #tpu.dot_dimension_numbers<[1], [1], [0], [0], [0, 0, 1, 0], [], []>, transpose_lhs_hint = false} : vector<2000x128xf32>, vector<128x128xf32>, vector<2000x128xf32> -> vector<2000x128xf32>
    %get3A_22 = arith.constant 0 : index
    %get3A_23 = arith.constant 0 : index
    %get3A_24 = vector.load %arg5[%get3A_22, %get3A_23] : memref<2000x128xf32, #tpu.memory_space<vmem>>, vector<2000x128xf32>
    %get3A_25 = arith.constant 0 : index
    %get3A_26 = arith.constant 0 : index
    %get3A_27 = vector.load %arg8[%get3A_25, %get3A_26] : memref<128x128xf32, #tpu.memory_space<vmem>>, vector<128x128xf32>
    %dot_general3A_28 = arith.constant dense<0.000000e+00> : vector<2000x128xf32>
    %dot_general3A_29 = tpu.matmul %get3A_24, %get3A_27, %dot_general3A_28 {dimension_numbers = #tpu.dot_dimension_numbers<[1], [1], [0], [0], [0, 0, 1, 0], [], []>, transpose_lhs_hint = false} : vector<2000x128xf32>, vector<128x128xf32>, vector<2000x128xf32> -> vector<2000x128xf32>
    %add3A_30 = arith.addf %dot_general3A_21, %dot_general3A_29 : vector<2000x128xf32>
    %get3A_31 = arith.constant 0 : index
    %get3A_32 = arith.constant 0 : index
    %get3A_33 = vector.load %arg7[%get3A_31, %get3A_32] : memref<1x128xf32, #tpu.memory_space<vmem>>, vector<1x128xf32>
    %add3A_34 = vector.broadcast %get3A_33 : vector<1x128xf32> to vector<2000x128xf32>
    %add3A_35 = arith.addf %add3A_30, %add3A_34 : vector<2000x128xf32>
    %max3A_36 = arith.constant 0.000000e+00 : f32
    %max3A_37 = vector.broadcast %max3A_36 : f32 to vector<2000x128xf32>
    %max3A_38 = arith.maximumf %add3A_35, %max3A_37 : vector<2000x128xf32>
    %swap3A = arith.constant 0 : index
    %swap3A_39 = arith.constant 0 : index
    %swap3A_40 = vector.load %arg9[%swap3A, %swap3A_39] : memref<2000x128xf32, #tpu.memory_space<vmem>>, vector<2000x128xf32>
    tpu.vector_store %arg9[%swap3A, %swap3A_39], %max3A_38 {strides = array<i32>} : memref<2000x128xf32, #tpu.memory_space<vmem>>, vector<2000x128xf32>,
    return
  }
  func.func @transform_0(%arg0: i32) -> (i32, i32) {
    %c0_i32 = arith.constant 0 : i32
    %c0_i32_0 = arith.constant 0 : i32
    return %arg0, %c0_i32 : i32, i32
  }
  func.func @transform_1(%arg0: i32) -> (i32, i32) {
    %c0_i32 = arith.constant 0 : i32
    %c0_i32_0 = arith.constant 0 : i32
    return %arg0, %c0_i32 : i32, i32
  }
  func.func @transform_2(%arg0: i32) -> (i32, i32) {
    %c0_i32 = arith.constant 0 : i32
    %c0_i32_0 = arith.constant 0 : i32
    return %arg0, %c0_i32 : i32, i32
  }
  func.func @transform_3(%arg0: i32) -> (i32, i32) {
    %c0_i32 = arith.constant 0 : i32
    %c0_i32_0 = arith.constant 0 : i32
    return %arg0, %c0_i32 : i32, i32
  }
  func.func @transform_4(%arg0: i32) -> (i32, i32) {
    %c0_i32 = arith.constant 0 : i32
    %c0_i32_0 = arith.constant 0 : i32
    return %arg0, %c0_i32 : i32, i32
  }
  func.func @transform_5(%arg0: i32) -> (i32, i32) {
    %c0_i32 = arith.constant 0 : i32
    %c0_i32_0 = arith.constant 0 : i32
    %c0_i32_1 = arith.constant 0 : i32
    return %c0_i32, %c0_i32_0 : i32, i32
  }
  func.func @transform_6(%arg0: i32) -> (i32, i32) {
    %c0_i32 = arith.constant 0 : i32
    %c0_i32_0 = arith.constant 0 : i32
    %c0_i32_1 = arith.constant 0 : i32
    return %c0_i32, %c0_i32_0 : i32, i32
  }
  func.func @transform_7(%arg0: i32) -> (i32, i32) {
    %c0_i32 = arith.constant 0 : i32
    %c0_i32_0 = arith.constant 0 : i32
    %c0_i32_1 = arith.constant 0 : i32
    return %c0_i32, %c0_i32_0 : i32, i32
  }
  func.func @transform_8(%arg0: i32) -> (i32, i32) {
    %c0_i32 = arith.constant 0 : i32
    %c0_i32_0 = arith.constant 0 : i32
    return %arg0, %c0_i32 : i32, i32
  }
}

module attributes {stable_mosaic.version = 14 : i64} {
  func.func @_head_body(%arg0: memref<64x30x128xf32, #tpu.memory_space<vmem>>, %arg1: memref<128x96xf32, #tpu.memory_space<vmem>>, %arg2: memref<1x1x32xf32, #tpu.memory_space<vmem>>, %arg3: memref<896x128xf32, #tpu.memory_space<vmem>>, %arg4: memref<1x128xf32, #tpu.memory_space<vmem>>, %arg5: memref<128x10xf32, #tpu.memory_space<vmem>>, %arg6: memref<1x10xf32, #tpu.memory_space<vmem>>, %arg7: memref<64x10xf32, #tpu.memory_space<vmem>>) attributes {dimension_semantics = [], scalar_prefetch = 0 : i64, scratch_operands = 0 : i64, tpu.core_type = #tpu.core_type<tc>} {
    %get3A = arith.constant 0 : index
    %get3A_0 = arith.constant 0 : index
    %get3A_1 = arith.constant 0 : index
    %get3A_2 = vector.load %arg0[%get3A, %get3A_0, %get3A_1] : memref<64x30x128xf32, #tpu.memory_space<vmem>>, vector<64x30x128xf32>
    %reshape3A = vector.shape_cast %get3A_2 : vector<64x30x128xf32> to vector<1920x128xf32>
    %get3A_3 = arith.constant 0 : index
    %get3A_4 = arith.constant 0 : index
    %get3A_5 = vector.load %arg1[%get3A_3, %get3A_4] : memref<128x96xf32, #tpu.memory_space<vmem>>, vector<128x96xf32>
    %dot_general3A = arith.constant dense<0.000000e+00> : vector<1920x96xf32>
    %dot_general3A_6 = tpu.matmul %reshape3A, %get3A_5, %dot_general3A {dimension_numbers = #tpu.dot_dimension_numbers<[1], [0], [0], [1], [0, 0, 1, 1], [], []>, transpose_lhs_hint = false} : vector<1920x128xf32>, vector<128x96xf32>, vector<1920x96xf32> -> vector<1920x96xf32>
    %reshape3A_7 = vector.shape_cast %dot_general3A_6 : vector<1920x96xf32> to vector<64x30x96xf32>
    %slice3A = vector.extract_strided_slice %reshape3A_7 {offsets = [0, 0, 0], sizes = [64, 28, 32], strides = [1, 1, 1]} : vector<64x30x96xf32> to vector<64x28x32xf32>
    %slice3A_8 = vector.extract_strided_slice %reshape3A_7 {offsets = [0, 1, 32], sizes = [64, 28, 32], strides = [1, 1, 1]} : vector<64x30x96xf32> to vector<64x28x32xf32>
    %add3A = arith.addf %slice3A, %slice3A_8 : vector<64x28x32xf32>
    %slice3A_9 = vector.extract_strided_slice %reshape3A_7 {offsets = [0, 2, 64], sizes = [64, 28, 32], strides = [1, 1, 1]} : vector<64x30x96xf32> to vector<64x28x32xf32>
    %add3A_10 = arith.addf %add3A, %slice3A_9 : vector<64x28x32xf32>
    %get3A_11 = arith.constant 0 : index
    %get3A_12 = arith.constant 0 : index
    %get3A_13 = arith.constant 0 : index
    %get3A_14 = vector.load %arg2[%get3A_11, %get3A_12, %get3A_13] : memref<1x1x32xf32, #tpu.memory_space<vmem>>, vector<1x1x32xf32>
    %add3A_15 = vector.broadcast %get3A_14 : vector<1x1x32xf32> to vector<64x28x32xf32>
    %add3A_16 = arith.addf %add3A_10, %add3A_15 : vector<64x28x32xf32>
    %max3A = arith.constant 0.000000e+00 : f32
    %max3A_17 = vector.broadcast %max3A : f32 to vector<64x28x32xf32>
    %max3A_18 = arith.maximumf %add3A_16, %max3A_17 : vector<64x28x32xf32>
    %reshape3A_19 = vector.shape_cast %max3A_18 : vector<64x28x32xf32> to vector<64x896xf32>
    %get3A_20 = arith.constant 0 : index
    %get3A_21 = arith.constant 0 : index
    %get3A_22 = vector.load %arg3[%get3A_20, %get3A_21] : memref<896x128xf32, #tpu.memory_space<vmem>>, vector<896x128xf32>
    %dot_general3A_23 = arith.constant dense<0.000000e+00> : vector<64x128xf32>
    %dot_general3A_24 = tpu.matmul %reshape3A_19, %get3A_22, %dot_general3A_23 {dimension_numbers = #tpu.dot_dimension_numbers<[1], [0], [0], [1], [0, 0, 1, 1], [], []>, transpose_lhs_hint = false} : vector<64x896xf32>, vector<896x128xf32>, vector<64x128xf32> -> vector<64x128xf32>
    %get3A_25 = arith.constant 0 : index
    %get3A_26 = arith.constant 0 : index
    %get3A_27 = vector.load %arg4[%get3A_25, %get3A_26] : memref<1x128xf32, #tpu.memory_space<vmem>>, vector<1x128xf32>
    %add3A_28 = vector.broadcast %get3A_27 : vector<1x128xf32> to vector<64x128xf32>
    %add3A_29 = arith.addf %dot_general3A_24, %add3A_28 : vector<64x128xf32>
    %max3A_30 = arith.constant 0.000000e+00 : f32
    %max3A_31 = vector.broadcast %max3A_30 : f32 to vector<64x128xf32>
    %max3A_32 = arith.maximumf %add3A_29, %max3A_31 : vector<64x128xf32>
    %get3A_33 = arith.constant 0 : index
    %get3A_34 = arith.constant 0 : index
    %get3A_35 = vector.load %arg5[%get3A_33, %get3A_34] : memref<128x10xf32, #tpu.memory_space<vmem>>, vector<128x10xf32>
    %dot_general3A_36 = arith.constant dense<0.000000e+00> : vector<64x10xf32>
    %dot_general3A_37 = tpu.matmul %max3A_32, %get3A_35, %dot_general3A_36 {dimension_numbers = #tpu.dot_dimension_numbers<[1], [0], [0], [1], [0, 0, 1, 1], [], []>, transpose_lhs_hint = false} : vector<64x128xf32>, vector<128x10xf32>, vector<64x10xf32> -> vector<64x10xf32>
    %get3A_38 = arith.constant 0 : index
    %get3A_39 = arith.constant 0 : index
    %get3A_40 = vector.load %arg6[%get3A_38, %get3A_39] : memref<1x10xf32, #tpu.memory_space<vmem>>, vector<1x10xf32>
    %add3A_41 = vector.broadcast %get3A_40 : vector<1x10xf32> to vector<64x10xf32>
    %add3A_42 = arith.addf %dot_general3A_37, %add3A_41 : vector<64x10xf32>
    %reduce_max3A = arith.constant dense<0xFF800000> : vector<64xf32>
    %reduce_max3A_43 = vector.multi_reduction <maximumf>, %add3A_42, %reduce_max3A [1] : vector<64x10xf32> to vector<64xf32>
    %broadcast_in_dim3A = vector.shape_cast %reduce_max3A_43 : vector<64xf32> to vector<64x1xf32>
    %sub3A = vector.broadcast %broadcast_in_dim3A : vector<64x1xf32> to vector<64x10xf32>
    %sub3A_44 = arith.subf %add3A_42, %sub3A : vector<64x10xf32>
    %exp3A = math.exp %sub3A_44 : vector<64x10xf32>
    %reduce_sum3A = arith.constant dense<0.000000e+00> : vector<64xf32>
    %reduce_sum3A_45 = vector.multi_reduction <add>, %exp3A, %reduce_sum3A [1] : vector<64x10xf32> to vector<64xf32>
    %broadcast_in_dim3A_46 = vector.shape_cast %reduce_sum3A_45 : vector<64xf32> to vector<64x1xf32>
    %log3A = math.log %broadcast_in_dim3A_46 : vector<64x1xf32>
    %sub3A_47 = vector.broadcast %log3A : vector<64x1xf32> to vector<64x10xf32>
    %sub3A_48 = arith.subf %sub3A_44, %sub3A_47 : vector<64x10xf32>
    %swap3A = arith.constant 0 : index
    %swap3A_49 = arith.constant 0 : index
    %swap3A_50 = vector.load %arg7[%swap3A, %swap3A_49] : memref<64x10xf32, #tpu.memory_space<vmem>>, vector<64x10xf32>
    tpu.vector_store %arg7[%swap3A, %swap3A_49], %sub3A_48 {strides = array<i32>} : memref<64x10xf32, #tpu.memory_space<vmem>>, vector<64x10xf32>,
    return
  }
}

</mosaic_0001>

<sc_bundles>
// kernel: gather_offload_async_start.1
scs
__scs_entry_jumppad:
0x0: {  	(pc) =	sbr.rel $0x88, $3  }
0x1: {  	(tag) =	ssettag $0x0;
	lr =	simm.s32 $0x1  }
0x2: {  	[smem:$0x3F8F] =	sst lr;
	_ =	strace $0xD0000000  }
0x3: {  	_ = 	snop  }
0x4: {  	_ = 	snop  }
0x5: {  	_ = 	snop  }
0x6: {  	_ = 	snop  }
0x7: {  	_ = 	snop  }
__scs_overlays_trampoline_lowered:
0x8: {  	[smem:$0x3F9E] =	sst s0  }
0x9: {  	[smem:$0x3F9F] =	sst s1  }
0xa: {  	[smem:$0x3FA0] =	sst s2  }
0xb: {  	[smem:$0x3FA1] =	sst s3  }
0xc: {  	[smem:$0x3FA2] =	sst s4  }
0xd: {  	[smem:$0x3FA3] =	sst s5  }
0xe: {  	[smem:$0x3FA4] =	sst s6  }
0xf: {  	[smem:$0x3FA5] =	sst s7  }
0x10: {  	[smem:$0x3FA6] =	sst s8  }
0x11: {  	[smem:$0x3FA7] =	sst s9;
	s0 =	simm.s32 @!p0 $0x0  }
0x12: {  	s1 =	sld [smem:$0x3F8D];
	s0 =	simm.s32 @p0 $0x1  }
0x13: {  	[smem:$0x3FA8] =	sst s0;
	s0 =	simm.s32 @!p1 $0x0  }
0x14: {  	s2 =	sld [smem:$0x3F8C];
	s0 =	simm.s32 @p1 $0x1  }
0x15: {  	[smem:$0x3FA9] =	sst s0;
	s0 =	simm.s32 @!p2 $0x0  }
0x16: {  	s3 =	sld [smem:$0x3FDB];
	s0 =	simm.s32 @p2 $0x1  }
0x17: {  	s4 =	simm.s32 $0x1BF5;
	[smem:$0x3FAB] =	sst s0  }
0x18: {  	s0 =	sld [smem:$0x3F8E];
	_ =	swait.ge [sflag:s4], $0x0  }
0x19: {  	s7 =	sld [smem:$0x3F8F]  }
0x1a: {  	s8 =	sadd.s32 $0xFFFFE003, lr  }
0x1b: {  	s9 =	sadd.s32 $0xFFFFFEF7, lr;
	s5 =	simm.s32 $0xFFFFFFFF;
	p2 =	slt.u32 s8, $0xFFFFF086  }
0x1c: {  	p1 =	slt.u32 s9, $0xF7A;
	s5 =	simm.s32 @!p2 $0x0  }
0x1d: {  	s5 =	simm.s32 @p1 $0x1;
	p0 =	seq.s32 s7, s2  }
0x1e: {  	s7 =	smul.u32 @!p0 $0xF7A, s2;
	p2 =	seq.s32 @!p0 s5, $0x0  }
0x1f: {  	s9 =	smul.u32 $0xF7A, s1;
	s8 =	simm.s32 @!p0 $0x1BF5;
	p2 =	por !p2, p0  }
0x20: {  	[sflag:s8] =	ssyncset.s32 @!p0 $0xFFFFF086;
	s6 =	sadd.s32 @!p0 s3, s7;
	s7 =	simm.s32 @!p0 $0x108  }
0x21: {  	s3 =	sadd.s32 s3, s9;
	s6 =	sadd.s32 @!p0 $0x88, s6;
	s7 =	simm.s32 @p2 $0x1082  }
0x22: {  	[simem:s7], [sflag:s8] =	dma.local @!p0 [hbm:s6], $0xF7A  }
0x23: {  	s9 =	sor.u32 $0xD0000000, s2;
	s6 =	simm.s32 $0x108;
	_ =	swait.ge @!p0 [sflag:s8], $0x0  }
0x24: {  	s3 =	sadd.s32 $0x88, s3;
	s6 =	simm.s32 @!p1 $0x1082;
	[sflag:s4] =	ssyncset.s32 $0xFFFFF086  }
0x25: {  	[simem:s6], [sflag:s4] =	dma.local [hbm:s3], $0xF7A  }
0x26: {  	[smem:$0x3F8F] =	sst s1;
	(tag) =	ssettag s2;
	_ =	strace s9  }
0x27: {  	s1 =	sld [smem:$0x3F9F]  }
0x28: {  	s2 =	sld [smem:$0x3FA0]  }
0x29: {  	s4 =	sld [smem:$0x3FA2]  }
0x2a: {  	p0 =	seq.s32 s5, $0x0;
	s5 =	sld [smem:$0x3FA3]  }
0x2b: {  	s6 =	sld [smem:$0x3FA4]  }
0x2c: {  	s7 =	sld [smem:$0x3FA5]  }
0x2d: {  	s3 =	simm.s32 $0x108;
	s8 =	sld [smem:$0x3FA6]  }
0x2e: {  	s3 =	simm.s32 @!p0 $0x1082;
	s9 =	sld [smem:$0x3FA7]  }
0x2f: {  	lr =	sadd.s32 s0, s3;
	s0 =	sld [smem:$0x3F9E]  }
0x30: {  	s3 =	sld [smem:$0x3FA1]  }
0x31: {  	[smem:$0x3FAA] =	sst s10  }
0x32: {  	s10 =	sld [smem:$0x3FA8];
	_ =	sdelay $0x3  }
0x33: {  	p0 =	seq.s32 s10, $0x1;
	s10 =	sld [smem:$0x3FAA];
	_ =	sdelay $0x3  }
0x34: {  	[smem:$0x3FAA] =	sst s10  }
0x35: {  	s10 =	sld [smem:$0x3FA9];
	_ =	sdelay $0x3  }
0x36: {  	p1 =	seq.s32 s10, $0x1;
	s10 =	sld [smem:$0x3FAA];
	_ =	sdelay $0x3  }
0x37: {  	[smem:$0x3FAA] =	sst s10  }
0x38: {  	s10 =	sld [smem:$0x3FAB]  }
0x39: {  	_ = 	snop;
	(pc) =	sbr.ind lr, $3  }
0x3a: {  	_ = 	snop  }
0x3b: {  	_ = 	snop  }
0x3c: {  	p2 =	seq.s32 s10, $0x1;
	s10 =	sld [smem:$0x3FAA]  }
0x3d: {  	_ =	shalt  }
0x3e: {  	_ =	shalt  }
0x3f: {  	_ =	shalt  }
0x40: {  	_ =	shalt  }
0x41: {  	_ =	shalt  }
0x42: {  	_ =	shalt  }
0x43: {  	_ =	shalt  }
0x44: {  	_ =	shalt  }
0x45: {  	_ =	shalt  }
0x46: {  	_ =	shalt  }
0x47: {  	_ =	shalt  }
0x48: {  	_ =	shalt  }
0x49: {  	_ =	shalt  }
0x4a: {  	_ =	shalt  }
0x4b: {  	_ =	shalt  }
0x4c: {  	_ =	shalt  }
0x4d: {  	_ =	shalt  }
0x4e: {  	_ =	shalt  }
0x4f: {  	_ =	shalt  }
0x50: {  	_ =	shalt  }
0x51: {  	_ =	shalt  }
0x52: {  	_ =	shalt  }
0x53: {  	_ =	shalt  }
0x54: {  	_ =	shalt  }
0x55: {  	_ =	shalt  }
0x56: {  	_ =	shalt  }
0x57: {  	_ =	shalt  }
0x58: {  	_ =	shalt  }
0x59: {  	_ =	shalt  }
0x5a: {  	_ =	shalt  }
0x5b: {  	_ =	shalt  }
0x5c: {  	_ =	shalt  }
0x5d: {  	_ =	shalt  }
0x5e: {  	_ =	shalt  }
0x5f: {  	_ =	shalt  }
0x60: {  	_ =	shalt  }
0x61: {  	_ =	shalt  }
0x62: {  	_ =	shalt  }
0x63: {  	_ =	shalt  }
0x64: {  	_ =	shalt  }
0x65: {  	_ =	shalt  }
0x66: {  	_ =	shalt  }
0x67: {  	_ =	shalt  }
0x68: {  	_ =	shalt  }
0x69: {  	_ =	shalt  }
0x6a: {  	_ =	shalt  }
0x6b: {  	_ =	shalt  }
0x6c: {  	_ =	shalt  }
0x6d: {  	_ =	shalt  }
0x6e: {  	_ =	shalt  }
0x6f: {  	_ =	shalt  }
0x70: {  	_ =	shalt  }
0x71: {  	_ =	shalt  }
0x72: {  	_ =	shalt  }
0x73: {  	_ =	shalt  }
0x74: {  	_ =	shalt  }
0x75: {  	_ =	shalt  }
0x76: {  	_ =	shalt  }
0x77: {  	_ =	shalt  }
0x78: {  	_ =	shalt  }
0x79: {  	_ =	shalt  }
0x7a: {  	_ =	shalt  }
0x7b: {  	_ =	shalt  }
0x7c: {  	_ =	shalt  }
0x7d: {  	_ =	shalt  }
0x7e: {  	_ =	shalt  }
0x7f: {  	_ =	shalt  }
0x80: {  	_ =	shalt  }
0x81: {  	_ =	shalt  }
0x82: {  	_ =	shalt  }
0x83: {  	_ =	shalt  }
0x84: {  	_ =	shalt  }
0x85: {  	_ =	shalt  }
0x86: {  	_ =	shalt  }
0x87: {  	_ =	shalt  }
.Lfunc_end0:
.L_simem_size_0:
called_computation.3_lowered:
.L_overlay_start_0:
0x88: {  	s0 =	sld [smem:$0x3FD9]  }
0x89: {  	s1 =	sld [smem:$0x3FFE];
	_ =	sdelay $0x3  }
0x8a: {  	s0 =	sadd.s32 s1, s0  }
0x8b: {  	[smem:$0x3FB6] =	sst s0  }
0x8c: {  	_ = 	snop  }
0x8d: {  	(tm) =	ssettm $0x1  }
0x8e: {  	s15 =	sld [smem:$0x3FFB];
	_ =	sdelay $0x3  }
0x8f: {  	_ =	strace s15  }
0x90: {  	s0 =	sld [smem:$0x3FFC];
	_ =	sdelay $0x3  }
0x91: {  	_ =	strace s0  }
0x92: {  	s0 =	sld [smem:$0x3FFD];
	_ =	sdelay $0x3  }
0x93: {  	_ =	strace s0  }
0x94: {  	_ =	strace $0x8FFFFFFF  }
0x95: {  	s16 =	sld [smem:$0x3FDB];
	_ =	sdelay $0x1  }
0x96: {  	s17 =	simm.s32 $_scs_section_size  }
0x97: {  	s2 =	simm.s32 $_size__tile_overlayer_lowered;
	s3 =	simm.s32 $_tile_overlayer_lowered  }
0x98: {  	s20 =	simm.s32 $0x1BFF;
	s19 =	sshll.u32 s3, $0x1;
	s0 =	sadd.s32 s17, s16  }
0x99: {  	s4 =	simm.s32 $0x0;
	s18 =	sshll.u32 s2, $0x1;
	s2 =	sadd.s32 s19, s0  }
0x9a: {  	[timem:s4], [sflag:s20] =	dma.local [hbm:s2], s18  }
0x9b: {  	_ =	swait.ge [sflag:s20], s18  }
0x9c: {  	s1 =	ssub.s32 $0x0, s18;
	[sflag:s20] =	ssyncset.done $0x0  }
0x9d: {  	[sflag:s20] =	ssyncadd.s32 s1;
	_ =	sdelay $0x1  }
0x9e: {  	s21 =	simm.s32 $0x1B8B  }
0x9f: {  	_ =	swait.ge [sflag:s21], $0x1  }
0xa0: {  	[sflag:s21] =	ssyncset.done $0x0  }
0xa1: {  	s23 =	simm.s32 $0x1B8E;
	s22 =	sld [smem:$0x3FFE];
	[sflag:s21] =	ssyncadd.s32 $0xFFFFFFFF  }
0xa2: {  	s24 =	simm.s32 $execute0_lowered;
	[smem:$0x3FD2] =	sst s23  }
0xa3: {  	s2 =	sshll.u32 s24, $0x1;
	_ =	strace $0x80000055;
	[dreg:$0x1] =	wrdreg $0xFFFFFFFF  }
0xa4: {  	s25 =	simm.s32 $_size_execute0_lowered;
	s0 =	sadd.s32 s0, s2;
	[dreg:$0x0] =	wrdreg $0x0  }
0xa5: {  	s2 =	sshll.u32 s25, $0x1;
	[dreg:$0x2] =	wrdreg s0  }
0xa6: {  	[dreg:$0x3] =	wrdreg s2  }
0xa7: {  	[dreg:$0x4] =	wrdreg $0xC0  }
0xa8: {  	_ =	task [dreg:s4], $0x5FFFF  }
0xa9: {  	[dreg:$0x1] =	wrdreg $0xFFFFFFFF  }
0xaa: {  	[dreg:$0x0] =	wrdreg $0x60  }
0xab: {  	[dreg:$0x2] =	wrdreg s22  }
0xac: {  	[dreg:$0x3] =	wrdreg $0x9  }
0xad: {  	_ =	task.clear_ibuf [dreg:s4], $0x4FFFF;
	_ =	strace $0x90000055  }
0xae: {  	s26 =	simm.s32 $0x9;
	_ =	strace $0x80000057  }
0xaf: {  	_ =	swait.ge [sflag:s26], $0x1  }
0xb0: {  	[sflag:s26] =	ssyncadd.s32 $0xFFFFFFFF  }
0xb1: {  	_ =	strace $0x90000057  }
0xb2: {  	_ =	sfence  }
0xb3: {  	s28 =	sld [smem:$0x0];
	_ =	sdelay $0x1  }
0xb4: {  	s29 =	srdreg.scid  }
0xb5: {  	s30 =	sshll.u32 s29, $0xD;
	s31 =	sshrl.u32 s29, $0x2  }
0xb6: {  	s1 =	sand.u32 $0x1, s29;
	s2 =	sand.u32 $0x4000, s30;
	s0 =	sadd.s32 s31, s28  }
0xb7: {  	s1 =	sor.u32 s2, s1;
	s0 =	sshll.u32 s0, $0x11  }
0xb8: {  	s0 =	sor.u32 s0, s1  }
0xb9: {  	s0 =	sadd.s32 $0x8F2B, s0  }
0xba: {  	[sflag:s0] =	ssyncadd.remote.s32 $0x1  }
0xbb: {  	_ =	sfence.sel $0xFFFF  }
0xbc: {  	[dreg:$0x0] =	wrdreg $0xFFFFFFFF;
	(pc) =	sbr.abs _section_cstart, $3  }
0xbd: {  	[dreg:$0x1] =	wrdreg $0xFFFFFFFF  }
0xbe: {  	_ =	task.clear_ibuf [dreg:s4], $0x2FFFF;
	_ =	strace $0x9FFFFFFF  }
0xbf: {  	(tm) =	ssettm $0x7FFFFFFF  }
tec
execute0_lowered:
.L_overlay_start_1:
0x0: {  	(tag) =	ssettag $0x1  }
0x1: {  	s0 =	stileid.u32  }
0x2: {  	s1 =	smin.u32 s0, $0x9  }
0x3: {  	s1 =	sadd.s32 s0, s1  }
0x4: {  	s2 =	simm.s32 $0x320;
	p0 =	slt.u32 s0, $0x9;
	s1 =	smul.u32 $0x190, s1  }
0x5: {  	s2 =	simm.s32 @!p0 $0x190  }
0x6: {  	s2 =	sadd.s32 s2, s1  }
0x7: {  	s3 =	smin.u32 s2, $0x2710  }
0x8: {  	s7 =	ssub.s32 s3, s1  }
0x9: {  	p0 =	sgt.s32 s7, $0x0  }
0xa: {  	s7 =	simm.s32 @!p0 $0x0  }
0xb: {  	s31 =	sand.u32 $0xFFF0, s7  }
0xc: {  	s2 =	sshrl.u32 s31, $0x4  }
0xd: {  	s2 =	smul.u32 $0xA3E, s2  }
0xe: {  	s4 =	rddreg [dreg:$0x0];
	s6 =	simm.s32 $0x1  }
0xf: {  	s10 =	simm.s32 $0x3;
	s13 =	simm.s32 $0x0;
	s8 =	sshrl.u32 s2, $0x10  }
0x10: {  	s12 =	simm.s32 $0x0;
	s5 =	sadd.s32 $0x8C200, s4;
	s9 =	smul.u32 $0x190, s8  }
.Ltmp0:
0x11: {  	s11 =	smov.u32 s1;
	s2 =	rddreg [dreg:$0x1];
	(pc) =	sbr.rel .LBB2_1-.Ltmp0, $4  }
0x12: {  	_ =	strace $0x80000056;
	p0 =	sne.s32 s7, s9;
	s9 =	simm.s32 $0x1  }
0x13: {  	[sflag:s6] =	ssyncpa.u1 $0x0;
	s7 =	simm.s32 $0x2;
	s9 =	simm.s32 @!p0 $0x0  }
0x14: {  	[sflag:s7] =	ssyncpa.u1 $0x0;
	p0 =	por $0x0, $0x0;
	s8 =	sadd.s32 s8, s9  }
0x15: {  	vm0 =	vmmov $0xff;
	vm1 =	vcmask $0x3F20;
	s9 =	sadd.s32 $0xB3400, s4;
	[sflag:s10] =	ssyncpa.u1 $0x0;
	s10 =	sadd.s32 $0x1, s8  }
.LBB2_6:
0x16: {  	[hbm:s17] =	stream.linear.scatter [tilespmem:s14], [sflag:$0x3], $0x400, $0x38;
	[tilespmem:$0x19320] =	vst v63  }
.LBB2_7:
0x17: {  	s13 =	sadd.s32 $0x190, s11  }
0x18: {  	s15 =	smov.u32 s1;
	p2 =	slt.s32 s13, s3  }
0x19: {  	s15 =	smov.u32 @p2 s13;
	p2 =	sne.s32 s12, s10  }
.Ltmp1:
0x1a: {  	p1 =	slt.u32 s12, $0x2;
	(pc) =	sbr.rel @!p2 .LBB2_8-.Ltmp1, $4  }
0x1b: {  	s14 =	simm.s32 @!p1 $0x3  }
0x1c: {  	s16 =	sadd.s32 $0x1, s12;
	_ =	swait.ge @!p1 [sflag:s14], $0xC800  }
0x1d: {  	p0 =	por !p0, !p0;
	s13 =	smov.u32 s11;
	[sflag:s14] =	ssyncset.done @!p1 $0x0  }
0x1e: {  	s12 =	smov.u32 s16;
	s11 =	smov.u32 s15;
	[sflag:s14] =	ssyncadd.s32 @!p1 $0xFFFF3800  }
.LBB2_1:
0x1f: {  	p1 =	sge.u32 s12, s8  }
0x20: {  	s14 =	sxor.u32 @!p1 $0xFFFFFFFF, s12  }
0x21: {  	s14 =	sand.u32 @!p1 $0x1, s14  }
0x22: {  	s14 =	smul.u32 @!p1 $0x640, s14  }
0x23: {  	s31 =	sadd.s32 $0xFFFFFFFF, s12;
	s15 =	sshrl.u32 @!p1 s11, $0x3  }
0x24: {  	s16 =	sand.u32 @!p1 $0x7, s11;
	s15 =	sadd.s32 @!p1 s9, s15;
	s14 =	sshrl.u32 @!p1 s14, $0x2  }
0x25: {  	[tilespmem:s14], [sflag:$0x2] =	stream.linear.gather @!p1 [hbm4b:s15+s16], $0x190, $0x38;
	[tilespmem:$0x19320] =	vst v63  }
0x26: {  	p1 =	sge.u32 s31, s8  }
.Ltmp2:
0x27: {  	_ = 	snop;
	(pc) =	sbr.rel @p1 .LBB2_7-.Ltmp2, $1  }
0x28: {  	_ =	sdelay $0x3  }
0x29: {  	s14 =	simm.s32 $0x1  }
0x2a: {  	s14 =	simm.s32 @!p0 $0x0  }
0x2b: {  	s15 =	smul.u32 $0x640, s14  }
0x2c: {  	_ =	swait.ge [sflag:s7], $0x190  }
0x2d: {  	[sflag:s7] =	ssyncset.done $0x0;
	s16 =	sshrl.u32 s15, $0x2  }
0x2e: {  	[sflag:s7] =	ssyncadd.s32 $0xFFFFFE70;
	s15 =	sadd.s32 $0x0, s16  }
0x2f: {  	v0 =	vld.msk [tilespmem:s15+$0x0 ss:$0x1], $0xffff;
	_ =	sdelay $0x4  }
0x30: {  	vm2 =	vgt.s32 v0, $0x0  }
0x31: {  	v0 =	vnsel vm2, $0x0, v0  }
0x32: {  	v0 =	vmin.u32 v0, $0x270F  }
0x33: {  	v0 =	vshll.u32 v0, $0x4  }
0x34: {  	s14 =	smul.u32 $0x32000, s14;
	_ =	sdelay $0x1  }
0x35: {  	s14 =	sshrl.u32 s14, $0x2  }
0x36: {  	s14 =	sor.u32 $0x320, s14  }
0x37: {  	[tilespmem:s14], [sflag:$0x1] =	stream.indirect_vreg.gather [hbm:s5], $0x80, v0, vm0, $0x38;
	[tilespmem:$0x19320] =	vst v63  }
0x38: {  	s17 =	sadd.s32 $0x10, s16;
	s15 =	sadd.s32 $0x400, s14  }
0x39: {  	[tilespmem:s15], [sflag:$0x1] =	stream.indirect_vreg.gather [hbm:s5], $0x80, v0, vm1, $0x38;
	[tilespmem:$0x19320] =	vst v63  }
0x3a: {  	s18 =	simm.s32 $0x80;
	v0 =	vld.msk [tilespmem:s17+$0x0 ss:$0x1], $0xffff;
	s17 =	smov.u32 s14  }
.LBB2_3:
0x3b: {  	p1 =	sne.s32 s18, $0x600;
	_ =	sdelay $0x4  }
0x3c: {  	vm2 =	vgt.s32 v0, $0x0  }
0x3d: {  	v0 =	vnsel vm2, $0x0, v0  }
0x3e: {  	v0 =	vmin.u32 v0, $0x270F  }
0x3f: {  	v0 =	vshll.u32 v0, $0x4;
	_ =	sdelay $0x3  }
.Ltmp3:
0x40: {  	s19 =	sshra.s32 s18, $0x2;
	s17 =	sadd.s32 $0x800, s17;
	(pc) =	sbr.rel @p1 .LBB2_3-.Ltmp3, $4  }
0x41: {  	[tilespmem:s17], [sflag:$0x1] =	stream.indirect_vreg.gather [hbm:s5], $0x80, v0, vm0, $0x38;
	[tilespmem:$0x19320] =	vst v63  }
0x42: {  	s19 =	sadd.s32 s19, s16;
	s20 =	sadd.s32 $0x400, s17  }
0x43: {  	[tilespmem:s20], [sflag:$0x1] =	stream.indirect_vreg.gather [hbm:s5], $0x80, v0, vm1, $0x38;
	[tilespmem:$0x19320] =	vst v63  }
0x44: {  	s18 =	sadd.s32 $0x40, s18;
	v0 =	vld.msk [tilespmem:s19+$0x0 ss:$0x1], $0xffff  }
0x45: {  	_ =	sdelay $0x3  }
0x46: {  	vm2 =	vgt.s32 v0, $0x0  }
0x47: {  	v0 =	vnsel vm2, $0x0, v0  }
0x48: {  	v0 =	vmin.u32 v0, $0x270F  }
0x49: {  	v0 =	vshll.u32 v0, $0x4;
	_ =	sdelay $0x3  }
0x4a: {  	s16 =	sadd.s32 $0x800, s17  }
0x4b: {  	[tilespmem:s16], [sflag:$0x1] =	stream.indirect_vreg.gather [hbm:s5], $0x80, v0, vm0, $0x38;
	[tilespmem:$0x19320] =	vst v63  }
0x4c: {  	s16 =	sadd.s32 $0x400, s16  }
0x4d: {  	[tilespmem:s16], [sflag:$0x1] =	stream.indirect_vreg.gather [hbm:s5], $0x80, v0, vm1, $0x38;
	[tilespmem:$0x19320] =	vst v63  }
0x4e: {  	s13 =	sshll.u32 s13, $0x4;
	_ =	swait.ge [sflag:s6], $0xC800  }
0x4f: {  	s13 =	sadd.s32 s13, s4;
	[sflag:s6] =	ssyncset.done $0x0  }
0x50: {  	s17 =	sadd.s32 $0x0, s13;
	s16 =	simm.s32 $0x80;
	[sflag:s6] =	ssyncadd.s32 $0xFFFF3800  }
.LBB2_5:
0x51: {  	[hbm:s17] =	stream.linear.scatter [tilespmem:s14], [sflag:$0x3], $0x400, $0x38;
	[tilespmem:$0x19320] =	vst v63  }
0x52: {  	s17 =	smov.u32 s16;
	s14 =	smov.u32 s15;
	p1 =	sne.s32 s16, $0x1880  }
.Ltmp4:
0x53: {  	s16 =	sadd.s32 $0x80, s16;
	(pc) =	sbr.rel @p1 .LBB2_5-.Ltmp4, $2  }
0x54: {  	_ =	sdelay $0x2  }
0x55: {  	s15 =	sadd.s32 $0x400, s15;
	s17 =	sadd.s32 s17, s13  }
.Ltmp5:
0x56: {  	_ = 	snop;
	(pc) =	sbr.rel .LBB2_6-.Ltmp5, $1  }
0x57: {  	_ =	sdelay $0x3  }
.LBB2_8:
0x58: {  	_ =	sfence.sel $0x180000  }
0x59: {  	s1 =	simm.s32 $0x2;
	[bflag:$0x0] =	sbarrier.arrive $0xFFFF  }
0x5a: {  	s30 =	simm.s32 $0x3;
	[sflag:s1] =	ssyncpa.u1 $0x1  }
0x5b: {  	s31 =	simm.s32 $0x1;
	[sflag:s30] =	ssyncpa.u1 $0x1  }
0x5c: {  	[sflag:s31] =	ssyncpa.u1 $0x1  }
0x5d: {  	p0 =	sne.s32 s0, $0x0;
	_ =	strace $0x90000056  }
0x5e: {  	s0 =	sadd.s32 @!p0 $0x100000, s2;
	[bflag:$0x2] =	sbarrier.arrive $0xFFFF  }
0x5f: {  	[sflag:s0] =	ssyncadd.tile.s32 @!p0 $0x1;
	_ =	shalt  }
.Lfunc_end2:
_tile_overlayer_lowered:
.L_overlay_start_2:
0x60: {  	(tag) =	ssettag $0x2  }
0x61: {  	s0 =	rddreg [dreg:$0x0];
	s2 =	stileid.u32  }
0x62: {  	s1 =	rddreg [dreg:$0x1];
	p0 =	sne.s32 s2, $0x0  }
0x63: {  	s3 =	rddreg [dreg:$0x2];
	[bflag:$0x3] =	sbarrier.arrive $0xFFFF;
	s2 =	simm.s32 @!p0 $0x1C01  }
0x64: {  	[timem:s3], [sflag:s2] =	dma.local @!p0 [hbm:s0], s1  }
0x65: {  	s0 =	simm.s32 @!p0 $0x1  }
0x66: {  	_ =	swait.ge @!p0 [sflag:s0], s1  }
0x67: {  	s1 =	ssub.s32 @!p0 $0x0, s1;
	[sflag:s0] =	ssyncset.done @!p0 $0x0  }
0x68: {  	[sflag:s0] =	ssyncadd.s32 @!p0 s1  }
0x69: {  	[bflag:$0x3] =	sbarrier.arrive $0xFFFF  }
0x6a: {  	_ =	shalt  }

// kernel: gather_offload_async_start
scs
__scs_entry_jumppad:
0x0: {  	(pc) =	sbr.rel $0x88, $3  }
0x1: {  	(tag) =	ssettag $0x0;
	lr =	simm.s32 $0x1  }
0x2: {  	[smem:$0x3F8F] =	sst lr;
	_ =	strace $0xD0000000  }
0x3: {  	_ = 	snop  }
0x4: {  	_ = 	snop  }
0x5: {  	_ = 	snop  }
0x6: {  	_ = 	snop  }
0x7: {  	_ = 	snop  }
__scs_overlays_trampoline_lowered:
0x8: {  	[smem:$0x3F9E] =	sst s0  }
0x9: {  	[smem:$0x3F9F] =	sst s1  }
0xa: {  	[smem:$0x3FA0] =	sst s2  }
0xb: {  	[smem:$0x3FA1] =	sst s3  }
0xc: {  	[smem:$0x3FA2] =	sst s4  }
0xd: {  	[smem:$0x3FA3] =	sst s5  }
0xe: {  	[smem:$0x3FA4] =	sst s6  }
0xf: {  	[smem:$0x3FA5] =	sst s7  }
0x10: {  	[smem:$0x3FA6] =	sst s8  }
0x11: {  	[smem:$0x3FA7] =	sst s9;
	s0 =	simm.s32 @!p0 $0x0  }
0x12: {  	s1 =	sld [smem:$0x3F8D];
	s0 =	simm.s32 @p0 $0x1  }
0x13: {  	[smem:$0x3FA8] =	sst s0;
	s0 =	simm.s32 @!p1 $0x0  }
0x14: {  	s2 =	sld [smem:$0x3F8C];
	s0 =	simm.s32 @p1 $0x1  }
0x15: {  	[smem:$0x3FA9] =	sst s0;
	s0 =	simm.s32 @!p2 $0x0  }
0x16: {  	s3 =	sld [smem:$0x3FDB];
	s0 =	simm.s32 @p2 $0x1  }
0x17: {  	s4 =	simm.s32 $0x1BF5;
	[smem:$0x3FAB] =	sst s0  }
0x18: {  	s0 =	sld [smem:$0x3F8E];
	_ =	swait.ge [sflag:s4], $0x0  }
0x19: {  	s7 =	sld [smem:$0x3F8F]  }
0x1a: {  	s8 =	sadd.s32 $0xFFFFE003, lr  }
0x1b: {  	s9 =	sadd.s32 $0xFFFFFEF7, lr;
	s5 =	simm.s32 $0xFFFFFFFF;
	p2 =	slt.u32 s8, $0xFFFFF086  }
0x1c: {  	p1 =	slt.u32 s9, $0xF7A;
	s5 =	simm.s32 @!p2 $0x0  }
0x1d: {  	s5 =	simm.s32 @p1 $0x1;
	p0 =	seq.s32 s7, s2  }
0x1e: {  	s7 =	smul.u32 @!p0 $0xF7A, s2;
	p2 =	seq.s32 @!p0 s5, $0x0  }
0x1f: {  	s9 =	smul.u32 $0xF7A, s1;
	s8 =	simm.s32 @!p0 $0x1BF5;
	p2 =	por !p2, p0  }
0x20: {  	[sflag:s8] =	ssyncset.s32 @!p0 $0xFFFFF086;
	s6 =	sadd.s32 @!p0 s3, s7;
	s7 =	simm.s32 @!p0 $0x108  }
0x21: {  	s3 =	sadd.s32 s3, s9;
	s6 =	sadd.s32 @!p0 $0x88, s6;
	s7 =	simm.s32 @p2 $0x1082  }
0x22: {  	[simem:s7], [sflag:s8] =	dma.local @!p0 [hbm:s6], $0xF7A  }
0x23: {  	s9 =	sor.u32 $0xD0000000, s2;
	s6 =	simm.s32 $0x108;
	_ =	swait.ge @!p0 [sflag:s8], $0x0  }
0x24: {  	s3 =	sadd.s32 $0x88, s3;
	s6 =	simm.s32 @!p1 $0x1082;
	[sflag:s4] =	ssyncset.s32 $0xFFFFF086  }
0x25: {  	[simem:s6], [sflag:s4] =	dma.local [hbm:s3], $0xF7A  }
0x26: {  	[smem:$0x3F8F] =	sst s1;
	(tag) =	ssettag s2;
	_ =	strace s9  }
0x27: {  	s1 =	sld [smem:$0x3F9F]  }
0x28: {  	s2 =	sld [smem:$0x3FA0]  }
0x29: {  	s4 =	sld [smem:$0x3FA2]  }
0x2a: {  	p0 =	seq.s32 s5, $0x0;
	s5 =	sld [smem:$0x3FA3]  }
0x2b: {  	s6 =	sld [smem:$0x3FA4]  }
0x2c: {  	s7 =	sld [smem:$0x3FA5]  }
0x2d: {  	s3 =	simm.s32 $0x108;
	s8 =	sld [smem:$0x3FA6]  }
0x2e: {  	s3 =	simm.s32 @!p0 $0x1082;
	s9 =	sld [smem:$0x3FA7]  }
0x2f: {  	lr =	sadd.s32 s0, s3;
	s0 =	sld [smem:$0x3F9E]  }
0x30: {  	s3 =	sld [smem:$0x3FA1]  }
0x31: {  	[smem:$0x3FAA] =	sst s10  }
0x32: {  	s10 =	sld [smem:$0x3FA8];
	_ =	sdelay $0x3  }
0x33: {  	p0 =	seq.s32 s10, $0x1;
	s10 =	sld [smem:$0x3FAA];
	_ =	sdelay $0x3  }
0x34: {  	[smem:$0x3FAA] =	sst s10  }
0x35: {  	s10 =	sld [smem:$0x3FA9];
	_ =	sdelay $0x3  }
0x36: {  	p1 =	seq.s32 s10, $0x1;
	s10 =	sld [smem:$0x3FAA];
	_ =	sdelay $0x3  }
0x37: {  	[smem:$0x3FAA] =	sst s10  }
0x38: {  	s10 =	sld [smem:$0x3FAB]  }
0x39: {  	_ = 	snop;
	(pc) =	sbr.ind lr, $3  }
0x3a: {  	_ = 	snop  }
0x3b: {  	_ = 	snop  }
0x3c: {  	p2 =	seq.s32 s10, $0x1;
	s10 =	sld [smem:$0x3FAA]  }
0x3d: {  	_ =	shalt  }
0x3e: {  	_ =	shalt  }
0x3f: {  	_ =	shalt  }
0x40: {  	_ =	shalt  }
0x41: {  	_ =	shalt  }
0x42: {  	_ =	shalt  }
0x43: {  	_ =	shalt  }
0x44: {  	_ =	shalt  }
0x45: {  	_ =	shalt  }
0x46: {  	_ =	shalt  }
0x47: {  	_ =	shalt  }
0x48: {  	_ =	shalt  }
0x49: {  	_ =	shalt  }
0x4a: {  	_ =	shalt  }
0x4b: {  	_ =	shalt  }
0x4c: {  	_ =	shalt  }
0x4d: {  	_ =	shalt  }
0x4e: {  	_ =	shalt  }
0x4f: {  	_ =	shalt  }
0x50: {  	_ =	shalt  }
0x51: {  	_ =	shalt  }
0x52: {  	_ =	shalt  }
0x53: {  	_ =	shalt  }
0x54: {  	_ =	shalt  }
0x55: {  	_ =	shalt  }
0x56: {  	_ =	shalt  }
0x57: {  	_ =	shalt  }
0x58: {  	_ =	shalt  }
0x59: {  	_ =	shalt  }
0x5a: {  	_ =	shalt  }
0x5b: {  	_ =	shalt  }
0x5c: {  	_ =	shalt  }
0x5d: {  	_ =	shalt  }
0x5e: {  	_ =	shalt  }
0x5f: {  	_ =	shalt  }
0x60: {  	_ =	shalt  }
0x61: {  	_ =	shalt  }
0x62: {  	_ =	shalt  }
0x63: {  	_ =	shalt  }
0x64: {  	_ =	shalt  }
0x65: {  	_ =	shalt  }
0x66: {  	_ =	shalt  }
0x67: {  	_ =	shalt  }
0x68: {  	_ =	shalt  }
0x69: {  	_ =	shalt  }
0x6a: {  	_ =	shalt  }
0x6b: {  	_ =	shalt  }
0x6c: {  	_ =	shalt  }
0x6d: {  	_ =	shalt  }
0x6e: {  	_ =	shalt  }
0x6f: {  	_ =	shalt  }
0x70: {  	_ =	shalt  }
0x71: {  	_ =	shalt  }
0x72: {  	_ =	shalt  }
0x73: {  	_ =	shalt  }
0x74: {  	_ =	shalt  }
0x75: {  	_ =	shalt  }
0x76: {  	_ =	shalt  }
0x77: {  	_ =	shalt  }
0x78: {  	_ =	shalt  }
0x79: {  	_ =	shalt  }
0x7a: {  	_ =	shalt  }
0x7b: {  	_ =	shalt  }
0x7c: {  	_ =	shalt  }
0x7d: {  	_ =	shalt  }
0x7e: {  	_ =	shalt  }
0x7f: {  	_ =	shalt  }
0x80: {  	_ =	shalt  }
0x81: {  	_ =	shalt  }
0x82: {  	_ =	shalt  }
0x83: {  	_ =	shalt  }
0x84: {  	_ =	shalt  }
0x85: {  	_ =	shalt  }
0x86: {  	_ =	shalt  }
0x87: {  	_ =	shalt  }
.Lfunc_end0:
.L_simem_size_0:
called_computation.2_lowered:
.L_overlay_start_0:
0x88: {  	s0 =	sld [smem:$0x3FD9]  }
0x89: {  	s1 =	sld [smem:$0x3FFE];
	_ =	sdelay $0x3  }
0x8a: {  	s0 =	sadd.s32 s1, s0  }
0x8b: {  	[smem:$0x3FB6] =	sst s0  }
0x8c: {  	_ = 	snop  }
0x8d: {  	s0 =	sld [smem:$0x3FC7];
	(tm) =	ssettm $0x1  }
0x8e: {  	s16 =	sld [smem:$0x3FFB];
	_ =	sdelay $0x3  }
0x8f: {  	_ =	strace s16  }
0x90: {  	s1 =	sld [smem:$0x3FFC];
	_ =	sdelay $0x3  }
0x91: {  	_ =	strace s1  }
0x92: {  	s1 =	sld [smem:$0x3FFD];
	_ =	sdelay $0x3  }
0x93: {  	_ =	strace s1  }
0x94: {  	_ =	strace $0x8FFFFFFF  }
0x95: {  	s17 =	sld [smem:$0x3FDB];
	_ =	sdelay $0x1  }
0x96: {  	s2 =	simm.s32 $_scs_section_size  }
0x97: {  	s3 =	simm.s32 $_size__tile_overlayer_lowered;
	s4 =	simm.s32 $_tile_overlayer_lowered  }
0x98: {  	s20 =	simm.s32 $0x1BFF;
	s19 =	sshll.u32 s4, $0x1;
	s1 =	sadd.s32 s2, s17  }
0x99: {  	s5 =	simm.s32 $0x0;
	s18 =	sshll.u32 s3, $0x1;
	s3 =	sadd.s32 s19, s1  }
0x9a: {  	[timem:s5], [sflag:s20] =	dma.local [hbm:s3], s18  }
0x9b: {  	_ =	swait.ge [sflag:s20], s18  }
0x9c: {  	s2 =	ssub.s32 $0x0, s18;
	[sflag:s20] =	ssyncset.done $0x0  }
0x9d: {  	[sflag:s20] =	ssyncadd.s32 s2;
	_ =	sdelay $0x1  }
0x9e: {  	s21 =	simm.s32 $0x1B8B  }
0x9f: {  	_ =	swait.ge [sflag:s21], $0x1  }
0xa0: {  	[sflag:s21] =	ssyncset.done $0x0  }
0xa1: {  	s23 =	simm.s32 $0x1B8E;
	s22 =	sld [smem:$0x3FFE];
	[sflag:s21] =	ssyncadd.s32 $0xFFFFFFFF  }
0xa2: {  	s24 =	simm.s32 $execute0_lowered;
	[smem:$0x3FD2] =	sst s23  }
0xa3: {  	s3 =	sshll.u32 s24, $0x1;
	_ =	strace $0x80000052;
	[dreg:$0x1] =	wrdreg $0xFFFFFFFF  }
0xa4: {  	s25 =	simm.s32 $_size_execute0_lowered;
	s1 =	sadd.s32 s1, s3;
	[dreg:$0x0] =	wrdreg $0x0  }
0xa5: {  	s3 =	sshll.u32 s25, $0x1;
	[dreg:$0x2] =	wrdreg s1  }
0xa6: {  	[dreg:$0x3] =	wrdreg s3  }
0xa7: {  	[dreg:$0x4] =	wrdreg $0xC0  }
0xa8: {  	_ =	task [dreg:s5], $0x5FFFF  }
0xa9: {  	[dreg:$0x1] =	wrdreg $0xFFFFFFFF  }
0xaa: {  	[dreg:$0x0] =	wrdreg $0x60  }
0xab: {  	[dreg:$0x2] =	wrdreg s0  }
0xac: {  	[dreg:$0x3] =	wrdreg s22  }
0xad: {  	[dreg:$0x4] =	wrdreg $0x9  }
0xae: {  	_ =	task.clear_ibuf [dreg:s5], $0x5FFFF;
	_ =	strace $0x90000052  }
0xaf: {  	s26 =	simm.s32 $0x9;
	_ =	strace $0x80000054  }
0xb0: {  	_ =	swait.ge [sflag:s26], $0x1  }
0xb1: {  	[sflag:s26] =	ssyncadd.s32 $0xFFFFFFFF  }
0xb2: {  	_ =	strace $0x90000054  }
0xb3: {  	_ =	sfence  }
0xb4: {  	s28 =	sld [smem:$0x0];
	_ =	sdelay $0x1  }
0xb5: {  	s29 =	srdreg.scid  }
0xb6: {  	s30 =	sshll.u32 s29, $0xD;
	s31 =	sshrl.u32 s29, $0x2  }
0xb7: {  	s2 =	sand.u32 $0x4000, s30;
	s1 =	sand.u32 $0x1, s29;
	s0 =	sadd.s32 s31, s28  }
0xb8: {  	s1 =	sor.u32 s2, s1;
	s0 =	sshll.u32 s0, $0x11  }
0xb9: {  	s0 =	sor.u32 s0, s1  }
0xba: {  	s0 =	sadd.s32 $0x8F2B, s0  }
0xbb: {  	[sflag:s0] =	ssyncadd.remote.s32 $0x1  }
0xbc: {  	_ =	sfence.sel $0xFFFF  }
0xbd: {  	[dreg:$0x0] =	wrdreg $0xFFFFFFFF;
	(pc) =	sbr.abs _section_cstart, $3  }
0xbe: {  	[dreg:$0x1] =	wrdreg $0xFFFFFFFF  }
0xbf: {  	_ =	task.clear_ibuf [dreg:s5], $0x2FFFF;
	_ =	strace $0x9FFFFFFF  }
0xc0: {  	(tm) =	ssettm $0x7FFFFFFF  }
0xc1: {  	_ =	shalt  }
tec
execute0_lowered:
.L_overlay_start_1:
0x0: {  	(tag) =	ssettag $0x1  }
0x1: {  	s2 =	rddreg [dreg:$0x0]  }
0x2: {  	s8 =	rddreg [dreg:$0x1]  }
0x3: {  	s0 =	rddreg [dreg:$0x2]  }
0x4: {  	_ =	strace $0x80000053;
	s4 =	simm.s32 $0x1;
	s1 =	stileid.u32  }
0x5: {  	s7 =	simm.s32 $0x1;
	s9 =	simm.s32 $0x1;
	s6 =	simm.s32 $0x2  }
0x6: {  	s10 =	simm.s32 $0x3;
	s13 =	simm.s32 $0x0;
	s12 =	simm.s32 $0x0  }
.Ltmp0:
0x7: {  	s3 =	sadd.s32 $0xB3400, s8;
	p0 =	slt.u32 s1, $0xA;
	(pc) =	sbr.rel .LBB2_1-.Ltmp0, $4  }
0x8: {  	[sflag:s4] =	ssyncpa.u1 $0x0;
	s7 =	simm.s32 @!p0 $0x0;
	p0 =	sne.s32 s1, $0x9  }
0x9: {  	s5 =	smul.u32 $0x190, s1;
	[sflag:s6] =	ssyncpa.u1 $0x0;
	s9 =	simm.s32 @!p0 $0x0  }
0xa: {  	s8 =	sadd.s32 $0xB3A00, s8;
	[sflag:s10] =	ssyncpa.u1 $0x0;
	s7 =	sadd.s32 s9, s7  }
0xb: {  	vm0 =	vmmov $0xffff;
	s10 =	simm.s32 $0x0;
	s11 =	smov.u32 s5;
	s9 =	sadd.s32 $0x1, s7  }
.LBB2_4:
0xc: {  	v2 =	vnsel vm1, $0x0, v2  }
0xd: {  	vm1 =	vgt.s32 v0, $0x0;
	v2 =	vmin.u32 v2, $0x270F  }
0xe: {  	v0 =	vnsel vm1, $0x0, v0  }
0xf: {  	v0 =	vmin.u32 v0, $0x270F  }
0x10: {  	[tilespmem:s18], [sflag:$0x1] =	stream.indirect_vreg.gather [hbm4b:s2+s10], $0x1, v1, vm0, $0x4038;
	[tilespmem:$0x640] =	vst v63  }
0x11: {  	(ifvalue) =	ssetifvalue $0x7FFFFFFF  }
0x12: {  	[tilespmem:s15], [sflag:$0x1] =	stream.indirect_vreg.gather [hbm4b:s2+s10], $0x1, v2, vm0, $0x4038;
	[tilespmem:$0x640] =	vst v63  }
0x13: {  	s29 =	sadd.s32 $0x10, s15;
	(ifvalue) =	ssetifvalue $0x7FFFFFFF  }
0x14: {  	[tilespmem:s29], [sflag:$0x1] =	stream.indirect_vreg.gather [hbm4b:s2+s10], $0x1, v0, vm0, $0x4038;
	[tilespmem:$0x640] =	vst v63  }
0x15: {  	_ =	swait.ge [sflag:s4], $0x190  }
0x16: {  	s30 =	sshrl.u32 s13, $0x3;
	[sflag:s4] =	ssyncset.done $0x0  }
0x17: {  	s31 =	sand.u32 $0x7, s13;
	s15 =	sadd.s32 s8, s30;
	[sflag:s4] =	ssyncadd.s32 $0xFFFFFE70  }
0x18: {  	[hbm4b:s15+s31] =	stream.linear.scatter [tilespmem:s14], [sflag:$0x3], $0x190, $0x38;
	[tilespmem:$0x640] =	vst v63  }
.LBB2_5:
0x19: {  	s15 =	sadd.s32 $0x1900, s11  }
0x1a: {  	p1 =	sgt.s32 s15, $0x270F  }
0x1b: {  	s15 =	smov.u32 @p1 s5;
	p1 =	sne.s32 s12, s9  }
.Ltmp1:
0x1c: {  	p0 =	slt.u32 s12, $0x2;
	(pc) =	sbr.rel @!p1 .LBB2_6-.Ltmp1, $4  }
0x1d: {  	s14 =	simm.s32 @!p0 $0x3  }
0x1e: {  	_ =	swait.ge @!p0 [sflag:s14], $0x190  }
0x1f: {  	s16 =	sadd.s32 $0x1, s12;
	s13 =	smov.u32 s11;
	[sflag:s14] =	ssyncset.done @!p0 $0x0  }
0x20: {  	s12 =	smov.u32 s16;
	s11 =	smov.u32 s15;
	[sflag:s14] =	ssyncadd.s32 @!p0 $0xFFFFFE70  }
.LBB2_1:
0x21: {  	p0 =	sge.u32 s12, s7  }
0x22: {  	s14 =	sxor.u32 @!p0 $0x1, s12  }
0x23: {  	s14 =	smul.u32 @!p0 $0x640, s14  }
0x24: {  	s31 =	sadd.s32 $0xFFFFFFFF, s12;
	s15 =	sshrl.u32 @!p0 s11, $0x3  }
0x25: {  	s16 =	sand.u32 @!p0 $0x7, s11;
	s15 =	sadd.s32 @!p0 s3, s15;
	s14 =	sshra.s32 @!p0 s14, $0x2  }
0x26: {  	[tilespmem:s14], [sflag:$0x2] =	stream.linear.gather @!p0 [hbm4b:s15+s16], $0x190, $0x38;
	[tilespmem:$0x640] =	vst v63  }
0x27: {  	p0 =	sge.u32 s31, s7  }
.Ltmp2:
0x28: {  	_ = 	snop;
	(pc) =	sbr.rel @p0 .LBB2_5-.Ltmp2, $1  }
0x29: {  	_ =	sdelay $0x3  }
0x2a: {  	s14 =	sand.u32 $0x1, s12  }
0x2b: {  	_ =	swait.ge [sflag:s6], $0x190;
	p0 =	seq.s32 s14, $0x1;
	s14 =	simm.s32 $0x190  }
0x2c: {  	[sflag:s6] =	ssyncset.done $0x0;
	s14 =	simm.s32 @!p0 $0x0  }
0x2d: {  	[sflag:s6] =	ssyncadd.s32 $0xFFFFFE70;
	(ifvalue) =	ssetifvalue $0x7FFFFFFF;
	v0 =	vld.msk [tilespmem:s14+$0x0 ss:$0x1], $0xffff;
	_ =	sdelay $0x4  }
0x2e: {  	s15 =	sadd.s32 $0x10, s14;
	vm1 =	vgt.s32 v0, $0x0  }
0x2f: {  	v2 =	vld.msk [tilespmem:s15+$0x0 ss:$0x1], $0xffff;
	v1 =	vnsel vm1, $0x0, v0  }
0x30: {  	v1 =	vmin.u32 v1, $0x270F;
	_ =	sdelay $0x2  }
0x31: {  	s17 =	simm.s32 $0x20;
	s14 =	sadd.s32 $0x320, s14;
	s16 =	sadd.s32 $0x10, s15  }
0x32: {  	s15 =	sadd.s32 $0x10, s14;
	s18 =	smov.u32 s14;
	v0 =	vld.msk [tilespmem:s16+$0x0 ss:$0x1], $0xffff;
	vm1 =	vgt.s32 v2, $0x0;
	(ifvalue) =	ssetifvalue $0x7FFFFFFF  }
.LBB2_3:
0x33: {  	[tilespmem:s18], [sflag:$0x1] =	stream.indirect_vreg.gather [hbm4b:s2+s10], $0x1, v1, vm0, $0x4038;
	[tilespmem:$0x640] =	vst v63  }
0x34: {  	s17 =	sadd.s32 $0x10, s17  }
0x35: {  	v2 =	vnsel vm1, $0x0, v2;
	p0 =	slt.u32 s17, $0x180  }
.Ltmp3:
0x36: {  	s18 =	smov.u32 s15;
	v1 =	vmin.u32 v2, $0x270F;
	(pc) =	sbr.rel @p0 .LBB2_3-.Ltmp3, $3  }
0x37: {  	_ =	sdelay $0x1  }
0x38: {  	s16 =	sadd.s32 $0x10, s16  }
0x39: {  	vm1 =	vgt.s32 v0, $0x0;
	s15 =	sadd.s32 $0x10, s15;
	v2 =	vmov v0;
	(ifvalue) =	ssetifvalue $0x7FFFFFFF;
	v0 =	vld.msk [tilespmem:s16+$0x0 ss:$0x1], $0xffff  }
.Ltmp4:
0x3a: {  	_ = 	snop;
	(pc) =	sbr.rel .LBB2_4-.Ltmp4, $1  }
0x3b: {  	_ =	sdelay $0x3  }
.LBB2_6:
0x3c: {  	_ =	sfence.sel $0x180000  }
0x3d: {  	s2 =	simm.s32 $0x2;
	[bflag:$0x0] =	sbarrier.arrive $0xFFFF  }
0x3e: {  	s30 =	simm.s32 $0x3;
	[sflag:s2] =	ssyncpa.u1 $0x1  }
0x3f: {  	s31 =	simm.s32 $0x1;
	[sflag:s30] =	ssyncpa.u1 $0x1  }
0x40: {  	[sflag:s31] =	ssyncpa.u1 $0x1  }
0x41: {  	p0 =	sne.s32 s1, $0x0;
	_ =	strace $0x90000053  }
0x42: {  	s0 =	sadd.s32 @!p0 $0x100000, s0;
	[bflag:$0x2] =	sbarrier.arrive $0xFFFF  }
0x43: {  	[sflag:s0] =	ssyncadd.tile.s32 @!p0 $0x1;
	_ =	shalt  }
.Lfunc_end2:
_tile_overlayer_lowered:
.L_overlay_start_2:
0x44: {  	(tag) =	ssettag $0x2  }
0x45: {  	s0 =	rddreg [dreg:$0x0];
	s2 =	stileid.u32  }
0x46: {  	s1 =	rddreg [dreg:$0x1];
	p0 =	sne.s32 s2, $0x0  }
0x47: {  	s3 =	rddreg [dreg:$0x2];
	[bflag:$0x3] =	sbarrier.arrive $0xFFFF;
	s2 =	simm.s32 @!p0 $0x1C01  }
0x48: {  	[timem:s3], [sflag:s2] =	dma.local @!p0 [hbm:s0], s1  }
0x49: {  	s0 =	simm.s32 @!p0 $0x1  }
0x4a: {  	_ =	swait.ge @!p0 [sflag:s0], s1  }
0x4b: {  	s1 =	ssub.s32 @!p0 $0x0, s1;
	[sflag:s0] =	ssyncset.done @!p0 $0x0  }
0x4c: {  	[sflag:s0] =	ssyncadd.s32 @!p0 s1  }
0x4d: {  	[bflag:$0x3] =	sbarrier.arrive $0xFFFF  }
0x4e: {  	_ =	shalt  }

// kernel: kernel.12.cloned.1.call-start
scs
__scs_entry_jumppad:
0x0: {  	(pc) =	sbr.rel $0x88, $3  }
0x1: {  	(tag) =	ssettag $0x0;
	lr =	simm.s32 $0x1  }
0x2: {  	[smem:$0x3F8F] =	sst lr;
	_ =	strace $0xD0000000  }
0x3: {  	_ = 	snop  }
0x4: {  	_ = 	snop  }
0x5: {  	_ = 	snop  }
0x6: {  	_ = 	snop  }
0x7: {  	_ = 	snop  }
__scs_overlays_trampoline_lowered:
0x8: {  	[smem:$0x3F9E] =	sst s0  }
0x9: {  	[smem:$0x3F9F] =	sst s1  }
0xa: {  	[smem:$0x3FA0] =	sst s2  }
0xb: {  	[smem:$0x3FA1] =	sst s3  }
0xc: {  	[smem:$0x3FA2] =	sst s4  }
0xd: {  	[smem:$0x3FA3] =	sst s5  }
0xe: {  	[smem:$0x3FA4] =	sst s6  }
0xf: {  	[smem:$0x3FA5] =	sst s7  }
0x10: {  	[smem:$0x3FA6] =	sst s8  }
0x11: {  	[smem:$0x3FA7] =	sst s9;
	s0 =	simm.s32 @!p0 $0x0  }
0x12: {  	s1 =	sld [smem:$0x3F8D];
	s0 =	simm.s32 @p0 $0x1  }
0x13: {  	[smem:$0x3FA8] =	sst s0;
	s0 =	simm.s32 @!p1 $0x0  }
0x14: {  	s2 =	sld [smem:$0x3F8C];
	s0 =	simm.s32 @p1 $0x1  }
0x15: {  	[smem:$0x3FA9] =	sst s0;
	s0 =	simm.s32 @!p2 $0x0  }
0x16: {  	s3 =	sld [smem:$0x3FDB];
	s0 =	simm.s32 @p2 $0x1  }
0x17: {  	s4 =	simm.s32 $0x1BF5;
	[smem:$0x3FAB] =	sst s0  }
0x18: {  	s0 =	sld [smem:$0x3F8E];
	_ =	swait.ge [sflag:s4], $0x0  }
0x19: {  	s7 =	sld [smem:$0x3F8F]  }
0x1a: {  	s8 =	sadd.s32 $0xFFFFE003, lr  }
0x1b: {  	s9 =	sadd.s32 $0xFFFFFEF7, lr;
	s5 =	simm.s32 $0xFFFFFFFF;
	p2 =	slt.u32 s8, $0xFFFFF086  }
0x1c: {  	p1 =	slt.u32 s9, $0xF7A;
	s5 =	simm.s32 @!p2 $0x0  }
0x1d: {  	s5 =	simm.s32 @p1 $0x1;
	p0 =	seq.s32 s7, s2  }
0x1e: {  	s7 =	smul.u32 @!p0 $0xF7A, s2;
	p2 =	seq.s32 @!p0 s5, $0x0  }
0x1f: {  	s9 =	smul.u32 $0xF7A, s1;
	s8 =	simm.s32 @!p0 $0x1BF5;
	p2 =	por !p2, p0  }
0x20: {  	[sflag:s8] =	ssyncset.s32 @!p0 $0xFFFFF086;
	s6 =	sadd.s32 @!p0 s3, s7;
	s7 =	simm.s32 @!p0 $0x108  }
0x21: {  	s3 =	sadd.s32 s3, s9;
	s6 =	sadd.s32 @!p0 $0x88, s6;
	s7 =	simm.s32 @p2 $0x1082  }
0x22: {  	[simem:s7], [sflag:s8] =	dma.local @!p0 [hbm:s6], $0xF7A  }
0x23: {  	s9 =	sor.u32 $0xD0000000, s2;
	s6 =	simm.s32 $0x108;
	_ =	swait.ge @!p0 [sflag:s8], $0x0  }
0x24: {  	s3 =	sadd.s32 $0x88, s3;
	s6 =	simm.s32 @!p1 $0x1082;
	[sflag:s4] =	ssyncset.s32 $0xFFFFF086  }
0x25: {  	[simem:s6], [sflag:s4] =	dma.local [hbm:s3], $0xF7A  }
0x26: {  	[smem:$0x3F8F] =	sst s1;
	(tag) =	ssettag s2;
	_ =	strace s9  }
0x27: {  	s1 =	sld [smem:$0x3F9F]  }
0x28: {  	s2 =	sld [smem:$0x3FA0]  }
0x29: {  	s4 =	sld [smem:$0x3FA2]  }
0x2a: {  	p0 =	seq.s32 s5, $0x0;
	s5 =	sld [smem:$0x3FA3]  }
0x2b: {  	s6 =	sld [smem:$0x3FA4]  }
0x2c: {  	s7 =	sld [smem:$0x3FA5]  }
0x2d: {  	s3 =	simm.s32 $0x108;
	s8 =	sld [smem:$0x3FA6]  }
0x2e: {  	s3 =	simm.s32 @!p0 $0x1082;
	s9 =	sld [smem:$0x3FA7]  }
0x2f: {  	lr =	sadd.s32 s0, s3;
	s0 =	sld [smem:$0x3F9E]  }
0x30: {  	s3 =	sld [smem:$0x3FA1]  }
0x31: {  	[smem:$0x3FAA] =	sst s10  }
0x32: {  	s10 =	sld [smem:$0x3FA8];
	_ =	sdelay $0x3  }
0x33: {  	p0 =	seq.s32 s10, $0x1;
	s10 =	sld [smem:$0x3FAA];
	_ =	sdelay $0x3  }
0x34: {  	[smem:$0x3FAA] =	sst s10  }
0x35: {  	s10 =	sld [smem:$0x3FA9];
	_ =	sdelay $0x3  }
0x36: {  	p1 =	seq.s32 s10, $0x1;
	s10 =	sld [smem:$0x3FAA];
	_ =	sdelay $0x3  }
0x37: {  	[smem:$0x3FAA] =	sst s10  }
0x38: {  	s10 =	sld [smem:$0x3FAB]  }
0x39: {  	_ = 	snop;
	(pc) =	sbr.ind lr, $3  }
0x3a: {  	_ = 	snop  }
0x3b: {  	_ = 	snop  }
0x3c: {  	p2 =	seq.s32 s10, $0x1;
	s10 =	sld [smem:$0x3FAA]  }
0x3d: {  	_ =	shalt  }
0x3e: {  	_ =	shalt  }
0x3f: {  	_ =	shalt  }
0x40: {  	_ =	shalt  }
0x41: {  	_ =	shalt  }
0x42: {  	_ =	shalt  }
0x43: {  	_ =	shalt  }
0x44: {  	_ =	shalt  }
0x45: {  	_ =	shalt  }
0x46: {  	_ =	shalt  }
0x47: {  	_ =	shalt  }
0x48: {  	_ =	shalt  }
0x49: {  	_ =	shalt  }
0x4a: {  	_ =	shalt  }
0x4b: {  	_ =	shalt  }
0x4c: {  	_ =	shalt  }
0x4d: {  	_ =	shalt  }
0x4e: {  	_ =	shalt  }
0x4f: {  	_ =	shalt  }
0x50: {  	_ =	shalt  }
0x51: {  	_ =	shalt  }
0x52: {  	_ =	shalt  }
0x53: {  	_ =	shalt  }
0x54: {  	_ =	shalt  }
0x55: {  	_ =	shalt  }
0x56: {  	_ =	shalt  }
0x57: {  	_ =	shalt  }
0x58: {  	_ =	shalt  }
0x59: {  	_ =	shalt  }
0x5a: {  	_ =	shalt  }
0x5b: {  	_ =	shalt  }
0x5c: {  	_ =	shalt  }
0x5d: {  	_ =	shalt  }
0x5e: {  	_ =	shalt  }
0x5f: {  	_ =	shalt  }
0x60: {  	_ =	shalt  }
0x61: {  	_ =	shalt  }
0x62: {  	_ =	shalt  }
0x63: {  	_ =	shalt  }
0x64: {  	_ =	shalt  }
0x65: {  	_ =	shalt  }
0x66: {  	_ =	shalt  }
0x67: {  	_ =	shalt  }
0x68: {  	_ =	shalt  }
0x69: {  	_ =	shalt  }
0x6a: {  	_ =	shalt  }
0x6b: {  	_ =	shalt  }
0x6c: {  	_ =	shalt  }
0x6d: {  	_ =	shalt  }
0x6e: {  	_ =	shalt  }
0x6f: {  	_ =	shalt  }
0x70: {  	_ =	shalt  }
0x71: {  	_ =	shalt  }
0x72: {  	_ =	shalt  }
0x73: {  	_ =	shalt  }
0x74: {  	_ =	shalt  }
0x75: {  	_ =	shalt  }
0x76: {  	_ =	shalt  }
0x77: {  	_ =	shalt  }
0x78: {  	_ =	shalt  }
0x79: {  	_ =	shalt  }
0x7a: {  	_ =	shalt  }
0x7b: {  	_ =	shalt  }
0x7c: {  	_ =	shalt  }
0x7d: {  	_ =	shalt  }
0x7e: {  	_ =	shalt  }
0x7f: {  	_ =	shalt  }
0x80: {  	_ =	shalt  }
0x81: {  	_ =	shalt  }
0x82: {  	_ =	shalt  }
0x83: {  	_ =	shalt  }
0x84: {  	_ =	shalt  }
0x85: {  	_ =	shalt  }
0x86: {  	_ =	shalt  }
0x87: {  	_ =	shalt  }
.Lfunc_end0:
.L_simem_size_0:
called_computation.5_lowered:
.L_overlay_start_0:
0x88: {  	s2 =	sld [smem:$0x3FD9]  }
0x89: {  	s3 =	sld [smem:$0x3FFE];
	_ =	sdelay $0x1  }
0x8a: {  	s1 =	srdreg.scid  }
0x8b: {  	s0 =	sand.u32 $0x1, s1  }
0x8c: {  	s16 =	sshll.u32 s0, $0xA;
	s2 =	sadd.s32 s3, s2  }
0x8d: {  	s2 =	sadd.s32 s2, s16  }
0x8e: {  	[smem:$0x3FB6] =	sst s2  }
0x8f: {  	_ = 	snop  }
0x90: {  	(tm) =	ssettm $0x1  }
0x91: {  	s17 =	sld [smem:$0x3FFB];
	_ =	sdelay $0x3  }
0x92: {  	_ =	strace s17  }
0x93: {  	s2 =	sld [smem:$0x3FFC];
	_ =	sdelay $0x3  }
0x94: {  	_ =	strace s2  }
0x95: {  	s2 =	sld [smem:$0x3FFD];
	_ =	sdelay $0x3  }
0x96: {  	_ =	strace s2  }
0x97: {  	_ =	strace $0x8FFFFFFF  }
0x98: {  	s18 =	sld [smem:$0x3FDB];
	_ =	sdelay $0x1  }
0x99: {  	s19 =	simm.s32 $_scs_section_size  }
0x9a: {  	s4 =	simm.s32 $_size__tile_overlayer_lowered;
	s5 =	simm.s32 $_tile_overlayer_lowered  }
0x9b: {  	s22 =	simm.s32 $0x1BFF;
	s21 =	sshll.u32 s5, $0x1;
	s2 =	sadd.s32 s19, s18  }
0x9c: {  	s6 =	simm.s32 $0x0;
	s20 =	sshll.u32 s4, $0x1;
	s4 =	sadd.s32 s21, s2  }
0x9d: {  	[timem:s6], [sflag:s22] =	dma.local [hbm:s4], s20  }
0x9e: {  	_ =	swait.ge [sflag:s22], s20  }
0x9f: {  	s3 =	ssub.s32 $0x0, s20;
	[sflag:s22] =	ssyncset.done $0x0  }
0xa0: {  	[sflag:s22] =	ssyncadd.s32 s3;
	_ =	sdelay $0x1  }
0xa1: {  	s23 =	simm.s32 $0x1B8B  }
0xa2: {  	_ =	swait.ge [sflag:s23], $0x1  }
0xa3: {  	[sflag:s23] =	ssyncset.done $0x0  }
0xa4: {  	s25 =	simm.s32 $0x1B8E;
	s24 =	sld [smem:$0x3FFE];
	[sflag:s23] =	ssyncadd.s32 $0xFFFFFFFF  }
0xa5: {  	s26 =	simm.s32 $execute0_lowered;
	[smem:$0x3FD2] =	sst s25  }
0xa6: {  	s4 =	sshll.u32 s26, $0x1;
	_ =	strace $0x80000049;
	[dreg:$0x1] =	wrdreg $0xFFFFFFFF  }
0xa7: {  	s28 =	simm.s32 $_size_execute0_lowered;
	s2 =	sadd.s32 s2, s4;
	[dreg:$0x0] =	wrdreg $0x0  }
0xa8: {  	s4 =	sshll.u32 s28, $0x1;
	[dreg:$0x2] =	wrdreg s2  }
0xa9: {  	[dreg:$0x3] =	wrdreg s4  }
0xaa: {  	[dreg:$0x4] =	wrdreg $0xC0  }
0xab: {  	_ =	task [dreg:s6], $0x5FFFF  }
0xac: {  	[dreg:$0x1] =	wrdreg $0xFFFFFFFF  }
0xad: {  	[dreg:$0x0] =	wrdreg $0x60  }
0xae: {  	[dreg:$0x2] =	wrdreg s24  }
0xaf: {  	[dreg:$0x3] =	wrdreg $0x41800  }
0xb0: {  	[dreg:$0x4] =	wrdreg $0xA  }
0xb1: {  	_ =	task.clear_ibuf [dreg:s6], $0x5FFFF;
	_ =	strace $0x90000049  }
0xb2: {  	s29 =	simm.s32 $0xA;
	_ =	strace $0x8000004B  }
0xb3: {  	_ =	swait.ge [sflag:s29], $0x1  }
0xb4: {  	[sflag:s29] =	ssyncadd.s32 $0xFFFFFFFF  }
0xb5: {  	_ =	strace $0x9000004B  }
0xb6: {  	_ =	sfence  }
0xb7: {  	s30 =	sld [smem:$0x0];
	_ =	sdelay $0x2  }
0xb8: {  	s31 =	sshll.u32 s1, $0xD;
	s1 =	sshrl.u32 s1, $0x2  }
0xb9: {  	s3 =	sand.u32 $0x4000, s31;
	s1 =	sadd.s32 s1, s30  }
0xba: {  	s0 =	sor.u32 s3, s0;
	s1 =	sshll.u32 s1, $0x11  }
0xbb: {  	s0 =	sor.u32 s1, s0  }
0xbc: {  	s0 =	sadd.s32 $0x8F2B, s0  }
0xbd: {  	[sflag:s0] =	ssyncadd.remote.s32 $0x1  }
0xbe: {  	_ =	sfence.sel $0xFFFF  }
0xbf: {  	[dreg:$0x0] =	wrdreg $0xFFFFFFFF;
	(pc) =	sbr.abs _section_cstart, $3  }
0xc0: {  	[dreg:$0x1] =	wrdreg $0xFFFFFFFF  }
0xc1: {  	_ =	task.clear_ibuf [dreg:s6], $0x2FFFF;
	_ =	strace $0x9FFFFFFF  }
0xc2: {  	(tm) =	ssettm $0x7FFFFFFF  }
0xc3: {  	_ =	shalt  }
tec
execute0_lowered:
.L_overlay_start_1:
0x0: {  	(tag) =	ssettag $0x1  }
0x1: {  	s1 =	rddreg [dreg:$0x0]  }
0x2: {  	s2 =	rddreg [dreg:$0x1]  }
0x3: {  	s0 =	rddreg [dreg:$0x2]  }
0x4: {  	s4 =	simm.s32 $0x0;
	s5 =	srdreg.scid;
	s3 =	stileid.u32  }
0x5: {  	s23 =	simm.s32 $0x2;
	s24 =	simm.s32 $0x80;
	s25 =	simm.s32 $0x1  }
0x6: {  	s26 =	simm.s32 $0x100;
	s28 =	simm.s32 $0x0;
	s8 =	smul.u32 $0x50000, s3  }
0x7: {  	[smem:$0x7FF] =	sst s4;
	s14 =	sand.u32 $0x1, s5;
	s11 =	smul.u32 $0x280, s3  }
0x8: {  	s5 =	sadd.s32 $0x3BA00, s1;
	s6 =	sadd.s32 $0x13A00, s1;
	s21 =	smul.u32 $0x2800, s3  }
0x9: {  	_ =	strace $0x8000004A;
	s7 =	ssub.s32 $0x2, s14;
	s29 =	sshll.u32 s14, $0x4  }
0xa: {  	s9 =	sshrl.u32 s7, $0x1;
	s8 =	sshrl.u32 s8, $0x2;
	s20 =	sor.u32 s3, s29  }
0xb: {  	s16 =	sadd.s32 $0x80, s11;
	s17 =	sadd.s32 $0x100, s11;
	s18 =	sadd.s32 $0x180, s11  }
0xc: {  	s19 =	sadd.s32 $0x200, s11;
	s11 =	simm.s32 $0x4F;
	s15 =	ssub.s32 s7, s9  }
0xd: {  	s7 =	sadd.s32 s8, s2;
	s30 =	sshll.u32 s16, $0x7;
	s31 =	sshll.u32 s17, $0x7  }
0xe: {  	s10 =	sshll.u32 s18, $0x7;
	s12 =	sshll.u32 s19, $0x7;
	p0 =	slt.u32 s20, $0x4  }
0xf: {  	s13 =	sshll.u32 s20, $0x5;
	s16 =	sshll.u32 s16, $0x4;
	s17 =	sshll.u32 s17, $0x4  }
0x10: {  	s18 =	sshll.u32 s18, $0x4;
	s19 =	sshll.u32 s19, $0x4;
	s20 =	sor.u32 $0x20, s20  }
0x11: {  	s11 =	simm.s32 @!p0 $0x4E;
	p0 =	seq.s32 s14, $0x0;
	s14 =	simm.s32 $0x62C00  }
0x12: {  	s8 =	sadd.s32 s30, s2;
	s9 =	sadd.s32 s31, s2;
	s14 =	simm.s32 @!p0 $0xDC200  }
0x13: {  	s10 =	sadd.s32 s10, s2;
	s12 =	sadd.s32 s12, s2;
	s22 =	sadd.s32 s14, s1  }
0x14: {  	s13 =	sadd.s32 s1, s13;
	s14 =	smax.u32 s15, $0x1;
	s15 =	sadd.s32 s22, s21  }
0x15: {  	s16 =	sadd.s32 s22, s16;
	s17 =	sadd.s32 s22, s17;
	s18 =	sadd.s32 s22, s18  }
0x16: {  	s19 =	sadd.s32 s22, s19;
	s21 =	simm.s32 $0x180;
	s22 =	simm.s32 $0x3  }
.LBB2_1:
0x17: {  	[tilespmem:s21], [sflag:$0x3] =	stream.linear.gather [hbm4b:s6+s4], $0x4000, $0x38;
	[tilespmem:$0x18180] =	vst v63  }
0x18: {  	_ =	swait.ge [sflag:s22], $0x4000  }
0x19: {  	[sflag:s22] =	ssyncset.done $0x0  }
0x1a: {  	[sflag:s22] =	ssyncadd.s32 $0xFFFFC000  }
0x1b: {  	[spmem:s7] =	stream.linear.scatter [tilespmem:s21], [sflag:$0x3], $0x4000, $0x38;
	[tilespmem:$0x18180] =	vst v63  }
0x1c: {  	_ =	swait.ge [sflag:s22], $0x4000  }
0x1d: {  	[sflag:s22] =	ssyncset.done $0x0  }
0x1e: {  	[sflag:s22] =	ssyncadd.s32 $0xFFFFC000  }
0x1f: {  	[spmem:s8] =	stream.linear.scatter [tilespmem:s21], [sflag:$0x3], $0x4000, $0x38;
	[tilespmem:$0x18180] =	vst v63  }
0x20: {  	_ =	swait.ge [sflag:s22], $0x4000  }
0x21: {  	[sflag:s22] =	ssyncset.done $0x0  }
0x22: {  	[sflag:s22] =	ssyncadd.s32 $0xFFFFC000  }
0x23: {  	[spmem:s9] =	stream.linear.scatter [tilespmem:s21], [sflag:$0x3], $0x4000, $0x38;
	[tilespmem:$0x18180] =	vst v63  }
0x24: {  	_ =	swait.ge [sflag:s22], $0x4000  }
0x25: {  	[sflag:s22] =	ssyncset.done $0x0  }
0x26: {  	[sflag:s22] =	ssyncadd.s32 $0xFFFFC000  }
0x27: {  	[spmem:s10] =	stream.linear.scatter [tilespmem:s21], [sflag:$0x3], $0x4000, $0x38;
	[tilespmem:$0x18180] =	vst v63  }
0x28: {  	_ =	swait.ge [sflag:s22], $0x4000  }
0x29: {  	[sflag:s22] =	ssyncset.done $0x0  }
0x2a: {  	[sflag:s22] =	ssyncadd.s32 $0xFFFFC000  }
0x2b: {  	[spmem:s12] =	stream.linear.scatter [tilespmem:s21], [sflag:$0x3], $0x4000, $0x38;
	[tilespmem:$0x18180] =	vst v63  }
0x2c: {  	_ =	swait.ge [sflag:s22], $0x4000  }
0x2d: {  	[sflag:s22] =	ssyncset.done $0x0  }
0x2e: {  	[sflag:s22] =	ssyncadd.s32 $0xFFFFC000  }
0x2f: {  	[bflag:$0x0] =	sbarrier.arrive $0xFFFF  }
0x30: {  	[tilespmem:s4], [sflag:$0x2] =	stream.linear.gather [hbm4b:s13+s4], $0x100, $0x38;
	[tilespmem:$0x18180] =	vst v63  }
0x31: {  	_ =	swait.ge [sflag:s23], $0x100  }
0x32: {  	[sflag:s23] =	ssyncset.done $0x0  }
0x33: {  	[sflag:s23] =	ssyncadd.s32 $0xFFFFFF00  }
0x34: {  	[tilespmem:s21], [sflag:$0x1] =	stream.indirect.gather [hbm4b:s5+s24], $0x80, s4, s24, $0xb8;
	[tilespmem:$0x18180] =	vst v63  }
0x35: {  	_ =	swait.ge [sflag:s25], $0x4000  }
0x36: {  	[sflag:s25] =	ssyncset.done $0x0  }
0x37: {  	[sflag:s25] =	ssyncadd.s32 $0xFFFFC000  }
0x38: {  	v0 =	vld [tilespmem:$0xF0]  }
0x39: {  	v1 =	vld [tilespmem:$0xD0]  }
0x3a: {  	v2 =	vld [tilespmem:$0xE0]  }
0x3b: {  	v3 =	vld [tilespmem:$0xB0]  }
0x3c: {  	p0 =	slt.s32 s20, $0x9C3;
	s29 =	smov.u32 s20;
	v4 =	vld [tilespmem:$0x80]  }
0x3d: {  	s29 =	simm.s32 @!p0 $0x9C3;
	p0 =	sne.s32 s11, $0x1;
	v5 =	vld [tilespmem:$0xC0];
	[tilespmem:$0x170] =	vst v0  }
.Ltmp0:
0x3e: {  	[tilespmem:$0x150] =	vst v1;
	v0 =	vld [tilespmem:$0xA0];
	(pc) =	sbr.rel @!p0 .LBB2_3-.Ltmp0, $4  }
0x3f: {  	[tilespmem:$0x160] =	vst v2;
	v1 =	vld [tilespmem:$0x90]  }
0x40: {  	[tilespmem:$0x130] =	vst v3  }
0x41: {  	s30 =	sshll.u32 s29, $0x5;
	[tilespmem:$0x100] =	vst v4  }
0x42: {  	s29 =	sadd.s32 $0xFFFFFFFF, s11;
	s31 =	sand.u32 $0x1FFFFFE0, s30;
	s30 =	smov.u32 s20;
	[tilespmem:$0x140] =	vst v5  }
.LBB2_2:
0x43: {  	p0 =	sne.s32 s29, $0x1;
	[tilespmem:$0x120] =	vst v0;
	s31 =	sadd.s32 s1, s31;
	s30 =	sadd.s32 $0x20, s30  }
0x44: {  	s29 =	sadd.s32 $0xFFFFFFFF, s29;
	[tilespmem:$0x110] =	vst v1  }
0x45: {  	[tilespmem:s4], [sflag:$0x2] =	stream.linear.gather [hbm4b:s31+s4], $0x100, $0x38;
	[tilespmem:$0x18180] =	vst v63  }
0x46: {  	_ = 	snop  }
0x47: {  	[spmem:s2] =	stream.indirect.scatter.add.f32 [tilespmem:s21], [sflag:$0x3], $0x80, s26, s24, $0xb8;
	[tilespmem:$0x18180] =	vst v63  }
0x48: {  	_ =	swait.ge [sflag:s22], $0x4000  }
0x49: {  	[sflag:s22] =	ssyncset.done $0x0  }
0x4a: {  	[sflag:s22] =	ssyncadd.s32 $0xFFFFC000  }
0x4b: {  	_ =	swait.ge [sflag:s23], $0x100  }
0x4c: {  	[sflag:s23] =	ssyncset.done $0x0  }
0x4d: {  	[sflag:s23] =	ssyncadd.s32 $0xFFFFFF00  }
0x4e: {  	[tilespmem:s21], [sflag:$0x1] =	stream.indirect.gather [hbm4b:s5+s24], $0x80, s4, s24, $0xb8;
	[tilespmem:$0x18180] =	vst v63  }
0x4f: {  	_ =	swait.ge [sflag:s25], $0x4000  }
0x50: {  	[sflag:s25] =	ssyncset.done $0x0  }
0x51: {  	[sflag:s25] =	ssyncadd.s32 $0xFFFFC000  }
0x52: {  	v0 =	vld [tilespmem:$0xF0]  }
0x53: {  	v1 =	vld [tilespmem:$0xD0]  }
0x54: {  	v2 =	vld [tilespmem:$0xE0]  }
0x55: {  	v3 =	vld [tilespmem:$0xB0]  }
0x56: {  	v4 =	vld [tilespmem:$0x80]  }
0x57: {  	v5 =	vld [tilespmem:$0xC0];
	[tilespmem:$0x170] =	vst v0  }
.Ltmp1:
0x58: {  	v0 =	vld [tilespmem:$0xA0];
	[tilespmem:$0x150] =	vst v1;
	(pc) =	sbr.rel @p0 .LBB2_2-.Ltmp1, $4  }
0x59: {  	p1 =	slt.s32 s30, $0x9C3;
	s31 =	smov.u32 s30;
	v1 =	vld [tilespmem:$0x90];
	[tilespmem:$0x160] =	vst v2  }
0x5a: {  	s31 =	simm.s32 @!p1 $0x9C3;
	[tilespmem:$0x130] =	vst v3  }
0x5b: {  	s31 =	sshll.u32 s31, $0x5;
	[tilespmem:$0x100] =	vst v4  }
0x5c: {  	s31 =	sand.u32 $0x1FFFFFE0, s31;
	[tilespmem:$0x140] =	vst v5  }
.LBB2_3:
0x5d: {  	[tilespmem:$0x120] =	vst v0  }
0x5e: {  	s29 =	sadd.s32 s1, s31;
	[tilespmem:$0x110] =	vst v1  }
0x5f: {  	[tilespmem:s4], [sflag:$0x2] =	stream.linear.gather [hbm4b:s29+s4], $0x100, $0x38;
	[tilespmem:$0x18180] =	vst v63  }
0x60: {  	_ = 	snop  }
0x61: {  	[spmem:s2] =	stream.indirect.scatter.add.f32 [tilespmem:s21], [sflag:$0x3], $0x80, s26, s24, $0xb8;
	[tilespmem:$0x18180] =	vst v63  }
0x62: {  	_ =	swait.ge [sflag:s22], $0x4000  }
0x63: {  	[sflag:s22] =	ssyncset.done $0x0  }
0x64: {  	[sflag:s22] =	ssyncadd.s32 $0xFFFFC000  }
0x65: {  	_ =	swait.ge [sflag:s23], $0x100  }
0x66: {  	[sflag:s23] =	ssyncset.done $0x0  }
0x67: {  	[sflag:s23] =	ssyncadd.s32 $0xFFFFFF00  }
0x68: {  	[bflag:$0x0] =	sbarrier.arrive $0xFFFF  }
0x69: {  	[tilespmem:s21], [sflag:$0x3] =	stream.linear.gather [spmem:s7], $0x4000, $0x38;
	[tilespmem:$0x18180] =	vst v63  }
0x6a: {  	_ =	swait.ge [sflag:s22], $0x4000  }
0x6b: {  	[sflag:s22] =	ssyncset.done $0x0  }
0x6c: {  	[sflag:s22] =	ssyncadd.s32 $0xFFFFC000  }
0x6d: {  	[hbm4b:s15+s4] =	stream.linear.scatter [tilespmem:s21], [sflag:$0x3], $0x4000, $0x38;
	[tilespmem:$0x18180] =	vst v63  }
0x6e: {  	_ =	swait.ge [sflag:s22], $0x4000  }
0x6f: {  	[sflag:s22] =	ssyncset.done $0x0  }
0x70: {  	[sflag:s22] =	ssyncadd.s32 $0xFFFFC000  }
0x71: {  	[tilespmem:s21], [sflag:$0x3] =	stream.linear.gather [spmem:s8], $0x4000, $0x38;
	[tilespmem:$0x18180] =	vst v63  }
0x72: {  	_ =	swait.ge [sflag:s22], $0x4000  }
0x73: {  	[sflag:s22] =	ssyncset.done $0x0  }
0x74: {  	[sflag:s22] =	ssyncadd.s32 $0xFFFFC000  }
0x75: {  	[hbm4b:s16+s4] =	stream.linear.scatter [tilespmem:s21], [sflag:$0x3], $0x4000, $0x38;
	[tilespmem:$0x18180] =	vst v63  }
0x76: {  	_ =	swait.ge [sflag:s22], $0x4000  }
0x77: {  	[sflag:s22] =	ssyncset.done $0x0  }
0x78: {  	[sflag:s22] =	ssyncadd.s32 $0xFFFFC000  }
0x79: {  	[tilespmem:s21], [sflag:$0x3] =	stream.linear.gather [spmem:s9], $0x4000, $0x38;
	[tilespmem:$0x18180] =	vst v63  }
0x7a: {  	_ =	swait.ge [sflag:s22], $0x4000  }
0x7b: {  	[sflag:s22] =	ssyncset.done $0x0  }
0x7c: {  	[sflag:s22] =	ssyncadd.s32 $0xFFFFC000  }
0x7d: {  	[hbm4b:s17+s4] =	stream.linear.scatter [tilespmem:s21], [sflag:$0x3], $0x4000, $0x38;
	[tilespmem:$0x18180] =	vst v63  }
0x7e: {  	_ =	swait.ge [sflag:s22], $0x4000  }
0x7f: {  	[sflag:s22] =	ssyncset.done $0x0  }
0x80: {  	[sflag:s22] =	ssyncadd.s32 $0xFFFFC000  }
0x81: {  	[tilespmem:s21], [sflag:$0x3] =	stream.linear.gather [spmem:s10], $0x4000, $0x38;
	[tilespmem:$0x18180] =	vst v63  }
0x82: {  	_ =	swait.ge [sflag:s22], $0x4000  }
0x83: {  	[sflag:s22] =	ssyncset.done $0x0  }
0x84: {  	[sflag:s22] =	ssyncadd.s32 $0xFFFFC000  }
0x85: {  	[hbm4b:s18+s4] =	stream.linear.scatter [tilespmem:s21], [sflag:$0x3], $0x4000, $0x38;
	[tilespmem:$0x18180] =	vst v63  }
0x86: {  	_ =	swait.ge [sflag:s22], $0x4000  }
0x87: {  	[sflag:s22] =	ssyncset.done $0x0  }
0x88: {  	[sflag:s22] =	ssyncadd.s32 $0xFFFFC000  }
0x89: {  	[tilespmem:s21], [sflag:$0x3] =	stream.linear.gather [spmem:s12], $0x4000, $0x38;
	[tilespmem:$0x18180] =	vst v63  }
0x8a: {  	s28 =	sadd.s32 $0x1, s28;
	_ =	swait.ge [sflag:s22], $0x4000  }
0x8b: {  	p0 =	sne.s32 s28, s14;
	[sflag:s22] =	ssyncset.done $0x0  }
.Ltmp2:
0x8c: {  	[sflag:s22] =	ssyncadd.s32 $0xFFFFC000;
	(pc) =	sbr.rel @p0 .LBB2_1-.Ltmp2, $4  }
0x8d: {  	[hbm4b:s19+s4] =	stream.linear.scatter [tilespmem:s21], [sflag:$0x3], $0x4000, $0x38;
	[tilespmem:$0x18180] =	vst v63  }
0x8e: {  	_ =	swait.ge [sflag:s22], $0x4000  }
0x8f: {  	[sflag:s22] =	ssyncset.done $0x0  }
0x90: {  	[sflag:s22] =	ssyncadd.s32 $0xFFFFC000  }
0x91: {  	_ =	sfence.sel $0x180000  }
0x92: {  	[bflag:$0x0] =	sbarrier.arrive $0xFFFF  }
0x93: {  	p0 =	sne.s32 s3, $0x0;
	_ =	strace $0x9000004A  }
0x94: {  	s0 =	sadd.s32 @!p0 $0x100000, s0;
	[bflag:$0x2] =	sbarrier.arrive $0xFFFF  }
0x95: {  	[sflag:s0] =	ssyncadd.tile.s32 @!p0 $0x1;
	_ =	shalt  }
.Lfunc_end2:
_tile_overlayer_lowered:
.L_overlay_start_2:
0x96: {  	(tag) =	ssettag $0x2  }
0x97: {  	s0 =	rddreg [dreg:$0x0];
	s2 =	stileid.u32  }
0x98: {  	s1 =	rddreg [dreg:$0x1];
	p0 =	sne.s32 s2, $0x0  }
0x99: {  	s3 =	rddreg [dreg:$0x2];
	[bflag:$0x3] =	sbarrier.arrive $0xFFFF;
	s2 =	simm.s32 @!p0 $0x1C03  }
0x9a: {  	[timem:s3], [sflag:s2] =	dma.local @!p0 [hbm:s0], s1  }
0x9b: {  	s0 =	simm.s32 @!p0 $0x3  }
0x9c: {  	_ =	swait.ge @!p0 [sflag:s0], s1  }
0x9d: {  	s1 =	ssub.s32 @!p0 $0x0, s1;
	[sflag:s0] =	ssyncset.done @!p0 $0x0  }
0x9e: {  	[sflag:s0] =	ssyncadd.s32 @!p0 s1  }
0x9f: {  	[bflag:$0x3] =	sbarrier.arrive $0xFFFF  }
0xa0: {  	_ =	shalt  }

// kernel: kernel.15.cloned.1.call-start
scs
__scs_entry_jumppad:
0x0: {  	(pc) =	sbr.rel $0x88, $3  }
0x1: {  	(tag) =	ssettag $0x0;
	lr =	simm.s32 $0x1  }
0x2: {  	[smem:$0x3F8F] =	sst lr;
	_ =	strace $0xD0000000  }
0x3: {  	_ = 	snop  }
0x4: {  	_ = 	snop  }
0x5: {  	_ = 	snop  }
0x6: {  	_ = 	snop  }
0x7: {  	_ = 	snop  }
__scs_overlays_trampoline_lowered:
0x8: {  	[smem:$0x3F9E] =	sst s0  }
0x9: {  	[smem:$0x3F9F] =	sst s1  }
0xa: {  	[smem:$0x3FA0] =	sst s2  }
0xb: {  	[smem:$0x3FA1] =	sst s3  }
0xc: {  	[smem:$0x3FA2] =	sst s4  }
0xd: {  	[smem:$0x3FA3] =	sst s5  }
0xe: {  	[smem:$0x3FA4] =	sst s6  }
0xf: {  	[smem:$0x3FA5] =	sst s7  }
0x10: {  	[smem:$0x3FA6] =	sst s8  }
0x11: {  	[smem:$0x3FA7] =	sst s9;
	s0 =	simm.s32 @!p0 $0x0  }
0x12: {  	s1 =	sld [smem:$0x3F8D];
	s0 =	simm.s32 @p0 $0x1  }
0x13: {  	[smem:$0x3FA8] =	sst s0;
	s0 =	simm.s32 @!p1 $0x0  }
0x14: {  	s2 =	sld [smem:$0x3F8C];
	s0 =	simm.s32 @p1 $0x1  }
0x15: {  	[smem:$0x3FA9] =	sst s0;
	s0 =	simm.s32 @!p2 $0x0  }
0x16: {  	s3 =	sld [smem:$0x3FDB];
	s0 =	simm.s32 @p2 $0x1  }
0x17: {  	s4 =	simm.s32 $0x1BF5;
	[smem:$0x3FAB] =	sst s0  }
0x18: {  	s0 =	sld [smem:$0x3F8E];
	_ =	swait.ge [sflag:s4], $0x0  }
0x19: {  	s7 =	sld [smem:$0x3F8F]  }
0x1a: {  	s8 =	sadd.s32 $0xFFFFE003, lr  }
0x1b: {  	s9 =	sadd.s32 $0xFFFFFEF7, lr;
	s5 =	simm.s32 $0xFFFFFFFF;
	p2 =	slt.u32 s8, $0xFFFFF086  }
0x1c: {  	p1 =	slt.u32 s9, $0xF7A;
	s5 =	simm.s32 @!p2 $0x0  }
0x1d: {  	s5 =	simm.s32 @p1 $0x1;
	p0 =	seq.s32 s7, s2  }
0x1e: {  	s7 =	smul.u32 @!p0 $0xF7A, s2;
	p2 =	seq.s32 @!p0 s5, $0x0  }
0x1f: {  	s9 =	smul.u32 $0xF7A, s1;
	s8 =	simm.s32 @!p0 $0x1BF5;
	p2 =	por !p2, p0  }
0x20: {  	[sflag:s8] =	ssyncset.s32 @!p0 $0xFFFFF086;
	s6 =	sadd.s32 @!p0 s3, s7;
	s7 =	simm.s32 @!p0 $0x108  }
0x21: {  	s3 =	sadd.s32 s3, s9;
	s6 =	sadd.s32 @!p0 $0x88, s6;
	s7 =	simm.s32 @p2 $0x1082  }
0x22: {  	[simem:s7], [sflag:s8] =	dma.local @!p0 [hbm:s6], $0xF7A  }
0x23: {  	s9 =	sor.u32 $0xD0000000, s2;
	s6 =	simm.s32 $0x108;
	_ =	swait.ge @!p0 [sflag:s8], $0x0  }
0x24: {  	s3 =	sadd.s32 $0x88, s3;
	s6 =	simm.s32 @!p1 $0x1082;
	[sflag:s4] =	ssyncset.s32 $0xFFFFF086  }
0x25: {  	[simem:s6], [sflag:s4] =	dma.local [hbm:s3], $0xF7A  }
0x26: {  	[smem:$0x3F8F] =	sst s1;
	(tag) =	ssettag s2;
	_ =	strace s9  }
0x27: {  	s1 =	sld [smem:$0x3F9F]  }
0x28: {  	s2 =	sld [smem:$0x3FA0]  }
0x29: {  	s4 =	sld [smem:$0x3FA2]  }
0x2a: {  	p0 =	seq.s32 s5, $0x0;
	s5 =	sld [smem:$0x3FA3]  }
0x2b: {  	s6 =	sld [smem:$0x3FA4]  }
0x2c: {  	s7 =	sld [smem:$0x3FA5]  }
0x2d: {  	s3 =	simm.s32 $0x108;
	s8 =	sld [smem:$0x3FA6]  }
0x2e: {  	s3 =	simm.s32 @!p0 $0x1082;
	s9 =	sld [smem:$0x3FA7]  }
0x2f: {  	lr =	sadd.s32 s0, s3;
	s0 =	sld [smem:$0x3F9E]  }
0x30: {  	s3 =	sld [smem:$0x3FA1]  }
0x31: {  	[smem:$0x3FAA] =	sst s10  }
0x32: {  	s10 =	sld [smem:$0x3FA8];
	_ =	sdelay $0x3  }
0x33: {  	p0 =	seq.s32 s10, $0x1;
	s10 =	sld [smem:$0x3FAA];
	_ =	sdelay $0x3  }
0x34: {  	[smem:$0x3FAA] =	sst s10  }
0x35: {  	s10 =	sld [smem:$0x3FA9];
	_ =	sdelay $0x3  }
0x36: {  	p1 =	seq.s32 s10, $0x1;
	s10 =	sld [smem:$0x3FAA];
	_ =	sdelay $0x3  }
0x37: {  	[smem:$0x3FAA] =	sst s10  }
0x38: {  	s10 =	sld [smem:$0x3FAB]  }
0x39: {  	_ = 	snop;
	(pc) =	sbr.ind lr, $3  }
0x3a: {  	_ = 	snop  }
0x3b: {  	_ = 	snop  }
0x3c: {  	p2 =	seq.s32 s10, $0x1;
	s10 =	sld [smem:$0x3FAA]  }
0x3d: {  	_ =	shalt  }
0x3e: {  	_ =	shalt  }
0x3f: {  	_ =	shalt  }
0x40: {  	_ =	shalt  }
0x41: {  	_ =	shalt  }
0x42: {  	_ =	shalt  }
0x43: {  	_ =	shalt  }
0x44: {  	_ =	shalt  }
0x45: {  	_ =	shalt  }
0x46: {  	_ =	shalt  }
0x47: {  	_ =	shalt  }
0x48: {  	_ =	shalt  }
0x49: {  	_ =	shalt  }
0x4a: {  	_ =	shalt  }
0x4b: {  	_ =	shalt  }
0x4c: {  	_ =	shalt  }
0x4d: {  	_ =	shalt  }
0x4e: {  	_ =	shalt  }
0x4f: {  	_ =	shalt  }
0x50: {  	_ =	shalt  }
0x51: {  	_ =	shalt  }
0x52: {  	_ =	shalt  }
0x53: {  	_ =	shalt  }
0x54: {  	_ =	shalt  }
0x55: {  	_ =	shalt  }
0x56: {  	_ =	shalt  }
0x57: {  	_ =	shalt  }
0x58: {  	_ =	shalt  }
0x59: {  	_ =	shalt  }
0x5a: {  	_ =	shalt  }
0x5b: {  	_ =	shalt  }
0x5c: {  	_ =	shalt  }
0x5d: {  	_ =	shalt  }
0x5e: {  	_ =	shalt  }
0x5f: {  	_ =	shalt  }
0x60: {  	_ =	shalt  }
0x61: {  	_ =	shalt  }
0x62: {  	_ =	shalt  }
0x63: {  	_ =	shalt  }
0x64: {  	_ =	shalt  }
0x65: {  	_ =	shalt  }
0x66: {  	_ =	shalt  }
0x67: {  	_ =	shalt  }
0x68: {  	_ =	shalt  }
0x69: {  	_ =	shalt  }
0x6a: {  	_ =	shalt  }
0x6b: {  	_ =	shalt  }
0x6c: {  	_ =	shalt  }
0x6d: {  	_ =	shalt  }
0x6e: {  	_ =	shalt  }
0x6f: {  	_ =	shalt  }
0x70: {  	_ =	shalt  }
0x71: {  	_ =	shalt  }
0x72: {  	_ =	shalt  }
0x73: {  	_ =	shalt  }
0x74: {  	_ =	shalt  }
0x75: {  	_ =	shalt  }
0x76: {  	_ =	shalt  }
0x77: {  	_ =	shalt  }
0x78: {  	_ =	shalt  }
0x79: {  	_ =	shalt  }
0x7a: {  	_ =	shalt  }
0x7b: {  	_ =	shalt  }
0x7c: {  	_ =	shalt  }
0x7d: {  	_ =	shalt  }
0x7e: {  	_ =	shalt  }
0x7f: {  	_ =	shalt  }
0x80: {  	_ =	shalt  }
0x81: {  	_ =	shalt  }
0x82: {  	_ =	shalt  }
0x83: {  	_ =	shalt  }
0x84: {  	_ =	shalt  }
0x85: {  	_ =	shalt  }
0x86: {  	_ =	shalt  }
0x87: {  	_ =	shalt  }
.Lfunc_end0:
.L_simem_size_0:
called_computation.6_lowered:
.L_overlay_start_0:
0x88: {  	s2 =	sld [smem:$0x3FD9]  }
0x89: {  	s3 =	sld [smem:$0x3FFE];
	_ =	sdelay $0x1  }
0x8a: {  	s1 =	srdreg.scid  }
0x8b: {  	s0 =	sand.u32 $0x1, s1  }
0x8c: {  	s17 =	sshll.u32 s0, $0xA;
	s2 =	sadd.s32 s3, s2  }
0x8d: {  	s2 =	sadd.s32 s2, s17  }
0x8e: {  	[smem:$0x3FB6] =	sst s2  }
0x8f: {  	_ = 	snop  }
0x90: {  	(tm) =	ssettm $0x1  }
0x91: {  	s18 =	sld [smem:$0x3FFB];
	_ =	sdelay $0x3  }
0x92: {  	_ =	strace s18  }
0x93: {  	s2 =	sld [smem:$0x3FFC];
	_ =	sdelay $0x3  }
0x94: {  	_ =	strace s2  }
0x95: {  	s2 =	sld [smem:$0x3FFD];
	_ =	sdelay $0x3  }
0x96: {  	_ =	strace s2  }
0x97: {  	_ =	strace $0x8FFFFFFF  }
0x98: {  	s19 =	sld [smem:$0x3FDB];
	_ =	sdelay $0x1  }
0x99: {  	s20 =	simm.s32 $_scs_section_size  }
0x9a: {  	s4 =	simm.s32 $_size__tile_overlayer_lowered;
	s5 =	simm.s32 $_tile_overlayer_lowered  }
0x9b: {  	s6 =	simm.s32 $0x1BFF;
	s21 =	sshll.u32 s5, $0x1;
	s3 =	sadd.s32 s20, s19  }
0x9c: {  	s22 =	simm.s32 $0x0;
	s4 =	sshll.u32 s4, $0x1;
	s5 =	sadd.s32 s21, s3  }
0x9d: {  	[timem:s22], [sflag:s6] =	dma.local [hbm:s5], s4  }
0x9e: {  	_ =	swait.ge [sflag:s6], s4  }
0x9f: {  	s4 =	ssub.s32 $0x0, s4;
	[sflag:s6] =	ssyncset.done $0x0  }
0xa0: {  	[sflag:s6] =	ssyncadd.s32 s4;
	_ =	sdelay $0x1  }
0xa1: {  	s23 =	simm.s32 $0x1B8B  }
0xa2: {  	_ =	swait.ge [sflag:s23], $0x1  }
0xa3: {  	[sflag:s23] =	ssyncset.done $0x0  }
0xa4: {  	[sflag:s23] =	ssyncadd.s32 $0xFFFFFFFF  }
0xa5: {  	s4 =	sld [smem:$0x0]  }
0xa6: {  	s5 =	sand.u32 $0xFFFFFFFE, s1  }
0xa7: {  	p0 =	sne.s32 s1, s5  }
0xa8: {  	s5 =	sshll.u32 @p0 s5, $0xE  }
0xa9: {  	s5 =	sadd.s32 @p0 $0x11B8D, s5;
	s6 =	sshll.u32 @p0 s4, $0x11  }
0xaa: {  	s5 =	sor.u32 @p0 s6, s5  }
0xab: {  	[sflag:s5] =	ssyncadd.remote.s32 @p0 $0x1;
	_ =	sdelay $0x1  }
0xac: {  	s5 =	simm.s32 @p0 $0x1B8D  }
0xad: {  	_ =	swait.eq @p0 [sflag:s5], $0x1  }
0xae: {  	[sflag:s5] =	ssyncadd.s32 @p0 $0xFFFFFFFF  }
0xaf: {  	s6 =	sshll.u32 @!p0 s1, $0xE  }
0xb0: {  	s6 =	sor.u32 @!p0 $0x4000, s6;
	s5 =	simm.s32 @!p0 $0x1B8D  }
0xb1: {  	s4 =	sshll.u32 @!p0 s4, $0x11;
	s6 =	sadd.s32 @!p0 $0x11B8D, s6;
	_ =	swait.eq @!p0 [sflag:s5], $0x1  }
0xb2: {  	s4 =	sor.u32 @!p0 s4, s6;
	[sflag:s5] =	ssyncadd.s32 @!p0 $0xFFFFFFFF  }
0xb3: {  	s25 =	simm.s32 $0x1B8E;
	s24 =	sld [smem:$0x3FFE];
	[sflag:s4] =	ssyncadd.remote.s32 @!p0 $0x1  }
0xb4: {  	s26 =	simm.s32 $execute0_lowered;
	[smem:$0x3FD2] =	sst s25  }
0xb5: {  	s5 =	sshll.u32 s26, $0x1;
	_ =	strace $0x8000004F;
	[dreg:$0x1] =	wrdreg $0xFFFFFFFF  }
0xb6: {  	s28 =	simm.s32 $_size_execute0_lowered;
	s3 =	sadd.s32 s3, s5;
	[dreg:$0x0] =	wrdreg $0x0  }
0xb7: {  	s5 =	sshll.u32 s28, $0x1;
	[dreg:$0x2] =	wrdreg s3  }
0xb8: {  	[dreg:$0x3] =	wrdreg s5  }
0xb9: {  	[dreg:$0x4] =	wrdreg $0xC0  }
0xba: {  	_ =	task [dreg:s22], $0x5FFFF  }
0xbb: {  	[dreg:$0x1] =	wrdreg $0xFFFFFFFF  }
0xbc: {  	[dreg:$0x0] =	wrdreg $0x60  }
0xbd: {  	[dreg:$0x2] =	wrdreg s24  }
0xbe: {  	[dreg:$0x3] =	wrdreg $0x41800  }
0xbf: {  	[dreg:$0x4] =	wrdreg $0xA  }
0xc0: {  	_ =	task.clear_ibuf [dreg:s22], $0x5FFFF;
	_ =	strace $0x9000004F  }
0xc1: {  	s29 =	simm.s32 $0xA;
	_ =	strace $0x80000051  }
0xc2: {  	_ =	swait.ge [sflag:s29], $0x1  }
0xc3: {  	[sflag:s29] =	ssyncadd.s32 $0xFFFFFFFF  }
0xc4: {  	_ =	strace $0x90000051  }
0xc5: {  	_ =	sfence  }
0xc6: {  	s30 =	sld [smem:$0x0];
	_ =	sdelay $0x2  }
0xc7: {  	s31 =	sshll.u32 s1, $0xD;
	s1 =	sshrl.u32 s1, $0x2  }
0xc8: {  	s4 =	sand.u32 $0x4000, s31;
	s1 =	sadd.s32 s1, s30  }
0xc9: {  	s0 =	sor.u32 s4, s0;
	s1 =	sshll.u32 s1, $0x11  }
0xca: {  	s0 =	sor.u32 s1, s0  }
0xcb: {  	s0 =	sadd.s32 $0x8F2B, s0  }
0xcc: {  	[sflag:s0] =	ssyncadd.remote.s32 $0x1  }
0xcd: {  	_ =	sfence.sel $0xFFFF  }
0xce: {  	[dreg:$0x0] =	wrdreg $0xFFFFFFFF;
	(pc) =	sbr.abs _section_cstart, $3  }
0xcf: {  	[dreg:$0x1] =	wrdreg $0xFFFFFFFF  }
0xd0: {  	_ =	task.clear_ibuf [dreg:s22], $0x2FFFF;
	_ =	strace $0x9FFFFFFF  }
0xd1: {  	(tm) =	ssettm $0x7FFFFFFF  }
tec
execute0_lowered:
.L_overlay_start_1:
0x0: {  	(tag) =	ssettag $0x1  }
0x1: {  	s1 =	rddreg [dreg:$0x0]  }
0x2: {  	s2 =	rddreg [dreg:$0x1]  }
0x3: {  	s0 =	rddreg [dreg:$0x2]  }
0x4: {  	s4 =	simm.s32 $0x0;
	s5 =	srdreg.scid;
	s3 =	stileid.u32  }
0x5: {  	s23 =	simm.s32 $0x2;
	s24 =	simm.s32 $0x80;
	s25 =	simm.s32 $0x1  }
0x6: {  	s26 =	simm.s32 $0x100;
	s28 =	simm.s32 $0x0;
	s8 =	smul.u32 $0x50000, s3  }
0x7: {  	[smem:$0x7FF] =	sst s4;
	s14 =	sand.u32 $0x1, s5;
	s11 =	smul.u32 $0x280, s3  }
0x8: {  	s5 =	sadd.s32 $0x3BA00, s1;
	s6 =	sadd.s32 $0x13A00, s1;
	s21 =	smul.u32 $0x2800, s3  }
0x9: {  	_ =	strace $0x80000050;
	s7 =	ssub.s32 $0x2, s14;
	s29 =	sshll.u32 s14, $0x4  }
0xa: {  	s9 =	sshrl.u32 s7, $0x1;
	s8 =	sshrl.u32 s8, $0x2;
	s20 =	sor.u32 s3, s29  }
0xb: {  	s16 =	sadd.s32 $0x80, s11;
	s17 =	sadd.s32 $0x100, s11;
	s18 =	sadd.s32 $0x180, s11  }
0xc: {  	s19 =	sadd.s32 $0x200, s11;
	s11 =	simm.s32 $0x4F;
	s15 =	ssub.s32 s7, s9  }
0xd: {  	s7 =	sadd.s32 s8, s2;
	s30 =	sshll.u32 s16, $0x7;
	s31 =	sshll.u32 s17, $0x7  }
0xe: {  	s10 =	sshll.u32 s18, $0x7;
	s12 =	sshll.u32 s19, $0x7;
	p0 =	slt.u32 s20, $0x4  }
0xf: {  	s13 =	sshll.u32 s20, $0x5;
	s16 =	sshll.u32 s16, $0x4;
	s17 =	sshll.u32 s17, $0x4  }
0x10: {  	s18 =	sshll.u32 s18, $0x4;
	s19 =	sshll.u32 s19, $0x4;
	s20 =	sor.u32 $0x20, s20  }
0x11: {  	s11 =	simm.s32 @!p0 $0x4E;
	p0 =	seq.s32 s14, $0x0;
	s14 =	simm.s32 $0x62C00  }
0x12: {  	s8 =	sadd.s32 s30, s2;
	s9 =	sadd.s32 s31, s2;
	s14 =	simm.s32 @!p0 $0xDC200  }
0x13: {  	s10 =	sadd.s32 s10, s2;
	s12 =	sadd.s32 s12, s2;
	s22 =	sadd.s32 s14, s1  }
0x14: {  	s13 =	sadd.s32 s1, s13;
	s14 =	smax.u32 s15, $0x1;
	s15 =	sadd.s32 s22, s21  }
0x15: {  	s16 =	sadd.s32 s22, s16;
	s17 =	sadd.s32 s22, s17;
	s18 =	sadd.s32 s22, s18  }
0x16: {  	s19 =	sadd.s32 s22, s19;
	s21 =	simm.s32 $0x180;
	s22 =	simm.s32 $0x3  }
.LBB2_1:
0x17: {  	[tilespmem:s21], [sflag:$0x3] =	stream.linear.gather [hbm4b:s6+s4], $0x4000, $0x38;
	[tilespmem:$0x18180] =	vst v63  }
0x18: {  	_ =	swait.ge [sflag:s22], $0x4000  }
0x19: {  	[sflag:s22] =	ssyncset.done $0x0  }
0x1a: {  	[sflag:s22] =	ssyncadd.s32 $0xFFFFC000  }
0x1b: {  	[spmem:s7] =	stream.linear.scatter [tilespmem:s21], [sflag:$0x3], $0x4000, $0x38;
	[tilespmem:$0x18180] =	vst v63  }
0x1c: {  	_ =	swait.ge [sflag:s22], $0x4000  }
0x1d: {  	[sflag:s22] =	ssyncset.done $0x0  }
0x1e: {  	[sflag:s22] =	ssyncadd.s32 $0xFFFFC000  }
0x1f: {  	[spmem:s8] =	stream.linear.scatter [tilespmem:s21], [sflag:$0x3], $0x4000, $0x38;
	[tilespmem:$0x18180] =	vst v63  }
0x20: {  	_ =	swait.ge [sflag:s22], $0x4000  }
0x21: {  	[sflag:s22] =	ssyncset.done $0x0  }
0x22: {  	[sflag:s22] =	ssyncadd.s32 $0xFFFFC000  }
0x23: {  	[spmem:s9] =	stream.linear.scatter [tilespmem:s21], [sflag:$0x3], $0x4000, $0x38;
	[tilespmem:$0x18180] =	vst v63  }
0x24: {  	_ =	swait.ge [sflag:s22], $0x4000  }
0x25: {  	[sflag:s22] =	ssyncset.done $0x0  }
0x26: {  	[sflag:s22] =	ssyncadd.s32 $0xFFFFC000  }
0x27: {  	[spmem:s10] =	stream.linear.scatter [tilespmem:s21], [sflag:$0x3], $0x4000, $0x38;
	[tilespmem:$0x18180] =	vst v63  }
0x28: {  	_ =	swait.ge [sflag:s22], $0x4000  }
0x29: {  	[sflag:s22] =	ssyncset.done $0x0  }
0x2a: {  	[sflag:s22] =	ssyncadd.s32 $0xFFFFC000  }
0x2b: {  	[spmem:s12] =	stream.linear.scatter [tilespmem:s21], [sflag:$0x3], $0x4000, $0x38;
	[tilespmem:$0x18180] =	vst v63  }
0x2c: {  	_ =	swait.ge [sflag:s22], $0x4000  }
0x2d: {  	[sflag:s22] =	ssyncset.done $0x0  }
0x2e: {  	[sflag:s22] =	ssyncadd.s32 $0xFFFFC000  }
0x2f: {  	[bflag:$0x0] =	sbarrier.arrive $0xFFFF  }
0x30: {  	[tilespmem:s4], [sflag:$0x2] =	stream.linear.gather [hbm4b:s13+s4], $0x100, $0x38;
	[tilespmem:$0x18180] =	vst v63  }
0x31: {  	_ =	swait.ge [sflag:s23], $0x100  }
0x32: {  	[sflag:s23] =	ssyncset.done $0x0  }
0x33: {  	[sflag:s23] =	ssyncadd.s32 $0xFFFFFF00  }
0x34: {  	[tilespmem:s21], [sflag:$0x1] =	stream.indirect.gather [hbm4b:s5+s24], $0x80, s4, s24, $0xb8;
	[tilespmem:$0x18180] =	vst v63  }
0x35: {  	_ =	swait.ge [sflag:s25], $0x4000  }
0x36: {  	[sflag:s25] =	ssyncset.done $0x0  }
0x37: {  	[sflag:s25] =	ssyncadd.s32 $0xFFFFC000  }
0x38: {  	v0 =	vld [tilespmem:$0xF0]  }
0x39: {  	v1 =	vld [tilespmem:$0xD0]  }
0x3a: {  	v2 =	vld [tilespmem:$0xE0]  }
0x3b: {  	v3 =	vld [tilespmem:$0xB0]  }
0x3c: {  	p0 =	slt.s32 s20, $0x9C3;
	s29 =	smov.u32 s20;
	v4 =	vld [tilespmem:$0x80]  }
0x3d: {  	s29 =	simm.s32 @!p0 $0x9C3;
	p0 =	sne.s32 s11, $0x1;
	v5 =	vld [tilespmem:$0xC0];
	[tilespmem:$0x170] =	vst v0  }
.Ltmp0:
0x3e: {  	[tilespmem:$0x150] =	vst v1;
	v0 =	vld [tilespmem:$0xA0];
	(pc) =	sbr.rel @!p0 .LBB2_3-.Ltmp0, $4  }
0x3f: {  	[tilespmem:$0x160] =	vst v2;
	v1 =	vld [tilespmem:$0x90]  }
0x40: {  	[tilespmem:$0x130] =	vst v3  }
0x41: {  	s30 =	sshll.u32 s29, $0x5;
	[tilespmem:$0x100] =	vst v4  }
0x42: {  	s29 =	sadd.s32 $0xFFFFFFFF, s11;
	s31 =	sand.u32 $0x1FFFFFE0, s30;
	s30 =	smov.u32 s20;
	[tilespmem:$0x140] =	vst v5  }
.LBB2_2:
0x43: {  	p0 =	sne.s32 s29, $0x1;
	[tilespmem:$0x120] =	vst v0;
	s31 =	sadd.s32 s1, s31;
	s30 =	sadd.s32 $0x20, s30  }
0x44: {  	s29 =	sadd.s32 $0xFFFFFFFF, s29;
	[tilespmem:$0x110] =	vst v1  }
0x45: {  	[tilespmem:s4], [sflag:$0x2] =	stream.linear.gather [hbm4b:s31+s4], $0x100, $0x38;
	[tilespmem:$0x18180] =	vst v63  }
0x46: {  	_ = 	snop  }
0x47: {  	[spmem:s2] =	stream.indirect.scatter.add.f32 [tilespmem:s21], [sflag:$0x3], $0x80, s26, s24, $0xb8;
	[tilespmem:$0x18180] =	vst v63  }
0x48: {  	_ =	swait.ge [sflag:s22], $0x4000  }
0x49: {  	[sflag:s22] =	ssyncset.done $0x0  }
0x4a: {  	[sflag:s22] =	ssyncadd.s32 $0xFFFFC000  }
0x4b: {  	_ =	swait.ge [sflag:s23], $0x100  }
0x4c: {  	[sflag:s23] =	ssyncset.done $0x0  }
0x4d: {  	[sflag:s23] =	ssyncadd.s32 $0xFFFFFF00  }
0x4e: {  	[tilespmem:s21], [sflag:$0x1] =	stream.indirect.gather [hbm4b:s5+s24], $0x80, s4, s24, $0xb8;
	[tilespmem:$0x18180] =	vst v63  }
0x4f: {  	_ =	swait.ge [sflag:s25], $0x4000  }
0x50: {  	[sflag:s25] =	ssyncset.done $0x0  }
0x51: {  	[sflag:s25] =	ssyncadd.s32 $0xFFFFC000  }
0x52: {  	v0 =	vld [tilespmem:$0xF0]  }
0x53: {  	v1 =	vld [tilespmem:$0xD0]  }
0x54: {  	v2 =	vld [tilespmem:$0xE0]  }
0x55: {  	v3 =	vld [tilespmem:$0xB0]  }
0x56: {  	v4 =	vld [tilespmem:$0x80]  }
0x57: {  	v5 =	vld [tilespmem:$0xC0];
	[tilespmem:$0x170] =	vst v0  }
.Ltmp1:
0x58: {  	v0 =	vld [tilespmem:$0xA0];
	[tilespmem:$0x150] =	vst v1;
	(pc) =	sbr.rel @p0 .LBB2_2-.Ltmp1, $4  }
0x59: {  	p1 =	slt.s32 s30, $0x9C3;
	s31 =	smov.u32 s30;
	v1 =	vld [tilespmem:$0x90];
	[tilespmem:$0x160] =	vst v2  }
0x5a: {  	s31 =	simm.s32 @!p1 $0x9C3;
	[tilespmem:$0x130] =	vst v3  }
0x5b: {  	s31 =	sshll.u32 s31, $0x5;
	[tilespmem:$0x100] =	vst v4  }
0x5c: {  	s31 =	sand.u32 $0x1FFFFFE0, s31;
	[tilespmem:$0x140] =	vst v5  }
.LBB2_3:
0x5d: {  	[tilespmem:$0x120] =	vst v0  }
0x5e: {  	s29 =	sadd.s32 s1, s31;
	[tilespmem:$0x110] =	vst v1  }
0x5f: {  	[tilespmem:s4], [sflag:$0x2] =	stream.linear.gather [hbm4b:s29+s4], $0x100, $0x38;
	[tilespmem:$0x18180] =	vst v63  }
0x60: {  	_ = 	snop  }
0x61: {  	[spmem:s2] =	stream.indirect.scatter.add.f32 [tilespmem:s21], [sflag:$0x3], $0x80, s26, s24, $0xb8;
	[tilespmem:$0x18180] =	vst v63  }
0x62: {  	_ =	swait.ge [sflag:s22], $0x4000  }
0x63: {  	[sflag:s22] =	ssyncset.done $0x0  }
0x64: {  	[sflag:s22] =	ssyncadd.s32 $0xFFFFC000  }
0x65: {  	_ =	swait.ge [sflag:s23], $0x100  }
0x66: {  	[sflag:s23] =	ssyncset.done $0x0  }
0x67: {  	[sflag:s23] =	ssyncadd.s32 $0xFFFFFF00  }
0x68: {  	[bflag:$0x0] =	sbarrier.arrive $0xFFFF  }
0x69: {  	[tilespmem:s21], [sflag:$0x3] =	stream.linear.gather [spmem:s7], $0x4000, $0x38;
	[tilespmem:$0x18180] =	vst v63  }
0x6a: {  	_ =	swait.ge [sflag:s22], $0x4000  }
0x6b: {  	[sflag:s22] =	ssyncset.done $0x0  }
0x6c: {  	[sflag:s22] =	ssyncadd.s32 $0xFFFFC000  }
0x6d: {  	[hbm4b:s15+s4] =	stream.linear.scatter [tilespmem:s21], [sflag:$0x3], $0x4000, $0x38;
	[tilespmem:$0x18180] =	vst v63  }
0x6e: {  	_ =	swait.ge [sflag:s22], $0x4000  }
0x6f: {  	[sflag:s22] =	ssyncset.done $0x0  }
0x70: {  	[sflag:s22] =	ssyncadd.s32 $0xFFFFC000  }
0x71: {  	[tilespmem:s21], [sflag:$0x3] =	stream.linear.gather [spmem:s8], $0x4000, $0x38;
	[tilespmem:$0x18180] =	vst v63  }
0x72: {  	_ =	swait.ge [sflag:s22], $0x4000  }
0x73: {  	[sflag:s22] =	ssyncset.done $0x0  }
0x74: {  	[sflag:s22] =	ssyncadd.s32 $0xFFFFC000  }
0x75: {  	[hbm4b:s16+s4] =	stream.linear.scatter [tilespmem:s21], [sflag:$0x3], $0x4000, $0x38;
	[tilespmem:$0x18180] =	vst v63  }
0x76: {  	_ =	swait.ge [sflag:s22], $0x4000  }
0x77: {  	[sflag:s22] =	ssyncset.done $0x0  }
0x78: {  	[sflag:s22] =	ssyncadd.s32 $0xFFFFC000  }
0x79: {  	[tilespmem:s21], [sflag:$0x3] =	stream.linear.gather [spmem:s9], $0x4000, $0x38;
	[tilespmem:$0x18180] =	vst v63  }
0x7a: {  	_ =	swait.ge [sflag:s22], $0x4000  }
0x7b: {  	[sflag:s22] =	ssyncset.done $0x0  }
0x7c: {  	[sflag:s22] =	ssyncadd.s32 $0xFFFFC000  }
0x7d: {  	[hbm4b:s17+s4] =	stream.linear.scatter [tilespmem:s21], [sflag:$0x3], $0x4000, $0x38;
	[tilespmem:$0x18180] =	vst v63  }
0x7e: {  	_ =	swait.ge [sflag:s22], $0x4000  }
0x7f: {  	[sflag:s22] =	ssyncset.done $0x0  }
0x80: {  	[sflag:s22] =	ssyncadd.s32 $0xFFFFC000  }
0x81: {  	[tilespmem:s21], [sflag:$0x3] =	stream.linear.gather [spmem:s10], $0x4000, $0x38;
	[tilespmem:$0x18180] =	vst v63  }
0x82: {  	_ =	swait.ge [sflag:s22], $0x4000  }
0x83: {  	[sflag:s22] =	ssyncset.done $0x0  }
0x84: {  	[sflag:s22] =	ssyncadd.s32 $0xFFFFC000  }
0x85: {  	[hbm4b:s18+s4] =	stream.linear.scatter [tilespmem:s21], [sflag:$0x3], $0x4000, $0x38;
	[tilespmem:$0x18180] =	vst v63  }
0x86: {  	_ =	swait.ge [sflag:s22], $0x4000  }
0x87: {  	[sflag:s22] =	ssyncset.done $0x0  }
0x88: {  	[sflag:s22] =	ssyncadd.s32 $0xFFFFC000  }
0x89: {  	[tilespmem:s21], [sflag:$0x3] =	stream.linear.gather [spmem:s12], $0x4000, $0x38;
	[tilespmem:$0x18180] =	vst v63  }
0x8a: {  	s28 =	sadd.s32 $0x1, s28;
	_ =	swait.ge [sflag:s22], $0x4000  }
0x8b: {  	p0 =	sne.s32 s28, s14;
	[sflag:s22] =	ssyncset.done $0x0  }
.Ltmp2:
0x8c: {  	[sflag:s22] =	ssyncadd.s32 $0xFFFFC000;
	(pc) =	sbr.rel @p0 .LBB2_1-.Ltmp2, $4  }
0x8d: {  	[hbm4b:s19+s4] =	stream.linear.scatter [tilespmem:s21], [sflag:$0x3], $0x4000, $0x38;
	[tilespmem:$0x18180] =	vst v63  }
0x8e: {  	_ =	swait.ge [sflag:s22], $0x4000  }
0x8f: {  	[sflag:s22] =	ssyncset.done $0x0  }
0x90: {  	[sflag:s22] =	ssyncadd.s32 $0xFFFFC000  }
0x91: {  	_ =	sfence.sel $0x180000  }
0x92: {  	[bflag:$0x0] =	sbarrier.arrive $0xFFFF  }
0x93: {  	p0 =	sne.s32 s3, $0x0;
	_ =	strace $0x90000050  }
0x94: {  	s0 =	sadd.s32 @!p0 $0x100000, s0;
	[bflag:$0x2] =	sbarrier.arrive $0xFFFF  }
0x95: {  	[sflag:s0] =	ssyncadd.tile.s32 @!p0 $0x1;
	_ =	shalt  }
.Lfunc_end2:
_tile_overlayer_lowered:
.L_overlay_start_2:
0x96: {  	(tag) =	ssettag $0x2  }
0x97: {  	s0 =	rddreg [dreg:$0x0];
	s2 =	stileid.u32  }
0x98: {  	s1 =	rddreg [dreg:$0x1];
	p0 =	sne.s32 s2, $0x0  }
0x99: {  	s3 =	rddreg [dreg:$0x2];
	[bflag:$0x3] =	sbarrier.arrive $0xFFFF;
	s2 =	simm.s32 @!p0 $0x1C03  }
0x9a: {  	[timem:s3], [sflag:s2] =	dma.local @!p0 [hbm:s0], s1  }
0x9b: {  	s0 =	simm.s32 @!p0 $0x3  }
0x9c: {  	_ =	swait.ge @!p0 [sflag:s0], s1  }
0x9d: {  	s1 =	ssub.s32 @!p0 $0x0, s1;
	[sflag:s0] =	ssyncset.done @!p0 $0x0  }
0x9e: {  	[sflag:s0] =	ssyncadd.s32 @!p0 s1  }
0x9f: {  	[bflag:$0x3] =	sbarrier.arrive $0xFFFF  }
0xa0: {  	_ =	shalt  }

// kernel: kernel.9.cloned.1.call-start
scs
__scs_entry_jumppad:
0x0: {  	(pc) =	sbr.rel $0x88, $3  }
0x1: {  	(tag) =	ssettag $0x0;
	lr =	simm.s32 $0x1  }
0x2: {  	[smem:$0x3F8F] =	sst lr;
	_ =	strace $0xD0000000  }
0x3: {  	_ = 	snop  }
0x4: {  	_ = 	snop  }
0x5: {  	_ = 	snop  }
0x6: {  	_ = 	snop  }
0x7: {  	_ = 	snop  }
__scs_overlays_trampoline_lowered:
0x8: {  	[smem:$0x3F9E] =	sst s0  }
0x9: {  	[smem:$0x3F9F] =	sst s1  }
0xa: {  	[smem:$0x3FA0] =	sst s2  }
0xb: {  	[smem:$0x3FA1] =	sst s3  }
0xc: {  	[smem:$0x3FA2] =	sst s4  }
0xd: {  	[smem:$0x3FA3] =	sst s5  }
0xe: {  	[smem:$0x3FA4] =	sst s6  }
0xf: {  	[smem:$0x3FA5] =	sst s7  }
0x10: {  	[smem:$0x3FA6] =	sst s8  }
0x11: {  	[smem:$0x3FA7] =	sst s9;
	s0 =	simm.s32 @!p0 $0x0  }
0x12: {  	s1 =	sld [smem:$0x3F8D];
	s0 =	simm.s32 @p0 $0x1  }
0x13: {  	[smem:$0x3FA8] =	sst s0;
	s0 =	simm.s32 @!p1 $0x0  }
0x14: {  	s2 =	sld [smem:$0x3F8C];
	s0 =	simm.s32 @p1 $0x1  }
0x15: {  	[smem:$0x3FA9] =	sst s0;
	s0 =	simm.s32 @!p2 $0x0  }
0x16: {  	s3 =	sld [smem:$0x3FDB];
	s0 =	simm.s32 @p2 $0x1  }
0x17: {  	s4 =	simm.s32 $0x1BF5;
	[smem:$0x3FAB] =	sst s0  }
0x18: {  	s0 =	sld [smem:$0x3F8E];
	_ =	swait.ge [sflag:s4], $0x0  }
0x19: {  	s7 =	sld [smem:$0x3F8F]  }
0x1a: {  	s8 =	sadd.s32 $0xFFFFE003, lr  }
0x1b: {  	s9 =	sadd.s32 $0xFFFFFEF7, lr;
	s5 =	simm.s32 $0xFFFFFFFF;
	p2 =	slt.u32 s8, $0xFFFFF086  }
0x1c: {  	p1 =	slt.u32 s9, $0xF7A;
	s5 =	simm.s32 @!p2 $0x0  }
0x1d: {  	s5 =	simm.s32 @p1 $0x1;
	p0 =	seq.s32 s7, s2  }
0x1e: {  	s7 =	smul.u32 @!p0 $0xF7A, s2;
	p2 =	seq.s32 @!p0 s5, $0x0  }
0x1f: {  	s9 =	smul.u32 $0xF7A, s1;
	s8 =	simm.s32 @!p0 $0x1BF5;
	p2 =	por !p2, p0  }
0x20: {  	[sflag:s8] =	ssyncset.s32 @!p0 $0xFFFFF086;
	s6 =	sadd.s32 @!p0 s3, s7;
	s7 =	simm.s32 @!p0 $0x108  }
0x21: {  	s3 =	sadd.s32 s3, s9;
	s6 =	sadd.s32 @!p0 $0x88, s6;
	s7 =	simm.s32 @p2 $0x1082  }
0x22: {  	[simem:s7], [sflag:s8] =	dma.local @!p0 [hbm:s6], $0xF7A  }
0x23: {  	s9 =	sor.u32 $0xD0000000, s2;
	s6 =	simm.s32 $0x108;
	_ =	swait.ge @!p0 [sflag:s8], $0x0  }
0x24: {  	s3 =	sadd.s32 $0x88, s3;
	s6 =	simm.s32 @!p1 $0x1082;
	[sflag:s4] =	ssyncset.s32 $0xFFFFF086  }
0x25: {  	[simem:s6], [sflag:s4] =	dma.local [hbm:s3], $0xF7A  }
0x26: {  	[smem:$0x3F8F] =	sst s1;
	(tag) =	ssettag s2;
	_ =	strace s9  }
0x27: {  	s1 =	sld [smem:$0x3F9F]  }
0x28: {  	s2 =	sld [smem:$0x3FA0]  }
0x29: {  	s4 =	sld [smem:$0x3FA2]  }
0x2a: {  	p0 =	seq.s32 s5, $0x0;
	s5 =	sld [smem:$0x3FA3]  }
0x2b: {  	s6 =	sld [smem:$0x3FA4]  }
0x2c: {  	s7 =	sld [smem:$0x3FA5]  }
0x2d: {  	s3 =	simm.s32 $0x108;
	s8 =	sld [smem:$0x3FA6]  }
0x2e: {  	s3 =	simm.s32 @!p0 $0x1082;
	s9 =	sld [smem:$0x3FA7]  }
0x2f: {  	lr =	sadd.s32 s0, s3;
	s0 =	sld [smem:$0x3F9E]  }
0x30: {  	s3 =	sld [smem:$0x3FA1]  }
0x31: {  	[smem:$0x3FAA] =	sst s10  }
0x32: {  	s10 =	sld [smem:$0x3FA8];
	_ =	sdelay $0x3  }
0x33: {  	p0 =	seq.s32 s10, $0x1;
	s10 =	sld [smem:$0x3FAA];
	_ =	sdelay $0x3  }
0x34: {  	[smem:$0x3FAA] =	sst s10  }
0x35: {  	s10 =	sld [smem:$0x3FA9];
	_ =	sdelay $0x3  }
0x36: {  	p1 =	seq.s32 s10, $0x1;
	s10 =	sld [smem:$0x3FAA];
	_ =	sdelay $0x3  }
0x37: {  	[smem:$0x3FAA] =	sst s10  }
0x38: {  	s10 =	sld [smem:$0x3FAB]  }
0x39: {  	_ = 	snop;
	(pc) =	sbr.ind lr, $3  }
0x3a: {  	_ = 	snop  }
0x3b: {  	_ = 	snop  }
0x3c: {  	p2 =	seq.s32 s10, $0x1;
	s10 =	sld [smem:$0x3FAA]  }
0x3d: {  	_ =	shalt  }
0x3e: {  	_ =	shalt  }
0x3f: {  	_ =	shalt  }
0x40: {  	_ =	shalt  }
0x41: {  	_ =	shalt  }
0x42: {  	_ =	shalt  }
0x43: {  	_ =	shalt  }
0x44: {  	_ =	shalt  }
0x45: {  	_ =	shalt  }
0x46: {  	_ =	shalt  }
0x47: {  	_ =	shalt  }
0x48: {  	_ =	shalt  }
0x49: {  	_ =	shalt  }
0x4a: {  	_ =	shalt  }
0x4b: {  	_ =	shalt  }
0x4c: {  	_ =	shalt  }
0x4d: {  	_ =	shalt  }
0x4e: {  	_ =	shalt  }
0x4f: {  	_ =	shalt  }
0x50: {  	_ =	shalt  }
0x51: {  	_ =	shalt  }
0x52: {  	_ =	shalt  }
0x53: {  	_ =	shalt  }
0x54: {  	_ =	shalt  }
0x55: {  	_ =	shalt  }
0x56: {  	_ =	shalt  }
0x57: {  	_ =	shalt  }
0x58: {  	_ =	shalt  }
0x59: {  	_ =	shalt  }
0x5a: {  	_ =	shalt  }
0x5b: {  	_ =	shalt  }
0x5c: {  	_ =	shalt  }
0x5d: {  	_ =	shalt  }
0x5e: {  	_ =	shalt  }
0x5f: {  	_ =	shalt  }
0x60: {  	_ =	shalt  }
0x61: {  	_ =	shalt  }
0x62: {  	_ =	shalt  }
0x63: {  	_ =	shalt  }
0x64: {  	_ =	shalt  }
0x65: {  	_ =	shalt  }
0x66: {  	_ =	shalt  }
0x67: {  	_ =	shalt  }
0x68: {  	_ =	shalt  }
0x69: {  	_ =	shalt  }
0x6a: {  	_ =	shalt  }
0x6b: {  	_ =	shalt  }
0x6c: {  	_ =	shalt  }
0x6d: {  	_ =	shalt  }
0x6e: {  	_ =	shalt  }
0x6f: {  	_ =	shalt  }
0x70: {  	_ =	shalt  }
0x71: {  	_ =	shalt  }
0x72: {  	_ =	shalt  }
0x73: {  	_ =	shalt  }
0x74: {  	_ =	shalt  }
0x75: {  	_ =	shalt  }
0x76: {  	_ =	shalt  }
0x77: {  	_ =	shalt  }
0x78: {  	_ =	shalt  }
0x79: {  	_ =	shalt  }
0x7a: {  	_ =	shalt  }
0x7b: {  	_ =	shalt  }
0x7c: {  	_ =	shalt  }
0x7d: {  	_ =	shalt  }
0x7e: {  	_ =	shalt  }
0x7f: {  	_ =	shalt  }
0x80: {  	_ =	shalt  }
0x81: {  	_ =	shalt  }
0x82: {  	_ =	shalt  }
0x83: {  	_ =	shalt  }
0x84: {  	_ =	shalt  }
0x85: {  	_ =	shalt  }
0x86: {  	_ =	shalt  }
0x87: {  	_ =	shalt  }
.Lfunc_end0:
.L_simem_size_0:
called_computation.4_lowered:
.L_overlay_start_0:
0x88: {  	s2 =	sld [smem:$0x3FD9]  }
0x89: {  	s3 =	sld [smem:$0x3FFE];
	_ =	sdelay $0x1  }
0x8a: {  	s1 =	srdreg.scid  }
0x8b: {  	s0 =	sand.u32 $0x1, s1  }
0x8c: {  	s17 =	sshll.u32 s0, $0xA;
	s2 =	sadd.s32 s3, s2  }
0x8d: {  	s2 =	sadd.s32 s2, s17  }
0x8e: {  	[smem:$0x3FB6] =	sst s2  }
0x8f: {  	_ = 	snop  }
0x90: {  	s2 =	sld [smem:$0x3FC9];
	(tm) =	ssettm $0x1  }
0x91: {  	s18 =	sld [smem:$0x3FFB];
	_ =	sdelay $0x3  }
0x92: {  	_ =	strace s18  }
0x93: {  	s3 =	sld [smem:$0x3FFC];
	_ =	sdelay $0x3  }
0x94: {  	_ =	strace s3  }
0x95: {  	s3 =	sld [smem:$0x3FFD];
	_ =	sdelay $0x3  }
0x96: {  	_ =	strace s3  }
0x97: {  	_ =	strace $0x8FFFFFFF  }
0x98: {  	s19 =	sld [smem:$0x3FDB];
	_ =	sdelay $0x1  }
0x99: {  	s4 =	simm.s32 $_scs_section_size  }
0x9a: {  	s5 =	simm.s32 $_size__tile_overlayer_lowered;
	s6 =	simm.s32 $_tile_overlayer_lowered  }
0x9b: {  	s22 =	simm.s32 $0x1BFF;
	s21 =	sshll.u32 s6, $0x1;
	s3 =	sadd.s32 s4, s19  }
0x9c: {  	s7 =	simm.s32 $0x0;
	s20 =	sshll.u32 s5, $0x1;
	s5 =	sadd.s32 s21, s3  }
0x9d: {  	[timem:s7], [sflag:s22] =	dma.local [hbm:s5], s20  }
0x9e: {  	_ =	swait.ge [sflag:s22], s20  }
0x9f: {  	s4 =	ssub.s32 $0x0, s20;
	[sflag:s22] =	ssyncset.done $0x0  }
0xa0: {  	[sflag:s22] =	ssyncadd.s32 s4;
	_ =	sdelay $0x1  }
0xa1: {  	s23 =	simm.s32 $0x1B8B  }
0xa2: {  	_ =	swait.ge [sflag:s23], $0x1  }
0xa3: {  	[sflag:s23] =	ssyncset.done $0x0  }
0xa4: {  	s25 =	simm.s32 $0x1B8E;
	s24 =	sld [smem:$0x3FFE];
	[sflag:s23] =	ssyncadd.s32 $0xFFFFFFFF  }
0xa5: {  	s26 =	simm.s32 $execute0_lowered;
	[smem:$0x3FD2] =	sst s25  }
0xa6: {  	s5 =	sshll.u32 s26, $0x1;
	_ =	strace $0x80000046;
	[dreg:$0x1] =	wrdreg $0xFFFFFFFF  }
0xa7: {  	s28 =	simm.s32 $_size_execute0_lowered;
	s3 =	sadd.s32 s3, s5;
	[dreg:$0x0] =	wrdreg $0x0  }
0xa8: {  	s5 =	sshll.u32 s28, $0x1;
	[dreg:$0x2] =	wrdreg s3  }
0xa9: {  	[dreg:$0x3] =	wrdreg s5  }
0xaa: {  	[dreg:$0x4] =	wrdreg $0xC0  }
0xab: {  	_ =	task [dreg:s7], $0x5FFFF  }
0xac: {  	[dreg:$0x1] =	wrdreg $0xFFFFFFFF  }
0xad: {  	[dreg:$0x0] =	wrdreg $0x60  }
0xae: {  	[dreg:$0x2] =	wrdreg s2  }
0xaf: {  	[dreg:$0x3] =	wrdreg s24  }
0xb0: {  	[dreg:$0x4] =	wrdreg $0x41800  }
0xb1: {  	[dreg:$0x5] =	wrdreg $0x9  }
0xb2: {  	_ =	task.clear_ibuf [dreg:s7], $0x6FFFF;
	_ =	strace $0x90000046  }
0xb3: {  	s29 =	simm.s32 $0x9;
	_ =	strace $0x80000048  }
0xb4: {  	_ =	swait.ge [sflag:s29], $0x1  }
0xb5: {  	[sflag:s29] =	ssyncadd.s32 $0xFFFFFFFF  }
0xb6: {  	_ =	strace $0x90000048  }
0xb7: {  	_ =	sfence  }
0xb8: {  	s30 =	sld [smem:$0x0];
	_ =	sdelay $0x2  }
0xb9: {  	s31 =	sshll.u32 s1, $0xD;
	s1 =	sshrl.u32 s1, $0x2  }
0xba: {  	s3 =	sand.u32 $0x4000, s31;
	s1 =	sadd.s32 s1, s30  }
0xbb: {  	s0 =	sor.u32 s3, s0;
	s1 =	sshll.u32 s1, $0x11  }
0xbc: {  	s0 =	sor.u32 s1, s0  }
0xbd: {  	s0 =	sadd.s32 $0x8F2B, s0  }
0xbe: {  	[sflag:s0] =	ssyncadd.remote.s32 $0x1  }
0xbf: {  	_ =	sfence.sel $0xFFFF  }
0xc0: {  	[dreg:$0x0] =	wrdreg $0xFFFFFFFF;
	(pc) =	sbr.abs _section_cstart, $3  }
0xc1: {  	[dreg:$0x1] =	wrdreg $0xFFFFFFFF  }
0xc2: {  	_ =	task.clear_ibuf [dreg:s7], $0x2FFFF;
	_ =	strace $0x9FFFFFFF  }
0xc3: {  	(tm) =	ssettm $0x7FFFFFFF  }
tec
execute0_lowered:
.L_overlay_start_1:
0x0: {  	(tag) =	ssettag $0x1  }
0x1: {  	s1 =	rddreg [dreg:$0x0]  }
0x2: {  	s2 =	rddreg [dreg:$0x1]  }
0x3: {  	s3 =	rddreg [dreg:$0x2];
	s4 =	simm.s32 $0x0  }
0x4: {  	s0 =	srdreg.scid;
	s21 =	stileid.u32;
	s28 =	simm.s32 $0x180  }
0x5: {  	s29 =	simm.s32 $0x3;
	s30 =	simm.s32 $0x2;
	s31 =	simm.s32 $0x80  }
0x6: {  	[smem:$0x7FF] =	sst s4;
	s6 =	sadd.s32 $0x13A00, s2;
	s5 =	sadd.s32 $0x3C200, s2  }
0x7: {  	s0 =	sand.u32 $0x1, s0;
	s13 =	sadd.s32 $0x64200, s2;
	s10 =	smul.u32 $0x280, s21  }
0x8: {  	s12 =	sadd.s32 $0x8C200, s2;
	s9 =	smul.u32 $0x50000, s21;
	s14 =	sadd.s32 $0xB4200, s2  }
0x9: {  	_ =	strace $0x80000047;
	s7 =	ssub.s32 $0x2, s0;
	s22 =	sshll.u32 s0, $0x4  }
0xa: {  	p0 =	seq.s32 s0, $0x0;
	s0 =	simm.s32 $0x1;
	s8 =	sshrl.u32 s7, $0x1  }
0xb: {  	s16 =	sor.u32 s21, s22;
	s23 =	sshrl.u32 s9, $0x2;
	s17 =	sadd.s32 $0x80, s10  }
0xc: {  	s18 =	sadd.s32 $0x100, s10;
	s19 =	sadd.s32 $0x180, s10;
	s20 =	sadd.s32 $0x200, s10  }
0xd: {  	s13 =	smov.u32 @p0 s5;
	s14 =	smov.u32 @p0 s12;
	s12 =	simm.s32 $0x4F  }
0xe: {  	s5 =	smul.u32 $0x2800, s21;
	s15 =	ssub.s32 s7, s8;
	s7 =	sadd.s32 s23, s3  }
0xf: {  	s24 =	sshll.u32 s17, $0x7;
	s25 =	sshll.u32 s18, $0x7;
	s11 =	sshll.u32 s19, $0x7  }
0x10: {  	s26 =	sshll.u32 s20, $0x7;
	p0 =	slt.u32 s16, $0x4;
	s17 =	sshll.u32 s17, $0x4  }
0x11: {  	s21 =	sshll.u32 s18, $0x4;
	s22 =	sshll.u32 s20, $0x4;
	s8 =	sadd.s32 s24, s3  }
0x12: {  	s9 =	sadd.s32 s25, s3;
	s10 =	sadd.s32 s11, s3;
	s11 =	sadd.s32 s26, s3  }
0x13: {  	s26 =	sshll.u32 s19, $0x4;
	s20 =	sadd.s32 s13, s5;
	s23 =	sadd.s32 s13, s17  }
0x14: {  	s24 =	sadd.s32 s13, s21;
	s18 =	sadd.s32 s14, s5;
	[dreg:$0x4] =	wrdreg s20  }
0x15: {  	s19 =	sadd.s32 s14, s17;
	s12 =	simm.s32 @!p0 $0x4E;
	[dreg:$0x5] =	wrdreg s23  }
0x16: {  	s5 =	simm.s32 $0x100;
	[dreg:$0x6] =	wrdreg s24;
	s25 =	sadd.s32 s13, s26  }
0x17: {  	s13 =	sadd.s32 s13, s22;
	s20 =	sadd.s32 s14, s21;
	s21 =	sadd.s32 s14, s26  }
0x18: {  	s22 =	sadd.s32 s14, s22;
	s26 =	sshll.u32 s16, $0x5;
	[dreg:$0x7] =	wrdreg s25  }
0x19: {  	s24 =	smax.u32 s15, $0x1;
	s16 =	sor.u32 $0x20, s16;
	[dreg:$0x8] =	wrdreg s13  }
0x1a: {  	s23 =	sadd.s32 s2, s26;
	s26 =	sadd.s32 $0x3BA00, s2;
	s13 =	simm.s32 $0x0  }
.LBB2_1:
0x1b: {  	[tilespmem:s28], [sflag:$0x3] =	stream.linear.gather [hbm4b:s6+s4], $0x4000, $0x38;
	[tilespmem:$0x18180] =	vst v63  }
0x1c: {  	_ =	swait.ge [sflag:s29], $0x4000  }
0x1d: {  	[sflag:s29] =	ssyncset.done $0x0  }
0x1e: {  	[sflag:s29] =	ssyncadd.s32 $0xFFFFC000  }
0x1f: {  	[spmem:s7] =	stream.linear.scatter [tilespmem:s28], [sflag:$0x3], $0x4000, $0x38;
	[tilespmem:$0x18180] =	vst v63  }
0x20: {  	_ =	swait.ge [sflag:s29], $0x4000  }
0x21: {  	[sflag:s29] =	ssyncset.done $0x0  }
0x22: {  	[sflag:s29] =	ssyncadd.s32 $0xFFFFC000  }
0x23: {  	[spmem:s8] =	stream.linear.scatter [tilespmem:s28], [sflag:$0x3], $0x4000, $0x38;
	[tilespmem:$0x18180] =	vst v63  }
0x24: {  	_ =	swait.ge [sflag:s29], $0x4000  }
0x25: {  	[sflag:s29] =	ssyncset.done $0x0  }
0x26: {  	[sflag:s29] =	ssyncadd.s32 $0xFFFFC000  }
0x27: {  	[spmem:s9] =	stream.linear.scatter [tilespmem:s28], [sflag:$0x3], $0x4000, $0x38;
	[tilespmem:$0x18180] =	vst v63  }
0x28: {  	_ =	swait.ge [sflag:s29], $0x4000  }
0x29: {  	[sflag:s29] =	ssyncset.done $0x0  }
0x2a: {  	[sflag:s29] =	ssyncadd.s32 $0xFFFFC000  }
0x2b: {  	[spmem:s10] =	stream.linear.scatter [tilespmem:s28], [sflag:$0x3], $0x4000, $0x38;
	[tilespmem:$0x18180] =	vst v63  }
0x2c: {  	_ =	swait.ge [sflag:s29], $0x4000  }
0x2d: {  	[sflag:s29] =	ssyncset.done $0x0  }
0x2e: {  	[sflag:s29] =	ssyncadd.s32 $0xFFFFC000  }
0x2f: {  	[spmem:s11] =	stream.linear.scatter [tilespmem:s28], [sflag:$0x3], $0x4000, $0x38;
	[tilespmem:$0x18180] =	vst v63  }
0x30: {  	_ =	swait.ge [sflag:s29], $0x4000  }
0x31: {  	[sflag:s29] =	ssyncset.done $0x0  }
0x32: {  	[sflag:s29] =	ssyncadd.s32 $0xFFFFC000  }
0x33: {  	[bflag:$0x0] =	sbarrier.arrive $0xFFFF  }
0x34: {  	[tilespmem:s4], [sflag:$0x2] =	stream.linear.gather [hbm4b:s23+s4], $0x100, $0x38;
	[tilespmem:$0x18180] =	vst v63  }
0x35: {  	_ =	swait.ge [sflag:s30], $0x100  }
0x36: {  	[sflag:s30] =	ssyncset.done $0x0  }
0x37: {  	[sflag:s30] =	ssyncadd.s32 $0xFFFFFF00  }
0x38: {  	[tilespmem:s28], [sflag:$0x1] =	stream.indirect.gather [hbm4b:s1+s31], $0x80, s4, s31, $0xb8;
	[tilespmem:$0x18180] =	vst v63  }
0x39: {  	_ =	swait.ge [sflag:s0], $0x4000  }
0x3a: {  	[sflag:s0] =	ssyncset.done $0x0  }
0x3b: {  	[sflag:s0] =	ssyncadd.s32 $0xFFFFC000  }
0x3c: {  	v0 =	vld [tilespmem:$0xF0]  }
0x3d: {  	v1 =	vld [tilespmem:$0xD0]  }
0x3e: {  	v2 =	vld [tilespmem:$0xE0]  }
0x3f: {  	v3 =	vld [tilespmem:$0xB0]  }
0x40: {  	p0 =	slt.s32 s16, $0x9C3;
	s14 =	smov.u32 s16;
	v4 =	vld [tilespmem:$0x80]  }
0x41: {  	s14 =	simm.s32 @!p0 $0x9C3;
	p0 =	sne.s32 s12, $0x1;
	v5 =	vld [tilespmem:$0xC0];
	[tilespmem:$0x170] =	vst v0  }
.Ltmp0:
0x42: {  	[tilespmem:$0x150] =	vst v1;
	v0 =	vld [tilespmem:$0xA0];
	(pc) =	sbr.rel @!p0 .LBB2_3-.Ltmp0, $4  }
0x43: {  	[tilespmem:$0x160] =	vst v2;
	v1 =	vld [tilespmem:$0x90]  }
0x44: {  	s14 =	sshll.u32 s14, $0x5;
	[tilespmem:$0x130] =	vst v3  }
0x45: {  	s17 =	sand.u32 $0x1FFFFFE0, s14;
	[tilespmem:$0x100] =	vst v4  }
0x46: {  	s15 =	sadd.s32 $0xFFFFFFFF, s12;
	s25 =	smov.u32 s16;
	s14 =	smov.u32 s17;
	[tilespmem:$0x140] =	vst v5  }
.LBB2_2:
0x47: {  	p1 =	sne.s32 s15, $0x1;
	[tilespmem:$0x120] =	vst v0;
	s14 =	sadd.s32 s2, s14;
	s25 =	sadd.s32 $0x20, s25  }
0x48: {  	s15 =	sadd.s32 $0xFFFFFFFF, s15;
	[tilespmem:$0x110] =	vst v1  }
0x49: {  	[tilespmem:s4], [sflag:$0x2] =	stream.linear.gather [hbm4b:s14+s4], $0x100, $0x38;
	[tilespmem:$0x18180] =	vst v63  }
0x4a: {  	_ = 	snop  }
0x4b: {  	[spmem:s3] =	stream.indirect.scatter.add.f32 [tilespmem:s28], [sflag:$0x3], $0x80, s5, s31, $0xb8;
	[tilespmem:$0x18180] =	vst v63  }
0x4c: {  	_ =	swait.ge [sflag:s29], $0x4000  }
0x4d: {  	[sflag:s29] =	ssyncset.done $0x0  }
0x4e: {  	[sflag:s29] =	ssyncadd.s32 $0xFFFFC000  }
0x4f: {  	_ =	swait.ge [sflag:s30], $0x100  }
0x50: {  	[sflag:s30] =	ssyncset.done $0x0  }
0x51: {  	[sflag:s30] =	ssyncadd.s32 $0xFFFFFF00  }
0x52: {  	[tilespmem:s28], [sflag:$0x1] =	stream.indirect.gather [hbm4b:s1+s31], $0x80, s4, s31, $0xb8;
	[tilespmem:$0x18180] =	vst v63  }
0x53: {  	_ =	swait.ge [sflag:s0], $0x4000  }
0x54: {  	[sflag:s0] =	ssyncset.done $0x0  }
0x55: {  	[sflag:s0] =	ssyncadd.s32 $0xFFFFC000  }
0x56: {  	v0 =	vld [tilespmem:$0xF0]  }
0x57: {  	v1 =	vld [tilespmem:$0xD0]  }
0x58: {  	v2 =	vld [tilespmem:$0xE0]  }
0x59: {  	v3 =	vld [tilespmem:$0xB0]  }
0x5a: {  	v4 =	vld [tilespmem:$0x80]  }
0x5b: {  	v5 =	vld [tilespmem:$0xC0];
	[tilespmem:$0x170] =	vst v0  }
.Ltmp1:
0x5c: {  	v0 =	vld [tilespmem:$0xA0];
	[tilespmem:$0x150] =	vst v1;
	(pc) =	sbr.rel @p1 .LBB2_2-.Ltmp1, $4  }
0x5d: {  	p2 =	slt.s32 s25, $0x9C3;
	s14 =	smov.u32 s25;
	v1 =	vld [tilespmem:$0x90];
	[tilespmem:$0x160] =	vst v2  }
0x5e: {  	s14 =	simm.s32 @!p2 $0x9C3;
	[tilespmem:$0x130] =	vst v3  }
0x5f: {  	s14 =	sshll.u32 s14, $0x5;
	[tilespmem:$0x100] =	vst v4  }
0x60: {  	s14 =	sand.u32 $0x1FFFFFE0, s14;
	[tilespmem:$0x140] =	vst v5  }
.LBB2_3:
0x61: {  	[tilespmem:$0x120] =	vst v0  }
0x62: {  	s14 =	sadd.s32 s2, s14;
	[tilespmem:$0x110] =	vst v1  }
0x63: {  	[tilespmem:s4], [sflag:$0x2] =	stream.linear.gather [hbm4b:s14+s4], $0x100, $0x38;
	[tilespmem:$0x18180] =	vst v63  }
0x64: {  	_ = 	snop  }
0x65: {  	[spmem:s3] =	stream.indirect.scatter.add.f32 [tilespmem:s28], [sflag:$0x3], $0x80, s5, s31, $0xb8;
	[tilespmem:$0x18180] =	vst v63  }
0x66: {  	_ =	swait.ge [sflag:s29], $0x4000  }
0x67: {  	[sflag:s29] =	ssyncset.done $0x0  }
0x68: {  	[sflag:s29] =	ssyncadd.s32 $0xFFFFC000  }
0x69: {  	_ =	swait.ge [sflag:s30], $0x100  }
0x6a: {  	[sflag:s30] =	ssyncset.done $0x0  }
0x6b: {  	[sflag:s30] =	ssyncadd.s32 $0xFFFFFF00  }
0x6c: {  	[bflag:$0x0] =	sbarrier.arrive $0xFFFF  }
0x6d: {  	[tilespmem:s28], [sflag:$0x3] =	stream.linear.gather [spmem:s7], $0x4000, $0x38;
	[tilespmem:$0x18180] =	vst v63  }
0x6e: {  	_ =	swait.ge [sflag:s29], $0x4000  }
0x6f: {  	[sflag:s29] =	ssyncset.done $0x0  }
0x70: {  	s25 =	rddreg [dreg:$0x4];
	[sflag:s29] =	ssyncadd.s32 $0xFFFFC000  }
0x71: {  	[hbm4b:s25+s4] =	stream.linear.scatter [tilespmem:s28], [sflag:$0x3], $0x4000, $0x38;
	[tilespmem:$0x18180] =	vst v63  }
0x72: {  	_ =	swait.ge [sflag:s29], $0x4000  }
0x73: {  	[sflag:s29] =	ssyncset.done $0x0  }
0x74: {  	[sflag:s29] =	ssyncadd.s32 $0xFFFFC000  }
0x75: {  	[tilespmem:s28], [sflag:$0x3] =	stream.linear.gather [spmem:s8], $0x4000, $0x38;
	[tilespmem:$0x18180] =	vst v63  }
0x76: {  	_ =	swait.ge [sflag:s29], $0x4000  }
0x77: {  	[sflag:s29] =	ssyncset.done $0x0  }
0x78: {  	s15 =	rddreg [dreg:$0x5];
	[sflag:s29] =	ssyncadd.s32 $0xFFFFC000  }
0x79: {  	[hbm4b:s15+s4] =	stream.linear.scatter [tilespmem:s28], [sflag:$0x3], $0x4000, $0x38;
	[tilespmem:$0x18180] =	vst v63  }
0x7a: {  	_ =	swait.ge [sflag:s29], $0x4000  }
0x7b: {  	[sflag:s29] =	ssyncset.done $0x0  }
0x7c: {  	[sflag:s29] =	ssyncadd.s32 $0xFFFFC000  }
0x7d: {  	[tilespmem:s28], [sflag:$0x3] =	stream.linear.gather [spmem:s9], $0x4000, $0x38;
	[tilespmem:$0x18180] =	vst v63  }
0x7e: {  	_ =	swait.ge [sflag:s29], $0x4000  }
0x7f: {  	[sflag:s29] =	ssyncset.done $0x0  }
0x80: {  	s25 =	rddreg [dreg:$0x6];
	[sflag:s29] =	ssyncadd.s32 $0xFFFFC000  }
0x81: {  	[hbm4b:s25+s4] =	stream.linear.scatter [tilespmem:s28], [sflag:$0x3], $0x4000, $0x38;
	[tilespmem:$0x18180] =	vst v63  }
0x82: {  	_ =	swait.ge [sflag:s29], $0x4000  }
0x83: {  	[sflag:s29] =	ssyncset.done $0x0  }
0x84: {  	[sflag:s29] =	ssyncadd.s32 $0xFFFFC000  }
0x85: {  	[tilespmem:s28], [sflag:$0x3] =	stream.linear.gather [spmem:s10], $0x4000, $0x38;
	[tilespmem:$0x18180] =	vst v63  }
0x86: {  	_ =	swait.ge [sflag:s29], $0x4000  }
0x87: {  	[sflag:s29] =	ssyncset.done $0x0  }
0x88: {  	s15 =	rddreg [dreg:$0x7];
	[sflag:s29] =	ssyncadd.s32 $0xFFFFC000  }
0x89: {  	[hbm4b:s15+s4] =	stream.linear.scatter [tilespmem:s28], [sflag:$0x3], $0x4000, $0x38;
	[tilespmem:$0x18180] =	vst v63  }
0x8a: {  	_ =	swait.ge [sflag:s29], $0x4000  }
0x8b: {  	[sflag:s29] =	ssyncset.done $0x0  }
0x8c: {  	[sflag:s29] =	ssyncadd.s32 $0xFFFFC000  }
0x8d: {  	[tilespmem:s28], [sflag:$0x3] =	stream.linear.gather [spmem:s11], $0x4000, $0x38;
	[tilespmem:$0x18180] =	vst v63  }
0x8e: {  	_ =	swait.ge [sflag:s29], $0x4000  }
0x8f: {  	[sflag:s29] =	ssyncset.done $0x0  }
0x90: {  	s25 =	rddreg [dreg:$0x8];
	[sflag:s29] =	ssyncadd.s32 $0xFFFFC000  }
0x91: {  	[hbm4b:s25+s4] =	stream.linear.scatter [tilespmem:s28], [sflag:$0x3], $0x4000, $0x38;
	[tilespmem:$0x18180] =	vst v63  }
0x92: {  	_ =	swait.ge [sflag:s29], $0x4000  }
0x93: {  	[sflag:s29] =	ssyncset.done $0x0  }
0x94: {  	[sflag:s29] =	ssyncadd.s32 $0xFFFFC000  }
0x95: {  	[tilespmem:s28], [sflag:$0x3] =	stream.linear.gather [hbm4b:s6+s4], $0x4000, $0x38;
	[tilespmem:$0x18180] =	vst v63  }
0x96: {  	_ =	swait.ge [sflag:s29], $0x4000  }
0x97: {  	[sflag:s29] =	ssyncset.done $0x0  }
0x98: {  	[sflag:s29] =	ssyncadd.s32 $0xFFFFC000  }
0x99: {  	[spmem:s7] =	stream.linear.scatter [tilespmem:s28], [sflag:$0x3], $0x4000, $0x38;
	[tilespmem:$0x18180] =	vst v63  }
0x9a: {  	_ =	swait.ge [sflag:s29], $0x4000  }
0x9b: {  	[sflag:s29] =	ssyncset.done $0x0  }
0x9c: {  	[sflag:s29] =	ssyncadd.s32 $0xFFFFC000  }
0x9d: {  	[spmem:s8] =	stream.linear.scatter [tilespmem:s28], [sflag:$0x3], $0x4000, $0x38;
	[tilespmem:$0x18180] =	vst v63  }
0x9e: {  	_ =	swait.ge [sflag:s29], $0x4000  }
0x9f: {  	[sflag:s29] =	ssyncset.done $0x0  }
0xa0: {  	[sflag:s29] =	ssyncadd.s32 $0xFFFFC000  }
0xa1: {  	[spmem:s9] =	stream.linear.scatter [tilespmem:s28], [sflag:$0x3], $0x4000, $0x38;
	[tilespmem:$0x18180] =	vst v63  }
0xa2: {  	_ =	swait.ge [sflag:s29], $0x4000  }
0xa3: {  	[sflag:s29] =	ssyncset.done $0x0  }
0xa4: {  	[sflag:s29] =	ssyncadd.s32 $0xFFFFC000  }
0xa5: {  	[spmem:s10] =	stream.linear.scatter [tilespmem:s28], [sflag:$0x3], $0x4000, $0x38;
	[tilespmem:$0x18180] =	vst v63  }
0xa6: {  	_ =	swait.ge [sflag:s29], $0x4000  }
0xa7: {  	[sflag:s29] =	ssyncset.done $0x0  }
0xa8: {  	[sflag:s29] =	ssyncadd.s32 $0xFFFFC000  }
0xa9: {  	[spmem:s11] =	stream.linear.scatter [tilespmem:s28], [sflag:$0x3], $0x4000, $0x38;
	[tilespmem:$0x18180] =	vst v63  }
0xaa: {  	_ =	swait.ge [sflag:s29], $0x4000  }
0xab: {  	[sflag:s29] =	ssyncset.done $0x0  }
0xac: {  	[sflag:s29] =	ssyncadd.s32 $0xFFFFC000  }
0xad: {  	[tilespmem:s28], [sflag:$0x3] =	stream.linear.gather [hbm4b:s26+s4], $0x4000, $0x38;
	[tilespmem:$0x18180] =	vst v63  }
0xae: {  	_ =	swait.ge [sflag:s29], $0x4000  }
0xaf: {  	[sflag:s29] =	ssyncset.done $0x0  }
0xb0: {  	[sflag:s29] =	ssyncadd.s32 $0xFFFFC000  }
0xb1: {  	[bflag:$0x0] =	sbarrier.arrive $0xFFFF  }
0xb2: {  	[tilespmem:s4], [sflag:$0x2] =	stream.linear.gather [hbm4b:s23+s4], $0x100, $0x38;
	[tilespmem:$0x18180] =	vst v63  }
0xb3: {  	_ =	swait.ge [sflag:s30], $0x100  }
0xb4: {  	[sflag:s30] =	ssyncset.done $0x0  }
0xb5: {  	[sflag:s30] =	ssyncadd.s32 $0xFFFFFF00  }
0xb6: {  	v0 =	vld [tilespmem:$0xF0]  }
0xb7: {  	v1 =	vld [tilespmem:$0xD0]  }
0xb8: {  	v2 =	vld [tilespmem:$0xE0]  }
0xb9: {  	v3 =	vld [tilespmem:$0xB0]  }
0xba: {  	v4 =	vld [tilespmem:$0x80]  }
0xbb: {  	v5 =	vld [tilespmem:$0xC0];
	[tilespmem:$0x170] =	vst v0  }
.Ltmp2:
0xbc: {  	[tilespmem:$0x150] =	vst v1;
	v1 =	vld [tilespmem:$0xA0];
	(pc) =	sbr.rel @!p0 .LBB2_5-.Ltmp2, $4  }
0xbd: {  	[tilespmem:$0x160] =	vst v2;
	v0 =	vld [tilespmem:$0x90]  }
0xbe: {  	[tilespmem:$0x130] =	vst v3  }
0xbf: {  	[tilespmem:$0x100] =	vst v4  }
0xc0: {  	s15 =	sadd.s32 $0xFFFFFFFF, s12;
	s25 =	smov.u32 s16;
	[tilespmem:$0x140] =	vst v5  }
.LBB2_4:
0xc1: {  	p0 =	sne.s32 s15, $0x1;
	[tilespmem:$0x120] =	vst v1;
	s14 =	sadd.s32 s2, s17;
	s25 =	sadd.s32 $0x20, s25  }
0xc2: {  	s15 =	sadd.s32 $0xFFFFFFFF, s15;
	[tilespmem:$0x110] =	vst v0  }
0xc3: {  	[tilespmem:s4], [sflag:$0x2] =	stream.linear.gather [hbm4b:s14+s4], $0x100, $0x38;
	[tilespmem:$0x18180] =	vst v63  }
0xc4: {  	_ = 	snop  }
0xc5: {  	[spmem:s3] =	stream.indirect.scatter.add.f32 [tilespmem:s28], [sflag:$0x3], $0x80, s5, s31, $0xb8;
	[tilespmem:$0x18180] =	vst v63  }
0xc6: {  	_ =	swait.ge [sflag:s29], $0x4000  }
0xc7: {  	[sflag:s29] =	ssyncset.done $0x0  }
0xc8: {  	[sflag:s29] =	ssyncadd.s32 $0xFFFFC000  }
0xc9: {  	_ =	swait.ge [sflag:s30], $0x100  }
0xca: {  	[sflag:s30] =	ssyncset.done $0x0  }
0xcb: {  	[sflag:s30] =	ssyncadd.s32 $0xFFFFFF00  }
0xcc: {  	v0 =	vld [tilespmem:$0xF0]  }
0xcd: {  	v2 =	vld [tilespmem:$0xD0]  }
0xce: {  	v3 =	vld [tilespmem:$0xE0]  }
0xcf: {  	v4 =	vld [tilespmem:$0xB0]  }
0xd0: {  	v5 =	vld [tilespmem:$0x80]  }
0xd1: {  	v6 =	vld [tilespmem:$0xC0];
	[tilespmem:$0x170] =	vst v0  }
.Ltmp3:
0xd2: {  	v1 =	vld [tilespmem:$0xA0];
	[tilespmem:$0x150] =	vst v2;
	(pc) =	sbr.rel @p0 .LBB2_4-.Ltmp3, $4  }
0xd3: {  	p1 =	slt.s32 s25, $0x9C3;
	s14 =	smov.u32 s25;
	v0 =	vld [tilespmem:$0x90];
	[tilespmem:$0x160] =	vst v3  }
0xd4: {  	s14 =	simm.s32 @!p1 $0x9C3;
	[tilespmem:$0x130] =	vst v4  }
0xd5: {  	s14 =	sshll.u32 s14, $0x5;
	[tilespmem:$0x100] =	vst v5  }
0xd6: {  	s17 =	sand.u32 $0x1FFFFFE0, s14;
	[tilespmem:$0x140] =	vst v6  }
.LBB2_5:
0xd7: {  	[tilespmem:$0x120] =	vst v1  }
0xd8: {  	s14 =	sadd.s32 s2, s17;
	[tilespmem:$0x110] =	vst v0  }
0xd9: {  	[tilespmem:s4], [sflag:$0x2] =	stream.linear.gather [hbm4b:s14+s4], $0x100, $0x38;
	[tilespmem:$0x18180] =	vst v63  }
0xda: {  	_ = 	snop  }
0xdb: {  	[spmem:s3] =	stream.indirect.scatter.add.f32 [tilespmem:s28], [sflag:$0x3], $0x80, s5, s31, $0xb8;
	[tilespmem:$0x18180] =	vst v63  }
0xdc: {  	_ =	swait.ge [sflag:s29], $0x4000  }
0xdd: {  	[sflag:s29] =	ssyncset.done $0x0  }
0xde: {  	[sflag:s29] =	ssyncadd.s32 $0xFFFFC000  }
0xdf: {  	_ =	swait.ge [sflag:s30], $0x100  }
0xe0: {  	[sflag:s30] =	ssyncset.done $0x0  }
0xe1: {  	[sflag:s30] =	ssyncadd.s32 $0xFFFFFF00  }
0xe2: {  	[bflag:$0x0] =	sbarrier.arrive $0xFFFF  }
0xe3: {  	[tilespmem:s28], [sflag:$0x3] =	stream.linear.gather [spmem:s7], $0x4000, $0x38;
	[tilespmem:$0x18180] =	vst v63  }
0xe4: {  	_ =	swait.ge [sflag:s29], $0x4000  }
0xe5: {  	[sflag:s29] =	ssyncset.done $0x0  }
0xe6: {  	[sflag:s29] =	ssyncadd.s32 $0xFFFFC000  }
0xe7: {  	[hbm4b:s18+s4] =	stream.linear.scatter [tilespmem:s28], [sflag:$0x3], $0x4000, $0x38;
	[tilespmem:$0x18180] =	vst v63  }
0xe8: {  	_ =	swait.ge [sflag:s29], $0x4000  }
0xe9: {  	[sflag:s29] =	ssyncset.done $0x0  }
0xea: {  	[sflag:s29] =	ssyncadd.s32 $0xFFFFC000  }
0xeb: {  	[tilespmem:s28], [sflag:$0x3] =	stream.linear.gather [spmem:s8], $0x4000, $0x38;
	[tilespmem:$0x18180] =	vst v63  }
0xec: {  	_ =	swait.ge [sflag:s29], $0x4000  }
0xed: {  	[sflag:s29] =	ssyncset.done $0x0  }
0xee: {  	[sflag:s29] =	ssyncadd.s32 $0xFFFFC000  }
0xef: {  	[hbm4b:s19+s4] =	stream.linear.scatter [tilespmem:s28], [sflag:$0x3], $0x4000, $0x38;
	[tilespmem:$0x18180] =	vst v63  }
0xf0: {  	_ =	swait.ge [sflag:s29], $0x4000  }
0xf1: {  	[sflag:s29] =	ssyncset.done $0x0  }
0xf2: {  	[sflag:s29] =	ssyncadd.s32 $0xFFFFC000  }
0xf3: {  	[tilespmem:s28], [sflag:$0x3] =	stream.linear.gather [spmem:s9], $0x4000, $0x38;
	[tilespmem:$0x18180] =	vst v63  }
0xf4: {  	_ =	swait.ge [sflag:s29], $0x4000  }
0xf5: {  	[sflag:s29] =	ssyncset.done $0x0  }
0xf6: {  	[sflag:s29] =	ssyncadd.s32 $0xFFFFC000  }
0xf7: {  	[hbm4b:s20+s4] =	stream.linear.scatter [tilespmem:s28], [sflag:$0x3], $0x4000, $0x38;
	[tilespmem:$0x18180] =	vst v63  }
0xf8: {  	_ =	swait.ge [sflag:s29], $0x4000  }
0xf9: {  	[sflag:s29] =	ssyncset.done $0x0  }
0xfa: {  	[sflag:s29] =	ssyncadd.s32 $0xFFFFC000  }
0xfb: {  	[tilespmem:s28], [sflag:$0x3] =	stream.linear.gather [spmem:s10], $0x4000, $0x38;
	[tilespmem:$0x18180] =	vst v63  }
0xfc: {  	_ =	swait.ge [sflag:s29], $0x4000  }
0xfd: {  	[sflag:s29] =	ssyncset.done $0x0  }
0xfe: {  	[sflag:s29] =	ssyncadd.s32 $0xFFFFC000  }
0xff: {  	[hbm4b:s21+s4] =	stream.linear.scatter [tilespmem:s28], [sflag:$0x3], $0x4000, $0x38;
	[tilespmem:$0x18180] =	vst v63  }
0x100: {  	_ =	swait.ge [sflag:s29], $0x4000  }
0x101: {  	[sflag:s29] =	ssyncset.done $0x0  }
0x102: {  	[sflag:s29] =	ssyncadd.s32 $0xFFFFC000  }
0x103: {  	[tilespmem:s28], [sflag:$0x3] =	stream.linear.gather [spmem:s11], $0x4000, $0x38;
	[tilespmem:$0x18180] =	vst v63  }
0x104: {  	s13 =	sadd.s32 $0x1, s13;
	_ =	swait.ge [sflag:s29], $0x4000  }
0x105: {  	p0 =	sne.s32 s13, s24;
	[sflag:s29] =	ssyncset.done $0x0  }
.Ltmp4:
0x106: {  	[sflag:s29] =	ssyncadd.s32 $0xFFFFC000;
	(pc) =	sbr.rel @p0 .LBB2_1-.Ltmp4, $4  }
0x107: {  	[hbm4b:s22+s4] =	stream.linear.scatter [tilespmem:s28], [sflag:$0x3], $0x4000, $0x38;
	[tilespmem:$0x18180] =	vst v63  }
0x108: {  	_ =	swait.ge [sflag:s29], $0x4000  }
0x109: {  	[sflag:s29] =	ssyncset.done $0x0  }
0x10a: {  	[sflag:s29] =	ssyncadd.s32 $0xFFFFC000  }
0x10b: {  	_ =	sfence.sel $0x180000  }
0x10c: {  	[bflag:$0x0] =	sbarrier.arrive $0xFFFF  }
0x10d: {  	_ =	strace $0x90000047  }
0x10e: {  	s0 =	stileid.u32;
	[bflag:$0x2] =	sbarrier.arrive $0xFFFF  }
0x10f: {  	p0 =	sne.s32 s0, $0x0;
	s0 =	rddreg [dreg:$0x3]  }
0x110: {  	s0 =	sadd.s32 @!p0 $0x100000, s0  }
0x111: {  	[sflag:s0] =	ssyncadd.tile.s32 @!p0 $0x1;
	_ =	shalt  }
.Lfunc_end2:
_tile_overlayer_lowered:
.L_overlay_start_2:
0x112: {  	(tag) =	ssettag $0x2  }
0x113: {  	s0 =	rddreg [dreg:$0x0];
	s2 =	stileid.u32  }
0x114: {  	s1 =	rddreg [dreg:$0x1];
	p0 =	sne.s32 s2, $0x0  }
0x115: {  	s3 =	rddreg [dreg:$0x2];
	[bflag:$0x3] =	sbarrier.arrive $0xFFFF;
	s2 =	simm.s32 @!p0 $0x1C03  }
0x116: {  	[timem:s3], [sflag:s2] =	dma.local @!p0 [hbm:s0], s1  }
0x117: {  	s0 =	simm.s32 @!p0 $0x3  }
0x118: {  	_ =	swait.ge @!p0 [sflag:s0], s1  }
0x119: {  	s1 =	ssub.s32 @!p0 $0x0, s1;
	[sflag:s0] =	ssyncset.done @!p0 $0x0  }
0x11a: {  	[sflag:s0] =	ssyncadd.s32 @!p0 s1  }
0x11b: {  	[bflag:$0x3] =	sbarrier.arrive $0xFFFF  }
0x11c: {  	_ =	shalt  }

// kernel: scatter_offload_async_start.1
scs
__scs_entry_jumppad:
0x0: {  	(pc) =	sbr.rel $0x88, $3  }
0x1: {  	(tag) =	ssettag $0x0;
	lr =	simm.s32 $0x1  }
0x2: {  	[smem:$0x3F8F] =	sst lr;
	_ =	strace $0xD0000000  }
0x3: {  	_ = 	snop  }
0x4: {  	_ = 	snop  }
0x5: {  	_ = 	snop  }
0x6: {  	_ = 	snop  }
0x7: {  	_ = 	snop  }
__scs_overlays_trampoline_lowered:
0x8: {  	[smem:$0x3F9E] =	sst s0  }
0x9: {  	[smem:$0x3F9F] =	sst s1  }
0xa: {  	[smem:$0x3FA0] =	sst s2  }
0xb: {  	[smem:$0x3FA1] =	sst s3  }
0xc: {  	[smem:$0x3FA2] =	sst s4  }
0xd: {  	[smem:$0x3FA3] =	sst s5  }
0xe: {  	[smem:$0x3FA4] =	sst s6  }
0xf: {  	[smem:$0x3FA5] =	sst s7  }
0x10: {  	[smem:$0x3FA6] =	sst s8  }
0x11: {  	[smem:$0x3FA7] =	sst s9;
	s0 =	simm.s32 @!p0 $0x0  }
0x12: {  	s1 =	sld [smem:$0x3F8D];
	s0 =	simm.s32 @p0 $0x1  }
0x13: {  	[smem:$0x3FA8] =	sst s0;
	s0 =	simm.s32 @!p1 $0x0  }
0x14: {  	s2 =	sld [smem:$0x3F8C];
	s0 =	simm.s32 @p1 $0x1  }
0x15: {  	[smem:$0x3FA9] =	sst s0;
	s0 =	simm.s32 @!p2 $0x0  }
0x16: {  	s3 =	sld [smem:$0x3FDB];
	s0 =	simm.s32 @p2 $0x1  }
0x17: {  	s4 =	simm.s32 $0x1BF5;
	[smem:$0x3FAB] =	sst s0  }
0x18: {  	s0 =	sld [smem:$0x3F8E];
	_ =	swait.ge [sflag:s4], $0x0  }
0x19: {  	s7 =	sld [smem:$0x3F8F]  }
0x1a: {  	s8 =	sadd.s32 $0xFFFFE003, lr  }
0x1b: {  	s9 =	sadd.s32 $0xFFFFFEF7, lr;
	s5 =	simm.s32 $0xFFFFFFFF;
	p2 =	slt.u32 s8, $0xFFFFF086  }
0x1c: {  	p1 =	slt.u32 s9, $0xF7A;
	s5 =	simm.s32 @!p2 $0x0  }
0x1d: {  	s5 =	simm.s32 @p1 $0x1;
	p0 =	seq.s32 s7, s2  }
0x1e: {  	s7 =	smul.u32 @!p0 $0xF7A, s2;
	p2 =	seq.s32 @!p0 s5, $0x0  }
0x1f: {  	s9 =	smul.u32 $0xF7A, s1;
	s8 =	simm.s32 @!p0 $0x1BF5;
	p2 =	por !p2, p0  }
0x20: {  	[sflag:s8] =	ssyncset.s32 @!p0 $0xFFFFF086;
	s6 =	sadd.s32 @!p0 s3, s7;
	s7 =	simm.s32 @!p0 $0x108  }
0x21: {  	s3 =	sadd.s32 s3, s9;
	s6 =	sadd.s32 @!p0 $0x88, s6;
	s7 =	simm.s32 @p2 $0x1082  }
0x22: {  	[simem:s7], [sflag:s8] =	dma.local @!p0 [hbm:s6], $0xF7A  }
0x23: {  	s9 =	sor.u32 $0xD0000000, s2;
	s6 =	simm.s32 $0x108;
	_ =	swait.ge @!p0 [sflag:s8], $0x0  }
0x24: {  	s3 =	sadd.s32 $0x88, s3;
	s6 =	simm.s32 @!p1 $0x1082;
	[sflag:s4] =	ssyncset.s32 $0xFFFFF086  }
0x25: {  	[simem:s6], [sflag:s4] =	dma.local [hbm:s3], $0xF7A  }
0x26: {  	[smem:$0x3F8F] =	sst s1;
	(tag) =	ssettag s2;
	_ =	strace s9  }
0x27: {  	s1 =	sld [smem:$0x3F9F]  }
0x28: {  	s2 =	sld [smem:$0x3FA0]  }
0x29: {  	s4 =	sld [smem:$0x3FA2]  }
0x2a: {  	p0 =	seq.s32 s5, $0x0;
	s5 =	sld [smem:$0x3FA3]  }
0x2b: {  	s6 =	sld [smem:$0x3FA4]  }
0x2c: {  	s7 =	sld [smem:$0x3FA5]  }
0x2d: {  	s3 =	simm.s32 $0x108;
	s8 =	sld [smem:$0x3FA6]  }
0x2e: {  	s3 =	simm.s32 @!p0 $0x1082;
	s9 =	sld [smem:$0x3FA7]  }
0x2f: {  	lr =	sadd.s32 s0, s3;
	s0 =	sld [smem:$0x3F9E]  }
0x30: {  	s3 =	sld [smem:$0x3FA1]  }
0x31: {  	[smem:$0x3FAA] =	sst s10  }
0x32: {  	s10 =	sld [smem:$0x3FA8];
	_ =	sdelay $0x3  }
0x33: {  	p0 =	seq.s32 s10, $0x1;
	s10 =	sld [smem:$0x3FAA];
	_ =	sdelay $0x3  }
0x34: {  	[smem:$0x3FAA] =	sst s10  }
0x35: {  	s10 =	sld [smem:$0x3FA9];
	_ =	sdelay $0x3  }
0x36: {  	p1 =	seq.s32 s10, $0x1;
	s10 =	sld [smem:$0x3FAA];
	_ =	sdelay $0x3  }
0x37: {  	[smem:$0x3FAA] =	sst s10  }
0x38: {  	s10 =	sld [smem:$0x3FAB]  }
0x39: {  	_ = 	snop;
	(pc) =	sbr.ind lr, $3  }
0x3a: {  	_ = 	snop  }
0x3b: {  	_ = 	snop  }
0x3c: {  	p2 =	seq.s32 s10, $0x1;
	s10 =	sld [smem:$0x3FAA]  }
0x3d: {  	_ =	shalt  }
0x3e: {  	_ =	shalt  }
0x3f: {  	_ =	shalt  }
0x40: {  	_ =	shalt  }
0x41: {  	_ =	shalt  }
0x42: {  	_ =	shalt  }
0x43: {  	_ =	shalt  }
0x44: {  	_ =	shalt  }
0x45: {  	_ =	shalt  }
0x46: {  	_ =	shalt  }
0x47: {  	_ =	shalt  }
0x48: {  	_ =	shalt  }
0x49: {  	_ =	shalt  }
0x4a: {  	_ =	shalt  }
0x4b: {  	_ =	shalt  }
0x4c: {  	_ =	shalt  }
0x4d: {  	_ =	shalt  }
0x4e: {  	_ =	shalt  }
0x4f: {  	_ =	shalt  }
0x50: {  	_ =	shalt  }
0x51: {  	_ =	shalt  }
0x52: {  	_ =	shalt  }
0x53: {  	_ =	shalt  }
0x54: {  	_ =	shalt  }
0x55: {  	_ =	shalt  }
0x56: {  	_ =	shalt  }
0x57: {  	_ =	shalt  }
0x58: {  	_ =	shalt  }
0x59: {  	_ =	shalt  }
0x5a: {  	_ =	shalt  }
0x5b: {  	_ =	shalt  }
0x5c: {  	_ =	shalt  }
0x5d: {  	_ =	shalt  }
0x5e: {  	_ =	shalt  }
0x5f: {  	_ =	shalt  }
0x60: {  	_ =	shalt  }
0x61: {  	_ =	shalt  }
0x62: {  	_ =	shalt  }
0x63: {  	_ =	shalt  }
0x64: {  	_ =	shalt  }
0x65: {  	_ =	shalt  }
0x66: {  	_ =	shalt  }
0x67: {  	_ =	shalt  }
0x68: {  	_ =	shalt  }
0x69: {  	_ =	shalt  }
0x6a: {  	_ =	shalt  }
0x6b: {  	_ =	shalt  }
0x6c: {  	_ =	shalt  }
0x6d: {  	_ =	shalt  }
0x6e: {  	_ =	shalt  }
0x6f: {  	_ =	shalt  }
0x70: {  	_ =	shalt  }
0x71: {  	_ =	shalt  }
0x72: {  	_ =	shalt  }
0x73: {  	_ =	shalt  }
0x74: {  	_ =	shalt  }
0x75: {  	_ =	shalt  }
0x76: {  	_ =	shalt  }
0x77: {  	_ =	shalt  }
0x78: {  	_ =	shalt  }
0x79: {  	_ =	shalt  }
0x7a: {  	_ =	shalt  }
0x7b: {  	_ =	shalt  }
0x7c: {  	_ =	shalt  }
0x7d: {  	_ =	shalt  }
0x7e: {  	_ =	shalt  }
0x7f: {  	_ =	shalt  }
0x80: {  	_ =	shalt  }
0x81: {  	_ =	shalt  }
0x82: {  	_ =	shalt  }
0x83: {  	_ =	shalt  }
0x84: {  	_ =	shalt  }
0x85: {  	_ =	shalt  }
0x86: {  	_ =	shalt  }
0x87: {  	_ =	shalt  }
.Lfunc_end0:
.L_simem_size_0:
called_computation.1_lowered:
.L_overlay_start_0:
0x88: {  	s0 =	sld [smem:$0x3FD9]  }
0x89: {  	s1 =	sld [smem:$0x3FFE];
	_ =	sdelay $0x3  }
0x8a: {  	s0 =	sadd.s32 s1, s0  }
0x8b: {  	[smem:$0x3FB6] =	sst s0  }
0x8c: {  	_ = 	snop  }
0x8d: {  	(tm) =	ssettm $0x1  }
0x8e: {  	s15 =	sld [smem:$0x3FFB];
	_ =	sdelay $0x3  }
0x8f: {  	_ =	strace s15  }
0x90: {  	s0 =	sld [smem:$0x3FFC];
	_ =	sdelay $0x3  }
0x91: {  	_ =	strace s0  }
0x92: {  	s0 =	sld [smem:$0x3FFD];
	_ =	sdelay $0x3  }
0x93: {  	_ =	strace s0  }
0x94: {  	_ =	strace $0x8FFFFFFF  }
0x95: {  	s16 =	sld [smem:$0x3FDB];
	_ =	sdelay $0x1  }
0x96: {  	s17 =	simm.s32 $_scs_section_size  }
0x97: {  	s2 =	simm.s32 $_size__tile_overlayer_lowered;
	s3 =	simm.s32 $_tile_overlayer_lowered  }
0x98: {  	s20 =	simm.s32 $0x1BFF;
	s19 =	sshll.u32 s3, $0x1;
	s0 =	sadd.s32 s17, s16  }
0x99: {  	s4 =	simm.s32 $0x0;
	s18 =	sshll.u32 s2, $0x1;
	s2 =	sadd.s32 s19, s0  }
0x9a: {  	[timem:s4], [sflag:s20] =	dma.local [hbm:s2], s18  }
0x9b: {  	_ =	swait.ge [sflag:s20], s18  }
0x9c: {  	s1 =	ssub.s32 $0x0, s18;
	[sflag:s20] =	ssyncset.done $0x0  }
0x9d: {  	[sflag:s20] =	ssyncadd.s32 s1;
	_ =	sdelay $0x1  }
0x9e: {  	s21 =	simm.s32 $0x1B8B  }
0x9f: {  	_ =	swait.ge [sflag:s21], $0x1  }
0xa0: {  	[sflag:s21] =	ssyncset.done $0x0  }
0xa1: {  	s23 =	simm.s32 $0x1B8E;
	s22 =	sld [smem:$0x3FFE];
	[sflag:s21] =	ssyncadd.s32 $0xFFFFFFFF  }
0xa2: {  	s24 =	simm.s32 $execute0_lowered;
	[smem:$0x3FD2] =	sst s23  }
0xa3: {  	s2 =	sshll.u32 s24, $0x1;
	_ =	strace $0x80000058;
	[dreg:$0x1] =	wrdreg $0xFFFFFFFF  }
0xa4: {  	s25 =	simm.s32 $_size_execute0_lowered;
	s0 =	sadd.s32 s0, s2;
	[dreg:$0x0] =	wrdreg $0x0  }
0xa5: {  	s2 =	sshll.u32 s25, $0x1;
	[dreg:$0x2] =	wrdreg s0  }
0xa6: {  	[dreg:$0x3] =	wrdreg s2  }
0xa7: {  	[dreg:$0x4] =	wrdreg $0xC0  }
0xa8: {  	_ =	task [dreg:s4], $0x5FFFF  }
0xa9: {  	[dreg:$0x1] =	wrdreg $0xFFFFFFFF  }
0xaa: {  	[dreg:$0x0] =	wrdreg $0x60  }
0xab: {  	[dreg:$0x2] =	wrdreg s22  }
0xac: {  	[dreg:$0x3] =	wrdreg $0x9  }
0xad: {  	_ =	task.clear_ibuf [dreg:s4], $0x4FFFF;
	_ =	strace $0x90000058  }
0xae: {  	s26 =	simm.s32 $0x9;
	_ =	strace $0x8000005A  }
0xaf: {  	_ =	swait.ge [sflag:s26], $0x1  }
0xb0: {  	[sflag:s26] =	ssyncadd.s32 $0xFFFFFFFF  }
0xb1: {  	_ =	strace $0x9000005A  }
0xb2: {  	_ =	sfence  }
0xb3: {  	s28 =	sld [smem:$0x0];
	_ =	sdelay $0x1  }
0xb4: {  	s29 =	srdreg.scid  }
0xb5: {  	s30 =	sshll.u32 s29, $0xD;
	s31 =	sshrl.u32 s29, $0x2  }
0xb6: {  	s1 =	sand.u32 $0x1, s29;
	s2 =	sand.u32 $0x4000, s30;
	s0 =	sadd.s32 s31, s28  }
0xb7: {  	s1 =	sor.u32 s2, s1;
	s0 =	sshll.u32 s0, $0x11  }
0xb8: {  	s0 =	sor.u32 s0, s1  }
0xb9: {  	s0 =	sadd.s32 $0x8F2B, s0  }
0xba: {  	[sflag:s0] =	ssyncadd.remote.s32 $0x1  }
0xbb: {  	_ =	sfence.sel $0xFFFF  }
0xbc: {  	[dreg:$0x0] =	wrdreg $0xFFFFFFFF;
	(pc) =	sbr.abs _section_cstart, $3  }
0xbd: {  	[dreg:$0x1] =	wrdreg $0xFFFFFFFF  }
0xbe: {  	_ =	task.clear_ibuf [dreg:s4], $0x2FFFF;
	_ =	strace $0x9FFFFFFF  }
0xbf: {  	(tm) =	ssettm $0x7FFFFFFF  }
tec
execute0_lowered:
.L_overlay_start_1:
0x0: {  	(tag) =	ssettag $0x1  }
0x1: {  	s1 =	rddreg [dreg:$0x0];
	_ =	strace $0x80000059;
	s0 =	simm.s32 $0x1  }
0x2: {  	s9 =	simm.s32 $0x108;
	v0 =	vimm.s32 $0x0;
	[sflag:s0] =	ssyncpa.u1 $0x0  }
0x3: {  	[tilespmem:s9+$0x70] =	vst v0  }
0x4: {  	[tilespmem:s9+$0x60] =	vst v0  }
0x5: {  	[tilespmem:s9+$0x50] =	vst v0  }
0x6: {  	[tilespmem:s9+$0x40] =	vst v0  }
0x7: {  	[tilespmem:s9+$0x30] =	vst v0  }
0x8: {  	s4 =	sadd.s32 $0x27200, s1;
	[tilespmem:s9+$0x20] =	vst v0  }
0x9: {  	s5 =	sadd.s32 $0x27E00, s1;
	s6 =	sadd.s32 $0x27800, s1;
	s0 =	simm.s32 $0x40;
	[tilespmem:s9+$0x10] =	vst v0  }
.LBB2_1:
0xa: {  	s0 =	sadd.s32 $0x40, s0;
	[tilespmem:s9+$0x0] =	vst v0;
	s9 =	sadd.s32 $0x80, s9  }
0xb: {  	p0 =	slt.u32 s0, $0x3C40;
	[tilespmem:s9+$0x70] =	vst v0  }
0xc: {  	[tilespmem:s9+$0x60] =	vst v0  }
.Ltmp0:
0xd: {  	[tilespmem:s9+$0x50] =	vst v0;
	(pc) =	sbr.rel @p0 .LBB2_1-.Ltmp0, $4  }
0xe: {  	[tilespmem:s9+$0x40] =	vst v0  }
0xf: {  	[tilespmem:s9+$0x30] =	vst v0  }
0x10: {  	[tilespmem:s9+$0x20] =	vst v0  }
0x11: {  	[tilespmem:s9+$0x10] =	vst v0  }
0x12: {  	s14 =	stileid.u32  }
0x13: {  	s2 =	sshll.u32 s14, $0x1;
	s0 =	smin.u32 s14, $0xA  }
0x14: {  	s0 =	sadd.s32 s0, s2  }
0x15: {  	p0 =	slt.u32 s14, $0xA;
	s7 =	smul.u32 $0xF0, s0;
	s0 =	simm.s32 $0x2D0  }
0x16: {  	s0 =	simm.s32 @!p0 $0x1E0  }
0x17: {  	s0 =	sadd.s32 s0, s7  }
0x18: {  	s8 =	smin.u32 s0, $0x2710  }
0x19: {  	s0 =	ssub.s32 s8, s7  }
0x1a: {  	p0 =	sgt.s32 s0, $0x0  }
0x1b: {  	s0 =	simm.s32 @!p0 $0x0  }
0x1c: {  	s3 =	simm.s32 $0x2;
	s30 =	smul.u32 $0x8889, s0  }
0x1d: {  	s10 =	simm.s32 $0x7;
	s31 =	simm.s32 $0x8;
	s11 =	simm.s32 $0x9  }
0x1e: {  	s20 =	simm.s32 $0x0;
	[dreg:$0x2] =	wrdreg s2;
	s2 =	sshrl.u32 s30, $0x17  }
0x1f: {  	s16 =	simm.s32 $0xA;
	s18 =	simm.s32 $0x0;
	s12 =	smul.u32 $0xF0, s2  }
.Ltmp1:
0x20: {  	[tilespmem:s9+$0x0] =	vst v0;
	v0 =	vimm.s32 $0xFFFFFFFF;
	s19 =	simm.s32 $0x0;
	[sflag:s3] =	ssyncpa.u1 $0x0;
	(pc) =	sbr.rel .LBB2_3-.Ltmp1, $4  }
0x21: {  	[tilespmem:$0xF208] =	vst v0;
	[sflag:s10] =	ssyncpa.u1 $0x0;
	p0 =	sne.s32 s0, s12;
	s0 =	simm.s32 $0x1  }
0x22: {  	s14 =	sshll.u32 s14, $0x8;
	[sflag:s31] =	ssyncpa.u1 $0x0;
	s0 =	simm.s32 @!p0 $0x0  }
0x23: {  	[sflag:s11] =	ssyncpa.u1 $0x0;
	s17 =	smov.u32 s7;
	s13 =	sadd.s32 s2, s0  }
0x24: {  	v0 =	vlaneseq.u32;
	s12 =	simm.s32 $0x1;
	p0 =	por $0x0, $0x0;
	s15 =	sadd.s32 $0x1, s13  }
.LBB2_18:
0x25: {  	s0 =	sshrl.u32 s29, $0x2  }
.LBB2_20:
0x26: {  	_ =	swait.ge [sflag:s16], s0  }
0x27: {  	s31 =	ssub.s32 $0x0, s0;
	v1 =	vmov s22;
	vm0 =	veq.s32 v0, $0x0;
	[sflag:s16] =	ssyncset.done $0x0  }
0x28: {  	vm15 =	veq.s32 v0, $0x2;
	v1 =	vsel vm0, s28, v1;
	[sflag:s16] =	ssyncadd.s32 s31  }
0x29: {  	v1 =	vsel vm15, s20, v1;
	[sflag:s16] =	ssyncpa.u1 $0x1  }
0x2a: {  	[tilespmem:$0xF208] =	vst v1  }
.LBB2_21:
0x2b: {  	s0 =	sadd.s32 $0xF0, s17  }
0x2c: {  	s2 =	smov.u32 s7;
	p1 =	slt.s32 s0, s8  }
0x2d: {  	s2 =	smov.u32 @p1 s0;
	p1 =	sne.s32 s19, s15  }
.Ltmp2:
0x2e: {  	_ = 	snop;
	(pc) =	sbr.rel @!p1 .LBB2_22-.Ltmp2, $3  }
0x2f: {  	_ =	sdelay $0x1  }
0x30: {  	s20 =	smov.u32 s18;
	s31 =	sadd.s32 $0x1, s19;
	s18 =	smov.u32 s17  }
0x31: {  	p0 =	por !p0, !p0;
	s19 =	smov.u32 s31;
	s17 =	smov.u32 s2  }
.LBB2_3:
0x32: {  	p1 =	sge.u32 s19, s13  }
0x33: {  	s0 =	smulhi.u32 @!p1 $0xAAAAAAAB, s19  }
0x34: {  	s2 =	smov.u32 s17;
	p2 =	sgt.s32 @!p1 s17, $0x2620  }
0x35: {  	s3 =	sshra.s32 @!p1 s17, $0x1F;
	p2 =	por !p2, p1;
	s0 =	sshrl.u32 @!p1 s0, $0x1  }
0x36: {  	s3 =	sand.u32 @!p1 s3, s17;
	s2 =	simm.s32 @p2 $0x2620;
	s0 =	smul.u32 @!p1 $0x3, s0  }
0x37: {  	s2 =	ssub.s32 @!p1 s2, s3  }
0x38: {  	s2 =	sadd.s32 @!p1 $0xFFFFD9E0, s2;
	s0 =	ssub.s32 @!p1 s19, s0  }
0x39: {  	s3 =	sshll.u32 @!p1 s2, $0x2;
	p2 =	sgt.s32 @!p1 s2, $0xEF;
	s0 =	smul.u32 @!p1 $0x3C0, s0  }
0x3a: {  	s21 =	sand.u32 @!p1 $0x7, s17;
	s2 =	ssub.s32 @!p1 $0x3C0, s3;
	p2 =	por !p2, p1  }
0x3b: {  	s3 =	sshrl.u32 @!p1 s17, $0x3;
	s2 =	sshrl.u32 @!p1 s2, $0x2;
	s0 =	sshrl.u32 @!p1 s0, $0x2  }
0x3c: {  	s3 =	sadd.s32 @!p1 s6, s3;
	s2 =	simm.s32 @!p2 $0x0;
	s0 =	sadd.s32 @!p1 $0x10238, s0  }
0x3d: {  	[tilespmem:s0], [sflag:$0x8] =	stream.linear.gather @!p1 [hbm4b:s3+s21], s2, $0x38;
	[tilespmem:$0x1F6E8] =	vst v63  }
0x3e: {  	s0 =	sadd.s32 $0xFFFFFFFF, s19  }
0x3f: {  	p1 =	sge.u32 s0, s13  }
0x40: {  	p2 =	sgt.s32 @!p1 s18, $0x2620  }
0x41: {  	s2 =	smov.u32 s18;
	s3 =	sshra.s32 @!p1 s18, $0x1F;
	p2 =	por !p2, p1  }
0x42: {  	s3 =	sand.u32 @!p1 s3, s18;
	s2 =	simm.s32 @p2 $0x2620  }
0x43: {  	s2 =	ssub.s32 @!p1 s2, s3  }
0x44: {  	s2 =	sadd.s32 @!p1 $0xFFFFD9E0, s2  }
0x45: {  	s21 =	sand.u32 @!p1 $0x1, s0;
	s3 =	sshll.u32 @!p1 s2, $0x2  }
0x46: {  	p2 =	sgt.s32 @!p1 s2, $0xEF;
	s2 =	ssub.s32 @!p1 $0x3C0, s3;
	s3 =	smulhi.u32 @!p1 $0xAAAAAAAB, s0  }
0x47: {  	s23 =	smul.u32 @!p1 $0x3C0, s21;
	p2 =	por !p2, p1;
	s2 =	sshrl.u32 @!p1 s2, $0x2  }
0x48: {  	s22 =	simm.s32 @!p1 $0x8;
	s2 =	simm.s32 @!p2 $0x0;
	s3 =	sshrl.u32 @!p1 s3, $0x1  }
0x49: {  	s23 =	sshrl.u32 @!p1 s23, $0x2;
	_ =	swait.ge @!p1 [sflag:s22], s2;
	s3 =	smul.u32 @!p1 $0x3, s3  }
0x4a: {  	s23 =	sor.u32 @!p1 $0x10508, s23;
	s24 =	ssub.s32 @!p1 $0x0, s2;
	[sflag:s22] =	ssyncset.done @!p1 $0x0  }
0x4b: {  	[sflag:s22] =	ssyncadd.s32 @!p1 s24;
	s22 =	sshrl.u32 @!p1 s18, $0x3;
	s0 =	ssub.s32 @!p1 s0, s3  }
0x4c: {  	s24 =	sand.u32 @!p1 $0x7, s18;
	s22 =	sadd.s32 @!p1 s4, s22;
	s0 =	smul.u32 @!p1 $0x3C0, s0  }
0x4d: {  	[tilespmem:s23], [sflag:$0x9] =	stream.linear.gather @!p1 [hbm4b:s22+s24], s2, $0x38;
	[tilespmem:$0x1F6E8] =	vst v63  }
0x4e: {  	s3 =	ssub.s32 @!p1 $0x2710, s18;
	s2 =	smul.u32 @!p1 $0x1E000, s21  }
0x4f: {  	p2 =	slt.s32 @!p1 s3, $0xF0  }
0x50: {  	p2 =	por !p2, p1;
	s0 =	sshrl.u32 @!p1 s0, $0x2;
	s2 =	sshrl.u32 @!p1 s2, $0x2  }
0x51: {  	s3 =	simm.s32 @p2 $0xF0;
	s0 =	sadd.s32 @!p1 $0x10238, s0;
	s2 =	sor.u32 @!p1 $0x106E8, s2  }
0x52: {  	[tilespmem:s2], [sflag:$0x7] =	stream.indirect.gather @!p1 [hbm4b:s5+s3], $0x80, s0, s3, $0xb8;
	[tilespmem:$0x1F6E8] =	vst v63  }
0x53: {  	p1 =	slt.u32 s19, $0x2  }
.Ltmp3:
0x54: {  	_ = 	snop;
	(pc) =	sbr.rel @p1 .LBB2_21-.Ltmp3, $1  }
0x55: {  	_ =	sdelay $0x3  }
0x56: {  	p1 =	sgt.s32 s20, $0x2620;
	s0 =	smov.u32 s20  }
0x57: {  	s2 =	sshra.s32 s20, $0x1F;
	s3 =	ssub.s32 $0x2710, s20;
	s0 =	simm.s32 @!p1 $0x2620  }
0x58: {  	s2 =	sand.u32 s2, s20;
	p1 =	slt.s32 s3, $0xF0;
	s21 =	smov.u32 s3  }
0x59: {  	s0 =	ssub.s32 s0, s2;
	s21 =	simm.s32 @!p1 $0xF0  }
0x5a: {  	s0 =	sadd.s32 $0xFFFFD9E0, s0;
	s26 =	sshll.u32 s21, $0x7  }
0x5b: {  	s29 =	sshll.u32 s0, $0x2;
	s2 =	sand.u32 $0x3FFFFF80, s26  }
0x5c: {  	p1 =	sgt.s32 s0, $0xEF;
	s30 =	ssub.s32 $0x3C0, s29;
	_ =	swait.ge [sflag:s10], s2  }
0x5d: {  	s2 =	ssub.s32 $0x0, s2;
	[sflag:s10] =	ssyncset.done $0x0;
	s0 =	sshrl.u32 s30, $0x2  }
0x5e: {  	[sflag:s10] =	ssyncadd.s32 s2;
	s0 =	simm.s32 @p1 $0x0  }
0x5f: {  	_ =	swait.ge [sflag:s11], s0  }
0x60: {  	s0 =	ssub.s32 $0x0, s0;
	[sflag:s11] =	ssyncset.done $0x0  }
0x61: {  	[sflag:s11] =	ssyncadd.s32 s0  }
0x62: {  	v1 =	vld [tilespmem:$0xF208];
	_ =	sdelay $0x4  }
0x63: {  	(v2sf) =	vpush v1, $0x0  }
0x64: {  	(v2sf) =	vpush v1, $0x1  }
0x65: {  	(v2sf) =	vpush v1, $0x2;
	_ =	sdelay $0x3  }
0x66: {  	s0 =	sadd.s32 $0xF0, s20  }
0x67: {  	p1 =	slt.s32 s8, s0  }
0x68: {  	s0 =	smov.u32 @p1 s8;
	p1 =	sgt.s32 s3, $0x0  }
0x69: {  	s24 =	ssub.s32 s0, s20;
	s3 =	simm.s32 @!p1 $0x0  }
0x6a: {  	p1 =	slt.s32 s3, s24  }
0x6b: {  	s24 =	smov.u32 @p1 s3  }
0x6c: {  	s23 =	simm.s32 $0x1;
	p1 =	slt.s32 s24, $0x1  }
.Ltmp4:
0x6d: {  	s23 =	simm.s32 @!p0 $0x0;
	(pc) =	sbr.rel @p1 .LBB2_8-.Ltmp4, $4  }
0x6e: {  	s31 =	smul.u32 $0x3C0, s23  }
0x6f: {  	s25 =	spop (v2sf)  }
0x70: {  	s0 =	sshrl.u32 s31, $0x2;
	s28 =	spop (v2sf)  }
0x71: {  	s21 =	sor.u32 $0x10508, s0;
	s20 =	spop (v2sf)  }
0x72: {  	s0 =	smin.u32 s24, $0x10  }
0x73: {  	v1 =	vmov s0  }
0x74: {  	p2 =	sgt.s32 s24, $0x10;
	vm1 =	vgt.u32 v1, v0  }
.Ltmp5:
0x75: {  	_ = 	snop;
	(pc) =	sbr.rel @!p2 .LBB2_7-.Ltmp5, $2  }
0x76: {  	_ =	sdelay $0x2  }
0x77: {  	s26 =	simm.s32 $0x10;
	s29 =	sadd.s32 $0xFFFFFFF0, s24;
	s22 =	smov.u32 s21;
	vm0 =	vmmov vm1  }
.LBB2_6:
0x78: {  	s0 =	smin.u32 s29, $0x10;
	s26 =	sadd.s32 $0x10, s26;
	v1 =	vld.msk [tilespmem:s22+$0x0 ss:$0x1], vm1  }
0x79: {  	v2 =	vmov s0;
	p2 =	slt.s32 s26, s24  }
0x7a: {  	vm1 =	vgt.u32 v2, v0  }
.Ltmp6:
0x7b: {  	(pc) =	sbr.rel @p2 .LBB2_6-.Ltmp6, $3  }
0x7c: {  	_ =	sdelay $0x1  }
0x7d: {  	v1 =	vshll.u32 v1, $0x4  }
0x7e: {  	s29 =	sadd.s32 $0xFFFFFFF0, s29;
	[tilespmem:s22+$0x0] =	vst.msk vm0, v1;
	s22 =	sadd.s32 $0x10, s22;
	vm0 =	vmmov vm1  }
.LBB2_7:
0x7f: {  	_ =	sdelay $0x4  }
0x80: {  	v1 =	vld.msk [tilespmem:s22+$0x0 ss:$0x1], vm1;
	_ =	sdelay $0x4  }
0x81: {  	v1 =	vshll.u32 v1, $0x4  }
0x82: {  	[tilespmem:s22+$0x0] =	vst.msk vm0, v1  }
.LBB2_8:
0x83: {  	s0 =	sand.u32 $0x1, s19  }
0x84: {  	s0 =	smul.u32 $0xF0, s0  }
0x85: {  	p2 =	sne.s32 s28, $0xFFFFFFFF  }
0x86: {  	v1 =	vld.msk @!p2 [tilespmem:s0+$0x10508], $0x1;
	_ =	sdelay $0x4  }
0x87: {  	(v2sf) =	vpush @!p2 v1, $0x0;
	_ =	sdelay $0xc  }
.Ltmp7:
0x88: {  	_ = 	snop;
	(pc) =	sbr.rel @p1 .LBB2_19-.Ltmp7, $4  }
0x89: {  	_ = 	snop  }
0x8a: {  	s26 =	spop @!p2 (v2sf)  }
0x8b: {  	s20 =	simm.s32 @!p2 $0x0;
	s22 =	smov.u32 s26  }
0x8c: {  	[sflag:s16] =	ssyncpa.u1 $0x0;
	s26 =	smov.u32 @p2 s25;
	s22 =	smov.u32 @p2 s28  }
0x8d: {  	v1 =	vld.msk [tilespmem:s21+$0x0], $0x1;
	_ =	sdelay $0x4  }
0x8e: {  	(v2sf) =	vpush v1, $0x0;
	_ =	sdelay $0xe  }
0x8f: {  	s0 =	smul.u32 $0x1E000, s23;
	s30 =	spop (v2sf)  }
0x90: {  	s24 =	ssub.s32 $0x0, s24;
	p1 =	seq.s32 s26, s30  }
0x91: {  	s28 =	sadd.s32 $0x1, s24;
	s0 =	sshrl.u32 s0, $0x2;
	p2 =	sgt.s32 @!p1 s26, $0x0  }
0x92: {  	s23 =	sor.u32 $0x10728, s0;
	s0 =	smov.u32 s26;
	p2 =	por !p2, p1  }
0x93: {  	s0 =	simm.s32 @p2 $0x0;
	p2 =	seq.s32 s28, $0x0  }
.Ltmp8:
0x94: {  	_ = 	snop;
	(pc) =	sbr.rel @p2 .LBB2_11-.Ltmp8, $4  }
0x95: {  	_ = 	snop  }
0x96: {  	s25 =	simm.s32 $0x0;
	s31 =	simm.s32 @!p1 $0x1;
	s2 =	smin.u32 @!p1 s0, $0x77F0  }
0x97: {  	s29 =	sadd.s32 $0x1, s21;
	s31 =	smov.u32 @p1 s25;
	s3 =	sand.u32 @!p1 $0x7FF8, s2  }
0x98: {  	s0 =	simm.s32 @!p1 $0x7988;
	s2 =	sand.u32 @!p1 $0x7, s2;
	s3 =	sadd.s32 @!p1 s1, s3  }
.LBB2_10:
0x99: {  	s9 =	smov.u32 s31  }
0x9a: {  	[tilespmem:s0], [sflag:$0x2] =	stream.linear.gather @!p1 [hbm4b:s3+s2], $0x80, $0x38;
	[tilespmem:$0x1F6E8] =	vst v63  }
0x9b: {  	s28 =	sadd.s32 $0x1, s28;
	s2 =	smov.u32 s30;
	v1 =	vld.msk [tilespmem:s29+$0x0], $0x1  }
0x9c: {  	p2 =	seq.s32 s28, $0x0;
	_ =	sdelay $0x3  }
0x9d: {  	(v2sf) =	vpush v1, $0x0;
	_ =	sdelay $0xe  }
0x9e: {  	s30 =	spop (v2sf)  }
0x9f: {  	p1 =	seq.s32 s2, s30  }
0xa0: {  	p3 =	sgt.s32 @!p1 s2, $0x0;
	s0 =	sshll.u32 @!p1 s31, $0x9;
	s31 =	sadd.s32 @!p1 $0x1, s31  }
.Ltmp9:
0xa1: {  	p3 =	por !p3, p1;
	s0 =	sshra.s32 @!p1 s0, $0x2;
	(pc) =	sbr.rel @!p2 .LBB2_10-.Ltmp9, $4  }
0xa2: {  	s31 =	smov.u32 @p1 s9;
	s2 =	simm.s32 @p3 $0x0;
	s0 =	sadd.s32 @!p1 $0x7988, s0  }
0xa3: {  	s2 =	smin.u32 @!p1 s2, $0x77F0  }
0xa4: {  	s3 =	sand.u32 @!p1 $0x7FF8, s2;
	s2 =	sand.u32 @!p1 $0x7, s2  }
0xa5: {  	s29 =	sadd.s32 $0x1, s29;
	s3 =	sadd.s32 @!p1 s1, s3  }
.LBB2_11:
0xa6: {  	[tilespmem:s0], [sflag:$0x2] =	stream.linear.gather @!p1 [hbm4b:s3+s2], $0x80, $0x38;
	[tilespmem:$0x1F6E8] =	vst v63  }
.Ltmp10:
0xa7: {  	s30 =	sshll.u32 s31, $0x7;
	(pc) =	sbr.rel .LBB2_12-.Ltmp10, $4  }
0xa8: {  	s31 =	simm.s32 $0x2;
	s0 =	sand.u32 $0x3FFFFF80, s30  }
0xa9: {  	_ =	swait.ge [sflag:s31], s0  }
0xaa: {  	s0 =	ssub.s32 $0x0, s0;
	[sflag:s31] =	ssyncset.done $0x0  }
0xab: {  	s29 =	simm.s32 $0x0;
	[sflag:s31] =	ssyncadd.s32 s0  }
.LBB2_13:
0xac: {  	v1 =	vld [tilespmem:s23+$0xFFFFFFC0];
	_ =	sdelay $0x3  }
0xad: {  	s0 =	sshra.s32 s0, $0x2  }
0xae: {  	[tilespmem:s0+$0x108] =	vst.add.f32.msk $0xffff, v1  }
0xaf: {  	v1 =	vld [tilespmem:s23+$0xFFFFFFD0];
	_ =	sdelay $0x4  }
0xb0: {  	[tilespmem:s0+$0x118] =	vst.add.f32.msk $0xffff, v1  }
0xb1: {  	v1 =	vld [tilespmem:s23+$0xFFFFFFE0];
	_ =	sdelay $0x4  }
0xb2: {  	[tilespmem:s0+$0x128] =	vst.add.f32.msk $0xffff, v1  }
0xb3: {  	v1 =	vld [tilespmem:s23+$0xFFFFFFF0];
	_ =	sdelay $0x4  }
0xb4: {  	[tilespmem:s0+$0x138] =	vst.add.f32.msk $0xffff, v1  }
0xb5: {  	v1 =	vld [tilespmem:s23+$0x0];
	_ =	sdelay $0x4  }
0xb6: {  	[tilespmem:s0+$0x148] =	vst.add.f32.msk $0xffff, v1  }
0xb7: {  	v1 =	vld [tilespmem:s23+$0x10];
	_ =	sdelay $0x4  }
0xb8: {  	[tilespmem:s0+$0x158] =	vst.add.f32.msk $0xffff, v1  }
0xb9: {  	v1 =	vld [tilespmem:s23+$0x20];
	_ =	sdelay $0x4  }
0xba: {  	[tilespmem:s0+$0x168] =	vst.add.f32.msk $0xffff, v1  }
0xbb: {  	v1 =	vld [tilespmem:s23+$0x30];
	_ =	sdelay $0x4  }
0xbc: {  	[tilespmem:s0+$0x178] =	vst.add.f32.msk $0xffff, v1  }
.LBB2_17:
0xbd: {  	s24 =	sadd.s32 $0x1, s24  }
0xbe: {  	p1 =	seq.s32 s24, $0x0  }
.Ltmp11:
0xbf: {  	_ = 	snop;
	(pc) =	sbr.rel @p1 .LBB2_18-.Ltmp11, $2  }
0xc0: {  	_ =	sdelay $0x2  }
0xc1: {  	s21 =	sadd.s32 $0x1, s21;
	s23 =	sadd.s32 $0x80, s23;
	s26 =	smov.u32 s28  }
.LBB2_12:
0xc2: {  	v1 =	vld.msk [tilespmem:s21+$0x0], $0x1;
	_ =	sdelay $0x4  }
0xc3: {  	(v2sf) =	vpush v1, $0x0;
	_ =	sdelay $0xe  }
0xc4: {  	s28 =	spop (v2sf)  }
0xc5: {  	p1 =	sne.s32 s26, s28  }
.Ltmp12:
0xc6: {  	_ = 	snop;
	(pc) =	sbr.rel @!p1 .LBB2_13-.Ltmp12, $2  }
0xc7: {  	_ =	sdelay $0x2  }
0xc8: {  	s0 =	sshll.u32 s20, $0x9  }
0xc9: {  	p1 =	seq.s32 s26, s22  }
.Ltmp13:
0xca: {  	_ = 	snop;
	(pc) =	sbr.rel @!p1 .LBB2_15-.Ltmp13, $1  }
0xcb: {  	_ =	sdelay $0x3  }
0xcc: {  	s0 =	sshra.s32 s0, $0x2  }
.Ltmp14:
0xcd: {  	s0 =	sadd.s32 $0x108, s0;
	(pc) =	sbr.rel .LBB2_16-.Ltmp14, $4  }
0xce: {  	[spmem:s14] =	stream.linear.scatter [tilespmem:s0], [sflag:$0x1], $0x80, $0x38;
	[tilespmem:$0x1F6E8] =	vst v63  }
0xcf: {  	_ =	swait.ge [sflag:s12], $0x80  }
0xd0: {  	[sflag:s12] =	ssyncset.done $0x0  }
0xd1: {  	[sflag:s12] =	ssyncadd.s32 $0xFFFFFF80  }
.LBB2_15:
0xd2: {  	s2 =	sshll.u32 s25, $0x9  }
0xd3: {  	s2 =	sshra.s32 s2, $0x2  }
0xd4: {  	v1 =	vld [tilespmem:s2+$0x7988];
	_ =	sdelay $0x3  }
0xd5: {  	s0 =	sshra.s32 s0, $0x2  }
0xd6: {  	[tilespmem:s0+$0x108] =	vst.add.f32.msk $0xffff, v1  }
0xd7: {  	v1 =	vld [tilespmem:s2+$0x7998];
	_ =	sdelay $0x4  }
0xd8: {  	[tilespmem:s0+$0x118] =	vst.add.f32.msk $0xffff, v1  }
0xd9: {  	v1 =	vld [tilespmem:s2+$0x79A8];
	_ =	sdelay $0x4  }
0xda: {  	[tilespmem:s0+$0x128] =	vst.add.f32.msk $0xffff, v1  }
0xdb: {  	v1 =	vld [tilespmem:s2+$0x79B8];
	_ =	sdelay $0x4  }
0xdc: {  	[tilespmem:s0+$0x138] =	vst.add.f32.msk $0xffff, v1  }
0xdd: {  	v1 =	vld [tilespmem:s2+$0x79C8];
	_ =	sdelay $0x4  }
0xde: {  	[tilespmem:s0+$0x148] =	vst.add.f32.msk $0xffff, v1  }
0xdf: {  	v1 =	vld [tilespmem:s2+$0x79D8];
	_ =	sdelay $0x4  }
0xe0: {  	[tilespmem:s0+$0x158] =	vst.add.f32.msk $0xffff, v1  }
0xe1: {  	v1 =	vld [tilespmem:s2+$0x79E8];
	_ =	sdelay $0x4  }
0xe2: {  	[tilespmem:s0+$0x168] =	vst.add.f32.msk $0xffff, v1  }
0xe3: {  	v1 =	vld [tilespmem:s2+$0x79F8];
	_ =	sdelay $0x2  }
0xe4: {  	p1 =	sgt.u32 s26, $0x77F0  }
0xe5: {  	s2 =	sand.u32 @!p1 $0x7FF8, s26  }
0xe6: {  	s3 =	sadd.s32 $0x108, s0;
	[tilespmem:s0+$0x178] =	vst.add.f32.msk $0xffff, v1;
	s0 =	sadd.s32 @!p1 s1, s2;
	s2 =	sand.u32 @!p1 $0x7, s26  }
0xe7: {  	[hbm4b:s0+s2] =	stream.linear.scatter @!p1 [tilespmem:s3], [sflag:$0xA], $0x80, $0x38;
	[tilespmem:$0x1F6E8] =	vst v63  }
0xe8: {  	s0 =	simm.s32 $0x0  }
0xe9: {  	s0 =	simm.s32 @!p1 $0x200  }
0xea: {  	s29 =	sadd.s32 s0, s29  }
.LBB2_16:
0xeb: {  	s0 =	sadd.s32 $0x1, s20  }
0xec: {  	s2 =	smulhi.u32 $0x88888889, s0;
	_ =	sdelay $0x1  }
0xed: {  	v1 =	vld [tilespmem:s23+$0xFFFFFFC0];
	s2 =	sshrl.u32 s2, $0x7  }
0xee: {  	s2 =	smul.u32 $0xF0, s2;
	_ =	sdelay $0x1  }
0xef: {  	s20 =	ssub.s32 s0, s2  }
0xf0: {  	s0 =	sshll.u32 s20, $0x7  }
0xf1: {  	[tilespmem:s0+$0x108] =	vst v1  }
0xf2: {  	v1 =	vld [tilespmem:s23+$0xFFFFFFD0];
	_ =	sdelay $0x4  }
0xf3: {  	[tilespmem:s0+$0x118] =	vst v1  }
0xf4: {  	v1 =	vld [tilespmem:s23+$0xFFFFFFE0];
	_ =	sdelay $0x4  }
0xf5: {  	[tilespmem:s0+$0x128] =	vst v1  }
0xf6: {  	v1 =	vld [tilespmem:s23+$0xFFFFFFF0];
	_ =	sdelay $0x4  }
0xf7: {  	[tilespmem:s0+$0x138] =	vst v1  }
0xf8: {  	v1 =	vld [tilespmem:s23+$0x0];
	_ =	sdelay $0x4  }
0xf9: {  	[tilespmem:s0+$0x148] =	vst v1  }
0xfa: {  	v1 =	vld [tilespmem:s23+$0x10];
	_ =	sdelay $0x4  }
0xfb: {  	[tilespmem:s0+$0x158] =	vst v1  }
0xfc: {  	v1 =	vld [tilespmem:s23+$0x20];
	_ =	sdelay $0x4  }
0xfd: {  	[tilespmem:s0+$0x168] =	vst v1  }
0xfe: {  	v1 =	vld [tilespmem:s23+$0x30]  }
.Ltmp15:
0xff: {  	_ = 	snop;
	(pc) =	sbr.rel .LBB2_17-.Ltmp15, $2  }
0x100: {  	_ =	sdelay $0x2  }
0x101: {  	s25 =	sadd.s32 $0x1, s25;
	[tilespmem:s0+$0x178] =	vst v1  }
.LBB2_19:
.Ltmp16:
0x102: {  	(pc) =	sbr.rel .LBB2_20-.Ltmp16, $4  }
0x103: {  	_ = 	snop  }
0x104: {  	s0 =	simm.s32 $0x2  }
0x105: {  	_ =	swait.ge [sflag:s0], $0x0  }
0x106: {  	s28 =	smov.u32 s26;
	[sflag:s0] =	ssyncset.done $0x0;
	s0 =	simm.s32 $0x0  }
.LBB2_22:
0x107: {  	_ =	sfence.sel $0x180000  }
0x108: {  	s0 =	simm.s32 $0x7;
	[bflag:$0x0] =	sbarrier.arrive $0xFFFF  }
0x109: {  	s24 =	simm.s32 $0x8;
	[sflag:s0] =	ssyncpa.u1 $0x1  }
0x10a: {  	s25 =	simm.s32 $0x9;
	[sflag:s24] =	ssyncpa.u1 $0x1  }
0x10b: {  	s26 =	simm.s32 $0x2;
	[sflag:s25] =	ssyncpa.u1 $0x1  }
0x10c: {  	[sflag:s26] =	ssyncpa.u1 $0x1  }
0x10d: {  	v0 =	vld [tilespmem:$0xF208];
	_ =	sdelay $0x4  }
0x10e: {  	(v2sf) =	vpush v0, $0x0  }
0x10f: {  	(v2sf) =	vpush v0, $0x1;
	_ =	sdelay $0x2  }
0x110: {  	(v2sf) =	vpush v0, $0x2;
	_ =	sdelay $0xa  }
0x111: {  	s0 =	spop (v2sf)  }
0x112: {  	s2 =	spop (v2sf)  }
0x113: {  	s3 =	smov.u32 s0;
	p0 =	sne.s32 s0, s2  }
0x114: {  	s3 =	simm.s32 @!p0 $0xFFFFFFFF  }
0x115: {  	v2 =	vimm.s32 $0x1;
	v3 =	vlaneseq.u32;
	v1 =	vmov s3;
	s3 =	spop (v2sf)  }
0x116: {  	v0 =	vperm.xlane v0, v2;
	v1 =	vperm.xlane v1, v3;
	p0 =	seq.s32 s3, $0xFFFFFFFF  }
0x117: {  	vm0 =	vcmask $0x3F04;
	s5 =	simm.s32 $0xF208;
	p1 =	sne.s32 @!p0 s0, s2  }
0x118: {  	s6 =	rddreg [dreg:$0x2];
	s0 =	simm.s32 @!p0 $0x1;
	v0 =	vsel vm0, v1, v0;
	p1 =	por !p1, p0  }
0x119: {  	s4 =	sor.u32 $0x1000, s6;
	s2 =	sshll.u32 @!p0 s3, $0x9;
	[tilespmem:$0xF208] =	vst v0;
	s0 =	simm.s32 @p1 $0x0  }
0x11a: {  	[spmem:s4] =	stream.linear.scatter [tilespmem:s5], [sflag:$0x1], $0x2, $0x38;
	[tilespmem:$0x1F6E8] =	vst v63  }
0x11b: {  	s2 =	sshra.s32 @!p0 s2, $0x2;
	s0 =	sor.u32 @!p0 s0, s6  }
0x11c: {  	s2 =	sadd.s32 @!p0 $0x108, s2;
	s0 =	sshll.u32 @!p0 s0, $0x7  }
0x11d: {  	[spmem:s0] =	stream.linear.scatter @!p0 [tilespmem:s2], [sflag:$0x1], $0x80, $0x38;
	[tilespmem:$0x1F6E8] =	vst v63  }
0x11e: {  	s2 =	simm.s32 @!p0 $0x82  }
0x11f: {  	s0 =	simm.s32 $0x1;
	s2 =	simm.s32 @p0 $0x2  }
0x120: {  	_ =	swait.ge [sflag:s0], s2  }
0x121: {  	s2 =	ssub.s32 $0x0, s2;
	[sflag:s0] =	ssyncset.done $0x0  }
0x122: {  	[sflag:s0] =	ssyncadd.s32 s2  }
0x123: {  	_ =	sfence.stream.spmem  }
0x124: {  	s28 =	simm.s32 $0x3;
	[bflag:$0x0] =	sbarrier.arrive $0xFFFF  }
0x125: {  	s29 =	simm.s32 $0x4;
	[sflag:s28] =	ssyncpa.u1 $0x1  }
0x126: {  	s30 =	simm.s32 $0x3C;
	s31 =	stileid.u32;
	[sflag:s29] =	ssyncpa.u1 $0x1  }
0x127: {  	p0 =	sne.s32 s31, $0x0;
	[sflag:s30] =	ssyncpa.u1 $0x1  }
0x128: {  	_ =	sfence @p0  }
0x129: {  	[sflag:s0] =	ssyncpa.u1 @p0 $0x1  }
0x12a: {  	_ =	strace @p0 $0x90000059  }
0x12b: {  	[bflag:$0x2] =	sbarrier.arrive @p0 $0xFFFF  }
0x12c: {  	_ =	shalt @p0  }
.LBB2_23:
0x12d: {  	_ =	sfence.stream.spmem;
	s0 =	simm.s32 $0x5  }
0x12e: {  	s2 =	simm.s32 $0x1000;
	s3 =	simm.s32 $0xF218;
	[sflag:s0] =	ssyncpa.u1 $0x0  }
0x12f: {  	[tilespmem:s3], [sflag:$0x5] =	stream.linear.gather [spmem:s2], $0x20, $0x38;
	[tilespmem:$0x1F6E8] =	vst v63  }
0x130: {  	s30 =	simm.s32 $0xF238;
	s2 =	simm.s32 $0x0  }
0x131: {  	[tilespmem:s30], [sflag:$0x5] =	stream.linear.gather [spmem:s2], $0x1000, $0x38;
	[tilespmem:$0x1F6E8] =	vst v63  }
.Ltmp17:
0x132: {  	_ = 	snop;
	(pc) =	sbr.rel .LBB2_24-.Ltmp17, $4  }
0x133: {  	_ =	swait.ge [sflag:s0], $0x1020  }
0x134: {  	[sflag:s0] =	ssyncset.done $0x0  }
0x135: {  	s31 =	simm.s32 $0x6;
	[sflag:s0] =	ssyncadd.s32 $0xFFFFEFE0  }
0x136: {  	s3 =	simm.s32 $0x0;
	[sflag:s31] =	ssyncpa.u1 $0x0  }
.LBB2_30:
0x137: {  	p0 =	slt.u32 s4, $0x77F1  }
0x138: {  	s0 =	sand.u32 @p0 $0x7FF8, s4  }
0x139: {  	s4 =	sand.u32 @p0 $0x7, s4;
	s5 =	simm.s32 @p0 $0xF188;
	s0 =	sadd.s32 @p0 s1, s0  }
0x13a: {  	[tilespmem:s5], [sflag:$0x6] =	stream.linear.gather @p0 [hbm4b:s0+s4], $0x80, $0x38;
	[tilespmem:$0x1F6E8] =	vst v63  }
0x13b: {  	s0 =	simm.s32 @p0 $0x6  }
0x13c: {  	_ =	swait.ge @p0 [sflag:s0], $0x80  }
0x13d: {  	[sflag:s0] =	ssyncset.done @p0 $0x0  }
0x13e: {  	[sflag:s0] =	ssyncadd.s32 @p0 $0xFFFFFF80  }
0x13f: {  	v1 =	vld @p0 [tilespmem:$0xF188];
	_ =	sdelay $0x2  }
0x140: {  	s0 =	sshll.u32 @p0 s3, $0x9  }
0x141: {  	s4 =	sshrl.u32 @p0 s0, $0x2  }
0x142: {  	[tilespmem:s4+$0xF238] =	vst.add.f32.msk @p0 $0xffff, v1  }
0x143: {  	v1 =	vld @p0 [tilespmem:$0xF198];
	_ =	sdelay $0x4  }
0x144: {  	[tilespmem:s4+$0xF248] =	vst.add.f32.msk @p0 $0xffff, v1  }
0x145: {  	v1 =	vld @p0 [tilespmem:$0xF1A8];
	_ =	sdelay $0x4  }
0x146: {  	[tilespmem:s4+$0xF258] =	vst.add.f32.msk @p0 $0xffff, v1  }
0x147: {  	v1 =	vld @p0 [tilespmem:$0xF1B8];
	_ =	sdelay $0x4  }
0x148: {  	[tilespmem:s4+$0xF268] =	vst.add.f32.msk @p0 $0xffff, v1  }
0x149: {  	v1 =	vld @p0 [tilespmem:$0xF1C8];
	_ =	sdelay $0x4  }
0x14a: {  	[tilespmem:s4+$0xF278] =	vst.add.f32.msk @p0 $0xffff, v1  }
0x14b: {  	v1 =	vld @p0 [tilespmem:$0xF1D8];
	_ =	sdelay $0x4  }
0x14c: {  	[tilespmem:s4+$0xF288] =	vst.add.f32.msk @p0 $0xffff, v1  }
0x14d: {  	v1 =	vld @p0 [tilespmem:$0xF1E8];
	_ =	sdelay $0x4  }
0x14e: {  	[tilespmem:s4+$0xF298] =	vst.add.f32.msk @p0 $0xffff, v1  }
0x14f: {  	v1 =	vld @p0 [tilespmem:$0xF1F8];
	_ =	sdelay $0x3  }
0x150: {  	s5 =	sshll.u32 @!p0 s3, $0x9  }
0x151: {  	s5 =	smov.u32 @p0 s0;
	[tilespmem:s4+$0xF2A8] =	vst.add.f32.msk @p0 $0xffff, v1  }
0x152: {  	s0 =	sshrl.u32 s5, $0x2;
	[tilespmem:s2+$0xF218] =	vst.msk $0x1, v0  }
0x153: {  	v0 =	vld [tilespmem:s0+$0xF238];
	_ =	sdelay $0x2  }
0x154: {  	s31 =	sshll.u32 s2, $0x9  }
0x155: {  	s4 =	sshra.s32 s31, $0x2  }
0x156: {  	[tilespmem:s4+$0xF238] =	vst v0  }
0x157: {  	v0 =	vld [tilespmem:s0+$0xF248];
	_ =	sdelay $0x4  }
0x158: {  	[tilespmem:s4+$0xF248] =	vst v0  }
0x159: {  	v0 =	vld [tilespmem:s0+$0xF258];
	_ =	sdelay $0x4  }
0x15a: {  	[tilespmem:s4+$0xF258] =	vst v0  }
0x15b: {  	v0 =	vld [tilespmem:s0+$0xF268];
	_ =	sdelay $0x4  }
0x15c: {  	[tilespmem:s4+$0xF268] =	vst v0  }
0x15d: {  	v0 =	vld [tilespmem:s0+$0xF278];
	_ =	sdelay $0x4  }
0x15e: {  	[tilespmem:s4+$0xF278] =	vst v0  }
0x15f: {  	v0 =	vld [tilespmem:s0+$0xF288];
	_ =	sdelay $0x4  }
0x160: {  	[tilespmem:s4+$0xF288] =	vst v0  }
0x161: {  	v0 =	vld [tilespmem:s0+$0xF298];
	_ =	sdelay $0x4  }
0x162: {  	[tilespmem:s4+$0xF298] =	vst v0  }
0x163: {  	v0 =	vld [tilespmem:s0+$0xF2A8];
	_ =	sdelay $0x4  }
0x164: {  	s2 =	sadd.s32 $0x1, s2;
	[tilespmem:s4+$0xF2A8] =	vst v0  }
.LBB2_31:
0x165: {  	s3 =	sadd.s32 $0x1, s3  }
0x166: {  	p0 =	sne.s32 s3, $0x20  }
.Ltmp18:
0x167: {  	_ = 	snop;
	(pc) =	sbr.rel @!p0 .LBB2_32-.Ltmp18, $1  }
0x168: {  	_ =	sdelay $0x3  }
.LBB2_24:
0x169: {  	v0 =	vld.msk [tilespmem:s3+$0xF218], $0x1;
	_ =	sdelay $0x4  }
0x16a: {  	(v2sf) =	vpush v0, $0x0;
	_ =	sdelay $0xe  }
0x16b: {  	s4 =	spop (v2sf)  }
0x16c: {  	p0 =	seq.s32 s4, $0xFFFFFFFF  }
.Ltmp19:
0x16d: {  	_ = 	snop;
	(pc) =	sbr.rel @p0 .LBB2_31-.Ltmp19, $1  }
0x16e: {  	_ =	sdelay $0x3  }
0x16f: {  	p0 =	slt.s32 s2, $0x1  }
.Ltmp20:
0x170: {  	_ = 	snop;
	(pc) =	sbr.rel @p0 .LBB2_30-.Ltmp20, $1  }
0x171: {  	_ =	sdelay $0x3  }
0x172: {  	s5 =	simm.s32 $0xF218;
	p0 =	por $0x0, $0x0  }
0x173: {  	v1 =	vld.msk @!p0 [tilespmem:s5+$0x0], $0x1;
	_ =	sdelay $0x4  }
0x174: {  	(v2sf) =	vpush @!p0 v1, $0x0;
	_ =	sdelay $0xd  }
0x175: {  	p2 =	sne.s32 s2, $0x1  }
.Ltmp21:
0x176: {  	s0 =	spop @!p0 (v2sf);
	(pc) =	sbr.rel @!p2 .LBB2_28-.Ltmp21, $4  }
0x177: {  	p1 =	seq.s32 @!p0 s4, s0  }
0x178: {  	s6 =	simm.s32 $0x0;
	p1 =	por !p1, p0  }
0x179: {  	s0 =	simm.s32 $0xFFFFFFFF;
	s6 =	simm.s32 @p1 $0xFFFFFFFF  }
0x17a: {  	s7 =	simm.s32 $0x1;
	s6 =	smov.u32 @p0 s0  }
.LBB2_27:
0x17b: {  	s0 =	smov.u32 s6;
	p0 =	sne.s32 s6, $0xFFFFFFFF  }
0x17c: {  	s5 =	sadd.s32 $0x1, s5;
	s6 =	smov.u32 s7;
	s7 =	sadd.s32 $0x1, s7  }
0x17d: {  	p1 =	sne.s32 s2, s7;
	v1 =	vld.msk @!p0 [tilespmem:s5+$0x0], $0x1;
	_ =	sdelay $0x4  }
0x17e: {  	(v2sf) =	vpush @!p0 v1, $0x0;
	_ =	sdelay $0xe  }
.Ltmp22:
0x17f: {  	s8 =	spop @!p0 (v2sf);
	(pc) =	sbr.rel @p1 .LBB2_27-.Ltmp22, $4  }
0x180: {  	p2 =	seq.s32 @!p0 s4, s8  }
0x181: {  	p2 =	por !p2, p0  }
0x182: {  	s6 =	simm.s32 @p2 $0xFFFFFFFF  }
0x183: {  	s6 =	smov.u32 @p0 s0  }
.LBB2_28:
0x184: {  	p0 =	seq.s32 s6, $0xFFFFFFFF  }
.Ltmp23:
0x185: {  	_ = 	snop;
	(pc) =	sbr.rel @p0 .LBB2_30-.Ltmp23, $1  }
0x186: {  	_ =	sdelay $0x3  }
0x187: {  	s0 =	sshll.u32 s3, $0x7  }
0x188: {  	s0 =	sand.u32 $0x3FFFFF80, s0  }
0x189: {  	v0 =	vld [tilespmem:s0+$0xF238];
	_ =	sdelay $0x2  }
0x18a: {  	s4 =	sshll.u32 s6, $0x9  }
0x18b: {  	s4 =	sshra.s32 s4, $0x2  }
0x18c: {  	[tilespmem:s4+$0xF238] =	vst.add.f32.msk $0xffff, v0  }
0x18d: {  	v0 =	vld [tilespmem:s0+$0xF248];
	_ =	sdelay $0x4  }
0x18e: {  	[tilespmem:s4+$0xF248] =	vst.add.f32.msk $0xffff, v0  }
0x18f: {  	v0 =	vld [tilespmem:s0+$0xF258];
	_ =	sdelay $0x4  }
0x190: {  	[tilespmem:s4+$0xF258] =	vst.add.f32.msk $0xffff, v0  }
0x191: {  	v0 =	vld [tilespmem:s0+$0xF268];
	_ =	sdelay $0x4  }
0x192: {  	[tilespmem:s4+$0xF268] =	vst.add.f32.msk $0xffff, v0  }
0x193: {  	v0 =	vld [tilespmem:s0+$0xF278];
	_ =	sdelay $0x4  }
0x194: {  	[tilespmem:s4+$0xF278] =	vst.add.f32.msk $0xffff, v0  }
0x195: {  	v0 =	vld [tilespmem:s0+$0xF288];
	_ =	sdelay $0x4  }
0x196: {  	[tilespmem:s4+$0xF288] =	vst.add.f32.msk $0xffff, v0  }
0x197: {  	v0 =	vld [tilespmem:s0+$0xF298];
	_ =	sdelay $0x4  }
0x198: {  	[tilespmem:s4+$0xF298] =	vst.add.f32.msk $0xffff, v0  }
0x199: {  	v0 =	vld [tilespmem:s0+$0xF2A8]  }
.Ltmp24:
0x19a: {  	_ = 	snop;
	(pc) =	sbr.rel .LBB2_31-.Ltmp24, $2  }
0x19b: {  	_ =	sdelay $0x2  }
0x19c: {  	[tilespmem:s4+$0xF2A8] =	vst.add.f32.msk $0xffff, v0  }
.LBB2_32:
0x19d: {  	p0 =	slt.s32 s2, $0x1  }
.Ltmp25:
0x19e: {  	_ = 	snop;
	(pc) =	sbr.rel @p0 .LBB2_36-.Ltmp25, $3  }
0x19f: {  	_ =	sdelay $0x1  }
0x1a0: {  	s0 =	simm.s32 $0x6  }
0x1a1: {  	s3 =	simm.s32 $0x0;
	[sflag:s0] =	ssyncpa.u1 $0x1  }
0x1a2: {  	s0 =	simm.s32 $0xF218  }
0x1a3: {  	v0 =	vld.msk [tilespmem:s0+$0x0], $0x1;
	_ =	sdelay $0x4  }
0x1a4: {  	(v2sf) =	vpush v0, $0x0;
	_ =	sdelay $0xe  }
0x1a5: {  	s2 =	sadd.s32 $0xFFFFFFFF, s2;
	s0 =	spop (v2sf)  }
0x1a6: {  	p1 =	sne.s32 s2, $0x0;
	p0 =	sgt.u32 s0, $0x77F0  }
.Ltmp26:
0x1a7: {  	s5 =	sand.u32 @!p0 $0x7FF8, s0;
	(pc) =	sbr.rel @!p1 .LBB2_35-.Ltmp26, $4  }
0x1a8: {  	s4 =	simm.s32 $0xF238;
	s0 =	sand.u32 @!p0 $0x7, s0;
	s5 =	sadd.s32 @!p0 s1, s5  }
0x1a9: {  	[hbm4b:s5+s0] =	stream.linear.scatter @!p0 [tilespmem:s4], [sflag:$0x5], $0x80, $0x38;
	[tilespmem:$0x1F6E8] =	vst v63  }
0x1aa: {  	s0 =	simm.s32 $0x0  }
0x1ab: {  	s5 =	simm.s32 $0xF219;
	s0 =	simm.s32 @!p0 $0x200  }
.LBB2_34:
0x1ac: {  	v0 =	vld.msk [tilespmem:s5+$0x0], $0x1;
	s2 =	sadd.s32 $0xFFFFFFFF, s2;
	s3 =	sadd.s32 s3, s0  }
0x1ad: {  	p0 =	sne.s32 s2, $0x0;
	_ =	sdelay $0x3  }
0x1ae: {  	(v2sf) =	vpush v0, $0x0;
	_ =	sdelay $0xe  }
.Ltmp27:
0x1af: {  	s6 =	spop (v2sf);
	(pc) =	sbr.rel @p0 .LBB2_34-.Ltmp27, $4  }
0x1b0: {  	s0 =	simm.s32 $0x0;
	p1 =	sgt.u32 s6, $0x77F0  }
0x1b1: {  	s4 =	sadd.s32 $0x80, s4;
	s0 =	simm.s32 @!p1 $0x200;
	s7 =	sand.u32 @!p1 $0x7FF8, s6  }
0x1b2: {  	s5 =	sadd.s32 $0x1, s5;
	s6 =	sand.u32 @!p1 $0x7, s6;
	s7 =	sadd.s32 @!p1 s1, s7  }
0x1b3: {  	[hbm4b:s7+s6] =	stream.linear.scatter @!p1 [tilespmem:s4], [sflag:$0x5], $0x80, $0x38;
	[tilespmem:$0x1F6E8] =	vst v63  }
.LBB2_35:
0x1b4: {  	s0 =	sadd.s32 s3, s0  }
0x1b5: {  	s3 =	sshrl.u32 s0, $0x2  }
.LBB2_36:
0x1b6: {  	s0 =	simm.s32 $0x5  }
0x1b7: {  	_ =	swait.ge [sflag:s0], s3  }
0x1b8: {  	s1 =	ssub.s32 $0x0, s3;
	[sflag:s0] =	ssyncset.done $0x0  }
0x1b9: {  	[sflag:s0] =	ssyncadd.s32 s1  }
0x1ba: {  	[sflag:s0] =	ssyncpa.u1 $0x1  }
0x1bb: {  	s30 =	simm.s32 $0x1;
	_ =	sfence  }
0x1bc: {  	[sflag:s30] =	ssyncpa.u1 $0x1  }
0x1bd: {  	_ =	strace $0x90000059  }
0x1be: {  	[bflag:$0x2] =	sbarrier.arrive $0xFFFF  }
0x1bf: {  	s31 =	rddreg [dreg:$0x1]  }
0x1c0: {  	s0 =	sadd.s32 $0x100000, s31  }
0x1c1: {  	[sflag:s0] =	ssyncadd.tile.s32 $0x1;
	_ =	shalt  }
.Lfunc_end2:
_tile_overlayer_lowered:
.L_overlay_start_2:
0x1c2: {  	(tag) =	ssettag $0x2  }
0x1c3: {  	s0 =	rddreg [dreg:$0x0];
	s2 =	stileid.u32  }
0x1c4: {  	s1 =	rddreg [dreg:$0x1];
	p0 =	sne.s32 s2, $0x0  }
0x1c5: {  	s3 =	rddreg [dreg:$0x2];
	[bflag:$0x3] =	sbarrier.arrive $0xFFFF;
	s2 =	simm.s32 @!p0 $0x1C01  }
0x1c6: {  	[timem:s3], [sflag:s2] =	dma.local @!p0 [hbm:s0], s1  }
0x1c7: {  	s0 =	simm.s32 @!p0 $0x1  }
0x1c8: {  	_ =	swait.ge @!p0 [sflag:s0], s1  }
0x1c9: {  	s1 =	ssub.s32 @!p0 $0x0, s1;
	[sflag:s0] =	ssyncset.done @!p0 $0x0  }
0x1ca: {  	[sflag:s0] =	ssyncadd.s32 @!p0 s1  }
0x1cb: {  	[bflag:$0x3] =	sbarrier.arrive $0xFFFF  }
0x1cc: {  	_ =	shalt  }

// kernel: scatter_offload_async_start
scs
__scs_entry_jumppad:
0x0: {  	(pc) =	sbr.rel $0x88, $3  }
0x1: {  	(tag) =	ssettag $0x0;
	lr =	simm.s32 $0x1  }
0x2: {  	[smem:$0x3F8F] =	sst lr;
	_ =	strace $0xD0000000  }
0x3: {  	_ = 	snop  }
0x4: {  	_ = 	snop  }
0x5: {  	_ = 	snop  }
0x6: {  	_ = 	snop  }
0x7: {  	_ = 	snop  }
__scs_overlays_trampoline_lowered:
0x8: {  	[smem:$0x3F9E] =	sst s0  }
0x9: {  	[smem:$0x3F9F] =	sst s1  }
0xa: {  	[smem:$0x3FA0] =	sst s2  }
0xb: {  	[smem:$0x3FA1] =	sst s3  }
0xc: {  	[smem:$0x3FA2] =	sst s4  }
0xd: {  	[smem:$0x3FA3] =	sst s5  }
0xe: {  	[smem:$0x3FA4] =	sst s6  }
0xf: {  	[smem:$0x3FA5] =	sst s7  }
0x10: {  	[smem:$0x3FA6] =	sst s8  }
0x11: {  	[smem:$0x3FA7] =	sst s9;
	s0 =	simm.s32 @!p0 $0x0  }
0x12: {  	s1 =	sld [smem:$0x3F8D];
	s0 =	simm.s32 @p0 $0x1  }
0x13: {  	[smem:$0x3FA8] =	sst s0;
	s0 =	simm.s32 @!p1 $0x0  }
0x14: {  	s2 =	sld [smem:$0x3F8C];
	s0 =	simm.s32 @p1 $0x1  }
0x15: {  	[smem:$0x3FA9] =	sst s0;
	s0 =	simm.s32 @!p2 $0x0  }
0x16: {  	s3 =	sld [smem:$0x3FDB];
	s0 =	simm.s32 @p2 $0x1  }
0x17: {  	s4 =	simm.s32 $0x1BF5;
	[smem:$0x3FAB] =	sst s0  }
0x18: {  	s0 =	sld [smem:$0x3F8E];
	_ =	swait.ge [sflag:s4], $0x0  }
0x19: {  	s7 =	sld [smem:$0x3F8F]  }
0x1a: {  	s8 =	sadd.s32 $0xFFFFE003, lr  }
0x1b: {  	s9 =	sadd.s32 $0xFFFFFEF7, lr;
	s5 =	simm.s32 $0xFFFFFFFF;
	p2 =	slt.u32 s8, $0xFFFFF086  }
0x1c: {  	p1 =	slt.u32 s9, $0xF7A;
	s5 =	simm.s32 @!p2 $0x0  }
0x1d: {  	s5 =	simm.s32 @p1 $0x1;
	p0 =	seq.s32 s7, s2  }
0x1e: {  	s7 =	smul.u32 @!p0 $0xF7A, s2;
	p2 =	seq.s32 @!p0 s5, $0x0  }
0x1f: {  	s9 =	smul.u32 $0xF7A, s1;
	s8 =	simm.s32 @!p0 $0x1BF5;
	p2 =	por !p2, p0  }
0x20: {  	[sflag:s8] =	ssyncset.s32 @!p0 $0xFFFFF086;
	s6 =	sadd.s32 @!p0 s3, s7;
	s7 =	simm.s32 @!p0 $0x108  }
0x21: {  	s3 =	sadd.s32 s3, s9;
	s6 =	sadd.s32 @!p0 $0x88, s6;
	s7 =	simm.s32 @p2 $0x1082  }
0x22: {  	[simem:s7], [sflag:s8] =	dma.local @!p0 [hbm:s6], $0xF7A  }
0x23: {  	s9 =	sor.u32 $0xD0000000, s2;
	s6 =	simm.s32 $0x108;
	_ =	swait.ge @!p0 [sflag:s8], $0x0  }
0x24: {  	s3 =	sadd.s32 $0x88, s3;
	s6 =	simm.s32 @!p1 $0x1082;
	[sflag:s4] =	ssyncset.s32 $0xFFFFF086  }
0x25: {  	[simem:s6], [sflag:s4] =	dma.local [hbm:s3], $0xF7A  }
0x26: {  	[smem:$0x3F8F] =	sst s1;
	(tag) =	ssettag s2;
	_ =	strace s9  }
0x27: {  	s1 =	sld [smem:$0x3F9F]  }
0x28: {  	s2 =	sld [smem:$0x3FA0]  }
0x29: {  	s4 =	sld [smem:$0x3FA2]  }
0x2a: {  	p0 =	seq.s32 s5, $0x0;
	s5 =	sld [smem:$0x3FA3]  }
0x2b: {  	s6 =	sld [smem:$0x3FA4]  }
0x2c: {  	s7 =	sld [smem:$0x3FA5]  }
0x2d: {  	s3 =	simm.s32 $0x108;
	s8 =	sld [smem:$0x3FA6]  }
0x2e: {  	s3 =	simm.s32 @!p0 $0x1082;
	s9 =	sld [smem:$0x3FA7]  }
0x2f: {  	lr =	sadd.s32 s0, s3;
	s0 =	sld [smem:$0x3F9E]  }
0x30: {  	s3 =	sld [smem:$0x3FA1]  }
0x31: {  	[smem:$0x3FAA] =	sst s10  }
0x32: {  	s10 =	sld [smem:$0x3FA8];
	_ =	sdelay $0x3  }
0x33: {  	p0 =	seq.s32 s10, $0x1;
	s10 =	sld [smem:$0x3FAA];
	_ =	sdelay $0x3  }
0x34: {  	[smem:$0x3FAA] =	sst s10  }
0x35: {  	s10 =	sld [smem:$0x3FA9];
	_ =	sdelay $0x3  }
0x36: {  	p1 =	seq.s32 s10, $0x1;
	s10 =	sld [smem:$0x3FAA];
	_ =	sdelay $0x3  }
0x37: {  	[smem:$0x3FAA] =	sst s10  }
0x38: {  	s10 =	sld [smem:$0x3FAB]  }
0x39: {  	_ = 	snop;
	(pc) =	sbr.ind lr, $3  }
0x3a: {  	_ = 	snop  }
0x3b: {  	_ = 	snop  }
0x3c: {  	p2 =	seq.s32 s10, $0x1;
	s10 =	sld [smem:$0x3FAA]  }
0x3d: {  	_ =	shalt  }
0x3e: {  	_ =	shalt  }
0x3f: {  	_ =	shalt  }
0x40: {  	_ =	shalt  }
0x41: {  	_ =	shalt  }
0x42: {  	_ =	shalt  }
0x43: {  	_ =	shalt  }
0x44: {  	_ =	shalt  }
0x45: {  	_ =	shalt  }
0x46: {  	_ =	shalt  }
0x47: {  	_ =	shalt  }
0x48: {  	_ =	shalt  }
0x49: {  	_ =	shalt  }
0x4a: {  	_ =	shalt  }
0x4b: {  	_ =	shalt  }
0x4c: {  	_ =	shalt  }
0x4d: {  	_ =	shalt  }
0x4e: {  	_ =	shalt  }
0x4f: {  	_ =	shalt  }
0x50: {  	_ =	shalt  }
0x51: {  	_ =	shalt  }
0x52: {  	_ =	shalt  }
0x53: {  	_ =	shalt  }
0x54: {  	_ =	shalt  }
0x55: {  	_ =	shalt  }
0x56: {  	_ =	shalt  }
0x57: {  	_ =	shalt  }
0x58: {  	_ =	shalt  }
0x59: {  	_ =	shalt  }
0x5a: {  	_ =	shalt  }
0x5b: {  	_ =	shalt  }
0x5c: {  	_ =	shalt  }
0x5d: {  	_ =	shalt  }
0x5e: {  	_ =	shalt  }
0x5f: {  	_ =	shalt  }
0x60: {  	_ =	shalt  }
0x61: {  	_ =	shalt  }
0x62: {  	_ =	shalt  }
0x63: {  	_ =	shalt  }
0x64: {  	_ =	shalt  }
0x65: {  	_ =	shalt  }
0x66: {  	_ =	shalt  }
0x67: {  	_ =	shalt  }
0x68: {  	_ =	shalt  }
0x69: {  	_ =	shalt  }
0x6a: {  	_ =	shalt  }
0x6b: {  	_ =	shalt  }
0x6c: {  	_ =	shalt  }
0x6d: {  	_ =	shalt  }
0x6e: {  	_ =	shalt  }
0x6f: {  	_ =	shalt  }
0x70: {  	_ =	shalt  }
0x71: {  	_ =	shalt  }
0x72: {  	_ =	shalt  }
0x73: {  	_ =	shalt  }
0x74: {  	_ =	shalt  }
0x75: {  	_ =	shalt  }
0x76: {  	_ =	shalt  }
0x77: {  	_ =	shalt  }
0x78: {  	_ =	shalt  }
0x79: {  	_ =	shalt  }
0x7a: {  	_ =	shalt  }
0x7b: {  	_ =	shalt  }
0x7c: {  	_ =	shalt  }
0x7d: {  	_ =	shalt  }
0x7e: {  	_ =	shalt  }
0x7f: {  	_ =	shalt  }
0x80: {  	_ =	shalt  }
0x81: {  	_ =	shalt  }
0x82: {  	_ =	shalt  }
0x83: {  	_ =	shalt  }
0x84: {  	_ =	shalt  }
0x85: {  	_ =	shalt  }
0x86: {  	_ =	shalt  }
0x87: {  	_ =	shalt  }
.Lfunc_end0:
.L_simem_size_0:
called_computation_lowered:
.L_overlay_start_0:
0x88: {  	s0 =	sld [smem:$0x3FD9]  }
0x89: {  	s1 =	sld [smem:$0x3FFE];
	_ =	sdelay $0x3  }
0x8a: {  	s0 =	sadd.s32 s1, s0  }
0x8b: {  	[smem:$0x3FB6] =	sst s0  }
0x8c: {  	_ = 	snop  }
0x8d: {  	s0 =	sld [smem:$0x3FD0];
	(tm) =	ssettm $0x1  }
0x8e: {  	s16 =	sld [smem:$0x3FFB];
	_ =	sdelay $0x3  }
0x8f: {  	_ =	strace s16  }
0x90: {  	s1 =	sld [smem:$0x3FFC];
	_ =	sdelay $0x3  }
0x91: {  	_ =	strace s1  }
0x92: {  	s1 =	sld [smem:$0x3FFD];
	_ =	sdelay $0x3  }
0x93: {  	_ =	strace s1  }
0x94: {  	_ =	strace $0x8FFFFFFF  }
0x95: {  	s17 =	sld [smem:$0x3FDB];
	_ =	sdelay $0x1  }
0x96: {  	s2 =	simm.s32 $_scs_section_size  }
0x97: {  	s3 =	simm.s32 $_size__tile_overlayer_lowered;
	s4 =	simm.s32 $_tile_overlayer_lowered  }
0x98: {  	s20 =	simm.s32 $0x1BFF;
	s19 =	sshll.u32 s4, $0x1;
	s1 =	sadd.s32 s2, s17  }
0x99: {  	s5 =	simm.s32 $0x0;
	s18 =	sshll.u32 s3, $0x1;
	s3 =	sadd.s32 s19, s1  }
0x9a: {  	[timem:s5], [sflag:s20] =	dma.local [hbm:s3], s18  }
0x9b: {  	_ =	swait.ge [sflag:s20], s18  }
0x9c: {  	s2 =	ssub.s32 $0x0, s18;
	[sflag:s20] =	ssyncset.done $0x0  }
0x9d: {  	[sflag:s20] =	ssyncadd.s32 s2;
	_ =	sdelay $0x1  }
0x9e: {  	s21 =	simm.s32 $0x1B8B  }
0x9f: {  	_ =	swait.ge [sflag:s21], $0x1  }
0xa0: {  	[sflag:s21] =	ssyncset.done $0x0  }
0xa1: {  	s23 =	simm.s32 $0x1B8E;
	s22 =	sld [smem:$0x3FFE];
	[sflag:s21] =	ssyncadd.s32 $0xFFFFFFFF  }
0xa2: {  	s24 =	simm.s32 $execute0_lowered;
	[smem:$0x3FD2] =	sst s23  }
0xa3: {  	s3 =	sshll.u32 s24, $0x1;
	_ =	strace $0x8000004C;
	[dreg:$0x1] =	wrdreg $0xFFFFFFFF  }
0xa4: {  	s25 =	simm.s32 $_size_execute0_lowered;
	s1 =	sadd.s32 s1, s3;
	[dreg:$0x0] =	wrdreg $0x0  }
0xa5: {  	s3 =	sshll.u32 s25, $0x1;
	[dreg:$0x2] =	wrdreg s1  }
0xa6: {  	[dreg:$0x3] =	wrdreg s3  }
0xa7: {  	[dreg:$0x4] =	wrdreg $0xC0  }
0xa8: {  	_ =	task [dreg:s5], $0x5FFFF  }
0xa9: {  	[dreg:$0x1] =	wrdreg $0xFFFFFFFF  }
0xaa: {  	[dreg:$0x0] =	wrdreg $0x60  }
0xab: {  	[dreg:$0x2] =	wrdreg s0  }
0xac: {  	[dreg:$0x3] =	wrdreg s22  }
0xad: {  	[dreg:$0x4] =	wrdreg $0x9  }
0xae: {  	_ =	task.clear_ibuf [dreg:s5], $0x5FFFF;
	_ =	strace $0x9000004C  }
0xaf: {  	s26 =	simm.s32 $0x9;
	_ =	strace $0x8000004E  }
0xb0: {  	_ =	swait.ge [sflag:s26], $0x1  }
0xb1: {  	[sflag:s26] =	ssyncadd.s32 $0xFFFFFFFF  }
0xb2: {  	_ =	strace $0x9000004E  }
0xb3: {  	_ =	sfence  }
0xb4: {  	s28 =	sld [smem:$0x0];
	_ =	sdelay $0x1  }
0xb5: {  	s29 =	srdreg.scid  }
0xb6: {  	s30 =	sshll.u32 s29, $0xD;
	s31 =	sshrl.u32 s29, $0x2  }
0xb7: {  	s2 =	sand.u32 $0x4000, s30;
	s1 =	sand.u32 $0x1, s29;
	s0 =	sadd.s32 s31, s28  }
0xb8: {  	s1 =	sor.u32 s2, s1;
	s0 =	sshll.u32 s0, $0x11  }
0xb9: {  	s0 =	sor.u32 s0, s1  }
0xba: {  	s0 =	sadd.s32 $0x8F2B, s0  }
0xbb: {  	[sflag:s0] =	ssyncadd.remote.s32 $0x1  }
0xbc: {  	_ =	sfence.sel $0xFFFF  }
0xbd: {  	[dreg:$0x0] =	wrdreg $0xFFFFFFFF;
	(pc) =	sbr.abs _section_cstart, $3  }
0xbe: {  	[dreg:$0x1] =	wrdreg $0xFFFFFFFF  }
0xbf: {  	_ =	task.clear_ibuf [dreg:s5], $0x2FFFF;
	_ =	strace $0x9FFFFFFF  }
0xc0: {  	(tm) =	ssettm $0x7FFFFFFF  }
0xc1: {  	_ =	shalt  }
tec
execute0_lowered:
.L_overlay_start_1:
0x0: {  	(tag) =	ssettag $0x1  }
0x1: {  	s1 =	rddreg [dreg:$0x0]  }
0x2: {  	s7 =	rddreg [dreg:$0x1]  }
0x3: {  	s0 =	rddreg [dreg:$0x2]  }
0x4: {  	s3 =	stileid.u32;
	_ =	strace $0x8000004D;
	s4 =	simm.s32 $0x3E  }
0x5: {  	p0 =	sne.s32 s3, $0x0;
	[sflag:s4] =	ssyncpa.u1 $0x0  }
0x6: {  	s30 =	smin.u32 s3, $0x9;
	s2 =	simm.s32 @!p0 $0x1C3E;
	s5 =	simm.s32 @!p0 $0x0  }
0x7: {  	[spmem:s5], [sflag:s2] =	dma.local @!p0 [hbm:s1], $0x10  }
0x8: {  	s2 =	sadd.s32 s3, s30  }
0x9: {  	p1 =	slt.u32 s3, $0x9;
	s3 =	simm.s32 $0x320;
	s2 =	smul.u32 $0x190, s2  }
0xa: {  	s3 =	simm.s32 @!p1 $0x190  }
0xb: {  	s3 =	sadd.s32 s3, s2  }
0xc: {  	s3 =	smin.u32 s3, $0x2710  }
0xd: {  	s8 =	ssub.s32 s3, s2  }
0xe: {  	p1 =	sgt.s32 s8, $0x0  }
0xf: {  	s8 =	simm.s32 @!p1 $0x0  }
0x10: {  	s6 =	sand.u32 $0xFFF0, s8  }
0x11: {  	s5 =	simm.s32 @!p0 $0x3E;
	s6 =	sshrl.u32 s6, $0x4  }
0x12: {  	_ =	swait.ge @!p0 [sflag:s5], $0x10;
	s31 =	smul.u32 $0xA3E, s6  }
0x13: {  	[sflag:s5] =	ssyncset.done @!p0 $0x0  }
0x14: {  	[sflag:s5] =	ssyncadd.s32 @!p0 $0xFFFFFFF0;
	s9 =	sshrl.u32 s31, $0x10  }
0x15: {  	s11 =	simm.s32 $0x0;
	[bflag:$0x0] =	sbarrier.arrive $0xFFFF;
	s10 =	smul.u32 $0x190, s9  }
.Ltmp0:
0x16: {  	[sflag:s4] =	ssyncpa.u1 $0x1;
	s4 =	simm.s32 $0x1;
	(pc) =	sbr.rel .LBB2_1-.Ltmp0, $4  }
0x17: {  	s5 =	sadd.s32 $0x8AC00, s7;
	s7 =	sadd.s32 $0x8B200, s7;
	[sflag:s4] =	ssyncpa.u1 $0x0  }
0x18: {  	s6 =	simm.s32 $0x2;
	p1 =	sne.s32 s8, s10;
	s8 =	simm.s32 $0x1  }
0x19: {  	(ifvalue) =	ssetifvalue $0x80;
	[sflag:s6] =	ssyncpa.u1 $0x0;
	s8 =	simm.s32 @!p1 $0x0  }
0x1a: {  	vm0 =	vmmov $0xffff;
	s10 =	smov.u32 s2;
	s8 =	sadd.s32 s9, s8;
	s9 =	simm.s32 $0x0  }
.LBB2_5:
0x1b: {  	p2 =	sne.s32 s11, s8  }
.Ltmp1:
0x1c: {  	_ = 	snop;
	(pc) =	sbr.rel @!p2 .LBB2_6-.Ltmp1, $4  }
0x1d: {  	_ = 	snop  }
0x1e: {  	s12 =	sadd.s32 $0x190, s10  }
0x1f: {  	s10 =	smov.u32 s2;
	s13 =	sadd.s32 $0x1, s11;
	p1 =	slt.s32 s12, s3  }
0x20: {  	s11 =	smov.u32 s13;
	s10 =	smov.u32 @p1 s12  }
.LBB2_1:
0x21: {  	p1 =	sge.u32 s11, s8  }
0x22: {  	s12 =	sxor.u32 @!p1 $0xFFFFFFFF, s11  }
0x23: {  	s12 =	sand.u32 @!p1 $0x1, s12  }
0x24: {  	s12 =	smul.u32 @!p1 $0x190, s12  }
0x25: {  	s13 =	sshrl.u32 @!p1 s10, $0x3  }
0x26: {  	s16 =	sand.u32 @!p1 $0x7, s10;
	s14 =	sadd.s32 @!p1 s5, s13;
	s15 =	sor.u32 @!p1 $0x8, s12  }
0x27: {  	[tilespmem:s15], [sflag:$0x2] =	stream.linear.gather @!p1 [hbm4b:s14+s16], $0x190, $0x38;
	[tilespmem:$0x648] =	vst v63  }
0x28: {  	s13 =	sadd.s32 @!p1 s7, s13;
	s12 =	sadd.s32 @!p1 $0x328, s12  }
0x29: {  	[tilespmem:s12], [sflag:$0x2] =	stream.linear.gather @!p1 [hbm4b:s13+s16], $0x190, $0x38;
	[tilespmem:$0x648] =	vst v63  }
0x2a: {  	p1 =	seq.s32 s11, $0x0  }
.Ltmp2:
0x2b: {  	_ = 	snop;
	(pc) =	sbr.rel @p1 .LBB2_5-.Ltmp2, $1  }
0x2c: {  	_ =	sdelay $0x3  }
0x2d: {  	s12 =	sand.u32 $0x1, s11  }
0x2e: {  	_ =	swait.ge [sflag:s6], $0x320;
	p1 =	seq.s32 s12, $0x1;
	s12 =	simm.s32 $0x190  }
0x2f: {  	[sflag:s6] =	ssyncset.done $0x0;
	s12 =	simm.s32 @!p1 $0x0  }
0x30: {  	[sflag:s6] =	ssyncadd.s32 $0xFFFFFCE0;
	s14 =	sor.u32 $0x8, s12  }
0x31: {  	v0 =	vld.msk [tilespmem:s14+$0x0 ss:$0x1], $0xffff;
	_ =	sdelay $0x4  }
0x32: {  	v0 =	vmin.u32 v0, $0x80;
	_ =	sdelay $0x3  }
0x33: {  	s13 =	simm.s32 $0x0;
	s12 =	sadd.s32 $0x328, s12;
	s14 =	sadd.s32 $0x10, s14  }
0x34: {  	[spmem:s9] =	stream.indirect_vreg.scatter.add.s32 [tilespmem:s12], [sflag:$0x1], $0x1, v0, vm0, $0x4038;
	[tilespmem:$0x648] =	vst v63  }
.LBB2_3:
0x35: {  	v0 =	vld.msk [tilespmem:s14+$0x0 ss:$0x1], $0xffff;
	s13 =	sadd.s32 $0x10, s13  }
0x36: {  	p1 =	slt.u32 s13, $0x180;
	_ =	sdelay $0x4  }
0x37: {  	v0 =	vmin.u32 v0, $0x80  }
.Ltmp3:
0x38: {  	(pc) =	sbr.rel @p1 .LBB2_3-.Ltmp3, $3  }
0x39: {  	_ =	sdelay $0x1  }
0x3a: {  	s14 =	sadd.s32 $0x10, s14;
	s12 =	sadd.s32 $0x10, s12  }
0x3b: {  	[spmem:s9] =	stream.indirect_vreg.scatter.add.s32 [tilespmem:s12], [sflag:$0x1], $0x1, v0, vm0, $0x4038;
	[tilespmem:$0x648] =	vst v63  }
.Ltmp4:
0x3c: {  	(pc) =	sbr.rel .LBB2_5-.Ltmp4, $4  }
0x3d: {  	_ = 	snop  }
0x3e: {  	_ =	swait.ge [sflag:s4], $0x190  }
0x3f: {  	[sflag:s4] =	ssyncset.done $0x0  }
0x40: {  	[sflag:s4] =	ssyncadd.s32 $0xFFFFFE70  }
.LBB2_6:
0x41: {  	_ =	sfence.sel $0x180000  }
0x42: {  	s2 =	simm.s32 $0x2;
	[bflag:$0x0] =	sbarrier.arrive $0xFFFF  }
0x43: {  	s30 =	simm.s32 $0x1;
	[sflag:s2] =	ssyncpa.u1 $0x1  }
0x44: {  	[sflag:s30] =	ssyncpa.u1 $0x1  }
0x45: {  	_ =	sfence.stream.spmem  }
0x46: {  	s31 =	simm.s32 $0x3D;
	[bflag:$0x0] =	sbarrier.arrive $0xFFFF  }
0x47: {  	s2 =	simm.s32 @p0 $0x3D;
	[sflag:s31] =	ssyncpa.u1 $0x0  }
0x48: {  	[sflag:s2] =	ssyncpa.u1 @p0 $0x1  }
0x49: {  	[bflag:$0x0] =	sbarrier.arrive @p0 $0xFFFF  }
0x4a: {  	_ =	strace @p0 $0x9000004D  }
0x4b: {  	s3 =	simm.s32 @!p0 $0x1C3D;
	s2 =	simm.s32 @!p0 $0x0;
	[bflag:$0x2] =	sbarrier.arrive @p0 $0xFFFF  }
0x4c: {  	[hbm:s1], [sflag:s3] =	dma.local @!p0 [spmem:s2], $0x10  }
0x4d: {  	s1 =	simm.s32 @!p0 $0x3D  }
0x4e: {  	_ =	swait.ge @!p0 [sflag:s1], $0x10  }
0x4f: {  	[sflag:s1] =	ssyncset.done @!p0 $0x0  }
0x50: {  	[sflag:s1] =	ssyncadd.s32 @!p0 $0xFFFFFFF0  }
0x51: {  	[sflag:s1] =	ssyncpa.u1 @!p0 $0x1  }
0x52: {  	[bflag:$0x0] =	sbarrier.arrive @!p0 $0xFFFF  }
0x53: {  	_ =	strace @!p0 $0x9000004D  }
0x54: {  	s0 =	sadd.s32 @!p0 $0x100000, s0;
	[bflag:$0x2] =	sbarrier.arrive @!p0 $0xFFFF  }
0x55: {  	[sflag:s0] =	ssyncadd.tile.s32 @!p0 $0x1;
	_ =	shalt  }
.Lfunc_end2:
_tile_overlayer_lowered:
.L_overlay_start_2:
0x56: {  	(tag) =	ssettag $0x2  }
0x57: {  	s0 =	rddreg [dreg:$0x0];
	s2 =	stileid.u32  }
0x58: {  	s1 =	rddreg [dreg:$0x1];
	p0 =	sne.s32 s2, $0x0  }
0x59: {  	s3 =	rddreg [dreg:$0x2];
	[bflag:$0x3] =	sbarrier.arrive $0xFFFF;
	s2 =	simm.s32 @!p0 $0x1C01  }
0x5a: {  	[timem:s3], [sflag:s2] =	dma.local @!p0 [hbm:s0], s1  }
0x5b: {  	s0 =	simm.s32 @!p0 $0x1  }
0x5c: {  	_ =	swait.ge @!p0 [sflag:s0], s1  }
0x5d: {  	s1 =	ssub.s32 @!p0 $0x0, s1;
	[sflag:s0] =	ssyncset.done @!p0 $0x0  }
0x5e: {  	[sflag:s0] =	ssyncadd.s32 @!p0 s1  }
0x5f: {  	[bflag:$0x3] =	sbarrier.arrive $0xFFFF  }
0x60: {  	_ =	shalt  }

</sc_bundles>
